<compile_context>
chip_gen: v7x
topology: tpu7x:2x2x1
jax: 0.10.2.dev20260603
libtpu: 0.0.44.dev20260713+nightly
codegen_flags: <defaults>
</compile_context>

<pallas_src>
import functools

import jax
import jax.numpy as jnp
from jax import lax
from jax.experimental import pallas as pl
from jax.experimental.pallas import tpu as pltpu
from jax.experimental.pallas import tpu_sc as plsc

NC, NS, L = 2, 16, 16
NW = NC * NS
B = 16384
H = 64
BPW = B // NW
NCH = 4
CH = BPW // NCH
NBLK = BPW // L

_MESH = plsc.VectorSubcoreMesh(core_axis_name="c", subcore_axis_name="s")


def _mf_body(users, items, user_emb, item_emb, user_bias, item_bias, out,
             idx_u, idx_v, rows_u, rows_v, bu, bv, out_v, sem, sem_u, sem_v):
    wid = lax.axis_index("s") * NC + lax.axis_index("c")

    pltpu.sync_copy(users.at[wid], idx_u)
    pltpu.sync_copy(items.at[wid], idx_v)

    bias_copies = []
    for k in range(NCH):
        bias_copies.append(pltpu.async_copy(user_bias.at[idx_u.at[k]], bu.at[k], sem))
        bias_copies.append(pltpu.async_copy(item_bias.at[idx_v.at[k]], bv.at[k], sem))

    def fire(b, carry):
        k = b // (CH // L)
        rb = (b % (CH // L)) * L
        iu = idx_u[k, pl.ds(rb, L)]
        iv = idx_v[k, pl.ds(rb, L)]
        for i in range(L):
            slot = b * (L // 2) + i // 2
            half = pl.ds((i % 2) * H, H)
            pltpu.async_copy(user_emb.at[iu[i]], rows_u.at[slot, half], sem_u)
            pltpu.async_copy(item_emb.at[iv[i]], rows_v.at[slot, half], sem_v)
        return carry

    lax.fori_loop(0, NBLK, fire, 0)

    for t in range(BPW // 2 // 4):
        pltpu.make_async_copy(out.at[wid], rows_u.at[pl.ds(t * 4, 4)], sem_u).wait()
        pltpu.make_async_copy(out.at[wid], rows_v.at[pl.ds(t * 4, 4)], sem_v).wait()
    for c in bias_copies:
        c.wait()

    def blk(m, carry):
        iota = lax.iota(jnp.int32, L)
        one_hot = [(iota == i).astype(jnp.float32) for i in range(L)]
        k = m // (CH // L)
        rb = (m % (CH // L)) * L
        acc = bu[k, pl.ds(rb, L)] + bv[k, pl.ds(rb, L)]
        for i in range(L):
            slot = m * (L // 2) + i // 2
            half = (i % 2) * H
            s = (rows_u[slot, pl.ds(half, L)] * rows_v[slot, pl.ds(half, L)])
            for j in range(1, H // L):
                s = s + (rows_u[slot, pl.ds(half + j * L, L)]
                         * rows_v[slot, pl.ds(half + j * L, L)])
            acc = acc + jnp.sum(s) * one_hot[i]
        out_v[m // 8, pl.ds((m % 8) * L, L)] = acc
        return carry

    lax.fori_loop(0, NBLK, blk, 0)

    pltpu.sync_copy(out_v, out.at[wid])


_mf_sc = functools.partial(
    pl.kernel,
    out_type=jax.ShapeDtypeStruct((NW, BPW // 128, 128), jnp.float32),
    mesh=_MESH,
    compiler_params=pltpu.CompilerParams(needs_layout_passes=False),
    scratch_types=[
        pltpu.VMEM((NCH, CH), jnp.int32),
        pltpu.VMEM((NCH, CH), jnp.int32),
        pltpu.VMEM((BPW // 2, 2 * H), jnp.float32),
        pltpu.VMEM((BPW // 2, 2 * H), jnp.float32),
        pltpu.VMEM((NCH, CH), jnp.float32),
        pltpu.VMEM((NCH, CH), jnp.float32),
        pltpu.VMEM((BPW // 128, 128), jnp.float32),
        pltpu.SemaphoreType.DMA,
        pltpu.SemaphoreType.DMA,
        pltpu.SemaphoreType.DMA,
    ],
)(_mf_body)


def kernel(users, items, user_emb, item_emb, user_bias, item_bias):
    users2 = users.reshape(NW, NCH, CH)
    items2 = items.reshape(NW, NCH, CH)
    out = _mf_sc(users2, items2, user_emb, item_emb, user_bias, item_bias)
    return out.reshape(B)

# --- scband reference (transcript-rebuilt; emitter-appended) ---
"""Pipeline reference for scband-mfwith-bias-model-10402410791214 (READ-ONLY COPY).

The authoritative reference and input builder live on the scoring server;
editing this copy changes nothing except your own understanding.
"""

import jax, jax.numpy as jnp
import numpy as np

NUSERS = 1000000
NITEMS = 100000
HIDDEN = 64
BATCH = 16384

def setup_inputs(seed: int = 0) -> dict:
    key = jax.random.key(seed)
    k1, k2, k3, k4, k5, k6 = jax.random.split(key, 6)
    users = jax.random.randint(k1, (BATCH,), 0, NUSERS, dtype=jnp.int64 if jax.config.jax_enable_x64 else jnp.int32).astype(jnp.int32)
    items = jax.random.randint(k2, (BATCH,), 0, NITEMS).astype(jnp.int32)
    user_emb = (jax.random.normal(k3, (NUSERS, HIDDEN), dtype=jnp.float32) * 0.01)
    item_emb = (jax.random.normal(k4, (NITEMS, HIDDEN), dtype=jnp.float32) * 0.01)
    user_bias = (jax.random.normal(k5, (NUSERS,), dtype=jnp.float32) * 0.01)
    item_bias = (jax.random.normal(k6, (NITEMS,), dtype=jnp.float32) * 0.01)
    return {"users": users, "items": items,
            "user_emb": user_emb, "item_emb": item_emb,
            "user_bias": user_bias, "item_bias": item_bias}

def reference(users, items, user_emb, item_emb, user_bias, item_bias):
    # Matrix factorization with per-user and per-item bias terms:
    # score(u, i) = <U[u], V[i]> + b_u[u] + b_i[i]
    u = jnp.take(user_emb, users, axis=0)      # [B, H] gather
    v = jnp.take(item_emb, items, axis=0)      # [B, H] gather
    bu = jnp.take(user_bias, users, axis=0)    # [B] gather
    bi = jnp.take(item_bias, items, axis=0)    # [B] gather
    return jnp.sum(u * v, axis=-1) + bu + bi   # [B]

if __name__ == "__main__":
    import jax
    _d = setup_inputs()
    print(jax.jit(kernel)(*tuple(_d.values())))

</pallas_src>

<mosaic_0001>
#map = affine_map<(d0, d1) -> (0, 0, 0)>
#map1 = affine_map<(d0, d1) -> (0, 0)>
#map2 = affine_map<(d0, d1) -> (0)>
module attributes {stable_mosaic.version = 14 : i64} {
  func.func @_mf_body(%arg0: i32, %arg1: i32, %arg2: memref<32x4x128xi32, #tpu.memory_space<hbm>>, %arg3: memref<32x4x128xi32, #tpu.memory_space<hbm>>, %arg4: memref<1000000x64xf32, #tpu.memory_space<hbm>>, %arg5: memref<100000x64xf32, #tpu.memory_space<hbm>>, %arg6: memref<1000000xf32, #tpu.memory_space<hbm>>, %arg7: memref<100000xf32, #tpu.memory_space<hbm>>, %arg8: memref<32x4x128xf32, #tpu.memory_space<hbm>>, %arg9: memref<4x128xi32, #tpu.memory_space<vmem>>, %arg10: memref<4x128xi32, #tpu.memory_space<vmem>>, %arg11: memref<256x128xf32, #tpu.memory_space<vmem>>, %arg12: memref<256x128xf32, #tpu.memory_space<vmem>>, %arg13: memref<4x128xf32, #tpu.memory_space<vmem>>, %arg14: memref<4x128xf32, #tpu.memory_space<vmem>>, %arg15: memref<4x128xf32, #tpu.memory_space<vmem>>, %arg16: memref<!tpu.dma_semaphore, #tpu.memory_space<semaphore_mem>>, %arg17: memref<!tpu.dma_semaphore, #tpu.memory_space<semaphore_mem>>, %arg18: memref<!tpu.dma_semaphore, #tpu.memory_space<semaphore_mem>>) attributes {dimension_semantics = [#tpu.dimension_semantics<core_parallel>, #tpu.dimension_semantics<subcore_parallel>], iteration_bounds = array<i64: 2, 16>, scalar_prefetch = 0 : i64, scratch_operands = 10 : i64, tpu.core_type = #tpu.core_type<sc_vector_subcore>, window_params = [{transform_indices = #map}, {transform_indices = #map}, {transform_indices = #map1}, {transform_indices = #map1}, {transform_indices = #map2}, {transform_indices = #map2}, {transform_indices = #map}]} {
    %mul3A = arith.constant 2 : i32
    %mul3A_0 = arith.muli %arg1, %mul3A : i32
    %add3A = arith.addi %mul3A_0, %arg0 : i32
    "tpu.region"() ({
      %run_scoped3A = tpu.sem_alloc : memref<!tpu.dma_semaphore, #tpu.memory_space<semaphore_mem>>
      %dma_start3A_1962 = arith.constant 0 : i32
      %dma_start3A_1963 = arith.constant 0 : i32
      %dma_start3A_1964 = tpu.memref_slice %arg2[%add3A, %dma_start3A_1962, %dma_start3A_1963] : memref<32x4x128xi32, #tpu.memory_space<hbm>> -> memref<1x4x128xi32, #tpu.memory_space<hbm>>
      %dma_start3A_1965 = tpu.memref_squeeze %dma_start3A_1964 : memref<1x4x128xi32, #tpu.memory_space<hbm>> -> memref<4x128xi32, #tpu.memory_space<hbm>>
      %dma_start3A_1966 = arith.constant 0 : i32
      %dma_start3A_1967 = arith.constant 0 : i32
      %dma_start3A_1968 = tpu.memref_slice %arg2[%add3A, %dma_start3A_1966, %dma_start3A_1967] : memref<32x4x128xi32, #tpu.memory_space<hbm>> -> memref<1x4x128xi32, #tpu.memory_space<hbm>>
      %dma_start3A_1969 = tpu.memref_squeeze %dma_start3A_1968 : memref<1x4x128xi32, #tpu.memory_space<hbm>> -> memref<4x128xi32, #tpu.memory_space<hbm>>
      tpu.enqueue_dma source(%dma_start3A_1969 : memref<4x128xi32, #tpu.memory_space<hbm>>) target(%arg9 : memref<4x128xi32, #tpu.memory_space<vmem>>) target_semaphore(%run_scoped3A : memref<!tpu.dma_semaphore, #tpu.memory_space<semaphore_mem>>)
      %dma_wait3A_1970 = arith.constant 0 : i32
      %dma_wait3A_1971 = arith.constant 0 : i32
      %dma_wait3A_1972 = tpu.memref_slice %arg2[%add3A, %dma_wait3A_1970, %dma_wait3A_1971] : memref<32x4x128xi32, #tpu.memory_space<hbm>> -> memref<1x4x128xi32, #tpu.memory_space<hbm>>
      %dma_wait3A_1973 = tpu.memref_squeeze %dma_wait3A_1972 : memref<1x4x128xi32, #tpu.memory_space<hbm>> -> memref<4x128xi32, #tpu.memory_space<hbm>>
      %dma_wait3A_1974 = arith.constant 0 : i32
      %dma_wait3A_1975 = arith.constant 0 : i32
      %dma_wait3A_1976 = tpu.memref_slice %arg2[%add3A, %dma_wait3A_1974, %dma_wait3A_1975] : memref<32x4x128xi32, #tpu.memory_space<hbm>> -> memref<1x4x128xi32, #tpu.memory_space<hbm>>
      %dma_wait3A_1977 = tpu.memref_squeeze %dma_wait3A_1976 : memref<1x4x128xi32, #tpu.memory_space<hbm>> -> memref<4x128xi32, #tpu.memory_space<hbm>>
      tpu.wait_dma2 semaphore(%run_scoped3A : memref<!tpu.dma_semaphore, #tpu.memory_space<semaphore_mem>>) src(%dma_wait3A_1977 : memref<4x128xi32, #tpu.memory_space<hbm>>) dst(%arg9 : memref<4x128xi32, #tpu.memory_space<vmem>>)
      tpu.yield
    }) : () -> ()
    "tpu.region"() ({
      %run_scoped3A = tpu.sem_alloc : memref<!tpu.dma_semaphore, #tpu.memory_space<semaphore_mem>>
      %dma_start3A_1962 = arith.constant 0 : i32
      %dma_start3A_1963 = arith.constant 0 : i32
      %dma_start3A_1964 = tpu.memref_slice %arg3[%add3A, %dma_start3A_1962, %dma_start3A_1963] : memref<32x4x128xi32, #tpu.memory_space<hbm>> -> memref<1x4x128xi32, #tpu.memory_space<hbm>>
      %dma_start3A_1965 = tpu.memref_squeeze %dma_start3A_1964 : memref<1x4x128xi32, #tpu.memory_space<hbm>> -> memref<4x128xi32, #tpu.memory_space<hbm>>
      %dma_start3A_1966 = arith.constant 0 : i32
      %dma_start3A_1967 = arith.constant 0 : i32
      %dma_start3A_1968 = tpu.memref_slice %arg3[%add3A, %dma_start3A_1966, %dma_start3A_1967] : memref<32x4x128xi32, #tpu.memory_space<hbm>> -> memref<1x4x128xi32, #tpu.memory_space<hbm>>
      %dma_start3A_1969 = tpu.memref_squeeze %dma_start3A_1968 : memref<1x4x128xi32, #tpu.memory_space<hbm>> -> memref<4x128xi32, #tpu.memory_space<hbm>>
      tpu.enqueue_dma source(%dma_start3A_1969 : memref<4x128xi32, #tpu.memory_space<hbm>>) target(%arg10 : memref<4x128xi32, #tpu.memory_space<vmem>>) target_semaphore(%run_scoped3A : memref<!tpu.dma_semaphore, #tpu.memory_space<semaphore_mem>>)
      %dma_wait3A_1970 = arith.constant 0 : i32
      %dma_wait3A_1971 = arith.constant 0 : i32
      %dma_wait3A_1972 = tpu.memref_slice %arg3[%add3A, %dma_wait3A_1970, %dma_wait3A_1971] : memref<32x4x128xi32, #tpu.memory_space<hbm>> -> memref<1x4x128xi32, #tpu.memory_space<hbm>>
      %dma_wait3A_1973 = tpu.memref_squeeze %dma_wait3A_1972 : memref<1x4x128xi32, #tpu.memory_space<hbm>> -> memref<4x128xi32, #tpu.memory_space<hbm>>
      %dma_wait3A_1974 = arith.constant 0 : i32
      %dma_wait3A_1975 = arith.constant 0 : i32
      %dma_wait3A_1976 = tpu.memref_slice %arg3[%add3A, %dma_wait3A_1974, %dma_wait3A_1975] : memref<32x4x128xi32, #tpu.memory_space<hbm>> -> memref<1x4x128xi32, #tpu.memory_space<hbm>>
      %dma_wait3A_1977 = tpu.memref_squeeze %dma_wait3A_1976 : memref<1x4x128xi32, #tpu.memory_space<hbm>> -> memref<4x128xi32, #tpu.memory_space<hbm>>
      tpu.wait_dma2 semaphore(%run_scoped3A : memref<!tpu.dma_semaphore, #tpu.memory_space<semaphore_mem>>) src(%dma_wait3A_1977 : memref<4x128xi32, #tpu.memory_space<hbm>>) dst(%arg10 : memref<4x128xi32, #tpu.memory_space<vmem>>)
      tpu.yield
    }) : () -> ()
    %dma_start3A = arith.constant 0 : i32
    %dma_start3A_1 = arith.constant 0 : i32
    %dma_start3A_2 = arith.constant 0 : i32
    %dma_start3A_3 = tpu.memref_slice %arg13[%dma_start3A_1, %dma_start3A_2] : memref<4x128xf32, #tpu.memory_space<vmem>> -> memref<1x128xf32, #tpu.memory_space<vmem>>
    %dma_start3A_4 = tpu.memref_squeeze %dma_start3A_3 : memref<1x128xf32, #tpu.memory_space<vmem>> -> memref<128xf32, #tpu.memory_space<vmem>>
    %dma_start3A_5 = arith.constant 0 : i32
    %dma_start3A_6 = tpu.memref_slice %arg9[%dma_start3A, %dma_start3A_5] : memref<4x128xi32, #tpu.memory_space<vmem>> -> memref<1x128xi32, #tpu.memory_space<vmem>>
    %dma_start3A_7 = tpu.memref_squeeze %dma_start3A_6 : memref<1x128xi32, #tpu.memory_space<vmem>> -> memref<128xi32, #tpu.memory_space<vmem>>
    %dma_start3A_8 = arith.constant 0 : i32
    %dma_start3A_9 = tpu.memref_slice %arg6[%dma_start3A_8] : memref<1000000xf32, #tpu.memory_space<hbm>> -> memref<1000000xf32, #tpu.memory_space<hbm>>
    tpu.enqueue_indirect_dma source(%dma_start3A_9 : memref<1000000xf32, #tpu.memory_space<hbm>>) target(%dma_start3A_4 : memref<128xf32, #tpu.memory_space<vmem>>) offsets(%dma_start3A_7 : memref<128xi32, #tpu.memory_space<vmem>>) semaphore(%arg16 : memref<!tpu.dma_semaphore, #tpu.memory_space<semaphore_mem>>)
    %dma_start3A_10 = arith.constant 0 : i32
    %dma_start3A_11 = arith.constant 0 : i32
    %dma_start3A_12 = arith.constant 0 : i32
    %dma_start3A_13 = tpu.memref_slice %arg14[%dma_start3A_11, %dma_start3A_12] : memref<4x128xf32, #tpu.memory_space<vmem>> -> memref<1x128xf32, #tpu.memory_space<vmem>>
    %dma_start3A_14 = tpu.memref_squeeze %dma_start3A_13 : memref<1x128xf32, #tpu.memory_space<vmem>> -> memref<128xf32, #tpu.memory_space<vmem>>
    %dma_start3A_15 = arith.constant 0 : i32
    %dma_start3A_16 = tpu.memref_slice %arg10[%dma_start3A_10, %dma_start3A_15] : memref<4x128xi32, #tpu.memory_space<vmem>> -> memref<1x128xi32, #tpu.memory_space<vmem>>
    %dma_start3A_17 = tpu.memref_squeeze %dma_start3A_16 : memref<1x128xi32, #tpu.memory_space<vmem>> -> memref<128xi32, #tpu.memory_space<vmem>>
    %dma_start3A_18 = arith.constant 0 : i32
    %dma_start3A_19 = tpu.memref_slice %arg7[%dma_start3A_18] : memref<100000xf32, #tpu.memory_space<hbm>> -> memref<100000xf32, #tpu.memory_space<hbm>>
    tpu.enqueue_indirect_dma source(%dma_start3A_19 : memref<100000xf32, #tpu.memory_space<hbm>>) target(%dma_start3A_14 : memref<128xf32, #tpu.memory_space<vmem>>) offsets(%dma_start3A_17 : memref<128xi32, #tpu.memory_space<vmem>>) semaphore(%arg16 : memref<!tpu.dma_semaphore, #tpu.memory_space<semaphore_mem>>)
    %dma_start3A_20 = arith.constant 1 : i32
    %dma_start3A_21 = arith.constant 1 : i32
    %dma_start3A_22 = arith.constant 0 : i32
    %dma_start3A_23 = tpu.memref_slice %arg13[%dma_start3A_21, %dma_start3A_22] : memref<4x128xf32, #tpu.memory_space<vmem>> -> memref<1x128xf32, #tpu.memory_space<vmem>>
    %dma_start3A_24 = tpu.memref_squeeze %dma_start3A_23 : memref<1x128xf32, #tpu.memory_space<vmem>> -> memref<128xf32, #tpu.memory_space<vmem>>
    %dma_start3A_25 = arith.constant 0 : i32
    %dma_start3A_26 = tpu.memref_slice %arg9[%dma_start3A_20, %dma_start3A_25] : memref<4x128xi32, #tpu.memory_space<vmem>> -> memref<1x128xi32, #tpu.memory_space<vmem>>
    %dma_start3A_27 = tpu.memref_squeeze %dma_start3A_26 : memref<1x128xi32, #tpu.memory_space<vmem>> -> memref<128xi32, #tpu.memory_space<vmem>>
    %dma_start3A_28 = arith.constant 0 : i32
    %dma_start3A_29 = tpu.memref_slice %arg6[%dma_start3A_28] : memref<1000000xf32, #tpu.memory_space<hbm>> -> memref<1000000xf32, #tpu.memory_space<hbm>>
    tpu.enqueue_indirect_dma source(%dma_start3A_29 : memref<1000000xf32, #tpu.memory_space<hbm>>) target(%dma_start3A_24 : memref<128xf32, #tpu.memory_space<vmem>>) offsets(%dma_start3A_27 : memref<128xi32, #tpu.memory_space<vmem>>) semaphore(%arg16 : memref<!tpu.dma_semaphore, #tpu.memory_space<semaphore_mem>>)
    %dma_start3A_30 = arith.constant 1 : i32
    %dma_start3A_31 = arith.constant 1 : i32
    %dma_start3A_32 = arith.constant 0 : i32
    %dma_start3A_33 = tpu.memref_slice %arg14[%dma_start3A_31, %dma_start3A_32] : memref<4x128xf32, #tpu.memory_space<vmem>> -> memref<1x128xf32, #tpu.memory_space<vmem>>
    %dma_start3A_34 = tpu.memref_squeeze %dma_start3A_33 : memref<1x128xf32, #tpu.memory_space<vmem>> -> memref<128xf32, #tpu.memory_space<vmem>>
    %dma_start3A_35 = arith.constant 0 : i32
    %dma_start3A_36 = tpu.memref_slice %arg10[%dma_start3A_30, %dma_start3A_35] : memref<4x128xi32, #tpu.memory_space<vmem>> -> memref<1x128xi32, #tpu.memory_space<vmem>>
    %dma_start3A_37 = tpu.memref_squeeze %dma_start3A_36 : memref<1x128xi32, #tpu.memory_space<vmem>> -> memref<128xi32, #tpu.memory_space<vmem>>
    %dma_start3A_38 = arith.constant 0 : i32
    %dma_start3A_39 = tpu.memref_slice %arg7[%dma_start3A_38] : memref<100000xf32, #tpu.memory_space<hbm>> -> memref<100000xf32, #tpu.memory_space<hbm>>
    tpu.enqueue_indirect_dma source(%dma_start3A_39 : memref<100000xf32, #tpu.memory_space<hbm>>) target(%dma_start3A_34 : memref<128xf32, #tpu.memory_space<vmem>>) offsets(%dma_start3A_37 : memref<128xi32, #tpu.memory_space<vmem>>) semaphore(%arg16 : memref<!tpu.dma_semaphore, #tpu.memory_space<semaphore_mem>>)
    %dma_start3A_40 = arith.constant 2 : i32
    %dma_start3A_41 = arith.constant 2 : i32
    %dma_start3A_42 = arith.constant 0 : i32
    %dma_start3A_43 = tpu.memref_slice %arg13[%dma_start3A_41, %dma_start3A_42] : memref<4x128xf32, #tpu.memory_space<vmem>> -> memref<1x128xf32, #tpu.memory_space<vmem>>
    %dma_start3A_44 = tpu.memref_squeeze %dma_start3A_43 : memref<1x128xf32, #tpu.memory_space<vmem>> -> memref<128xf32, #tpu.memory_space<vmem>>
    %dma_start3A_45 = arith.constant 0 : i32
    %dma_start3A_46 = tpu.memref_slice %arg9[%dma_start3A_40, %dma_start3A_45] : memref<4x128xi32, #tpu.memory_space<vmem>> -> memref<1x128xi32, #tpu.memory_space<vmem>>
    %dma_start3A_47 = tpu.memref_squeeze %dma_start3A_46 : memref<1x128xi32, #tpu.memory_space<vmem>> -> memref<128xi32, #tpu.memory_space<vmem>>
    %dma_start3A_48 = arith.constant 0 : i32
    %dma_start3A_49 = tpu.memref_slice %arg6[%dma_start3A_48] : memref<1000000xf32, #tpu.memory_space<hbm>> -> memref<1000000xf32, #tpu.memory_space<hbm>>
    tpu.enqueue_indirect_dma source(%dma_start3A_49 : memref<1000000xf32, #tpu.memory_space<hbm>>) target(%dma_start3A_44 : memref<128xf32, #tpu.memory_space<vmem>>) offsets(%dma_start3A_47 : memref<128xi32, #tpu.memory_space<vmem>>) semaphore(%arg16 : memref<!tpu.dma_semaphore, #tpu.memory_space<semaphore_mem>>)
    %dma_start3A_50 = arith.constant 2 : i32
    %dma_start3A_51 = arith.constant 2 : i32
    %dma_start3A_52 = arith.constant 0 : i32
    %dma_start3A_53 = tpu.memref_slice %arg14[%dma_start3A_51, %dma_start3A_52] : memref<4x128xf32, #tpu.memory_space<vmem>> -> memref<1x128xf32, #tpu.memory_space<vmem>>
    %dma_start3A_54 = tpu.memref_squeeze %dma_start3A_53 : memref<1x128xf32, #tpu.memory_space<vmem>> -> memref<128xf32, #tpu.memory_space<vmem>>
    %dma_start3A_55 = arith.constant 0 : i32
    %dma_start3A_56 = tpu.memref_slice %arg10[%dma_start3A_50, %dma_start3A_55] : memref<4x128xi32, #tpu.memory_space<vmem>> -> memref<1x128xi32, #tpu.memory_space<vmem>>
    %dma_start3A_57 = tpu.memref_squeeze %dma_start3A_56 : memref<1x128xi32, #tpu.memory_space<vmem>> -> memref<128xi32, #tpu.memory_space<vmem>>
    %dma_start3A_58 = arith.constant 0 : i32
    %dma_start3A_59 = tpu.memref_slice %arg7[%dma_start3A_58] : memref<100000xf32, #tpu.memory_space<hbm>> -> memref<100000xf32, #tpu.memory_space<hbm>>
    tpu.enqueue_indirect_dma source(%dma_start3A_59 : memref<100000xf32, #tpu.memory_space<hbm>>) target(%dma_start3A_54 : memref<128xf32, #tpu.memory_space<vmem>>) offsets(%dma_start3A_57 : memref<128xi32, #tpu.memory_space<vmem>>) semaphore(%arg16 : memref<!tpu.dma_semaphore, #tpu.memory_space<semaphore_mem>>)
    %dma_start3A_60 = arith.constant 3 : i32
    %dma_start3A_61 = arith.constant 3 : i32
    %dma_start3A_62 = arith.constant 0 : i32
    %dma_start3A_63 = tpu.memref_slice %arg13[%dma_start3A_61, %dma_start3A_62] : memref<4x128xf32, #tpu.memory_space<vmem>> -> memref<1x128xf32, #tpu.memory_space<vmem>>
    %dma_start3A_64 = tpu.memref_squeeze %dma_start3A_63 : memref<1x128xf32, #tpu.memory_space<vmem>> -> memref<128xf32, #tpu.memory_space<vmem>>
    %dma_start3A_65 = arith.constant 0 : i32
    %dma_start3A_66 = tpu.memref_slice %arg9[%dma_start3A_60, %dma_start3A_65] : memref<4x128xi32, #tpu.memory_space<vmem>> -> memref<1x128xi32, #tpu.memory_space<vmem>>
    %dma_start3A_67 = tpu.memref_squeeze %dma_start3A_66 : memref<1x128xi32, #tpu.memory_space<vmem>> -> memref<128xi32, #tpu.memory_space<vmem>>
    %dma_start3A_68 = arith.constant 0 : i32
    %dma_start3A_69 = tpu.memref_slice %arg6[%dma_start3A_68] : memref<1000000xf32, #tpu.memory_space<hbm>> -> memref<1000000xf32, #tpu.memory_space<hbm>>
    tpu.enqueue_indirect_dma source(%dma_start3A_69 : memref<1000000xf32, #tpu.memory_space<hbm>>) target(%dma_start3A_64 : memref<128xf32, #tpu.memory_space<vmem>>) offsets(%dma_start3A_67 : memref<128xi32, #tpu.memory_space<vmem>>) semaphore(%arg16 : memref<!tpu.dma_semaphore, #tpu.memory_space<semaphore_mem>>)
    %dma_start3A_70 = arith.constant 3 : i32
    %dma_start3A_71 = arith.constant 3 : i32
    %dma_start3A_72 = arith.constant 0 : i32
    %dma_start3A_73 = tpu.memref_slice %arg14[%dma_start3A_71, %dma_start3A_72] : memref<4x128xf32, #tpu.memory_space<vmem>> -> memref<1x128xf32, #tpu.memory_space<vmem>>
    %dma_start3A_74 = tpu.memref_squeeze %dma_start3A_73 : memref<1x128xf32, #tpu.memory_space<vmem>> -> memref<128xf32, #tpu.memory_space<vmem>>
    %dma_start3A_75 = arith.constant 0 : i32
    %dma_start3A_76 = tpu.memref_slice %arg10[%dma_start3A_70, %dma_start3A_75] : memref<4x128xi32, #tpu.memory_space<vmem>> -> memref<1x128xi32, #tpu.memory_space<vmem>>
    %dma_start3A_77 = tpu.memref_squeeze %dma_start3A_76 : memref<1x128xi32, #tpu.memory_space<vmem>> -> memref<128xi32, #tpu.memory_space<vmem>>
    %dma_start3A_78 = arith.constant 0 : i32
    %dma_start3A_79 = tpu.memref_slice %arg7[%dma_start3A_78] : memref<100000xf32, #tpu.memory_space<hbm>> -> memref<100000xf32, #tpu.memory_space<hbm>>
    tpu.enqueue_indirect_dma source(%dma_start3A_79 : memref<100000xf32, #tpu.memory_space<hbm>>) target(%dma_start3A_74 : memref<128xf32, #tpu.memory_space<vmem>>) offsets(%dma_start3A_77 : memref<128xi32, #tpu.memory_space<vmem>>) semaphore(%arg16 : memref<!tpu.dma_semaphore, #tpu.memory_space<semaphore_mem>>)
    %scan3A = arith.constant 0 : i32
    %scan3A_80 = arith.constant 0 : i32
    %scan3A_81 = arith.constant 32 : i32
    %scan3A_82 = arith.addi %scan3A_80, %scan3A_81 : i32
    %scan3A_83 = arith.constant 1 : i32
    scf.for %scan3A_1962 = %scan3A_80 to %scan3A_82 step %scan3A_83  : i32 {
      %jit3A = arith.constant 8 : i32
      %div3A = arith.divsi %scan3A_1962, %jit3A : i32
      %sign3A = arith.constant 0 : i32
      %sign3A_1963 = arith.cmpi sgt, %scan3A_1962, %sign3A : i32
      %sign3A_1964 = arith.extui %sign3A_1963 : i1 to i32
      %sign3A_1965 = arith.constant 0 : i32
      %sign3A_1966 = arith.cmpi slt, %scan3A_1962, %sign3A_1965 : i32
      %sign3A_1967 = arith.extui %sign3A_1966 : i1 to i32
      %sign3A_1968 = arith.subi %sign3A_1964, %sign3A_1967 : i32
      %sign3A_1969 = arith.constant 0 : i32
      %sign3A_1970 = arith.cmpi sgt, %jit3A, %sign3A_1969 : i32
      %sign3A_1971 = arith.extui %sign3A_1970 : i1 to i32
      %sign3A_1972 = arith.constant 0 : i32
      %sign3A_1973 = arith.cmpi slt, %jit3A, %sign3A_1972 : i32
      %sign3A_1974 = arith.extui %sign3A_1973 : i1 to i32
      %sign3A_1975 = arith.subi %sign3A_1971, %sign3A_1974 : i32
      %ne3A = arith.cmpi ne, %sign3A_1968, %sign3A_1975 : i32
      %rem3A = arith.remsi %scan3A_1962, %jit3A : i32
      %ne3A_1976 = arith.constant 0 : i32
      %ne3A_1977 = arith.cmpi ne, %rem3A, %ne3A_1976 : i32
      %and3A = arith.andi %ne3A, %ne3A_1977 : i1
      %sub3A = arith.constant 1 : i32
      %sub3A_1978 = arith.subi %div3A, %sub3A : i32
      %select_n3A = arith.select %and3A, %sub3A_1978, %div3A : i32
      %jit3A_1979 = arith.constant 8 : i32
      %eq3A = arith.constant 0 : i32
      %eq3A_1980 = arith.cmpi eq, %jit3A_1979, %eq3A : i32
      %jit3A_1981 = arith.constant 1 : i32
      %select_n3A_1982 = arith.select %eq3A_1980, %jit3A_1981, %jit3A_1979 : i32
      %rem3A_1983 = arith.remsi %scan3A_1962, %select_n3A_1982 : i32
      %ne3A_1984 = arith.constant 0 : i32
      %ne3A_1985 = arith.cmpi ne, %rem3A_1983, %ne3A_1984 : i32
      %lt3A = arith.constant 0 : i32
      %lt3A_1986 = arith.cmpi slt, %rem3A_1983, %lt3A : i32
      %lt3A_1987 = arith.constant 0 : i32
      %lt3A_1988 = arith.cmpi slt, %select_n3A_1982, %lt3A_1987 : i32
      %ne3A_1989 = arith.xori %lt3A_1986, %lt3A_1988 : i1
      %and3A_1990 = arith.andi %ne3A_1989, %ne3A_1985 : i1
      %add3A_1991 = arith.addi %rem3A_1983, %select_n3A_1982 : i32
      %select_n3A_1992 = arith.select %and3A_1990, %add3A_1991, %rem3A_1983 : i32
      %mul3A_1993 = arith.constant 16 : i32
      %mul3A_1994 = arith.muli %select_n3A_1992, %mul3A_1993 : i32
      %get3A = arith.index_cast %select_n3A : i32 to index
      %get3A_1995 = arith.index_cast %mul3A_1994 : i32 to index
      %get3A_1996 = tpu.vector_load %arg9[%get3A, %get3A_1995] {strides = array<i32>} : memref<4x128xi32, #tpu.memory_space<vmem>>, vector<16xi32>,
      %get3A_1997 = arith.index_cast %select_n3A : i32 to index
      %get3A_1998 = arith.index_cast %mul3A_1994 : i32 to index
      %get3A_1999 = tpu.vector_load %arg10[%get3A_1997, %get3A_1998] {strides = array<i32>} : memref<4x128xi32, #tpu.memory_space<vmem>>, vector<16xi32>,
      %mul3A_2000 = arith.constant 8 : i32
      %mul3A_2001 = arith.muli %scan3A_1962, %mul3A_2000 : i32
      %add3A_2002 = arith.constant 0 : i32
      %add3A_2003 = arith.addi %mul3A_2001, %add3A_2002 : i32
      %slice3A = vector.extract_strided_slice %get3A_1996 {offsets = [0], sizes = [1], strides = [1]} : vector<16xi32> to vector<1xi32>
      %squeeze3A = vector.extract %slice3A[0] : i32 from vector<1xi32>
      %dma_start3A_2004 = arith.constant 0 : i32
      %dma_start3A_2005 = tpu.memref_slice %arg11[%add3A_2003, %dma_start3A_2004] : memref<256x128xf32, #tpu.memory_space<vmem>> -> memref<1x64xf32, #tpu.memory_space<vmem>>
      %dma_start3A_2006 = tpu.memref_squeeze %dma_start3A_2005 : memref<1x64xf32, #tpu.memory_space<vmem>> -> memref<64xf32, #tpu.memory_space<vmem>>
      %dma_start3A_2007 = arith.constant 0 : i32
      %dma_start3A_2008 = tpu.memref_slice %arg4[%squeeze3A, %dma_start3A_2007] : memref<1000000x64xf32, #tpu.memory_space<hbm>> -> memref<1x64xf32, #tpu.memory_space<hbm>>
      %dma_start3A_2009 = tpu.memref_squeeze %dma_start3A_2008 : memref<1x64xf32, #tpu.memory_space<hbm>> -> memref<64xf32, #tpu.memory_space<hbm>>
      %dma_start3A_2010 = arith.constant 0 : i32
      %dma_start3A_2011 = tpu.memref_slice %arg11[%add3A_2003, %dma_start3A_2010] : memref<256x128xf32, #tpu.memory_space<vmem>> -> memref<1x64xf32, #tpu.memory_space<vmem>>
      %dma_start3A_2012 = tpu.memref_squeeze %dma_start3A_2011 : memref<1x64xf32, #tpu.memory_space<vmem>> -> memref<64xf32, #tpu.memory_space<vmem>>
      %dma_start3A_2013 = arith.constant 0 : i32
      %dma_start3A_2014 = tpu.memref_slice %arg4[%squeeze3A, %dma_start3A_2013] : memref<1000000x64xf32, #tpu.memory_space<hbm>> -> memref<1x64xf32, #tpu.memory_space<hbm>>
      %dma_start3A_2015 = tpu.memref_squeeze %dma_start3A_2014 : memref<1x64xf32, #tpu.memory_space<hbm>> -> memref<64xf32, #tpu.memory_space<hbm>>
      tpu.enqueue_dma source(%dma_start3A_2015 : memref<64xf32, #tpu.memory_space<hbm>>) target(%dma_start3A_2012 : memref<64xf32, #tpu.memory_space<vmem>>) target_semaphore(%arg17 : memref<!tpu.dma_semaphore, #tpu.memory_space<semaphore_mem>>)
      %slice3A_2016 = vector.extract_strided_slice %get3A_1999 {offsets = [0], sizes = [1], strides = [1]} : vector<16xi32> to vector<1xi32>
      %squeeze3A_2017 = vector.extract %slice3A_2016[0] : i32 from vector<1xi32>
      %dma_start3A_2018 = arith.constant 0 : i32
      %dma_start3A_2019 = tpu.memref_slice %arg12[%add3A_2003, %dma_start3A_2018] : memref<256x128xf32, #tpu.memory_space<vmem>> -> memref<1x64xf32, #tpu.memory_space<vmem>>
      %dma_start3A_2020 = tpu.memref_squeeze %dma_start3A_2019 : memref<1x64xf32, #tpu.memory_space<vmem>> -> memref<64xf32, #tpu.memory_space<vmem>>
      %dma_start3A_2021 = arith.constant 0 : i32
      %dma_start3A_2022 = tpu.memref_slice %arg5[%squeeze3A_2017, %dma_start3A_2021] : memref<100000x64xf32, #tpu.memory_space<hbm>> -> memref<1x64xf32, #tpu.memory_space<hbm>>
      %dma_start3A_2023 = tpu.memref_squeeze %dma_start3A_2022 : memref<1x64xf32, #tpu.memory_space<hbm>> -> memref<64xf32, #tpu.memory_space<hbm>>
      %dma_start3A_2024 = arith.constant 0 : i32
      %dma_start3A_2025 = tpu.memref_slice %arg12[%add3A_2003, %dma_start3A_2024] : memref<256x128xf32, #tpu.memory_space<vmem>> -> memref<1x64xf32, #tpu.memory_space<vmem>>
      %dma_start3A_2026 = tpu.memref_squeeze %dma_start3A_2025 : memref<1x64xf32, #tpu.memory_space<vmem>> -> memref<64xf32, #tpu.memory_space<vmem>>
      %dma_start3A_2027 = arith.constant 0 : i32
      %dma_start3A_2028 = tpu.memref_slice %arg5[%squeeze3A_2017, %dma_start3A_2027] : memref<100000x64xf32, #tpu.memory_space<hbm>> -> memref<1x64xf32, #tpu.memory_space<hbm>>
      %dma_start3A_2029 = tpu.memref_squeeze %dma_start3A_2028 : memref<1x64xf32, #tpu.memory_space<hbm>> -> memref<64xf32, #tpu.memory_space<hbm>>
      tpu.enqueue_dma source(%dma_start3A_2029 : memref<64xf32, #tpu.memory_space<hbm>>) target(%dma_start3A_2026 : memref<64xf32, #tpu.memory_space<vmem>>) target_semaphore(%arg18 : memref<!tpu.dma_semaphore, #tpu.memory_space<semaphore_mem>>)
      %mul3A_2030 = arith.constant 8 : i32
      %mul3A_2031 = arith.muli %scan3A_1962, %mul3A_2030 : i32
      %add3A_2032 = arith.constant 0 : i32
      %add3A_2033 = arith.addi %mul3A_2031, %add3A_2032 : i32
      %slice3A_2034 = vector.extract_strided_slice %get3A_1996 {offsets = [1], sizes = [1], strides = [1]} : vector<16xi32> to vector<1xi32>
      %squeeze3A_2035 = vector.extract %slice3A_2034[0] : i32 from vector<1xi32>
      %dma_start3A_2036 = arith.constant 64 : i32
      %dma_start3A_2037 = tpu.memref_slice %arg11[%add3A_2033, %dma_start3A_2036] : memref<256x128xf32, #tpu.memory_space<vmem>> -> memref<1x64xf32, #tpu.memory_space<vmem>>
      %dma_start3A_2038 = tpu.memref_squeeze %dma_start3A_2037 : memref<1x64xf32, #tpu.memory_space<vmem>> -> memref<64xf32, #tpu.memory_space<vmem>>
      %dma_start3A_2039 = arith.constant 0 : i32
      %dma_start3A_2040 = tpu.memref_slice %arg4[%squeeze3A_2035, %dma_start3A_2039] : memref<1000000x64xf32, #tpu.memory_space<hbm>> -> memref<1x64xf32, #tpu.memory_space<hbm>>
      %dma_start3A_2041 = tpu.memref_squeeze %dma_start3A_2040 : memref<1x64xf32, #tpu.memory_space<hbm>> -> memref<64xf32, #tpu.memory_space<hbm>>
      %dma_start3A_2042 = arith.constant 64 : i32
      %dma_start3A_2043 = tpu.memref_slice %arg11[%add3A_2033, %dma_start3A_2042] : memref<256x128xf32, #tpu.memory_space<vmem>> -> memref<1x64xf32, #tpu.memory_space<vmem>>
      %dma_start3A_2044 = tpu.memref_squeeze %dma_start3A_2043 : memref<1x64xf32, #tpu.memory_space<vmem>> -> memref<64xf32, #tpu.memory_space<vmem>>
      %dma_start3A_2045 = arith.constant 0 : i32
      %dma_start3A_2046 = tpu.memref_slice %arg4[%squeeze3A_2035, %dma_start3A_2045] : memref<1000000x64xf32, #tpu.memory_space<hbm>> -> memref<1x64xf32, #tpu.memory_space<hbm>>
      %dma_start3A_2047 = tpu.memref_squeeze %dma_start3A_2046 : memref<1x64xf32, #tpu.memory_space<hbm>> -> memref<64xf32, #tpu.memory_space<hbm>>
      tpu.enqueue_dma source(%dma_start3A_2047 : memref<64xf32, #tpu.memory_space<hbm>>) target(%dma_start3A_2044 : memref<64xf32, #tpu.memory_space<vmem>>) target_semaphore(%arg17 : memref<!tpu.dma_semaphore, #tpu.memory_space<semaphore_mem>>)
      %slice3A_2048 = vector.extract_strided_slice %get3A_1999 {offsets = [1], sizes = [1], strides = [1]} : vector<16xi32> to vector<1xi32>
      %squeeze3A_2049 = vector.extract %slice3A_2048[0] : i32 from vector<1xi32>
      %dma_start3A_2050 = arith.constant 64 : i32
      %dma_start3A_2051 = tpu.memref_slice %arg12[%add3A_2033, %dma_start3A_2050] : memref<256x128xf32, #tpu.memory_space<vmem>> -> memref<1x64xf32, #tpu.memory_space<vmem>>
      %dma_start3A_2052 = tpu.memref_squeeze %dma_start3A_2051 : memref<1x64xf32, #tpu.memory_space<vmem>> -> memref<64xf32, #tpu.memory_space<vmem>>
      %dma_start3A_2053 = arith.constant 0 : i32
      %dma_start3A_2054 = tpu.memref_slice %arg5[%squeeze3A_2049, %dma_start3A_2053] : memref<100000x64xf32, #tpu.memory_space<hbm>> -> memref<1x64xf32, #tpu.memory_space<hbm>>
      %dma_start3A_2055 = tpu.memref_squeeze %dma_start3A_2054 : memref<1x64xf32, #tpu.memory_space<hbm>> -> memref<64xf32, #tpu.memory_space<hbm>>
      %dma_start3A_2056 = arith.constant 64 : i32
      %dma_start3A_2057 = tpu.memref_slice %arg12[%add3A_2033, %dma_start3A_2056] : memref<256x128xf32, #tpu.memory_space<vmem>> -> memref<1x64xf32, #tpu.memory_space<vmem>>
      %dma_start3A_2058 = tpu.memref_squeeze %dma_start3A_2057 : memref<1x64xf32, #tpu.memory_space<vmem>> -> memref<64xf32, #tpu.memory_space<vmem>>
      %dma_start3A_2059 = arith.constant 0 : i32
      %dma_start3A_2060 = tpu.memref_slice %arg5[%squeeze3A_2049, %dma_start3A_2059] : memref<100000x64xf32, #tpu.memory_space<hbm>> -> memref<1x64xf32, #tpu.memory_space<hbm>>
      %dma_start3A_2061 = tpu.memref_squeeze %dma_start3A_2060 : memref<1x64xf32, #tpu.memory_space<hbm>> -> memref<64xf32, #tpu.memory_space<hbm>>
      tpu.enqueue_dma source(%dma_start3A_2061 : memref<64xf32, #tpu.memory_space<hbm>>) target(%dma_start3A_2058 : memref<64xf32, #tpu.memory_space<vmem>>) target_semaphore(%arg18 : memref<!tpu.dma_semaphore, #tpu.memory_space<semaphore_mem>>)
      %mul3A_2062 = arith.constant 8 : i32
      %mul3A_2063 = arith.muli %scan3A_1962, %mul3A_2062 : i32
      %add3A_2064 = arith.constant 1 : i32
      %add3A_2065 = arith.addi %mul3A_2063, %add3A_2064 : i32
      %slice3A_2066 = vector.extract_strided_slice %get3A_1996 {offsets = [2], sizes = [1], strides = [1]} : vector<16xi32> to vector<1xi32>
      %squeeze3A_2067 = vector.extract %slice3A_2066[0] : i32 from vector<1xi32>
      %dma_start3A_2068 = arith.constant 0 : i32
      %dma_start3A_2069 = tpu.memref_slice %arg11[%add3A_2065, %dma_start3A_2068] : memref<256x128xf32, #tpu.memory_space<vmem>> -> memref<1x64xf32, #tpu.memory_space<vmem>>
      %dma_start3A_2070 = tpu.memref_squeeze %dma_start3A_2069 : memref<1x64xf32, #tpu.memory_space<vmem>> -> memref<64xf32, #tpu.memory_space<vmem>>
      %dma_start3A_2071 = arith.constant 0 : i32
      %dma_start3A_2072 = tpu.memref_slice %arg4[%squeeze3A_2067, %dma_start3A_2071] : memref<1000000x64xf32, #tpu.memory_space<hbm>> -> memref<1x64xf32, #tpu.memory_space<hbm>>
      %dma_start3A_2073 = tpu.memref_squeeze %dma_start3A_2072 : memref<1x64xf32, #tpu.memory_space<hbm>> -> memref<64xf32, #tpu.memory_space<hbm>>
      %dma_start3A_2074 = arith.constant 0 : i32
      %dma_start3A_2075 = tpu.memref_slice %arg11[%add3A_2065, %dma_start3A_2074] : memref<256x128xf32, #tpu.memory_space<vmem>> -> memref<1x64xf32, #tpu.memory_space<vmem>>
      %dma_start3A_2076 = tpu.memref_squeeze %dma_start3A_2075 : memref<1x64xf32, #tpu.memory_space<vmem>> -> memref<64xf32, #tpu.memory_space<vmem>>
      %dma_start3A_2077 = arith.constant 0 : i32
      %dma_start3A_2078 = tpu.memref_slice %arg4[%squeeze3A_2067, %dma_start3A_2077] : memref<1000000x64xf32, #tpu.memory_space<hbm>> -> memref<1x64xf32, #tpu.memory_space<hbm>>
      %dma_start3A_2079 = tpu.memref_squeeze %dma_start3A_2078 : memref<1x64xf32, #tpu.memory_space<hbm>> -> memref<64xf32, #tpu.memory_space<hbm>>
      tpu.enqueue_dma source(%dma_start3A_2079 : memref<64xf32, #tpu.memory_space<hbm>>) target(%dma_start3A_2076 : memref<64xf32, #tpu.memory_space<vmem>>) target_semaphore(%arg17 : memref<!tpu.dma_semaphore, #tpu.memory_space<semaphore_mem>>)
      %slice3A_2080 = vector.extract_strided_slice %get3A_1999 {offsets = [2], sizes = [1], strides = [1]} : vector<16xi32> to vector<1xi32>
      %squeeze3A_2081 = vector.extract %slice3A_2080[0] : i32 from vector<1xi32>
      %dma_start3A_2082 = arith.constant 0 : i32
      %dma_start3A_2083 = tpu.memref_slice %arg12[%add3A_2065, %dma_start3A_2082] : memref<256x128xf32, #tpu.memory_space<vmem>> -> memref<1x64xf32, #tpu.memory_space<vmem>>
      %dma_start3A_2084 = tpu.memref_squeeze %dma_start3A_2083 : memref<1x64xf32, #tpu.memory_space<vmem>> -> memref<64xf32, #tpu.memory_space<vmem>>
      %dma_start3A_2085 = arith.constant 0 : i32
      %dma_start3A_2086 = tpu.memref_slice %arg5[%squeeze3A_2081, %dma_start3A_2085] : memref<100000x64xf32, #tpu.memory_space<hbm>> -> memref<1x64xf32, #tpu.memory_space<hbm>>
      %dma_start3A_2087 = tpu.memref_squeeze %dma_start3A_2086 : memref<1x64xf32, #tpu.memory_space<hbm>> -> memref<64xf32, #tpu.memory_space<hbm>>
      %dma_start3A_2088 = arith.constant 0 : i32
      %dma_start3A_2089 = tpu.memref_slice %arg12[%add3A_2065, %dma_start3A_2088] : memref<256x128xf32, #tpu.memory_space<vmem>> -> memref<1x64xf32, #tpu.memory_space<vmem>>
      %dma_start3A_2090 = tpu.memref_squeeze %dma_start3A_2089 : memref<1x64xf32, #tpu.memory_space<vmem>> -> memref<64xf32, #tpu.memory_space<vmem>>
      %dma_start3A_2091 = arith.constant 0 : i32
      %dma_start3A_2092 = tpu.memref_slice %arg5[%squeeze3A_2081, %dma_start3A_2091] : memref<100000x64xf32, #tpu.memory_space<hbm>> -> memref<1x64xf32, #tpu.memory_space<hbm>>
      %dma_start3A_2093 = tpu.memref_squeeze %dma_start3A_2092 : memref<1x64xf32, #tpu.memory_space<hbm>> -> memref<64xf32, #tpu.memory_space<hbm>>
      tpu.enqueue_dma source(%dma_start3A_2093 : memref<64xf32, #tpu.memory_space<hbm>>) target(%dma_start3A_2090 : memref<64xf32, #tpu.memory_space<vmem>>) target_semaphore(%arg18 : memref<!tpu.dma_semaphore, #tpu.memory_space<semaphore_mem>>)
      %mul3A_2094 = arith.constant 8 : i32
      %mul3A_2095 = arith.muli %scan3A_1962, %mul3A_2094 : i32
      %add3A_2096 = arith.constant 1 : i32
      %add3A_2097 = arith.addi %mul3A_2095, %add3A_2096 : i32
      %slice3A_2098 = vector.extract_strided_slice %get3A_1996 {offsets = [3], sizes = [1], strides = [1]} : vector<16xi32> to vector<1xi32>
      %squeeze3A_2099 = vector.extract %slice3A_2098[0] : i32 from vector<1xi32>
      %dma_start3A_2100 = arith.constant 64 : i32
      %dma_start3A_2101 = tpu.memref_slice %arg11[%add3A_2097, %dma_start3A_2100] : memref<256x128xf32, #tpu.memory_space<vmem>> -> memref<1x64xf32, #tpu.memory_space<vmem>>
      %dma_start3A_2102 = tpu.memref_squeeze %dma_start3A_2101 : memref<1x64xf32, #tpu.memory_space<vmem>> -> memref<64xf32, #tpu.memory_space<vmem>>
      %dma_start3A_2103 = arith.constant 0 : i32
      %dma_start3A_2104 = tpu.memref_slice %arg4[%squeeze3A_2099, %dma_start3A_2103] : memref<1000000x64xf32, #tpu.memory_space<hbm>> -> memref<1x64xf32, #tpu.memory_space<hbm>>
      %dma_start3A_2105 = tpu.memref_squeeze %dma_start3A_2104 : memref<1x64xf32, #tpu.memory_space<hbm>> -> memref<64xf32, #tpu.memory_space<hbm>>
      %dma_start3A_2106 = arith.constant 64 : i32
      %dma_start3A_2107 = tpu.memref_slice %arg11[%add3A_2097, %dma_start3A_2106] : memref<256x128xf32, #tpu.memory_space<vmem>> -> memref<1x64xf32, #tpu.memory_space<vmem>>
      %dma_start3A_2108 = tpu.memref_squeeze %dma_start3A_2107 : memref<1x64xf32, #tpu.memory_space<vmem>> -> memref<64xf32, #tpu.memory_space<vmem>>
      %dma_start3A_2109 = arith.constant 0 : i32
      %dma_start3A_2110 = tpu.memref_slice %arg4[%squeeze3A_2099, %dma_start3A_2109] : memref<1000000x64xf32, #tpu.memory_space<hbm>> -> memref<1x64xf32, #tpu.memory_space<hbm>>
      %dma_start3A_2111 = tpu.memref_squeeze %dma_start3A_2110 : memref<1x64xf32, #tpu.memory_space<hbm>> -> memref<64xf32, #tpu.memory_space<hbm>>
      tpu.enqueue_dma source(%dma_start3A_2111 : memref<64xf32, #tpu.memory_space<hbm>>) target(%dma_start3A_2108 : memref<64xf32, #tpu.memory_space<vmem>>) target_semaphore(%arg17 : memref<!tpu.dma_semaphore, #tpu.memory_space<semaphore_mem>>)
      %slice3A_2112 = vector.extract_strided_slice %get3A_1999 {offsets = [3], sizes = [1], strides = [1]} : vector<16xi32> to vector<1xi32>
      %squeeze3A_2113 = vector.extract %slice3A_2112[0] : i32 from vector<1xi32>
      %dma_start3A_2114 = arith.constant 64 : i32
      %dma_start3A_2115 = tpu.memref_slice %arg12[%add3A_2097, %dma_start3A_2114] : memref<256x128xf32, #tpu.memory_space<vmem>> -> memref<1x64xf32, #tpu.memory_space<vmem>>
      %dma_start3A_2116 = tpu.memref_squeeze %dma_start3A_2115 : memref<1x64xf32, #tpu.memory_space<vmem>> -> memref<64xf32, #tpu.memory_space<vmem>>
      %dma_start3A_2117 = arith.constant 0 : i32
      %dma_start3A_2118 = tpu.memref_slice %arg5[%squeeze3A_2113, %dma_start3A_2117] : memref<100000x64xf32, #tpu.memory_space<hbm>> -> memref<1x64xf32, #tpu.memory_space<hbm>>
      %dma_start3A_2119 = tpu.memref_squeeze %dma_start3A_2118 : memref<1x64xf32, #tpu.memory_space<hbm>> -> memref<64xf32, #tpu.memory_space<hbm>>
      %dma_start3A_2120 = arith.constant 64 : i32
      %dma_start3A_2121 = tpu.memref_slice %arg12[%add3A_2097, %dma_start3A_2120] : memref<256x128xf32, #tpu.memory_space<vmem>> -> memref<1x64xf32, #tpu.memory_space<vmem>>
      %dma_start3A_2122 = tpu.memref_squeeze %dma_start3A_2121 : memref<1x64xf32, #tpu.memory_space<vmem>> -> memref<64xf32, #tpu.memory_space<vmem>>
      %dma_start3A_2123 = arith.constant 0 : i32
      %dma_start3A_2124 = tpu.memref_slice %arg5[%squeeze3A_2113, %dma_start3A_2123] : memref<100000x64xf32, #tpu.memory_space<hbm>> -> memref<1x64xf32, #tpu.memory_space<hbm>>
      %dma_start3A_2125 = tpu.memref_squeeze %dma_start3A_2124 : memref<1x64xf32, #tpu.memory_space<hbm>> -> memref<64xf32, #tpu.memory_space<hbm>>
      tpu.enqueue_dma source(%dma_start3A_2125 : memref<64xf32, #tpu.memory_space<hbm>>) target(%dma_start3A_2122 : memref<64xf32, #tpu.memory_space<vmem>>) target_semaphore(%arg18 : memref<!tpu.dma_semaphore, #tpu.memory_space<semaphore_mem>>)
      %mul3A_2126 = arith.constant 8 : i32
      %mul3A_2127 = arith.muli %scan3A_1962, %mul3A_2126 : i32
      %add3A_2128 = arith.constant 2 : i32
      %add3A_2129 = arith.addi %mul3A_2127, %add3A_2128 : i32
      %slice3A_2130 = vector.extract_strided_slice %get3A_1996 {offsets = [4], sizes = [1], strides = [1]} : vector<16xi32> to vector<1xi32>
      %squeeze3A_2131 = vector.extract %slice3A_2130[0] : i32 from vector<1xi32>
      %dma_start3A_2132 = arith.constant 0 : i32
      %dma_start3A_2133 = tpu.memref_slice %arg11[%add3A_2129, %dma_start3A_2132] : memref<256x128xf32, #tpu.memory_space<vmem>> -> memref<1x64xf32, #tpu.memory_space<vmem>>
      %dma_start3A_2134 = tpu.memref_squeeze %dma_start3A_2133 : memref<1x64xf32, #tpu.memory_space<vmem>> -> memref<64xf32, #tpu.memory_space<vmem>>
      %dma_start3A_2135 = arith.constant 0 : i32
      %dma_start3A_2136 = tpu.memref_slice %arg4[%squeeze3A_2131, %dma_start3A_2135] : memref<1000000x64xf32, #tpu.memory_space<hbm>> -> memref<1x64xf32, #tpu.memory_space<hbm>>
      %dma_start3A_2137 = tpu.memref_squeeze %dma_start3A_2136 : memref<1x64xf32, #tpu.memory_space<hbm>> -> memref<64xf32, #tpu.memory_space<hbm>>
      %dma_start3A_2138 = arith.constant 0 : i32
      %dma_start3A_2139 = tpu.memref_slice %arg11[%add3A_2129, %dma_start3A_2138] : memref<256x128xf32, #tpu.memory_space<vmem>> -> memref<1x64xf32, #tpu.memory_space<vmem>>
      %dma_start3A_2140 = tpu.memref_squeeze %dma_start3A_2139 : memref<1x64xf32, #tpu.memory_space<vmem>> -> memref<64xf32, #tpu.memory_space<vmem>>
      %dma_start3A_2141 = arith.constant 0 : i32
      %dma_start3A_2142 = tpu.memref_slice %arg4[%squeeze3A_2131, %dma_start3A_2141] : memref<1000000x64xf32, #tpu.memory_space<hbm>> -> memref<1x64xf32, #tpu.memory_space<hbm>>
      %dma_start3A_2143 = tpu.memref_squeeze %dma_start3A_2142 : memref<1x64xf32, #tpu.memory_space<hbm>> -> memref<64xf32, #tpu.memory_space<hbm>>
      tpu.enqueue_dma source(%dma_start3A_2143 : memref<64xf32, #tpu.memory_space<hbm>>) target(%dma_start3A_2140 : memref<64xf32, #tpu.memory_space<vmem>>) target_semaphore(%arg17 : memref<!tpu.dma_semaphore, #tpu.memory_space<semaphore_mem>>)
      %slice3A_2144 = vector.extract_strided_slice %get3A_1999 {offsets = [4], sizes = [1], strides = [1]} : vector<16xi32> to vector<1xi32>
      %squeeze3A_2145 = vector.extract %slice3A_2144[0] : i32 from vector<1xi32>
      %dma_start3A_2146 = arith.constant 0 : i32
      %dma_start3A_2147 = tpu.memref_slice %arg12[%add3A_2129, %dma_start3A_2146] : memref<256x128xf32, #tpu.memory_space<vmem>> -> memref<1x64xf32, #tpu.memory_space<vmem>>
      %dma_start3A_2148 = tpu.memref_squeeze %dma_start3A_2147 : memref<1x64xf32, #tpu.memory_space<vmem>> -> memref<64xf32, #tpu.memory_space<vmem>>
      %dma_start3A_2149 = arith.constant 0 : i32
      %dma_start3A_2150 = tpu.memref_slice %arg5[%squeeze3A_2145, %dma_start3A_2149] : memref<100000x64xf32, #tpu.memory_space<hbm>> -> memref<1x64xf32, #tpu.memory_space<hbm>>
      %dma_start3A_2151 = tpu.memref_squeeze %dma_start3A_2150 : memref<1x64xf32, #tpu.memory_space<hbm>> -> memref<64xf32, #tpu.memory_space<hbm>>
      %dma_start3A_2152 = arith.constant 0 : i32
      %dma_start3A_2153 = tpu.memref_slice %arg12[%add3A_2129, %dma_start3A_2152] : memref<256x128xf32, #tpu.memory_space<vmem>> -> memref<1x64xf32, #tpu.memory_space<vmem>>
      %dma_start3A_2154 = tpu.memref_squeeze %dma_start3A_2153 : memref<1x64xf32, #tpu.memory_space<vmem>> -> memref<64xf32, #tpu.memory_space<vmem>>
      %dma_start3A_2155 = arith.constant 0 : i32
      %dma_start3A_2156 = tpu.memref_slice %arg5[%squeeze3A_2145, %dma_start3A_2155] : memref<100000x64xf32, #tpu.memory_space<hbm>> -> memref<1x64xf32, #tpu.memory_space<hbm>>
      %dma_start3A_2157 = tpu.memref_squeeze %dma_start3A_2156 : memref<1x64xf32, #tpu.memory_space<hbm>> -> memref<64xf32, #tpu.memory_space<hbm>>
      tpu.enqueue_dma source(%dma_start3A_2157 : memref<64xf32, #tpu.memory_space<hbm>>) target(%dma_start3A_2154 : memref<64xf32, #tpu.memory_space<vmem>>) target_semaphore(%arg18 : memref<!tpu.dma_semaphore, #tpu.memory_space<semaphore_mem>>)
      %mul3A_2158 = arith.constant 8 : i32
      %mul3A_2159 = arith.muli %scan3A_1962, %mul3A_2158 : i32
      %add3A_2160 = arith.constant 2 : i32
      %add3A_2161 = arith.addi %mul3A_2159, %add3A_2160 : i32
      %slice3A_2162 = vector.extract_strided_slice %get3A_1996 {offsets = [5], sizes = [1], strides = [1]} : vector<16xi32> to vector<1xi32>
      %squeeze3A_2163 = vector.extract %slice3A_2162[0] : i32 from vector<1xi32>
      %dma_start3A_2164 = arith.constant 64 : i32
      %dma_start3A_2165 = tpu.memref_slice %arg11[%add3A_2161, %dma_start3A_2164] : memref<256x128xf32, #tpu.memory_space<vmem>> -> memref<1x64xf32, #tpu.memory_space<vmem>>
      %dma_start3A_2166 = tpu.memref_squeeze %dma_start3A_2165 : memref<1x64xf32, #tpu.memory_space<vmem>> -> memref<64xf32, #tpu.memory_space<vmem>>
      %dma_start3A_2167 = arith.constant 0 : i32
      %dma_start3A_2168 = tpu.memref_slice %arg4[%squeeze3A_2163, %dma_start3A_2167] : memref<1000000x64xf32, #tpu.memory_space<hbm>> -> memref<1x64xf32, #tpu.memory_space<hbm>>
      %dma_start3A_2169 = tpu.memref_squeeze %dma_start3A_2168 : memref<1x64xf32, #tpu.memory_space<hbm>> -> memref<64xf32, #tpu.memory_space<hbm>>
      %dma_start3A_2170 = arith.constant 64 : i32
      %dma_start3A_2171 = tpu.memref_slice %arg11[%add3A_2161, %dma_start3A_2170] : memref<256x128xf32, #tpu.memory_space<vmem>> -> memref<1x64xf32, #tpu.memory_space<vmem>>
      %dma_start3A_2172 = tpu.memref_squeeze %dma_start3A_2171 : memref<1x64xf32, #tpu.memory_space<vmem>> -> memref<64xf32, #tpu.memory_space<vmem>>
      %dma_start3A_2173 = arith.constant 0 : i32
      %dma_start3A_2174 = tpu.memref_slice %arg4[%squeeze3A_2163, %dma_start3A_2173] : memref<1000000x64xf32, #tpu.memory_space<hbm>> -> memref<1x64xf32, #tpu.memory_space<hbm>>
      %dma_start3A_2175 = tpu.memref_squeeze %dma_start3A_2174 : memref<1x64xf32, #tpu.memory_space<hbm>> -> memref<64xf32, #tpu.memory_space<hbm>>
      tpu.enqueue_dma source(%dma_start3A_2175 : memref<64xf32, #tpu.memory_space<hbm>>) target(%dma_start3A_2172 : memref<64xf32, #tpu.memory_space<vmem>>) target_semaphore(%arg17 : memref<!tpu.dma_semaphore, #tpu.memory_space<semaphore_mem>>)
      %slice3A_2176 = vector.extract_strided_slice %get3A_1999 {offsets = [5], sizes = [1], strides = [1]} : vector<16xi32> to vector<1xi32>
      %squeeze3A_2177 = vector.extract %slice3A_2176[0] : i32 from vector<1xi32>
      %dma_start3A_2178 = arith.constant 64 : i32
      %dma_start3A_2179 = tpu.memref_slice %arg12[%add3A_2161, %dma_start3A_2178] : memref<256x128xf32, #tpu.memory_space<vmem>> -> memref<1x64xf32, #tpu.memory_space<vmem>>
      %dma_start3A_2180 = tpu.memref_squeeze %dma_start3A_2179 : memref<1x64xf32, #tpu.memory_space<vmem>> -> memref<64xf32, #tpu.memory_space<vmem>>
      %dma_start3A_2181 = arith.constant 0 : i32
      %dma_start3A_2182 = tpu.memref_slice %arg5[%squeeze3A_2177, %dma_start3A_2181] : memref<100000x64xf32, #tpu.memory_space<hbm>> -> memref<1x64xf32, #tpu.memory_space<hbm>>
      %dma_start3A_2183 = tpu.memref_squeeze %dma_start3A_2182 : memref<1x64xf32, #tpu.memory_space<hbm>> -> memref<64xf32, #tpu.memory_space<hbm>>
      %dma_start3A_2184 = arith.constant 64 : i32
      %dma_start3A_2185 = tpu.memref_slice %arg12[%add3A_2161, %dma_start3A_2184] : memref<256x128xf32, #tpu.memory_space<vmem>> -> memref<1x64xf32, #tpu.memory_space<vmem>>
      %dma_start3A_2186 = tpu.memref_squeeze %dma_start3A_2185 : memref<1x64xf32, #tpu.memory_space<vmem>> -> memref<64xf32, #tpu.memory_space<vmem>>
      %dma_start3A_2187 = arith.constant 0 : i32
      %dma_start3A_2188 = tpu.memref_slice %arg5[%squeeze3A_2177, %dma_start3A_2187] : memref<100000x64xf32, #tpu.memory_space<hbm>> -> memref<1x64xf32, #tpu.memory_space<hbm>>
      %dma_start3A_2189 = tpu.memref_squeeze %dma_start3A_2188 : memref<1x64xf32, #tpu.memory_space<hbm>> -> memref<64xf32, #tpu.memory_space<hbm>>
      tpu.enqueue_dma source(%dma_start3A_2189 : memref<64xf32, #tpu.memory_space<hbm>>) target(%dma_start3A_2186 : memref<64xf32, #tpu.memory_space<vmem>>) target_semaphore(%arg18 : memref<!tpu.dma_semaphore, #tpu.memory_space<semaphore_mem>>)
      %mul3A_2190 = arith.constant 8 : i32
      %mul3A_2191 = arith.muli %scan3A_1962, %mul3A_2190 : i32
      %add3A_2192 = arith.constant 3 : i32
      %add3A_2193 = arith.addi %mul3A_2191, %add3A_2192 : i32
      %slice3A_2194 = vector.extract_strided_slice %get3A_1996 {offsets = [6], sizes = [1], strides = [1]} : vector<16xi32> to vector<1xi32>
      %squeeze3A_2195 = vector.extract %slice3A_2194[0] : i32 from vector<1xi32>
      %dma_start3A_2196 = arith.constant 0 : i32
      %dma_start3A_2197 = tpu.memref_slice %arg11[%add3A_2193, %dma_start3A_2196] : memref<256x128xf32, #tpu.memory_space<vmem>> -> memref<1x64xf32, #tpu.memory_space<vmem>>
      %dma_start3A_2198 = tpu.memref_squeeze %dma_start3A_2197 : memref<1x64xf32, #tpu.memory_space<vmem>> -> memref<64xf32, #tpu.memory_space<vmem>>
      %dma_start3A_2199 = arith.constant 0 : i32
      %dma_start3A_2200 = tpu.memref_slice %arg4[%squeeze3A_2195, %dma_start3A_2199] : memref<1000000x64xf32, #tpu.memory_space<hbm>> -> memref<1x64xf32, #tpu.memory_space<hbm>>
      %dma_start3A_2201 = tpu.memref_squeeze %dma_start3A_2200 : memref<1x64xf32, #tpu.memory_space<hbm>> -> memref<64xf32, #tpu.memory_space<hbm>>
      %dma_start3A_2202 = arith.constant 0 : i32
      %dma_start3A_2203 = tpu.memref_slice %arg11[%add3A_2193, %dma_start3A_2202] : memref<256x128xf32, #tpu.memory_space<vmem>> -> memref<1x64xf32, #tpu.memory_space<vmem>>
      %dma_start3A_2204 = tpu.memref_squeeze %dma_start3A_2203 : memref<1x64xf32, #tpu.memory_space<vmem>> -> memref<64xf32, #tpu.memory_space<vmem>>
      %dma_start3A_2205 = arith.constant 0 : i32
      %dma_start3A_2206 = tpu.memref_slice %arg4[%squeeze3A_2195, %dma_start3A_2205] : memref<1000000x64xf32, #tpu.memory_space<hbm>> -> memref<1x64xf32, #tpu.memory_space<hbm>>
      %dma_start3A_2207 = tpu.memref_squeeze %dma_start3A_2206 : memref<1x64xf32, #tpu.memory_space<hbm>> -> memref<64xf32, #tpu.memory_space<hbm>>
      tpu.enqueue_dma source(%dma_start3A_2207 : memref<64xf32, #tpu.memory_space<hbm>>) target(%dma_start3A_2204 : memref<64xf32, #tpu.memory_space<vmem>>) target_semaphore(%arg17 : memref<!tpu.dma_semaphore, #tpu.memory_space<semaphore_mem>>)
      %slice3A_2208 = vector.extract_strided_slice %get3A_1999 {offsets = [6], sizes = [1], strides = [1]} : vector<16xi32> to vector<1xi32>
      %squeeze3A_2209 = vector.extract %slice3A_2208[0] : i32 from vector<1xi32>
      %dma_start3A_2210 = arith.constant 0 : i32
      %dma_start3A_2211 = tpu.memref_slice %arg12[%add3A_2193, %dma_start3A_2210] : memref<256x128xf32, #tpu.memory_space<vmem>> -> memref<1x64xf32, #tpu.memory_space<vmem>>
      %dma_start3A_2212 = tpu.memref_squeeze %dma_start3A_2211 : memref<1x64xf32, #tpu.memory_space<vmem>> -> memref<64xf32, #tpu.memory_space<vmem>>
      %dma_start3A_2213 = arith.constant 0 : i32
      %dma_start3A_2214 = tpu.memref_slice %arg5[%squeeze3A_2209, %dma_start3A_2213] : memref<100000x64xf32, #tpu.memory_space<hbm>> -> memref<1x64xf32, #tpu.memory_space<hbm>>
      %dma_start3A_2215 = tpu.memref_squeeze %dma_start3A_2214 : memref<1x64xf32, #tpu.memory_space<hbm>> -> memref<64xf32, #tpu.memory_space<hbm>>
      %dma_start3A_2216 = arith.constant 0 : i32
      %dma_start3A_2217 = tpu.memref_slice %arg12[%add3A_2193, %dma_start3A_2216] : memref<256x128xf32, #tpu.memory_space<vmem>> -> memref<1x64xf32, #tpu.memory_space<vmem>>
      %dma_start3A_2218 = tpu.memref_squeeze %dma_start3A_2217 : memref<1x64xf32, #tpu.memory_space<vmem>> -> memref<64xf32, #tpu.memory_space<vmem>>
      %dma_start3A_2219 = arith.constant 0 : i32
      %dma_start3A_2220 = tpu.memref_slice %arg5[%squeeze3A_2209, %dma_start3A_2219] : memref<100000x64xf32, #tpu.memory_space<hbm>> -> memref<1x64xf32, #tpu.memory_space<hbm>>
      %dma_start3A_2221 = tpu.memref_squeeze %dma_start3A_2220 : memref<1x64xf32, #tpu.memory_space<hbm>> -> memref<64xf32, #tpu.memory_space<hbm>>
      tpu.enqueue_dma source(%dma_start3A_2221 : memref<64xf32, #tpu.memory_space<hbm>>) target(%dma_start3A_2218 : memref<64xf32, #tpu.memory_space<vmem>>) target_semaphore(%arg18 : memref<!tpu.dma_semaphore, #tpu.memory_space<semaphore_mem>>)
      %mul3A_2222 = arith.constant 8 : i32
      %mul3A_2223 = arith.muli %scan3A_1962, %mul3A_2222 : i32
      %add3A_2224 = arith.constant 3 : i32
      %add3A_2225 = arith.addi %mul3A_2223, %add3A_2224 : i32
      %slice3A_2226 = vector.extract_strided_slice %get3A_1996 {offsets = [7], sizes = [1], strides = [1]} : vector<16xi32> to vector<1xi32>
      %squeeze3A_2227 = vector.extract %slice3A_2226[0] : i32 from vector<1xi32>
      %dma_start3A_2228 = arith.constant 64 : i32
      %dma_start3A_2229 = tpu.memref_slice %arg11[%add3A_2225, %dma_start3A_2228] : memref<256x128xf32, #tpu.memory_space<vmem>> -> memref<1x64xf32, #tpu.memory_space<vmem>>
      %dma_start3A_2230 = tpu.memref_squeeze %dma_start3A_2229 : memref<1x64xf32, #tpu.memory_space<vmem>> -> memref<64xf32, #tpu.memory_space<vmem>>
      %dma_start3A_2231 = arith.constant 0 : i32
      %dma_start3A_2232 = tpu.memref_slice %arg4[%squeeze3A_2227, %dma_start3A_2231] : memref<1000000x64xf32, #tpu.memory_space<hbm>> -> memref<1x64xf32, #tpu.memory_space<hbm>>
      %dma_start3A_2233 = tpu.memref_squeeze %dma_start3A_2232 : memref<1x64xf32, #tpu.memory_space<hbm>> -> memref<64xf32, #tpu.memory_space<hbm>>
      %dma_start3A_2234 = arith.constant 64 : i32
      %dma_start3A_2235 = tpu.memref_slice %arg11[%add3A_2225, %dma_start3A_2234] : memref<256x128xf32, #tpu.memory_space<vmem>> -> memref<1x64xf32, #tpu.memory_space<vmem>>
      %dma_start3A_2236 = tpu.memref_squeeze %dma_start3A_2235 : memref<1x64xf32, #tpu.memory_space<vmem>> -> memref<64xf32, #tpu.memory_space<vmem>>
      %dma_start3A_2237 = arith.constant 0 : i32
      %dma_start3A_2238 = tpu.memref_slice %arg4[%squeeze3A_2227, %dma_start3A_2237] : memref<1000000x64xf32, #tpu.memory_space<hbm>> -> memref<1x64xf32, #tpu.memory_space<hbm>>
      %dma_start3A_2239 = tpu.memref_squeeze %dma_start3A_2238 : memref<1x64xf32, #tpu.memory_space<hbm>> -> memref<64xf32, #tpu.memory_space<hbm>>
      tpu.enqueue_dma source(%dma_start3A_2239 : memref<64xf32, #tpu.memory_space<hbm>>) target(%dma_start3A_2236 : memref<64xf32, #tpu.memory_space<vmem>>) target_semaphore(%arg17 : memref<!tpu.dma_semaphore, #tpu.memory_space<semaphore_mem>>)
      %slice3A_2240 = vector.extract_strided_slice %get3A_1999 {offsets = [7], sizes = [1], strides = [1]} : vector<16xi32> to vector<1xi32>
      %squeeze3A_2241 = vector.extract %slice3A_2240[0] : i32 from vector<1xi32>
      %dma_start3A_2242 = arith.constant 64 : i32
      %dma_start3A_2243 = tpu.memref_slice %arg12[%add3A_2225, %dma_start3A_2242] : memref<256x128xf32, #tpu.memory_space<vmem>> -> memref<1x64xf32, #tpu.memory_space<vmem>>
      %dma_start3A_2244 = tpu.memref_squeeze %dma_start3A_2243 : memref<1x64xf32, #tpu.memory_space<vmem>> -> memref<64xf32, #tpu.memory_space<vmem>>
      %dma_start3A_2245 = arith.constant 0 : i32
      %dma_start3A_2246 = tpu.memref_slice %arg5[%squeeze3A_2241, %dma_start3A_2245] : memref<100000x64xf32, #tpu.memory_space<hbm>> -> memref<1x64xf32, #tpu.memory_space<hbm>>
      %dma_start3A_2247 = tpu.memref_squeeze %dma_start3A_2246 : memref<1x64xf32, #tpu.memory_space<hbm>> -> memref<64xf32, #tpu.memory_space<hbm>>
      %dma_start3A_2248 = arith.constant 64 : i32
      %dma_start3A_2249 = tpu.memref_slice %arg12[%add3A_2225, %dma_start3A_2248] : memref<256x128xf32, #tpu.memory_space<vmem>> -> memref<1x64xf32, #tpu.memory_space<vmem>>
      %dma_start3A_2250 = tpu.memref_squeeze %dma_start3A_2249 : memref<1x64xf32, #tpu.memory_space<vmem>> -> memref<64xf32, #tpu.memory_space<vmem>>
      %dma_start3A_2251 = arith.constant 0 : i32
      %dma_start3A_2252 = tpu.memref_slice %arg5[%squeeze3A_2241, %dma_start3A_2251] : memref<100000x64xf32, #tpu.memory_space<hbm>> -> memref<1x64xf32, #tpu.memory_space<hbm>>
      %dma_start3A_2253 = tpu.memref_squeeze %dma_start3A_2252 : memref<1x64xf32, #tpu.memory_space<hbm>> -> memref<64xf32, #tpu.memory_space<hbm>>
      tpu.enqueue_dma source(%dma_start3A_2253 : memref<64xf32, #tpu.memory_space<hbm>>) target(%dma_start3A_2250 : memref<64xf32, #tpu.memory_space<vmem>>) target_semaphore(%arg18 : memref<!tpu.dma_semaphore, #tpu.memory_space<semaphore_mem>>)
      %mul3A_2254 = arith.constant 8 : i32
      %mul3A_2255 = arith.muli %scan3A_1962, %mul3A_2254 : i32
      %add3A_2256 = arith.constant 4 : i32
      %add3A_2257 = arith.addi %mul3A_2255, %add3A_2256 : i32
      %slice3A_2258 = vector.extract_strided_slice %get3A_1996 {offsets = [8], sizes = [1], strides = [1]} : vector<16xi32> to vector<1xi32>
      %squeeze3A_2259 = vector.extract %slice3A_2258[0] : i32 from vector<1xi32>
      %dma_start3A_2260 = arith.constant 0 : i32
      %dma_start3A_2261 = tpu.memref_slice %arg11[%add3A_2257, %dma_start3A_2260] : memref<256x128xf32, #tpu.memory_space<vmem>> -> memref<1x64xf32, #tpu.memory_space<vmem>>
      %dma_start3A_2262 = tpu.memref_squeeze %dma_start3A_2261 : memref<1x64xf32, #tpu.memory_space<vmem>> -> memref<64xf32, #tpu.memory_space<vmem>>
      %dma_start3A_2263 = arith.constant 0 : i32
      %dma_start3A_2264 = tpu.memref_slice %arg4[%squeeze3A_2259, %dma_start3A_2263] : memref<1000000x64xf32, #tpu.memory_space<hbm>> -> memref<1x64xf32, #tpu.memory_space<hbm>>
      %dma_start3A_2265 = tpu.memref_squeeze %dma_start3A_2264 : memref<1x64xf32, #tpu.memory_space<hbm>> -> memref<64xf32, #tpu.memory_space<hbm>>
      %dma_start3A_2266 = arith.constant 0 : i32
      %dma_start3A_2267 = tpu.memref_slice %arg11[%add3A_2257, %dma_start3A_2266] : memref<256x128xf32, #tpu.memory_space<vmem>> -> memref<1x64xf32, #tpu.memory_space<vmem>>
      %dma_start3A_2268 = tpu.memref_squeeze %dma_start3A_2267 : memref<1x64xf32, #tpu.memory_space<vmem>> -> memref<64xf32, #tpu.memory_space<vmem>>
      %dma_start3A_2269 = arith.constant 0 : i32
      %dma_start3A_2270 = tpu.memref_slice %arg4[%squeeze3A_2259, %dma_start3A_2269] : memref<1000000x64xf32, #tpu.memory_space<hbm>> -> memref<1x64xf32, #tpu.memory_space<hbm>>
      %dma_start3A_2271 = tpu.memref_squeeze %dma_start3A_2270 : memref<1x64xf32, #tpu.memory_space<hbm>> -> memref<64xf32, #tpu.memory_space<hbm>>
      tpu.enqueue_dma source(%dma_start3A_2271 : memref<64xf32, #tpu.memory_space<hbm>>) target(%dma_start3A_2268 : memref<64xf32, #tpu.memory_space<vmem>>) target_semaphore(%arg17 : memref<!tpu.dma_semaphore, #tpu.memory_space<semaphore_mem>>)
      %slice3A_2272 = vector.extract_strided_slice %get3A_1999 {offsets = [8], sizes = [1], strides = [1]} : vector<16xi32> to vector<1xi32>
      %squeeze3A_2273 = vector.extract %slice3A_2272[0] : i32 from vector<1xi32>
      %dma_start3A_2274 = arith.constant 0 : i32
      %dma_start3A_2275 = tpu.memref_slice %arg12[%add3A_2257, %dma_start3A_2274] : memref<256x128xf32, #tpu.memory_space<vmem>> -> memref<1x64xf32, #tpu.memory_space<vmem>>
      %dma_start3A_2276 = tpu.memref_squeeze %dma_start3A_2275 : memref<1x64xf32, #tpu.memory_space<vmem>> -> memref<64xf32, #tpu.memory_space<vmem>>
      %dma_start3A_2277 = arith.constant 0 : i32
      %dma_start3A_2278 = tpu.memref_slice %arg5[%squeeze3A_2273, %dma_start3A_2277] : memref<100000x64xf32, #tpu.memory_space<hbm>> -> memref<1x64xf32, #tpu.memory_space<hbm>>
      %dma_start3A_2279 = tpu.memref_squeeze %dma_start3A_2278 : memref<1x64xf32, #tpu.memory_space<hbm>> -> memref<64xf32, #tpu.memory_space<hbm>>
      %dma_start3A_2280 = arith.constant 0 : i32
      %dma_start3A_2281 = tpu.memref_slice %arg12[%add3A_2257, %dma_start3A_2280] : memref<256x128xf32, #tpu.memory_space<vmem>> -> memref<1x64xf32, #tpu.memory_space<vmem>>
      %dma_start3A_2282 = tpu.memref_squeeze %dma_start3A_2281 : memref<1x64xf32, #tpu.memory_space<vmem>> -> memref<64xf32, #tpu.memory_space<vmem>>
      %dma_start3A_2283 = arith.constant 0 : i32
      %dma_start3A_2284 = tpu.memref_slice %arg5[%squeeze3A_2273, %dma_start3A_2283] : memref<100000x64xf32, #tpu.memory_space<hbm>> -> memref<1x64xf32, #tpu.memory_space<hbm>>
      %dma_start3A_2285 = tpu.memref_squeeze %dma_start3A_2284 : memref<1x64xf32, #tpu.memory_space<hbm>> -> memref<64xf32, #tpu.memory_space<hbm>>
      tpu.enqueue_dma source(%dma_start3A_2285 : memref<64xf32, #tpu.memory_space<hbm>>) target(%dma_start3A_2282 : memref<64xf32, #tpu.memory_space<vmem>>) target_semaphore(%arg18 : memref<!tpu.dma_semaphore, #tpu.memory_space<semaphore_mem>>)
      %mul3A_2286 = arith.constant 8 : i32
      %mul3A_2287 = arith.muli %scan3A_1962, %mul3A_2286 : i32
      %add3A_2288 = arith.constant 4 : i32
      %add3A_2289 = arith.addi %mul3A_2287, %add3A_2288 : i32
      %slice3A_2290 = vector.extract_strided_slice %get3A_1996 {offsets = [9], sizes = [1], strides = [1]} : vector<16xi32> to vector<1xi32>
      %squeeze3A_2291 = vector.extract %slice3A_2290[0] : i32 from vector<1xi32>
      %dma_start3A_2292 = arith.constant 64 : i32
      %dma_start3A_2293 = tpu.memref_slice %arg11[%add3A_2289, %dma_start3A_2292] : memref<256x128xf32, #tpu.memory_space<vmem>> -> memref<1x64xf32, #tpu.memory_space<vmem>>
      %dma_start3A_2294 = tpu.memref_squeeze %dma_start3A_2293 : memref<1x64xf32, #tpu.memory_space<vmem>> -> memref<64xf32, #tpu.memory_space<vmem>>
      %dma_start3A_2295 = arith.constant 0 : i32
      %dma_start3A_2296 = tpu.memref_slice %arg4[%squeeze3A_2291, %dma_start3A_2295] : memref<1000000x64xf32, #tpu.memory_space<hbm>> -> memref<1x64xf32, #tpu.memory_space<hbm>>
      %dma_start3A_2297 = tpu.memref_squeeze %dma_start3A_2296 : memref<1x64xf32, #tpu.memory_space<hbm>> -> memref<64xf32, #tpu.memory_space<hbm>>
      %dma_start3A_2298 = arith.constant 64 : i32
      %dma_start3A_2299 = tpu.memref_slice %arg11[%add3A_2289, %dma_start3A_2298] : memref<256x128xf32, #tpu.memory_space<vmem>> -> memref<1x64xf32, #tpu.memory_space<vmem>>
      %dma_start3A_2300 = tpu.memref_squeeze %dma_start3A_2299 : memref<1x64xf32, #tpu.memory_space<vmem>> -> memref<64xf32, #tpu.memory_space<vmem>>
      %dma_start3A_2301 = arith.constant 0 : i32
      %dma_start3A_2302 = tpu.memref_slice %arg4[%squeeze3A_2291, %dma_start3A_2301] : memref<1000000x64xf32, #tpu.memory_space<hbm>> -> memref<1x64xf32, #tpu.memory_space<hbm>>
      %dma_start3A_2303 = tpu.memref_squeeze %dma_start3A_2302 : memref<1x64xf32, #tpu.memory_space<hbm>> -> memref<64xf32, #tpu.memory_space<hbm>>
      tpu.enqueue_dma source(%dma_start3A_2303 : memref<64xf32, #tpu.memory_space<hbm>>) target(%dma_start3A_2300 : memref<64xf32, #tpu.memory_space<vmem>>) target_semaphore(%arg17 : memref<!tpu.dma_semaphore, #tpu.memory_space<semaphore_mem>>)
      %slice3A_2304 = vector.extract_strided_slice %get3A_1999 {offsets = [9], sizes = [1], strides = [1]} : vector<16xi32> to vector<1xi32>
      %squeeze3A_2305 = vector.extract %slice3A_2304[0] : i32 from vector<1xi32>
      %dma_start3A_2306 = arith.constant 64 : i32
      %dma_start3A_2307 = tpu.memref_slice %arg12[%add3A_2289, %dma_start3A_2306] : memref<256x128xf32, #tpu.memory_space<vmem>> -> memref<1x64xf32, #tpu.memory_space<vmem>>
      %dma_start3A_2308 = tpu.memref_squeeze %dma_start3A_2307 : memref<1x64xf32, #tpu.memory_space<vmem>> -> memref<64xf32, #tpu.memory_space<vmem>>
      %dma_start3A_2309 = arith.constant 0 : i32
      %dma_start3A_2310 = tpu.memref_slice %arg5[%squeeze3A_2305, %dma_start3A_2309] : memref<100000x64xf32, #tpu.memory_space<hbm>> -> memref<1x64xf32, #tpu.memory_space<hbm>>
      %dma_start3A_2311 = tpu.memref_squeeze %dma_start3A_2310 : memref<1x64xf32, #tpu.memory_space<hbm>> -> memref<64xf32, #tpu.memory_space<hbm>>
      %dma_start3A_2312 = arith.constant 64 : i32
      %dma_start3A_2313 = tpu.memref_slice %arg12[%add3A_2289, %dma_start3A_2312] : memref<256x128xf32, #tpu.memory_space<vmem>> -> memref<1x64xf32, #tpu.memory_space<vmem>>
      %dma_start3A_2314 = tpu.memref_squeeze %dma_start3A_2313 : memref<1x64xf32, #tpu.memory_space<vmem>> -> memref<64xf32, #tpu.memory_space<vmem>>
      %dma_start3A_2315 = arith.constant 0 : i32
      %dma_start3A_2316 = tpu.memref_slice %arg5[%squeeze3A_2305, %dma_start3A_2315] : memref<100000x64xf32, #tpu.memory_space<hbm>> -> memref<1x64xf32, #tpu.memory_space<hbm>>
      %dma_start3A_2317 = tpu.memref_squeeze %dma_start3A_2316 : memref<1x64xf32, #tpu.memory_space<hbm>> -> memref<64xf32, #tpu.memory_space<hbm>>
      tpu.enqueue_dma source(%dma_start3A_2317 : memref<64xf32, #tpu.memory_space<hbm>>) target(%dma_start3A_2314 : memref<64xf32, #tpu.memory_space<vmem>>) target_semaphore(%arg18 : memref<!tpu.dma_semaphore, #tpu.memory_space<semaphore_mem>>)
      %mul3A_2318 = arith.constant 8 : i32
      %mul3A_2319 = arith.muli %scan3A_1962, %mul3A_2318 : i32
      %add3A_2320 = arith.constant 5 : i32
      %add3A_2321 = arith.addi %mul3A_2319, %add3A_2320 : i32
      %slice3A_2322 = vector.extract_strided_slice %get3A_1996 {offsets = [10], sizes = [1], strides = [1]} : vector<16xi32> to vector<1xi32>
      %squeeze3A_2323 = vector.extract %slice3A_2322[0] : i32 from vector<1xi32>
      %dma_start3A_2324 = arith.constant 0 : i32
      %dma_start3A_2325 = tpu.memref_slice %arg11[%add3A_2321, %dma_start3A_2324] : memref<256x128xf32, #tpu.memory_space<vmem>> -> memref<1x64xf32, #tpu.memory_space<vmem>>
      %dma_start3A_2326 = tpu.memref_squeeze %dma_start3A_2325 : memref<1x64xf32, #tpu.memory_space<vmem>> -> memref<64xf32, #tpu.memory_space<vmem>>
      %dma_start3A_2327 = arith.constant 0 : i32
      %dma_start3A_2328 = tpu.memref_slice %arg4[%squeeze3A_2323, %dma_start3A_2327] : memref<1000000x64xf32, #tpu.memory_space<hbm>> -> memref<1x64xf32, #tpu.memory_space<hbm>>
      %dma_start3A_2329 = tpu.memref_squeeze %dma_start3A_2328 : memref<1x64xf32, #tpu.memory_space<hbm>> -> memref<64xf32, #tpu.memory_space<hbm>>
      %dma_start3A_2330 = arith.constant 0 : i32
      %dma_start3A_2331 = tpu.memref_slice %arg11[%add3A_2321, %dma_start3A_2330] : memref<256x128xf32, #tpu.memory_space<vmem>> -> memref<1x64xf32, #tpu.memory_space<vmem>>
      %dma_start3A_2332 = tpu.memref_squeeze %dma_start3A_2331 : memref<1x64xf32, #tpu.memory_space<vmem>> -> memref<64xf32, #tpu.memory_space<vmem>>
      %dma_start3A_2333 = arith.constant 0 : i32
      %dma_start3A_2334 = tpu.memref_slice %arg4[%squeeze3A_2323, %dma_start3A_2333] : memref<1000000x64xf32, #tpu.memory_space<hbm>> -> memref<1x64xf32, #tpu.memory_space<hbm>>
      %dma_start3A_2335 = tpu.memref_squeeze %dma_start3A_2334 : memref<1x64xf32, #tpu.memory_space<hbm>> -> memref<64xf32, #tpu.memory_space<hbm>>
      tpu.enqueue_dma source(%dma_start3A_2335 : memref<64xf32, #tpu.memory_space<hbm>>) target(%dma_start3A_2332 : memref<64xf32, #tpu.memory_space<vmem>>) target_semaphore(%arg17 : memref<!tpu.dma_semaphore, #tpu.memory_space<semaphore_mem>>)
      %slice3A_2336 = vector.extract_strided_slice %get3A_1999 {offsets = [10], sizes = [1], strides = [1]} : vector<16xi32> to vector<1xi32>
      %squeeze3A_2337 = vector.extract %slice3A_2336[0] : i32 from vector<1xi32>
      %dma_start3A_2338 = arith.constant 0 : i32
      %dma_start3A_2339 = tpu.memref_slice %arg12[%add3A_2321, %dma_start3A_2338] : memref<256x128xf32, #tpu.memory_space<vmem>> -> memref<1x64xf32, #tpu.memory_space<vmem>>
      %dma_start3A_2340 = tpu.memref_squeeze %dma_start3A_2339 : memref<1x64xf32, #tpu.memory_space<vmem>> -> memref<64xf32, #tpu.memory_space<vmem>>
      %dma_start3A_2341 = arith.constant 0 : i32
      %dma_start3A_2342 = tpu.memref_slice %arg5[%squeeze3A_2337, %dma_start3A_2341] : memref<100000x64xf32, #tpu.memory_space<hbm>> -> memref<1x64xf32, #tpu.memory_space<hbm>>
      %dma_start3A_2343 = tpu.memref_squeeze %dma_start3A_2342 : memref<1x64xf32, #tpu.memory_space<hbm>> -> memref<64xf32, #tpu.memory_space<hbm>>
      %dma_start3A_2344 = arith.constant 0 : i32
      %dma_start3A_2345 = tpu.memref_slice %arg12[%add3A_2321, %dma_start3A_2344] : memref<256x128xf32, #tpu.memory_space<vmem>> -> memref<1x64xf32, #tpu.memory_space<vmem>>
      %dma_start3A_2346 = tpu.memref_squeeze %dma_start3A_2345 : memref<1x64xf32, #tpu.memory_space<vmem>> -> memref<64xf32, #tpu.memory_space<vmem>>
      %dma_start3A_2347 = arith.constant 0 : i32
      %dma_start3A_2348 = tpu.memref_slice %arg5[%squeeze3A_2337, %dma_start3A_2347] : memref<100000x64xf32, #tpu.memory_space<hbm>> -> memref<1x64xf32, #tpu.memory_space<hbm>>
      %dma_start3A_2349 = tpu.memref_squeeze %dma_start3A_2348 : memref<1x64xf32, #tpu.memory_space<hbm>> -> memref<64xf32, #tpu.memory_space<hbm>>
      tpu.enqueue_dma source(%dma_start3A_2349 : memref<64xf32, #tpu.memory_space<hbm>>) target(%dma_start3A_2346 : memref<64xf32, #tpu.memory_space<vmem>>) target_semaphore(%arg18 : memref<!tpu.dma_semaphore, #tpu.memory_space<semaphore_mem>>)
      %mul3A_2350 = arith.constant 8 : i32
      %mul3A_2351 = arith.muli %scan3A_1962, %mul3A_2350 : i32
      %add3A_2352 = arith.constant 5 : i32
      %add3A_2353 = arith.addi %mul3A_2351, %add3A_2352 : i32
      %slice3A_2354 = vector.extract_strided_slice %get3A_1996 {offsets = [11], sizes = [1], strides = [1]} : vector<16xi32> to vector<1xi32>
      %squeeze3A_2355 = vector.extract %slice3A_2354[0] : i32 from vector<1xi32>
      %dma_start3A_2356 = arith.constant 64 : i32
      %dma_start3A_2357 = tpu.memref_slice %arg11[%add3A_2353, %dma_start3A_2356] : memref<256x128xf32, #tpu.memory_space<vmem>> -> memref<1x64xf32, #tpu.memory_space<vmem>>
      %dma_start3A_2358 = tpu.memref_squeeze %dma_start3A_2357 : memref<1x64xf32, #tpu.memory_space<vmem>> -> memref<64xf32, #tpu.memory_space<vmem>>
      %dma_start3A_2359 = arith.constant 0 : i32
      %dma_start3A_2360 = tpu.memref_slice %arg4[%squeeze3A_2355, %dma_start3A_2359] : memref<1000000x64xf32, #tpu.memory_space<hbm>> -> memref<1x64xf32, #tpu.memory_space<hbm>>
      %dma_start3A_2361 = tpu.memref_squeeze %dma_start3A_2360 : memref<1x64xf32, #tpu.memory_space<hbm>> -> memref<64xf32, #tpu.memory_space<hbm>>
      %dma_start3A_2362 = arith.constant 64 : i32
      %dma_start3A_2363 = tpu.memref_slice %arg11[%add3A_2353, %dma_start3A_2362] : memref<256x128xf32, #tpu.memory_space<vmem>> -> memref<1x64xf32, #tpu.memory_space<vmem>>
      %dma_start3A_2364 = tpu.memref_squeeze %dma_start3A_2363 : memref<1x64xf32, #tpu.memory_space<vmem>> -> memref<64xf32, #tpu.memory_space<vmem>>
      %dma_start3A_2365 = arith.constant 0 : i32
      %dma_start3A_2366 = tpu.memref_slice %arg4[%squeeze3A_2355, %dma_start3A_2365] : memref<1000000x64xf32, #tpu.memory_space<hbm>> -> memref<1x64xf32, #tpu.memory_space<hbm>>
      %dma_start3A_2367 = tpu.memref_squeeze %dma_start3A_2366 : memref<1x64xf32, #tpu.memory_space<hbm>> -> memref<64xf32, #tpu.memory_space<hbm>>
      tpu.enqueue_dma source(%dma_start3A_2367 : memref<64xf32, #tpu.memory_space<hbm>>) target(%dma_start3A_2364 : memref<64xf32, #tpu.memory_space<vmem>>) target_semaphore(%arg17 : memref<!tpu.dma_semaphore, #tpu.memory_space<semaphore_mem>>)
      %slice3A_2368 = vector.extract_strided_slice %get3A_1999 {offsets = [11], sizes = [1], strides = [1]} : vector<16xi32> to vector<1xi32>
      %squeeze3A_2369 = vector.extract %slice3A_2368[0] : i32 from vector<1xi32>
      %dma_start3A_2370 = arith.constant 64 : i32
      %dma_start3A_2371 = tpu.memref_slice %arg12[%add3A_2353, %dma_start3A_2370] : memref<256x128xf32, #tpu.memory_space<vmem>> -> memref<1x64xf32, #tpu.memory_space<vmem>>
      %dma_start3A_2372 = tpu.memref_squeeze %dma_start3A_2371 : memref<1x64xf32, #tpu.memory_space<vmem>> -> memref<64xf32, #tpu.memory_space<vmem>>
      %dma_start3A_2373 = arith.constant 0 : i32
      %dma_start3A_2374 = tpu.memref_slice %arg5[%squeeze3A_2369, %dma_start3A_2373] : memref<100000x64xf32, #tpu.memory_space<hbm>> -> memref<1x64xf32, #tpu.memory_space<hbm>>
      %dma_start3A_2375 = tpu.memref_squeeze %dma_start3A_2374 : memref<1x64xf32, #tpu.memory_space<hbm>> -> memref<64xf32, #tpu.memory_space<hbm>>
      %dma_start3A_2376 = arith.constant 64 : i32
      %dma_start3A_2377 = tpu.memref_slice %arg12[%add3A_2353, %dma_start3A_2376] : memref<256x128xf32, #tpu.memory_space<vmem>> -> memref<1x64xf32, #tpu.memory_space<vmem>>
      %dma_start3A_2378 = tpu.memref_squeeze %dma_start3A_2377 : memref<1x64xf32, #tpu.memory_space<vmem>> -> memref<64xf32, #tpu.memory_space<vmem>>
      %dma_start3A_2379 = arith.constant 0 : i32
      %dma_start3A_2380 = tpu.memref_slice %arg5[%squeeze3A_2369, %dma_start3A_2379] : memref<100000x64xf32, #tpu.memory_space<hbm>> -> memref<1x64xf32, #tpu.memory_space<hbm>>
      %dma_start3A_2381 = tpu.memref_squeeze %dma_start3A_2380 : memref<1x64xf32, #tpu.memory_space<hbm>> -> memref<64xf32, #tpu.memory_space<hbm>>
      tpu.enqueue_dma source(%dma_start3A_2381 : memref<64xf32, #tpu.memory_space<hbm>>) target(%dma_start3A_2378 : memref<64xf32, #tpu.memory_space<vmem>>) target_semaphore(%arg18 : memref<!tpu.dma_semaphore, #tpu.memory_space<semaphore_mem>>)
      %mul3A_2382 = arith.constant 8 : i32
      %mul3A_2383 = arith.muli %scan3A_1962, %mul3A_2382 : i32
      %add3A_2384 = arith.constant 6 : i32
      %add3A_2385 = arith.addi %mul3A_2383, %add3A_2384 : i32
      %slice3A_2386 = vector.extract_strided_slice %get3A_1996 {offsets = [12], sizes = [1], strides = [1]} : vector<16xi32> to vector<1xi32>
      %squeeze3A_2387 = vector.extract %slice3A_2386[0] : i32 from vector<1xi32>
      %dma_start3A_2388 = arith.constant 0 : i32
      %dma_start3A_2389 = tpu.memref_slice %arg11[%add3A_2385, %dma_start3A_2388] : memref<256x128xf32, #tpu.memory_space<vmem>> -> memref<1x64xf32, #tpu.memory_space<vmem>>
      %dma_start3A_2390 = tpu.memref_squeeze %dma_start3A_2389 : memref<1x64xf32, #tpu.memory_space<vmem>> -> memref<64xf32, #tpu.memory_space<vmem>>
      %dma_start3A_2391 = arith.constant 0 : i32
      %dma_start3A_2392 = tpu.memref_slice %arg4[%squeeze3A_2387, %dma_start3A_2391] : memref<1000000x64xf32, #tpu.memory_space<hbm>> -> memref<1x64xf32, #tpu.memory_space<hbm>>
      %dma_start3A_2393 = tpu.memref_squeeze %dma_start3A_2392 : memref<1x64xf32, #tpu.memory_space<hbm>> -> memref<64xf32, #tpu.memory_space<hbm>>
      %dma_start3A_2394 = arith.constant 0 : i32
      %dma_start3A_2395 = tpu.memref_slice %arg11[%add3A_2385, %dma_start3A_2394] : memref<256x128xf32, #tpu.memory_space<vmem>> -> memref<1x64xf32, #tpu.memory_space<vmem>>
      %dma_start3A_2396 = tpu.memref_squeeze %dma_start3A_2395 : memref<1x64xf32, #tpu.memory_space<vmem>> -> memref<64xf32, #tpu.memory_space<vmem>>
      %dma_start3A_2397 = arith.constant 0 : i32
      %dma_start3A_2398 = tpu.memref_slice %arg4[%squeeze3A_2387, %dma_start3A_2397] : memref<1000000x64xf32, #tpu.memory_space<hbm>> -> memref<1x64xf32, #tpu.memory_space<hbm>>
      %dma_start3A_2399 = tpu.memref_squeeze %dma_start3A_2398 : memref<1x64xf32, #tpu.memory_space<hbm>> -> memref<64xf32, #tpu.memory_space<hbm>>
      tpu.enqueue_dma source(%dma_start3A_2399 : memref<64xf32, #tpu.memory_space<hbm>>) target(%dma_start3A_2396 : memref<64xf32, #tpu.memory_space<vmem>>) target_semaphore(%arg17 : memref<!tpu.dma_semaphore, #tpu.memory_space<semaphore_mem>>)
      %slice3A_2400 = vector.extract_strided_slice %get3A_1999 {offsets = [12], sizes = [1], strides = [1]} : vector<16xi32> to vector<1xi32>
      %squeeze3A_2401 = vector.extract %slice3A_2400[0] : i32 from vector<1xi32>
      %dma_start3A_2402 = arith.constant 0 : i32
      %dma_start3A_2403 = tpu.memref_slice %arg12[%add3A_2385, %dma_start3A_2402] : memref<256x128xf32, #tpu.memory_space<vmem>> -> memref<1x64xf32, #tpu.memory_space<vmem>>
      %dma_start3A_2404 = tpu.memref_squeeze %dma_start3A_2403 : memref<1x64xf32, #tpu.memory_space<vmem>> -> memref<64xf32, #tpu.memory_space<vmem>>
      %dma_start3A_2405 = arith.constant 0 : i32
      %dma_start3A_2406 = tpu.memref_slice %arg5[%squeeze3A_2401, %dma_start3A_2405] : memref<100000x64xf32, #tpu.memory_space<hbm>> -> memref<1x64xf32, #tpu.memory_space<hbm>>
      %dma_start3A_2407 = tpu.memref_squeeze %dma_start3A_2406 : memref<1x64xf32, #tpu.memory_space<hbm>> -> memref<64xf32, #tpu.memory_space<hbm>>
      %dma_start3A_2408 = arith.constant 0 : i32
      %dma_start3A_2409 = tpu.memref_slice %arg12[%add3A_2385, %dma_start3A_2408] : memref<256x128xf32, #tpu.memory_space<vmem>> -> memref<1x64xf32, #tpu.memory_space<vmem>>
      %dma_start3A_2410 = tpu.memref_squeeze %dma_start3A_2409 : memref<1x64xf32, #tpu.memory_space<vmem>> -> memref<64xf32, #tpu.memory_space<vmem>>
      %dma_start3A_2411 = arith.constant 0 : i32
      %dma_start3A_2412 = tpu.memref_slice %arg5[%squeeze3A_2401, %dma_start3A_2411] : memref<100000x64xf32, #tpu.memory_space<hbm>> -> memref<1x64xf32, #tpu.memory_space<hbm>>
      %dma_start3A_2413 = tpu.memref_squeeze %dma_start3A_2412 : memref<1x64xf32, #tpu.memory_space<hbm>> -> memref<64xf32, #tpu.memory_space<hbm>>
      tpu.enqueue_dma source(%dma_start3A_2413 : memref<64xf32, #tpu.memory_space<hbm>>) target(%dma_start3A_2410 : memref<64xf32, #tpu.memory_space<vmem>>) target_semaphore(%arg18 : memref<!tpu.dma_semaphore, #tpu.memory_space<semaphore_mem>>)
      %mul3A_2414 = arith.constant 8 : i32
      %mul3A_2415 = arith.muli %scan3A_1962, %mul3A_2414 : i32
      %add3A_2416 = arith.constant 6 : i32
      %add3A_2417 = arith.addi %mul3A_2415, %add3A_2416 : i32
      %slice3A_2418 = vector.extract_strided_slice %get3A_1996 {offsets = [13], sizes = [1], strides = [1]} : vector<16xi32> to vector<1xi32>
      %squeeze3A_2419 = vector.extract %slice3A_2418[0] : i32 from vector<1xi32>
      %dma_start3A_2420 = arith.constant 64 : i32
      %dma_start3A_2421 = tpu.memref_slice %arg11[%add3A_2417, %dma_start3A_2420] : memref<256x128xf32, #tpu.memory_space<vmem>> -> memref<1x64xf32, #tpu.memory_space<vmem>>
      %dma_start3A_2422 = tpu.memref_squeeze %dma_start3A_2421 : memref<1x64xf32, #tpu.memory_space<vmem>> -> memref<64xf32, #tpu.memory_space<vmem>>
      %dma_start3A_2423 = arith.constant 0 : i32
      %dma_start3A_2424 = tpu.memref_slice %arg4[%squeeze3A_2419, %dma_start3A_2423] : memref<1000000x64xf32, #tpu.memory_space<hbm>> -> memref<1x64xf32, #tpu.memory_space<hbm>>
      %dma_start3A_2425 = tpu.memref_squeeze %dma_start3A_2424 : memref<1x64xf32, #tpu.memory_space<hbm>> -> memref<64xf32, #tpu.memory_space<hbm>>
      %dma_start3A_2426 = arith.constant 64 : i32
      %dma_start3A_2427 = tpu.memref_slice %arg11[%add3A_2417, %dma_start3A_2426] : memref<256x128xf32, #tpu.memory_space<vmem>> -> memref<1x64xf32, #tpu.memory_space<vmem>>
      %dma_start3A_2428 = tpu.memref_squeeze %dma_start3A_2427 : memref<1x64xf32, #tpu.memory_space<vmem>> -> memref<64xf32, #tpu.memory_space<vmem>>
      %dma_start3A_2429 = arith.constant 0 : i32
      %dma_start3A_2430 = tpu.memref_slice %arg4[%squeeze3A_2419, %dma_start3A_2429] : memref<1000000x64xf32, #tpu.memory_space<hbm>> -> memref<1x64xf32, #tpu.memory_space<hbm>>
      %dma_start3A_2431 = tpu.memref_squeeze %dma_start3A_2430 : memref<1x64xf32, #tpu.memory_space<hbm>> -> memref<64xf32, #tpu.memory_space<hbm>>
      tpu.enqueue_dma source(%dma_start3A_2431 : memref<64xf32, #tpu.memory_space<hbm>>) target(%dma_start3A_2428 : memref<64xf32, #tpu.memory_space<vmem>>) target_semaphore(%arg17 : memref<!tpu.dma_semaphore, #tpu.memory_space<semaphore_mem>>)
      %slice3A_2432 = vector.extract_strided_slice %get3A_1999 {offsets = [13], sizes = [1], strides = [1]} : vector<16xi32> to vector<1xi32>
      %squeeze3A_2433 = vector.extract %slice3A_2432[0] : i32 from vector<1xi32>
      %dma_start3A_2434 = arith.constant 64 : i32
      %dma_start3A_2435 = tpu.memref_slice %arg12[%add3A_2417, %dma_start3A_2434] : memref<256x128xf32, #tpu.memory_space<vmem>> -> memref<1x64xf32, #tpu.memory_space<vmem>>
      %dma_start3A_2436 = tpu.memref_squeeze %dma_start3A_2435 : memref<1x64xf32, #tpu.memory_space<vmem>> -> memref<64xf32, #tpu.memory_space<vmem>>
      %dma_start3A_2437 = arith.constant 0 : i32
      %dma_start3A_2438 = tpu.memref_slice %arg5[%squeeze3A_2433, %dma_start3A_2437] : memref<100000x64xf32, #tpu.memory_space<hbm>> -> memref<1x64xf32, #tpu.memory_space<hbm>>
      %dma_start3A_2439 = tpu.memref_squeeze %dma_start3A_2438 : memref<1x64xf32, #tpu.memory_space<hbm>> -> memref<64xf32, #tpu.memory_space<hbm>>
      %dma_start3A_2440 = arith.constant 64 : i32
      %dma_start3A_2441 = tpu.memref_slice %arg12[%add3A_2417, %dma_start3A_2440] : memref<256x128xf32, #tpu.memory_space<vmem>> -> memref<1x64xf32, #tpu.memory_space<vmem>>
      %dma_start3A_2442 = tpu.memref_squeeze %dma_start3A_2441 : memref<1x64xf32, #tpu.memory_space<vmem>> -> memref<64xf32, #tpu.memory_space<vmem>>
      %dma_start3A_2443 = arith.constant 0 : i32
      %dma_start3A_2444 = tpu.memref_slice %arg5[%squeeze3A_2433, %dma_start3A_2443] : memref<100000x64xf32, #tpu.memory_space<hbm>> -> memref<1x64xf32, #tpu.memory_space<hbm>>
      %dma_start3A_2445 = tpu.memref_squeeze %dma_start3A_2444 : memref<1x64xf32, #tpu.memory_space<hbm>> -> memref<64xf32, #tpu.memory_space<hbm>>
      tpu.enqueue_dma source(%dma_start3A_2445 : memref<64xf32, #tpu.memory_space<hbm>>) target(%dma_start3A_2442 : memref<64xf32, #tpu.memory_space<vmem>>) target_semaphore(%arg18 : memref<!tpu.dma_semaphore, #tpu.memory_space<semaphore_mem>>)
      %mul3A_2446 = arith.constant 8 : i32
      %mul3A_2447 = arith.muli %scan3A_1962, %mul3A_2446 : i32
      %add3A_2448 = arith.constant 7 : i32
      %add3A_2449 = arith.addi %mul3A_2447, %add3A_2448 : i32
      %slice3A_2450 = vector.extract_strided_slice %get3A_1996 {offsets = [14], sizes = [1], strides = [1]} : vector<16xi32> to vector<1xi32>
      %squeeze3A_2451 = vector.extract %slice3A_2450[0] : i32 from vector<1xi32>
      %dma_start3A_2452 = arith.constant 0 : i32
      %dma_start3A_2453 = tpu.memref_slice %arg11[%add3A_2449, %dma_start3A_2452] : memref<256x128xf32, #tpu.memory_space<vmem>> -> memref<1x64xf32, #tpu.memory_space<vmem>>
      %dma_start3A_2454 = tpu.memref_squeeze %dma_start3A_2453 : memref<1x64xf32, #tpu.memory_space<vmem>> -> memref<64xf32, #tpu.memory_space<vmem>>
      %dma_start3A_2455 = arith.constant 0 : i32
      %dma_start3A_2456 = tpu.memref_slice %arg4[%squeeze3A_2451, %dma_start3A_2455] : memref<1000000x64xf32, #tpu.memory_space<hbm>> -> memref<1x64xf32, #tpu.memory_space<hbm>>
      %dma_start3A_2457 = tpu.memref_squeeze %dma_start3A_2456 : memref<1x64xf32, #tpu.memory_space<hbm>> -> memref<64xf32, #tpu.memory_space<hbm>>
      %dma_start3A_2458 = arith.constant 0 : i32
      %dma_start3A_2459 = tpu.memref_slice %arg11[%add3A_2449, %dma_start3A_2458] : memref<256x128xf32, #tpu.memory_space<vmem>> -> memref<1x64xf32, #tpu.memory_space<vmem>>
      %dma_start3A_2460 = tpu.memref_squeeze %dma_start3A_2459 : memref<1x64xf32, #tpu.memory_space<vmem>> -> memref<64xf32, #tpu.memory_space<vmem>>
      %dma_start3A_2461 = arith.constant 0 : i32
      %dma_start3A_2462 = tpu.memref_slice %arg4[%squeeze3A_2451, %dma_start3A_2461] : memref<1000000x64xf32, #tpu.memory_space<hbm>> -> memref<1x64xf32, #tpu.memory_space<hbm>>
      %dma_start3A_2463 = tpu.memref_squeeze %dma_start3A_2462 : memref<1x64xf32, #tpu.memory_space<hbm>> -> memref<64xf32, #tpu.memory_space<hbm>>
      tpu.enqueue_dma source(%dma_start3A_2463 : memref<64xf32, #tpu.memory_space<hbm>>) target(%dma_start3A_2460 : memref<64xf32, #tpu.memory_space<vmem>>) target_semaphore(%arg17 : memref<!tpu.dma_semaphore, #tpu.memory_space<semaphore_mem>>)
      %slice3A_2464 = vector.extract_strided_slice %get3A_1999 {offsets = [14], sizes = [1], strides = [1]} : vector<16xi32> to vector<1xi32>
      %squeeze3A_2465 = vector.extract %slice3A_2464[0] : i32 from vector<1xi32>
      %dma_start3A_2466 = arith.constant 0 : i32
      %dma_start3A_2467 = tpu.memref_slice %arg12[%add3A_2449, %dma_start3A_2466] : memref<256x128xf32, #tpu.memory_space<vmem>> -> memref<1x64xf32, #tpu.memory_space<vmem>>
      %dma_start3A_2468 = tpu.memref_squeeze %dma_start3A_2467 : memref<1x64xf32, #tpu.memory_space<vmem>> -> memref<64xf32, #tpu.memory_space<vmem>>
      %dma_start3A_2469 = arith.constant 0 : i32
      %dma_start3A_2470 = tpu.memref_slice %arg5[%squeeze3A_2465, %dma_start3A_2469] : memref<100000x64xf32, #tpu.memory_space<hbm>> -> memref<1x64xf32, #tpu.memory_space<hbm>>
      %dma_start3A_2471 = tpu.memref_squeeze %dma_start3A_2470 : memref<1x64xf32, #tpu.memory_space<hbm>> -> memref<64xf32, #tpu.memory_space<hbm>>
      %dma_start3A_2472 = arith.constant 0 : i32
      %dma_start3A_2473 = tpu.memref_slice %arg12[%add3A_2449, %dma_start3A_2472] : memref<256x128xf32, #tpu.memory_space<vmem>> -> memref<1x64xf32, #tpu.memory_space<vmem>>
      %dma_start3A_2474 = tpu.memref_squeeze %dma_start3A_2473 : memref<1x64xf32, #tpu.memory_space<vmem>> -> memref<64xf32, #tpu.memory_space<vmem>>
      %dma_start3A_2475 = arith.constant 0 : i32
      %dma_start3A_2476 = tpu.memref_slice %arg5[%squeeze3A_2465, %dma_start3A_2475] : memref<100000x64xf32, #tpu.memory_space<hbm>> -> memref<1x64xf32, #tpu.memory_space<hbm>>
      %dma_start3A_2477 = tpu.memref_squeeze %dma_start3A_2476 : memref<1x64xf32, #tpu.memory_space<hbm>> -> memref<64xf32, #tpu.memory_space<hbm>>
      tpu.enqueue_dma source(%dma_start3A_2477 : memref<64xf32, #tpu.memory_space<hbm>>) target(%dma_start3A_2474 : memref<64xf32, #tpu.memory_space<vmem>>) target_semaphore(%arg18 : memref<!tpu.dma_semaphore, #tpu.memory_space<semaphore_mem>>)
      %mul3A_2478 = arith.constant 8 : i32
      %mul3A_2479 = arith.muli %scan3A_1962, %mul3A_2478 : i32
      %add3A_2480 = arith.constant 7 : i32
      %add3A_2481 = arith.addi %mul3A_2479, %add3A_2480 : i32
      %slice3A_2482 = vector.extract_strided_slice %get3A_1996 {offsets = [15], sizes = [1], strides = [1]} : vector<16xi32> to vector<1xi32>
      %squeeze3A_2483 = vector.extract %slice3A_2482[0] : i32 from vector<1xi32>
      %dma_start3A_2484 = arith.constant 64 : i32
      %dma_start3A_2485 = tpu.memref_slice %arg11[%add3A_2481, %dma_start3A_2484] : memref<256x128xf32, #tpu.memory_space<vmem>> -> memref<1x64xf32, #tpu.memory_space<vmem>>
      %dma_start3A_2486 = tpu.memref_squeeze %dma_start3A_2485 : memref<1x64xf32, #tpu.memory_space<vmem>> -> memref<64xf32, #tpu.memory_space<vmem>>
      %dma_start3A_2487 = arith.constant 0 : i32
      %dma_start3A_2488 = tpu.memref_slice %arg4[%squeeze3A_2483, %dma_start3A_2487] : memref<1000000x64xf32, #tpu.memory_space<hbm>> -> memref<1x64xf32, #tpu.memory_space<hbm>>
      %dma_start3A_2489 = tpu.memref_squeeze %dma_start3A_2488 : memref<1x64xf32, #tpu.memory_space<hbm>> -> memref<64xf32, #tpu.memory_space<hbm>>
      %dma_start3A_2490 = arith.constant 64 : i32
      %dma_start3A_2491 = tpu.memref_slice %arg11[%add3A_2481, %dma_start3A_2490] : memref<256x128xf32, #tpu.memory_space<vmem>> -> memref<1x64xf32, #tpu.memory_space<vmem>>
      %dma_start3A_2492 = tpu.memref_squeeze %dma_start3A_2491 : memref<1x64xf32, #tpu.memory_space<vmem>> -> memref<64xf32, #tpu.memory_space<vmem>>
      %dma_start3A_2493 = arith.constant 0 : i32
      %dma_start3A_2494 = tpu.memref_slice %arg4[%squeeze3A_2483, %dma_start3A_2493] : memref<1000000x64xf32, #tpu.memory_space<hbm>> -> memref<1x64xf32, #tpu.memory_space<hbm>>
      %dma_start3A_2495 = tpu.memref_squeeze %dma_start3A_2494 : memref<1x64xf32, #tpu.memory_space<hbm>> -> memref<64xf32, #tpu.memory_space<hbm>>
      tpu.enqueue_dma source(%dma_start3A_2495 : memref<64xf32, #tpu.memory_space<hbm>>) target(%dma_start3A_2492 : memref<64xf32, #tpu.memory_space<vmem>>) target_semaphore(%arg17 : memref<!tpu.dma_semaphore, #tpu.memory_space<semaphore_mem>>)
      %slice3A_2496 = vector.extract_strided_slice %get3A_1999 {offsets = [15], sizes = [1], strides = [1]} : vector<16xi32> to vector<1xi32>
      %squeeze3A_2497 = vector.extract %slice3A_2496[0] : i32 from vector<1xi32>
      %dma_start3A_2498 = arith.constant 64 : i32
      %dma_start3A_2499 = tpu.memref_slice %arg12[%add3A_2481, %dma_start3A_2498] : memref<256x128xf32, #tpu.memory_space<vmem>> -> memref<1x64xf32, #tpu.memory_space<vmem>>
      %dma_start3A_2500 = tpu.memref_squeeze %dma_start3A_2499 : memref<1x64xf32, #tpu.memory_space<vmem>> -> memref<64xf32, #tpu.memory_space<vmem>>
      %dma_start3A_2501 = arith.constant 0 : i32
      %dma_start3A_2502 = tpu.memref_slice %arg5[%squeeze3A_2497, %dma_start3A_2501] : memref<100000x64xf32, #tpu.memory_space<hbm>> -> memref<1x64xf32, #tpu.memory_space<hbm>>
      %dma_start3A_2503 = tpu.memref_squeeze %dma_start3A_2502 : memref<1x64xf32, #tpu.memory_space<hbm>> -> memref<64xf32, #tpu.memory_space<hbm>>
      %dma_start3A_2504 = arith.constant 64 : i32
      %dma_start3A_2505 = tpu.memref_slice %arg12[%add3A_2481, %dma_start3A_2504] : memref<256x128xf32, #tpu.memory_space<vmem>> -> memref<1x64xf32, #tpu.memory_space<vmem>>
      %dma_start3A_2506 = tpu.memref_squeeze %dma_start3A_2505 : memref<1x64xf32, #tpu.memory_space<vmem>> -> memref<64xf32, #tpu.memory_space<vmem>>
      %dma_start3A_2507 = arith.constant 0 : i32
      %dma_start3A_2508 = tpu.memref_slice %arg5[%squeeze3A_2497, %dma_start3A_2507] : memref<100000x64xf32, #tpu.memory_space<hbm>> -> memref<1x64xf32, #tpu.memory_space<hbm>>
      %dma_start3A_2509 = tpu.memref_squeeze %dma_start3A_2508 : memref<1x64xf32, #tpu.memory_space<hbm>> -> memref<64xf32, #tpu.memory_space<hbm>>
      tpu.enqueue_dma source(%dma_start3A_2509 : memref<64xf32, #tpu.memory_space<hbm>>) target(%dma_start3A_2506 : memref<64xf32, #tpu.memory_space<vmem>>) target_semaphore(%arg18 : memref<!tpu.dma_semaphore, #tpu.memory_space<semaphore_mem>>)
    }
    %scan3A_84 = arith.constant 32 : i32
    %dma_wait3A = arith.constant 0 : i32
    %dma_wait3A_85 = arith.constant 0 : i32
    %dma_wait3A_86 = tpu.memref_slice %arg11[%dma_wait3A, %dma_wait3A_85] : memref<256x128xf32, #tpu.memory_space<vmem>> -> memref<4x128xf32, #tpu.memory_space<vmem>>
    %dma_wait3A_87 = arith.constant 0 : i32
    %dma_wait3A_88 = arith.constant 0 : i32
    %dma_wait3A_89 = tpu.memref_slice %arg8[%add3A, %dma_wait3A_87, %dma_wait3A_88] : memref<32x4x128xf32, #tpu.memory_space<hbm>> -> memref<1x4x128xf32, #tpu.memory_space<hbm>>
    %dma_wait3A_90 = tpu.memref_squeeze %dma_wait3A_89 : memref<1x4x128xf32, #tpu.memory_space<hbm>> -> memref<4x128xf32, #tpu.memory_space<hbm>>
    %dma_wait3A_91 = arith.constant 0 : i32
    %dma_wait3A_92 = arith.constant 0 : i32
    %dma_wait3A_93 = tpu.memref_slice %arg11[%dma_wait3A_91, %dma_wait3A_92] : memref<256x128xf32, #tpu.memory_space<vmem>> -> memref<4x128xf32, #tpu.memory_space<vmem>>
    %dma_wait3A_94 = arith.constant 0 : i32
    %dma_wait3A_95 = arith.constant 0 : i32
    %dma_wait3A_96 = tpu.memref_slice %arg8[%add3A, %dma_wait3A_94, %dma_wait3A_95] : memref<32x4x128xf32, #tpu.memory_space<hbm>> -> memref<1x4x128xf32, #tpu.memory_space<hbm>>
    %dma_wait3A_97 = tpu.memref_squeeze %dma_wait3A_96 : memref<1x4x128xf32, #tpu.memory_space<hbm>> -> memref<4x128xf32, #tpu.memory_space<hbm>>
    tpu.wait_dma2 semaphore(%arg17 : memref<!tpu.dma_semaphore, #tpu.memory_space<semaphore_mem>>) src(%dma_wait3A_97 : memref<4x128xf32, #tpu.memory_space<hbm>>) dst(%dma_wait3A_93 : memref<4x128xf32, #tpu.memory_space<vmem>>)
    %dma_wait3A_98 = arith.constant 0 : i32
    %dma_wait3A_99 = arith.constant 0 : i32
    %dma_wait3A_100 = tpu.memref_slice %arg12[%dma_wait3A_98, %dma_wait3A_99] : memref<256x128xf32, #tpu.memory_space<vmem>> -> memref<4x128xf32, #tpu.memory_space<vmem>>
    %dma_wait3A_101 = arith.constant 0 : i32
    %dma_wait3A_102 = arith.constant 0 : i32
    %dma_wait3A_103 = tpu.memref_slice %arg8[%add3A, %dma_wait3A_101, %dma_wait3A_102] : memref<32x4x128xf32, #tpu.memory_space<hbm>> -> memref<1x4x128xf32, #tpu.memory_space<hbm>>
    %dma_wait3A_104 = tpu.memref_squeeze %dma_wait3A_103 : memref<1x4x128xf32, #tpu.memory_space<hbm>> -> memref<4x128xf32, #tpu.memory_space<hbm>>
    %dma_wait3A_105 = arith.constant 0 : i32
    %dma_wait3A_106 = arith.constant 0 : i32
    %dma_wait3A_107 = tpu.memref_slice %arg12[%dma_wait3A_105, %dma_wait3A_106] : memref<256x128xf32, #tpu.memory_space<vmem>> -> memref<4x128xf32, #tpu.memory_space<vmem>>
    %dma_wait3A_108 = arith.constant 0 : i32
    %dma_wait3A_109 = arith.constant 0 : i32
    %dma_wait3A_110 = tpu.memref_slice %arg8[%add3A, %dma_wait3A_108, %dma_wait3A_109] : memref<32x4x128xf32, #tpu.memory_space<hbm>> -> memref<1x4x128xf32, #tpu.memory_space<hbm>>
    %dma_wait3A_111 = tpu.memref_squeeze %dma_wait3A_110 : memref<1x4x128xf32, #tpu.memory_space<hbm>> -> memref<4x128xf32, #tpu.memory_space<hbm>>
    tpu.wait_dma2 semaphore(%arg18 : memref<!tpu.dma_semaphore, #tpu.memory_space<semaphore_mem>>) src(%dma_wait3A_111 : memref<4x128xf32, #tpu.memory_space<hbm>>) dst(%dma_wait3A_107 : memref<4x128xf32, #tpu.memory_space<vmem>>)
    %dma_wait3A_112 = arith.constant 4 : i32
    %dma_wait3A_113 = arith.constant 0 : i32
    %dma_wait3A_114 = tpu.memref_slice %arg11[%dma_wait3A_112, %dma_wait3A_113] : memref<256x128xf32, #tpu.memory_space<vmem>> -> memref<4x128xf32, #tpu.memory_space<vmem>>
    %dma_wait3A_115 = arith.constant 0 : i32
    %dma_wait3A_116 = arith.constant 0 : i32
    %dma_wait3A_117 = tpu.memref_slice %arg8[%add3A, %dma_wait3A_115, %dma_wait3A_116] : memref<32x4x128xf32, #tpu.memory_space<hbm>> -> memref<1x4x128xf32, #tpu.memory_space<hbm>>
    %dma_wait3A_118 = tpu.memref_squeeze %dma_wait3A_117 : memref<1x4x128xf32, #tpu.memory_space<hbm>> -> memref<4x128xf32, #tpu.memory_space<hbm>>
    %dma_wait3A_119 = arith.constant 4 : i32
    %dma_wait3A_120 = arith.constant 0 : i32
    %dma_wait3A_121 = tpu.memref_slice %arg11[%dma_wait3A_119, %dma_wait3A_120] : memref<256x128xf32, #tpu.memory_space<vmem>> -> memref<4x128xf32, #tpu.memory_space<vmem>>
    %dma_wait3A_122 = arith.constant 0 : i32
    %dma_wait3A_123 = arith.constant 0 : i32
    %dma_wait3A_124 = tpu.memref_slice %arg8[%add3A, %dma_wait3A_122, %dma_wait3A_123] : memref<32x4x128xf32, #tpu.memory_space<hbm>> -> memref<1x4x128xf32, #tpu.memory_space<hbm>>
    %dma_wait3A_125 = tpu.memref_squeeze %dma_wait3A_124 : memref<1x4x128xf32, #tpu.memory_space<hbm>> -> memref<4x128xf32, #tpu.memory_space<hbm>>
    tpu.wait_dma2 semaphore(%arg17 : memref<!tpu.dma_semaphore, #tpu.memory_space<semaphore_mem>>) src(%dma_wait3A_125 : memref<4x128xf32, #tpu.memory_space<hbm>>) dst(%dma_wait3A_121 : memref<4x128xf32, #tpu.memory_space<vmem>>)
    %dma_wait3A_126 = arith.constant 4 : i32
    %dma_wait3A_127 = arith.constant 0 : i32
    %dma_wait3A_128 = tpu.memref_slice %arg12[%dma_wait3A_126, %dma_wait3A_127] : memref<256x128xf32, #tpu.memory_space<vmem>> -> memref<4x128xf32, #tpu.memory_space<vmem>>
    %dma_wait3A_129 = arith.constant 0 : i32
    %dma_wait3A_130 = arith.constant 0 : i32
    %dma_wait3A_131 = tpu.memref_slice %arg8[%add3A, %dma_wait3A_129, %dma_wait3A_130] : memref<32x4x128xf32, #tpu.memory_space<hbm>> -> memref<1x4x128xf32, #tpu.memory_space<hbm>>
    %dma_wait3A_132 = tpu.memref_squeeze %dma_wait3A_131 : memref<1x4x128xf32, #tpu.memory_space<hbm>> -> memref<4x128xf32, #tpu.memory_space<hbm>>
    %dma_wait3A_133 = arith.constant 4 : i32
    %dma_wait3A_134 = arith.constant 0 : i32
    %dma_wait3A_135 = tpu.memref_slice %arg12[%dma_wait3A_133, %dma_wait3A_134] : memref<256x128xf32, #tpu.memory_space<vmem>> -> memref<4x128xf32, #tpu.memory_space<vmem>>
    %dma_wait3A_136 = arith.constant 0 : i32
    %dma_wait3A_137 = arith.constant 0 : i32
    %dma_wait3A_138 = tpu.memref_slice %arg8[%add3A, %dma_wait3A_136, %dma_wait3A_137] : memref<32x4x128xf32, #tpu.memory_space<hbm>> -> memref<1x4x128xf32, #tpu.memory_space<hbm>>
    %dma_wait3A_139 = tpu.memref_squeeze %dma_wait3A_138 : memref<1x4x128xf32, #tpu.memory_space<hbm>> -> memref<4x128xf32, #tpu.memory_space<hbm>>
    tpu.wait_dma2 semaphore(%arg18 : memref<!tpu.dma_semaphore, #tpu.memory_space<semaphore_mem>>) src(%dma_wait3A_139 : memref<4x128xf32, #tpu.memory_space<hbm>>) dst(%dma_wait3A_135 : memref<4x128xf32, #tpu.memory_space<vmem>>)
    %dma_wait3A_140 = arith.constant 8 : i32
    %dma_wait3A_141 = arith.constant 0 : i32
    %dma_wait3A_142 = tpu.memref_slice %arg11[%dma_wait3A_140, %dma_wait3A_141] : memref<256x128xf32, #tpu.memory_space<vmem>> -> memref<4x128xf32, #tpu.memory_space<vmem>>
    %dma_wait3A_143 = arith.constant 0 : i32
    %dma_wait3A_144 = arith.constant 0 : i32
    %dma_wait3A_145 = tpu.memref_slice %arg8[%add3A, %dma_wait3A_143, %dma_wait3A_144] : memref<32x4x128xf32, #tpu.memory_space<hbm>> -> memref<1x4x128xf32, #tpu.memory_space<hbm>>
    %dma_wait3A_146 = tpu.memref_squeeze %dma_wait3A_145 : memref<1x4x128xf32, #tpu.memory_space<hbm>> -> memref<4x128xf32, #tpu.memory_space<hbm>>
    %dma_wait3A_147 = arith.constant 8 : i32
    %dma_wait3A_148 = arith.constant 0 : i32
    %dma_wait3A_149 = tpu.memref_slice %arg11[%dma_wait3A_147, %dma_wait3A_148] : memref<256x128xf32, #tpu.memory_space<vmem>> -> memref<4x128xf32, #tpu.memory_space<vmem>>
    %dma_wait3A_150 = arith.constant 0 : i32
    %dma_wait3A_151 = arith.constant 0 : i32
    %dma_wait3A_152 = tpu.memref_slice %arg8[%add3A, %dma_wait3A_150, %dma_wait3A_151] : memref<32x4x128xf32, #tpu.memory_space<hbm>> -> memref<1x4x128xf32, #tpu.memory_space<hbm>>
    %dma_wait3A_153 = tpu.memref_squeeze %dma_wait3A_152 : memref<1x4x128xf32, #tpu.memory_space<hbm>> -> memref<4x128xf32, #tpu.memory_space<hbm>>
    tpu.wait_dma2 semaphore(%arg17 : memref<!tpu.dma_semaphore, #tpu.memory_space<semaphore_mem>>) src(%dma_wait3A_153 : memref<4x128xf32, #tpu.memory_space<hbm>>) dst(%dma_wait3A_149 : memref<4x128xf32, #tpu.memory_space<vmem>>)
    %dma_wait3A_154 = arith.constant 8 : i32
    %dma_wait3A_155 = arith.constant 0 : i32
    %dma_wait3A_156 = tpu.memref_slice %arg12[%dma_wait3A_154, %dma_wait3A_155] : memref<256x128xf32, #tpu.memory_space<vmem>> -> memref<4x128xf32, #tpu.memory_space<vmem>>
    %dma_wait3A_157 = arith.constant 0 : i32
    %dma_wait3A_158 = arith.constant 0 : i32
    %dma_wait3A_159 = tpu.memref_slice %arg8[%add3A, %dma_wait3A_157, %dma_wait3A_158] : memref<32x4x128xf32, #tpu.memory_space<hbm>> -> memref<1x4x128xf32, #tpu.memory_space<hbm>>
    %dma_wait3A_160 = tpu.memref_squeeze %dma_wait3A_159 : memref<1x4x128xf32, #tpu.memory_space<hbm>> -> memref<4x128xf32, #tpu.memory_space<hbm>>
    %dma_wait3A_161 = arith.constant 8 : i32
    %dma_wait3A_162 = arith.constant 0 : i32
    %dma_wait3A_163 = tpu.memref_slice %arg12[%dma_wait3A_161, %dma_wait3A_162] : memref<256x128xf32, #tpu.memory_space<vmem>> -> memref<4x128xf32, #tpu.memory_space<vmem>>
    %dma_wait3A_164 = arith.constant 0 : i32
    %dma_wait3A_165 = arith.constant 0 : i32
    %dma_wait3A_166 = tpu.memref_slice %arg8[%add3A, %dma_wait3A_164, %dma_wait3A_165] : memref<32x4x128xf32, #tpu.memory_space<hbm>> -> memref<1x4x128xf32, #tpu.memory_space<hbm>>
    %dma_wait3A_167 = tpu.memref_squeeze %dma_wait3A_166 : memref<1x4x128xf32, #tpu.memory_space<hbm>> -> memref<4x128xf32, #tpu.memory_space<hbm>>
    tpu.wait_dma2 semaphore(%arg18 : memref<!tpu.dma_semaphore, #tpu.memory_space<semaphore_mem>>) src(%dma_wait3A_167 : memref<4x128xf32, #tpu.memory_space<hbm>>) dst(%dma_wait3A_163 : memref<4x128xf32, #tpu.memory_space<vmem>>)
    %dma_wait3A_168 = arith.constant 12 : i32
    %dma_wait3A_169 = arith.constant 0 : i32
    %dma_wait3A_170 = tpu.memref_slice %arg11[%dma_wait3A_168, %dma_wait3A_169] : memref<256x128xf32, #tpu.memory_space<vmem>> -> memref<4x128xf32, #tpu.memory_space<vmem>>
    %dma_wait3A_171 = arith.constant 0 : i32
    %dma_wait3A_172 = arith.constant 0 : i32
    %dma_wait3A_173 = tpu.memref_slice %arg8[%add3A, %dma_wait3A_171, %dma_wait3A_172] : memref<32x4x128xf32, #tpu.memory_space<hbm>> -> memref<1x4x128xf32, #tpu.memory_space<hbm>>
    %dma_wait3A_174 = tpu.memref_squeeze %dma_wait3A_173 : memref<1x4x128xf32, #tpu.memory_space<hbm>> -> memref<4x128xf32, #tpu.memory_space<hbm>>
    %dma_wait3A_175 = arith.constant 12 : i32
    %dma_wait3A_176 = arith.constant 0 : i32
    %dma_wait3A_177 = tpu.memref_slice %arg11[%dma_wait3A_175, %dma_wait3A_176] : memref<256x128xf32, #tpu.memory_space<vmem>> -> memref<4x128xf32, #tpu.memory_space<vmem>>
    %dma_wait3A_178 = arith.constant 0 : i32
    %dma_wait3A_179 = arith.constant 0 : i32
    %dma_wait3A_180 = tpu.memref_slice %arg8[%add3A, %dma_wait3A_178, %dma_wait3A_179] : memref<32x4x128xf32, #tpu.memory_space<hbm>> -> memref<1x4x128xf32, #tpu.memory_space<hbm>>
    %dma_wait3A_181 = tpu.memref_squeeze %dma_wait3A_180 : memref<1x4x128xf32, #tpu.memory_space<hbm>> -> memref<4x128xf32, #tpu.memory_space<hbm>>
    tpu.wait_dma2 semaphore(%arg17 : memref<!tpu.dma_semaphore, #tpu.memory_space<semaphore_mem>>) src(%dma_wait3A_181 : memref<4x128xf32, #tpu.memory_space<hbm>>) dst(%dma_wait3A_177 : memref<4x128xf32, #tpu.memory_space<vmem>>)
    %dma_wait3A_182 = arith.constant 12 : i32
    %dma_wait3A_183 = arith.constant 0 : i32
    %dma_wait3A_184 = tpu.memref_slice %arg12[%dma_wait3A_182, %dma_wait3A_183] : memref<256x128xf32, #tpu.memory_space<vmem>> -> memref<4x128xf32, #tpu.memory_space<vmem>>
    %dma_wait3A_185 = arith.constant 0 : i32
    %dma_wait3A_186 = arith.constant 0 : i32
    %dma_wait3A_187 = tpu.memref_slice %arg8[%add3A, %dma_wait3A_185, %dma_wait3A_186] : memref<32x4x128xf32, #tpu.memory_space<hbm>> -> memref<1x4x128xf32, #tpu.memory_space<hbm>>
    %dma_wait3A_188 = tpu.memref_squeeze %dma_wait3A_187 : memref<1x4x128xf32, #tpu.memory_space<hbm>> -> memref<4x128xf32, #tpu.memory_space<hbm>>
    %dma_wait3A_189 = arith.constant 12 : i32
    %dma_wait3A_190 = arith.constant 0 : i32
    %dma_wait3A_191 = tpu.memref_slice %arg12[%dma_wait3A_189, %dma_wait3A_190] : memref<256x128xf32, #tpu.memory_space<vmem>> -> memref<4x128xf32, #tpu.memory_space<vmem>>
    %dma_wait3A_192 = arith.constant 0 : i32
    %dma_wait3A_193 = arith.constant 0 : i32
    %dma_wait3A_194 = tpu.memref_slice %arg8[%add3A, %dma_wait3A_192, %dma_wait3A_193] : memref<32x4x128xf32, #tpu.memory_space<hbm>> -> memref<1x4x128xf32, #tpu.memory_space<hbm>>
    %dma_wait3A_195 = tpu.memref_squeeze %dma_wait3A_194 : memref<1x4x128xf32, #tpu.memory_space<hbm>> -> memref<4x128xf32, #tpu.memory_space<hbm>>
    tpu.wait_dma2 semaphore(%arg18 : memref<!tpu.dma_semaphore, #tpu.memory_space<semaphore_mem>>) src(%dma_wait3A_195 : memref<4x128xf32, #tpu.memory_space<hbm>>) dst(%dma_wait3A_191 : memref<4x128xf32, #tpu.memory_space<vmem>>)
    %dma_wait3A_196 = arith.constant 16 : i32
    %dma_wait3A_197 = arith.constant 0 : i32
    %dma_wait3A_198 = tpu.memref_slice %arg11[%dma_wait3A_196, %dma_wait3A_197] : memref<256x128xf32, #tpu.memory_space<vmem>> -> memref<4x128xf32, #tpu.memory_space<vmem>>
    %dma_wait3A_199 = arith.constant 0 : i32
    %dma_wait3A_200 = arith.constant 0 : i32
    %dma_wait3A_201 = tpu.memref_slice %arg8[%add3A, %dma_wait3A_199, %dma_wait3A_200] : memref<32x4x128xf32, #tpu.memory_space<hbm>> -> memref<1x4x128xf32, #tpu.memory_space<hbm>>
    %dma_wait3A_202 = tpu.memref_squeeze %dma_wait3A_201 : memref<1x4x128xf32, #tpu.memory_space<hbm>> -> memref<4x128xf32, #tpu.memory_space<hbm>>
    %dma_wait3A_203 = arith.constant 16 : i32
    %dma_wait3A_204 = arith.constant 0 : i32
    %dma_wait3A_205 = tpu.memref_slice %arg11[%dma_wait3A_203, %dma_wait3A_204] : memref<256x128xf32, #tpu.memory_space<vmem>> -> memref<4x128xf32, #tpu.memory_space<vmem>>
    %dma_wait3A_206 = arith.constant 0 : i32
    %dma_wait3A_207 = arith.constant 0 : i32
    %dma_wait3A_208 = tpu.memref_slice %arg8[%add3A, %dma_wait3A_206, %dma_wait3A_207] : memref<32x4x128xf32, #tpu.memory_space<hbm>> -> memref<1x4x128xf32, #tpu.memory_space<hbm>>
    %dma_wait3A_209 = tpu.memref_squeeze %dma_wait3A_208 : memref<1x4x128xf32, #tpu.memory_space<hbm>> -> memref<4x128xf32, #tpu.memory_space<hbm>>
    tpu.wait_dma2 semaphore(%arg17 : memref<!tpu.dma_semaphore, #tpu.memory_space<semaphore_mem>>) src(%dma_wait3A_209 : memref<4x128xf32, #tpu.memory_space<hbm>>) dst(%dma_wait3A_205 : memref<4x128xf32, #tpu.memory_space<vmem>>)
    %dma_wait3A_210 = arith.constant 16 : i32
    %dma_wait3A_211 = arith.constant 0 : i32
    %dma_wait3A_212 = tpu.memref_slice %arg12[%dma_wait3A_210, %dma_wait3A_211] : memref<256x128xf32, #tpu.memory_space<vmem>> -> memref<4x128xf32, #tpu.memory_space<vmem>>
    %dma_wait3A_213 = arith.constant 0 : i32
    %dma_wait3A_214 = arith.constant 0 : i32
    %dma_wait3A_215 = tpu.memref_slice %arg8[%add3A, %dma_wait3A_213, %dma_wait3A_214] : memref<32x4x128xf32, #tpu.memory_space<hbm>> -> memref<1x4x128xf32, #tpu.memory_space<hbm>>
    %dma_wait3A_216 = tpu.memref_squeeze %dma_wait3A_215 : memref<1x4x128xf32, #tpu.memory_space<hbm>> -> memref<4x128xf32, #tpu.memory_space<hbm>>
    %dma_wait3A_217 = arith.constant 16 : i32
    %dma_wait3A_218 = arith.constant 0 : i32
    %dma_wait3A_219 = tpu.memref_slice %arg12[%dma_wait3A_217, %dma_wait3A_218] : memref<256x128xf32, #tpu.memory_space<vmem>> -> memref<4x128xf32, #tpu.memory_space<vmem>>
    %dma_wait3A_220 = arith.constant 0 : i32
    %dma_wait3A_221 = arith.constant 0 : i32
    %dma_wait3A_222 = tpu.memref_slice %arg8[%add3A, %dma_wait3A_220, %dma_wait3A_221] : memref<32x4x128xf32, #tpu.memory_space<hbm>> -> memref<1x4x128xf32, #tpu.memory_space<hbm>>
    %dma_wait3A_223 = tpu.memref_squeeze %dma_wait3A_222 : memref<1x4x128xf32, #tpu.memory_space<hbm>> -> memref<4x128xf32, #tpu.memory_space<hbm>>
    tpu.wait_dma2 semaphore(%arg18 : memref<!tpu.dma_semaphore, #tpu.memory_space<semaphore_mem>>) src(%dma_wait3A_223 : memref<4x128xf32, #tpu.memory_space<hbm>>) dst(%dma_wait3A_219 : memref<4x128xf32, #tpu.memory_space<vmem>>)
    %dma_wait3A_224 = arith.constant 20 : i32
    %dma_wait3A_225 = arith.constant 0 : i32
    %dma_wait3A_226 = tpu.memref_slice %arg11[%dma_wait3A_224, %dma_wait3A_225] : memref<256x128xf32, #tpu.memory_space<vmem>> -> memref<4x128xf32, #tpu.memory_space<vmem>>
    %dma_wait3A_227 = arith.constant 0 : i32
    %dma_wait3A_228 = arith.constant 0 : i32
    %dma_wait3A_229 = tpu.memref_slice %arg8[%add3A, %dma_wait3A_227, %dma_wait3A_228] : memref<32x4x128xf32, #tpu.memory_space<hbm>> -> memref<1x4x128xf32, #tpu.memory_space<hbm>>
    %dma_wait3A_230 = tpu.memref_squeeze %dma_wait3A_229 : memref<1x4x128xf32, #tpu.memory_space<hbm>> -> memref<4x128xf32, #tpu.memory_space<hbm>>
    %dma_wait3A_231 = arith.constant 20 : i32
    %dma_wait3A_232 = arith.constant 0 : i32
    %dma_wait3A_233 = tpu.memref_slice %arg11[%dma_wait3A_231, %dma_wait3A_232] : memref<256x128xf32, #tpu.memory_space<vmem>> -> memref<4x128xf32, #tpu.memory_space<vmem>>
    %dma_wait3A_234 = arith.constant 0 : i32
    %dma_wait3A_235 = arith.constant 0 : i32
    %dma_wait3A_236 = tpu.memref_slice %arg8[%add3A, %dma_wait3A_234, %dma_wait3A_235] : memref<32x4x128xf32, #tpu.memory_space<hbm>> -> memref<1x4x128xf32, #tpu.memory_space<hbm>>
    %dma_wait3A_237 = tpu.memref_squeeze %dma_wait3A_236 : memref<1x4x128xf32, #tpu.memory_space<hbm>> -> memref<4x128xf32, #tpu.memory_space<hbm>>
    tpu.wait_dma2 semaphore(%arg17 : memref<!tpu.dma_semaphore, #tpu.memory_space<semaphore_mem>>) src(%dma_wait3A_237 : memref<4x128xf32, #tpu.memory_space<hbm>>) dst(%dma_wait3A_233 : memref<4x128xf32, #tpu.memory_space<vmem>>)
    %dma_wait3A_238 = arith.constant 20 : i32
    %dma_wait3A_239 = arith.constant 0 : i32
    %dma_wait3A_240 = tpu.memref_slice %arg12[%dma_wait3A_238, %dma_wait3A_239] : memref<256x128xf32, #tpu.memory_space<vmem>> -> memref<4x128xf32, #tpu.memory_space<vmem>>
    %dma_wait3A_241 = arith.constant 0 : i32
    %dma_wait3A_242 = arith.constant 0 : i32
    %dma_wait3A_243 = tpu.memref_slice %arg8[%add3A, %dma_wait3A_241, %dma_wait3A_242] : memref<32x4x128xf32, #tpu.memory_space<hbm>> -> memref<1x4x128xf32, #tpu.memory_space<hbm>>
    %dma_wait3A_244 = tpu.memref_squeeze %dma_wait3A_243 : memref<1x4x128xf32, #tpu.memory_space<hbm>> -> memref<4x128xf32, #tpu.memory_space<hbm>>
    %dma_wait3A_245 = arith.constant 20 : i32
    %dma_wait3A_246 = arith.constant 0 : i32
    %dma_wait3A_247 = tpu.memref_slice %arg12[%dma_wait3A_245, %dma_wait3A_246] : memref<256x128xf32, #tpu.memory_space<vmem>> -> memref<4x128xf32, #tpu.memory_space<vmem>>
    %dma_wait3A_248 = arith.constant 0 : i32
    %dma_wait3A_249 = arith.constant 0 : i32
    %dma_wait3A_250 = tpu.memref_slice %arg8[%add3A, %dma_wait3A_248, %dma_wait3A_249] : memref<32x4x128xf32, #tpu.memory_space<hbm>> -> memref<1x4x128xf32, #tpu.memory_space<hbm>>
    %dma_wait3A_251 = tpu.memref_squeeze %dma_wait3A_250 : memref<1x4x128xf32, #tpu.memory_space<hbm>> -> memref<4x128xf32, #tpu.memory_space<hbm>>
    tpu.wait_dma2 semaphore(%arg18 : memref<!tpu.dma_semaphore, #tpu.memory_space<semaphore_mem>>) src(%dma_wait3A_251 : memref<4x128xf32, #tpu.memory_space<hbm>>) dst(%dma_wait3A_247 : memref<4x128xf32, #tpu.memory_space<vmem>>)
    %dma_wait3A_252 = arith.constant 24 : i32
    %dma_wait3A_253 = arith.constant 0 : i32
    %dma_wait3A_254 = tpu.memref_slice %arg11[%dma_wait3A_252, %dma_wait3A_253] : memref<256x128xf32, #tpu.memory_space<vmem>> -> memref<4x128xf32, #tpu.memory_space<vmem>>
    %dma_wait3A_255 = arith.constant 0 : i32
    %dma_wait3A_256 = arith.constant 0 : i32
    %dma_wait3A_257 = tpu.memref_slice %arg8[%add3A, %dma_wait3A_255, %dma_wait3A_256] : memref<32x4x128xf32, #tpu.memory_space<hbm>> -> memref<1x4x128xf32, #tpu.memory_space<hbm>>
    %dma_wait3A_258 = tpu.memref_squeeze %dma_wait3A_257 : memref<1x4x128xf32, #tpu.memory_space<hbm>> -> memref<4x128xf32, #tpu.memory_space<hbm>>
    %dma_wait3A_259 = arith.constant 24 : i32
    %dma_wait3A_260 = arith.constant 0 : i32
    %dma_wait3A_261 = tpu.memref_slice %arg11[%dma_wait3A_259, %dma_wait3A_260] : memref<256x128xf32, #tpu.memory_space<vmem>> -> memref<4x128xf32, #tpu.memory_space<vmem>>
    %dma_wait3A_262 = arith.constant 0 : i32
    %dma_wait3A_263 = arith.constant 0 : i32
    %dma_wait3A_264 = tpu.memref_slice %arg8[%add3A, %dma_wait3A_262, %dma_wait3A_263] : memref<32x4x128xf32, #tpu.memory_space<hbm>> -> memref<1x4x128xf32, #tpu.memory_space<hbm>>
    %dma_wait3A_265 = tpu.memref_squeeze %dma_wait3A_264 : memref<1x4x128xf32, #tpu.memory_space<hbm>> -> memref<4x128xf32, #tpu.memory_space<hbm>>
    tpu.wait_dma2 semaphore(%arg17 : memref<!tpu.dma_semaphore, #tpu.memory_space<semaphore_mem>>) src(%dma_wait3A_265 : memref<4x128xf32, #tpu.memory_space<hbm>>) dst(%dma_wait3A_261 : memref<4x128xf32, #tpu.memory_space<vmem>>)
    %dma_wait3A_266 = arith.constant 24 : i32
    %dma_wait3A_267 = arith.constant 0 : i32
    %dma_wait3A_268 = tpu.memref_slice %arg12[%dma_wait3A_266, %dma_wait3A_267] : memref<256x128xf32, #tpu.memory_space<vmem>> -> memref<4x128xf32, #tpu.memory_space<vmem>>
    %dma_wait3A_269 = arith.constant 0 : i32
    %dma_wait3A_270 = arith.constant 0 : i32
    %dma_wait3A_271 = tpu.memref_slice %arg8[%add3A, %dma_wait3A_269, %dma_wait3A_270] : memref<32x4x128xf32, #tpu.memory_space<hbm>> -> memref<1x4x128xf32, #tpu.memory_space<hbm>>
    %dma_wait3A_272 = tpu.memref_squeeze %dma_wait3A_271 : memref<1x4x128xf32, #tpu.memory_space<hbm>> -> memref<4x128xf32, #tpu.memory_space<hbm>>
    %dma_wait3A_273 = arith.constant 24 : i32
    %dma_wait3A_274 = arith.constant 0 : i32
    %dma_wait3A_275 = tpu.memref_slice %arg12[%dma_wait3A_273, %dma_wait3A_274] : memref<256x128xf32, #tpu.memory_space<vmem>> -> memref<4x128xf32, #tpu.memory_space<vmem>>
    %dma_wait3A_276 = arith.constant 0 : i32
    %dma_wait3A_277 = arith.constant 0 : i32
    %dma_wait3A_278 = tpu.memref_slice %arg8[%add3A, %dma_wait3A_276, %dma_wait3A_277] : memref<32x4x128xf32, #tpu.memory_space<hbm>> -> memref<1x4x128xf32, #tpu.memory_space<hbm>>
    %dma_wait3A_279 = tpu.memref_squeeze %dma_wait3A_278 : memref<1x4x128xf32, #tpu.memory_space<hbm>> -> memref<4x128xf32, #tpu.memory_space<hbm>>
    tpu.wait_dma2 semaphore(%arg18 : memref<!tpu.dma_semaphore, #tpu.memory_space<semaphore_mem>>) src(%dma_wait3A_279 : memref<4x128xf32, #tpu.memory_space<hbm>>) dst(%dma_wait3A_275 : memref<4x128xf32, #tpu.memory_space<vmem>>)
    %dma_wait3A_280 = arith.constant 28 : i32
    %dma_wait3A_281 = arith.constant 0 : i32
    %dma_wait3A_282 = tpu.memref_slice %arg11[%dma_wait3A_280, %dma_wait3A_281] : memref<256x128xf32, #tpu.memory_space<vmem>> -> memref<4x128xf32, #tpu.memory_space<vmem>>
    %dma_wait3A_283 = arith.constant 0 : i32
    %dma_wait3A_284 = arith.constant 0 : i32
    %dma_wait3A_285 = tpu.memref_slice %arg8[%add3A, %dma_wait3A_283, %dma_wait3A_284] : memref<32x4x128xf32, #tpu.memory_space<hbm>> -> memref<1x4x128xf32, #tpu.memory_space<hbm>>
    %dma_wait3A_286 = tpu.memref_squeeze %dma_wait3A_285 : memref<1x4x128xf32, #tpu.memory_space<hbm>> -> memref<4x128xf32, #tpu.memory_space<hbm>>
    %dma_wait3A_287 = arith.constant 28 : i32
    %dma_wait3A_288 = arith.constant 0 : i32
    %dma_wait3A_289 = tpu.memref_slice %arg11[%dma_wait3A_287, %dma_wait3A_288] : memref<256x128xf32, #tpu.memory_space<vmem>> -> memref<4x128xf32, #tpu.memory_space<vmem>>
    %dma_wait3A_290 = arith.constant 0 : i32
    %dma_wait3A_291 = arith.constant 0 : i32
    %dma_wait3A_292 = tpu.memref_slice %arg8[%add3A, %dma_wait3A_290, %dma_wait3A_291] : memref<32x4x128xf32, #tpu.memory_space<hbm>> -> memref<1x4x128xf32, #tpu.memory_space<hbm>>
    %dma_wait3A_293 = tpu.memref_squeeze %dma_wait3A_292 : memref<1x4x128xf32, #tpu.memory_space<hbm>> -> memref<4x128xf32, #tpu.memory_space<hbm>>
    tpu.wait_dma2 semaphore(%arg17 : memref<!tpu.dma_semaphore, #tpu.memory_space<semaphore_mem>>) src(%dma_wait3A_293 : memref<4x128xf32, #tpu.memory_space<hbm>>) dst(%dma_wait3A_289 : memref<4x128xf32, #tpu.memory_space<vmem>>)
    %dma_wait3A_294 = arith.constant 28 : i32
    %dma_wait3A_295 = arith.constant 0 : i32
    %dma_wait3A_296 = tpu.memref_slice %arg12[%dma_wait3A_294, %dma_wait3A_295] : memref<256x128xf32, #tpu.memory_space<vmem>> -> memref<4x128xf32, #tpu.memory_space<vmem>>
    %dma_wait3A_297 = arith.constant 0 : i32
    %dma_wait3A_298 = arith.constant 0 : i32
    %dma_wait3A_299 = tpu.memref_slice %arg8[%add3A, %dma_wait3A_297, %dma_wait3A_298] : memref<32x4x128xf32, #tpu.memory_space<hbm>> -> memref<1x4x128xf32, #tpu.memory_space<hbm>>
    %dma_wait3A_300 = tpu.memref_squeeze %dma_wait3A_299 : memref<1x4x128xf32, #tpu.memory_space<hbm>> -> memref<4x128xf32, #tpu.memory_space<hbm>>
    %dma_wait3A_301 = arith.constant 28 : i32
    %dma_wait3A_302 = arith.constant 0 : i32
    %dma_wait3A_303 = tpu.memref_slice %arg12[%dma_wait3A_301, %dma_wait3A_302] : memref<256x128xf32, #tpu.memory_space<vmem>> -> memref<4x128xf32, #tpu.memory_space<vmem>>
    %dma_wait3A_304 = arith.constant 0 : i32
    %dma_wait3A_305 = arith.constant 0 : i32
    %dma_wait3A_306 = tpu.memref_slice %arg8[%add3A, %dma_wait3A_304, %dma_wait3A_305] : memref<32x4x128xf32, #tpu.memory_space<hbm>> -> memref<1x4x128xf32, #tpu.memory_space<hbm>>
    %dma_wait3A_307 = tpu.memref_squeeze %dma_wait3A_306 : memref<1x4x128xf32, #tpu.memory_space<hbm>> -> memref<4x128xf32, #tpu.memory_space<hbm>>
    tpu.wait_dma2 semaphore(%arg18 : memref<!tpu.dma_semaphore, #tpu.memory_space<semaphore_mem>>) src(%dma_wait3A_307 : memref<4x128xf32, #tpu.memory_space<hbm>>) dst(%dma_wait3A_303 : memref<4x128xf32, #tpu.memory_space<vmem>>)
    %dma_wait3A_308 = arith.constant 32 : i32
    %dma_wait3A_309 = arith.constant 0 : i32
    %dma_wait3A_310 = tpu.memref_slice %arg11[%dma_wait3A_308, %dma_wait3A_309] : memref<256x128xf32, #tpu.memory_space<vmem>> -> memref<4x128xf32, #tpu.memory_space<vmem>>
    %dma_wait3A_311 = arith.constant 0 : i32
    %dma_wait3A_312 = arith.constant 0 : i32
    %dma_wait3A_313 = tpu.memref_slice %arg8[%add3A, %dma_wait3A_311, %dma_wait3A_312] : memref<32x4x128xf32, #tpu.memory_space<hbm>> -> memref<1x4x128xf32, #tpu.memory_space<hbm>>
    %dma_wait3A_314 = tpu.memref_squeeze %dma_wait3A_313 : memref<1x4x128xf32, #tpu.memory_space<hbm>> -> memref<4x128xf32, #tpu.memory_space<hbm>>
    %dma_wait3A_315 = arith.constant 32 : i32
    %dma_wait3A_316 = arith.constant 0 : i32
    %dma_wait3A_317 = tpu.memref_slice %arg11[%dma_wait3A_315, %dma_wait3A_316] : memref<256x128xf32, #tpu.memory_space<vmem>> -> memref<4x128xf32, #tpu.memory_space<vmem>>
    %dma_wait3A_318 = arith.constant 0 : i32
    %dma_wait3A_319 = arith.constant 0 : i32
    %dma_wait3A_320 = tpu.memref_slice %arg8[%add3A, %dma_wait3A_318, %dma_wait3A_319] : memref<32x4x128xf32, #tpu.memory_space<hbm>> -> memref<1x4x128xf32, #tpu.memory_space<hbm>>
    %dma_wait3A_321 = tpu.memref_squeeze %dma_wait3A_320 : memref<1x4x128xf32, #tpu.memory_space<hbm>> -> memref<4x128xf32, #tpu.memory_space<hbm>>
    tpu.wait_dma2 semaphore(%arg17 : memref<!tpu.dma_semaphore, #tpu.memory_space<semaphore_mem>>) src(%dma_wait3A_321 : memref<4x128xf32, #tpu.memory_space<hbm>>) dst(%dma_wait3A_317 : memref<4x128xf32, #tpu.memory_space<vmem>>)
    %dma_wait3A_322 = arith.constant 32 : i32
    %dma_wait3A_323 = arith.constant 0 : i32
    %dma_wait3A_324 = tpu.memref_slice %arg12[%dma_wait3A_322, %dma_wait3A_323] : memref<256x128xf32, #tpu.memory_space<vmem>> -> memref<4x128xf32, #tpu.memory_space<vmem>>
    %dma_wait3A_325 = arith.constant 0 : i32
    %dma_wait3A_326 = arith.constant 0 : i32
    %dma_wait3A_327 = tpu.memref_slice %arg8[%add3A, %dma_wait3A_325, %dma_wait3A_326] : memref<32x4x128xf32, #tpu.memory_space<hbm>> -> memref<1x4x128xf32, #tpu.memory_space<hbm>>
    %dma_wait3A_328 = tpu.memref_squeeze %dma_wait3A_327 : memref<1x4x128xf32, #tpu.memory_space<hbm>> -> memref<4x128xf32, #tpu.memory_space<hbm>>
    %dma_wait3A_329 = arith.constant 32 : i32
    %dma_wait3A_330 = arith.constant 0 : i32
    %dma_wait3A_331 = tpu.memref_slice %arg12[%dma_wait3A_329, %dma_wait3A_330] : memref<256x128xf32, #tpu.memory_space<vmem>> -> memref<4x128xf32, #tpu.memory_space<vmem>>
    %dma_wait3A_332 = arith.constant 0 : i32
    %dma_wait3A_333 = arith.constant 0 : i32
    %dma_wait3A_334 = tpu.memref_slice %arg8[%add3A, %dma_wait3A_332, %dma_wait3A_333] : memref<32x4x128xf32, #tpu.memory_space<hbm>> -> memref<1x4x128xf32, #tpu.memory_space<hbm>>
    %dma_wait3A_335 = tpu.memref_squeeze %dma_wait3A_334 : memref<1x4x128xf32, #tpu.memory_space<hbm>> -> memref<4x128xf32, #tpu.memory_space<hbm>>
    tpu.wait_dma2 semaphore(%arg18 : memref<!tpu.dma_semaphore, #tpu.memory_space<semaphore_mem>>) src(%dma_wait3A_335 : memref<4x128xf32, #tpu.memory_space<hbm>>) dst(%dma_wait3A_331 : memref<4x128xf32, #tpu.memory_space<vmem>>)
    %dma_wait3A_336 = arith.constant 36 : i32
    %dma_wait3A_337 = arith.constant 0 : i32
    %dma_wait3A_338 = tpu.memref_slice %arg11[%dma_wait3A_336, %dma_wait3A_337] : memref<256x128xf32, #tpu.memory_space<vmem>> -> memref<4x128xf32, #tpu.memory_space<vmem>>
    %dma_wait3A_339 = arith.constant 0 : i32
    %dma_wait3A_340 = arith.constant 0 : i32
    %dma_wait3A_341 = tpu.memref_slice %arg8[%add3A, %dma_wait3A_339, %dma_wait3A_340] : memref<32x4x128xf32, #tpu.memory_space<hbm>> -> memref<1x4x128xf32, #tpu.memory_space<hbm>>
    %dma_wait3A_342 = tpu.memref_squeeze %dma_wait3A_341 : memref<1x4x128xf32, #tpu.memory_space<hbm>> -> memref<4x128xf32, #tpu.memory_space<hbm>>
    %dma_wait3A_343 = arith.constant 36 : i32
    %dma_wait3A_344 = arith.constant 0 : i32
    %dma_wait3A_345 = tpu.memref_slice %arg11[%dma_wait3A_343, %dma_wait3A_344] : memref<256x128xf32, #tpu.memory_space<vmem>> -> memref<4x128xf32, #tpu.memory_space<vmem>>
    %dma_wait3A_346 = arith.constant 0 : i32
    %dma_wait3A_347 = arith.constant 0 : i32
    %dma_wait3A_348 = tpu.memref_slice %arg8[%add3A, %dma_wait3A_346, %dma_wait3A_347] : memref<32x4x128xf32, #tpu.memory_space<hbm>> -> memref<1x4x128xf32, #tpu.memory_space<hbm>>
    %dma_wait3A_349 = tpu.memref_squeeze %dma_wait3A_348 : memref<1x4x128xf32, #tpu.memory_space<hbm>> -> memref<4x128xf32, #tpu.memory_space<hbm>>
    tpu.wait_dma2 semaphore(%arg17 : memref<!tpu.dma_semaphore, #tpu.memory_space<semaphore_mem>>) src(%dma_wait3A_349 : memref<4x128xf32, #tpu.memory_space<hbm>>) dst(%dma_wait3A_345 : memref<4x128xf32, #tpu.memory_space<vmem>>)
    %dma_wait3A_350 = arith.constant 36 : i32
    %dma_wait3A_351 = arith.constant 0 : i32
    %dma_wait3A_352 = tpu.memref_slice %arg12[%dma_wait3A_350, %dma_wait3A_351] : memref<256x128xf32, #tpu.memory_space<vmem>> -> memref<4x128xf32, #tpu.memory_space<vmem>>
    %dma_wait3A_353 = arith.constant 0 : i32
    %dma_wait3A_354 = arith.constant 0 : i32
    %dma_wait3A_355 = tpu.memref_slice %arg8[%add3A, %dma_wait3A_353, %dma_wait3A_354] : memref<32x4x128xf32, #tpu.memory_space<hbm>> -> memref<1x4x128xf32, #tpu.memory_space<hbm>>
    %dma_wait3A_356 = tpu.memref_squeeze %dma_wait3A_355 : memref<1x4x128xf32, #tpu.memory_space<hbm>> -> memref<4x128xf32, #tpu.memory_space<hbm>>
    %dma_wait3A_357 = arith.constant 36 : i32
    %dma_wait3A_358 = arith.constant 0 : i32
    %dma_wait3A_359 = tpu.memref_slice %arg12[%dma_wait3A_357, %dma_wait3A_358] : memref<256x128xf32, #tpu.memory_space<vmem>> -> memref<4x128xf32, #tpu.memory_space<vmem>>
    %dma_wait3A_360 = arith.constant 0 : i32
    %dma_wait3A_361 = arith.constant 0 : i32
    %dma_wait3A_362 = tpu.memref_slice %arg8[%add3A, %dma_wait3A_360, %dma_wait3A_361] : memref<32x4x128xf32, #tpu.memory_space<hbm>> -> memref<1x4x128xf32, #tpu.memory_space<hbm>>
    %dma_wait3A_363 = tpu.memref_squeeze %dma_wait3A_362 : memref<1x4x128xf32, #tpu.memory_space<hbm>> -> memref<4x128xf32, #tpu.memory_space<hbm>>
    tpu.wait_dma2 semaphore(%arg18 : memref<!tpu.dma_semaphore, #tpu.memory_space<semaphore_mem>>) src(%dma_wait3A_363 : memref<4x128xf32, #tpu.memory_space<hbm>>) dst(%dma_wait3A_359 : memref<4x128xf32, #tpu.memory_space<vmem>>)
    %dma_wait3A_364 = arith.constant 40 : i32
    %dma_wait3A_365 = arith.constant 0 : i32
    %dma_wait3A_366 = tpu.memref_slice %arg11[%dma_wait3A_364, %dma_wait3A_365] : memref<256x128xf32, #tpu.memory_space<vmem>> -> memref<4x128xf32, #tpu.memory_space<vmem>>
    %dma_wait3A_367 = arith.constant 0 : i32
    %dma_wait3A_368 = arith.constant 0 : i32
    %dma_wait3A_369 = tpu.memref_slice %arg8[%add3A, %dma_wait3A_367, %dma_wait3A_368] : memref<32x4x128xf32, #tpu.memory_space<hbm>> -> memref<1x4x128xf32, #tpu.memory_space<hbm>>
    %dma_wait3A_370 = tpu.memref_squeeze %dma_wait3A_369 : memref<1x4x128xf32, #tpu.memory_space<hbm>> -> memref<4x128xf32, #tpu.memory_space<hbm>>
    %dma_wait3A_371 = arith.constant 40 : i32
    %dma_wait3A_372 = arith.constant 0 : i32
    %dma_wait3A_373 = tpu.memref_slice %arg11[%dma_wait3A_371, %dma_wait3A_372] : memref<256x128xf32, #tpu.memory_space<vmem>> -> memref<4x128xf32, #tpu.memory_space<vmem>>
    %dma_wait3A_374 = arith.constant 0 : i32
    %dma_wait3A_375 = arith.constant 0 : i32
    %dma_wait3A_376 = tpu.memref_slice %arg8[%add3A, %dma_wait3A_374, %dma_wait3A_375] : memref<32x4x128xf32, #tpu.memory_space<hbm>> -> memref<1x4x128xf32, #tpu.memory_space<hbm>>
    %dma_wait3A_377 = tpu.memref_squeeze %dma_wait3A_376 : memref<1x4x128xf32, #tpu.memory_space<hbm>> -> memref<4x128xf32, #tpu.memory_space<hbm>>
    tpu.wait_dma2 semaphore(%arg17 : memref<!tpu.dma_semaphore, #tpu.memory_space<semaphore_mem>>) src(%dma_wait3A_377 : memref<4x128xf32, #tpu.memory_space<hbm>>) dst(%dma_wait3A_373 : memref<4x128xf32, #tpu.memory_space<vmem>>)
    %dma_wait3A_378 = arith.constant 40 : i32
    %dma_wait3A_379 = arith.constant 0 : i32
    %dma_wait3A_380 = tpu.memref_slice %arg12[%dma_wait3A_378, %dma_wait3A_379] : memref<256x128xf32, #tpu.memory_space<vmem>> -> memref<4x128xf32, #tpu.memory_space<vmem>>
    %dma_wait3A_381 = arith.constant 0 : i32
    %dma_wait3A_382 = arith.constant 0 : i32
    %dma_wait3A_383 = tpu.memref_slice %arg8[%add3A, %dma_wait3A_381, %dma_wait3A_382] : memref<32x4x128xf32, #tpu.memory_space<hbm>> -> memref<1x4x128xf32, #tpu.memory_space<hbm>>
    %dma_wait3A_384 = tpu.memref_squeeze %dma_wait3A_383 : memref<1x4x128xf32, #tpu.memory_space<hbm>> -> memref<4x128xf32, #tpu.memory_space<hbm>>
    %dma_wait3A_385 = arith.constant 40 : i32
    %dma_wait3A_386 = arith.constant 0 : i32
    %dma_wait3A_387 = tpu.memref_slice %arg12[%dma_wait3A_385, %dma_wait3A_386] : memref<256x128xf32, #tpu.memory_space<vmem>> -> memref<4x128xf32, #tpu.memory_space<vmem>>
    %dma_wait3A_388 = arith.constant 0 : i32
    %dma_wait3A_389 = arith.constant 0 : i32
    %dma_wait3A_390 = tpu.memref_slice %arg8[%add3A, %dma_wait3A_388, %dma_wait3A_389] : memref<32x4x128xf32, #tpu.memory_space<hbm>> -> memref<1x4x128xf32, #tpu.memory_space<hbm>>
    %dma_wait3A_391 = tpu.memref_squeeze %dma_wait3A_390 : memref<1x4x128xf32, #tpu.memory_space<hbm>> -> memref<4x128xf32, #tpu.memory_space<hbm>>
    tpu.wait_dma2 semaphore(%arg18 : memref<!tpu.dma_semaphore, #tpu.memory_space<semaphore_mem>>) src(%dma_wait3A_391 : memref<4x128xf32, #tpu.memory_space<hbm>>) dst(%dma_wait3A_387 : memref<4x128xf32, #tpu.memory_space<vmem>>)
    %dma_wait3A_392 = arith.constant 44 : i32
    %dma_wait3A_393 = arith.constant 0 : i32
    %dma_wait3A_394 = tpu.memref_slice %arg11[%dma_wait3A_392, %dma_wait3A_393] : memref<256x128xf32, #tpu.memory_space<vmem>> -> memref<4x128xf32, #tpu.memory_space<vmem>>
    %dma_wait3A_395 = arith.constant 0 : i32
    %dma_wait3A_396 = arith.constant 0 : i32
    %dma_wait3A_397 = tpu.memref_slice %arg8[%add3A, %dma_wait3A_395, %dma_wait3A_396] : memref<32x4x128xf32, #tpu.memory_space<hbm>> -> memref<1x4x128xf32, #tpu.memory_space<hbm>>
    %dma_wait3A_398 = tpu.memref_squeeze %dma_wait3A_397 : memref<1x4x128xf32, #tpu.memory_space<hbm>> -> memref<4x128xf32, #tpu.memory_space<hbm>>
    %dma_wait3A_399 = arith.constant 44 : i32
    %dma_wait3A_400 = arith.constant 0 : i32
    %dma_wait3A_401 = tpu.memref_slice %arg11[%dma_wait3A_399, %dma_wait3A_400] : memref<256x128xf32, #tpu.memory_space<vmem>> -> memref<4x128xf32, #tpu.memory_space<vmem>>
    %dma_wait3A_402 = arith.constant 0 : i32
    %dma_wait3A_403 = arith.constant 0 : i32
    %dma_wait3A_404 = tpu.memref_slice %arg8[%add3A, %dma_wait3A_402, %dma_wait3A_403] : memref<32x4x128xf32, #tpu.memory_space<hbm>> -> memref<1x4x128xf32, #tpu.memory_space<hbm>>
    %dma_wait3A_405 = tpu.memref_squeeze %dma_wait3A_404 : memref<1x4x128xf32, #tpu.memory_space<hbm>> -> memref<4x128xf32, #tpu.memory_space<hbm>>
    tpu.wait_dma2 semaphore(%arg17 : memref<!tpu.dma_semaphore, #tpu.memory_space<semaphore_mem>>) src(%dma_wait3A_405 : memref<4x128xf32, #tpu.memory_space<hbm>>) dst(%dma_wait3A_401 : memref<4x128xf32, #tpu.memory_space<vmem>>)
    %dma_wait3A_406 = arith.constant 44 : i32
    %dma_wait3A_407 = arith.constant 0 : i32
    %dma_wait3A_408 = tpu.memref_slice %arg12[%dma_wait3A_406, %dma_wait3A_407] : memref<256x128xf32, #tpu.memory_space<vmem>> -> memref<4x128xf32, #tpu.memory_space<vmem>>
    %dma_wait3A_409 = arith.constant 0 : i32
    %dma_wait3A_410 = arith.constant 0 : i32
    %dma_wait3A_411 = tpu.memref_slice %arg8[%add3A, %dma_wait3A_409, %dma_wait3A_410] : memref<32x4x128xf32, #tpu.memory_space<hbm>> -> memref<1x4x128xf32, #tpu.memory_space<hbm>>
    %dma_wait3A_412 = tpu.memref_squeeze %dma_wait3A_411 : memref<1x4x128xf32, #tpu.memory_space<hbm>> -> memref<4x128xf32, #tpu.memory_space<hbm>>
    %dma_wait3A_413 = arith.constant 44 : i32
    %dma_wait3A_414 = arith.constant 0 : i32
    %dma_wait3A_415 = tpu.memref_slice %arg12[%dma_wait3A_413, %dma_wait3A_414] : memref<256x128xf32, #tpu.memory_space<vmem>> -> memref<4x128xf32, #tpu.memory_space<vmem>>
    %dma_wait3A_416 = arith.constant 0 : i32
    %dma_wait3A_417 = arith.constant 0 : i32
    %dma_wait3A_418 = tpu.memref_slice %arg8[%add3A, %dma_wait3A_416, %dma_wait3A_417] : memref<32x4x128xf32, #tpu.memory_space<hbm>> -> memref<1x4x128xf32, #tpu.memory_space<hbm>>
    %dma_wait3A_419 = tpu.memref_squeeze %dma_wait3A_418 : memref<1x4x128xf32, #tpu.memory_space<hbm>> -> memref<4x128xf32, #tpu.memory_space<hbm>>
    tpu.wait_dma2 semaphore(%arg18 : memref<!tpu.dma_semaphore, #tpu.memory_space<semaphore_mem>>) src(%dma_wait3A_419 : memref<4x128xf32, #tpu.memory_space<hbm>>) dst(%dma_wait3A_415 : memref<4x128xf32, #tpu.memory_space<vmem>>)
    %dma_wait3A_420 = arith.constant 48 : i32
    %dma_wait3A_421 = arith.constant 0 : i32
    %dma_wait3A_422 = tpu.memref_slice %arg11[%dma_wait3A_420, %dma_wait3A_421] : memref<256x128xf32, #tpu.memory_space<vmem>> -> memref<4x128xf32, #tpu.memory_space<vmem>>
    %dma_wait3A_423 = arith.constant 0 : i32
    %dma_wait3A_424 = arith.constant 0 : i32
    %dma_wait3A_425 = tpu.memref_slice %arg8[%add3A, %dma_wait3A_423, %dma_wait3A_424] : memref<32x4x128xf32, #tpu.memory_space<hbm>> -> memref<1x4x128xf32, #tpu.memory_space<hbm>>
    %dma_wait3A_426 = tpu.memref_squeeze %dma_wait3A_425 : memref<1x4x128xf32, #tpu.memory_space<hbm>> -> memref<4x128xf32, #tpu.memory_space<hbm>>
    %dma_wait3A_427 = arith.constant 48 : i32
    %dma_wait3A_428 = arith.constant 0 : i32
    %dma_wait3A_429 = tpu.memref_slice %arg11[%dma_wait3A_427, %dma_wait3A_428] : memref<256x128xf32, #tpu.memory_space<vmem>> -> memref<4x128xf32, #tpu.memory_space<vmem>>
    %dma_wait3A_430 = arith.constant 0 : i32
    %dma_wait3A_431 = arith.constant 0 : i32
    %dma_wait3A_432 = tpu.memref_slice %arg8[%add3A, %dma_wait3A_430, %dma_wait3A_431] : memref<32x4x128xf32, #tpu.memory_space<hbm>> -> memref<1x4x128xf32, #tpu.memory_space<hbm>>
    %dma_wait3A_433 = tpu.memref_squeeze %dma_wait3A_432 : memref<1x4x128xf32, #tpu.memory_space<hbm>> -> memref<4x128xf32, #tpu.memory_space<hbm>>
    tpu.wait_dma2 semaphore(%arg17 : memref<!tpu.dma_semaphore, #tpu.memory_space<semaphore_mem>>) src(%dma_wait3A_433 : memref<4x128xf32, #tpu.memory_space<hbm>>) dst(%dma_wait3A_429 : memref<4x128xf32, #tpu.memory_space<vmem>>)
    %dma_wait3A_434 = arith.constant 48 : i32
    %dma_wait3A_435 = arith.constant 0 : i32
    %dma_wait3A_436 = tpu.memref_slice %arg12[%dma_wait3A_434, %dma_wait3A_435] : memref<256x128xf32, #tpu.memory_space<vmem>> -> memref<4x128xf32, #tpu.memory_space<vmem>>
    %dma_wait3A_437 = arith.constant 0 : i32
    %dma_wait3A_438 = arith.constant 0 : i32
    %dma_wait3A_439 = tpu.memref_slice %arg8[%add3A, %dma_wait3A_437, %dma_wait3A_438] : memref<32x4x128xf32, #tpu.memory_space<hbm>> -> memref<1x4x128xf32, #tpu.memory_space<hbm>>
    %dma_wait3A_440 = tpu.memref_squeeze %dma_wait3A_439 : memref<1x4x128xf32, #tpu.memory_space<hbm>> -> memref<4x128xf32, #tpu.memory_space<hbm>>
    %dma_wait3A_441 = arith.constant 48 : i32
    %dma_wait3A_442 = arith.constant 0 : i32
    %dma_wait3A_443 = tpu.memref_slice %arg12[%dma_wait3A_441, %dma_wait3A_442] : memref<256x128xf32, #tpu.memory_space<vmem>> -> memref<4x128xf32, #tpu.memory_space<vmem>>
    %dma_wait3A_444 = arith.constant 0 : i32
    %dma_wait3A_445 = arith.constant 0 : i32
    %dma_wait3A_446 = tpu.memref_slice %arg8[%add3A, %dma_wait3A_444, %dma_wait3A_445] : memref<32x4x128xf32, #tpu.memory_space<hbm>> -> memref<1x4x128xf32, #tpu.memory_space<hbm>>
    %dma_wait3A_447 = tpu.memref_squeeze %dma_wait3A_446 : memref<1x4x128xf32, #tpu.memory_space<hbm>> -> memref<4x128xf32, #tpu.memory_space<hbm>>
    tpu.wait_dma2 semaphore(%arg18 : memref<!tpu.dma_semaphore, #tpu.memory_space<semaphore_mem>>) src(%dma_wait3A_447 : memref<4x128xf32, #tpu.memory_space<hbm>>) dst(%dma_wait3A_443 : memref<4x128xf32, #tpu.memory_space<vmem>>)
    %dma_wait3A_448 = arith.constant 52 : i32
    %dma_wait3A_449 = arith.constant 0 : i32
    %dma_wait3A_450 = tpu.memref_slice %arg11[%dma_wait3A_448, %dma_wait3A_449] : memref<256x128xf32, #tpu.memory_space<vmem>> -> memref<4x128xf32, #tpu.memory_space<vmem>>
    %dma_wait3A_451 = arith.constant 0 : i32
    %dma_wait3A_452 = arith.constant 0 : i32
    %dma_wait3A_453 = tpu.memref_slice %arg8[%add3A, %dma_wait3A_451, %dma_wait3A_452] : memref<32x4x128xf32, #tpu.memory_space<hbm>> -> memref<1x4x128xf32, #tpu.memory_space<hbm>>
    %dma_wait3A_454 = tpu.memref_squeeze %dma_wait3A_453 : memref<1x4x128xf32, #tpu.memory_space<hbm>> -> memref<4x128xf32, #tpu.memory_space<hbm>>
    %dma_wait3A_455 = arith.constant 52 : i32
    %dma_wait3A_456 = arith.constant 0 : i32
    %dma_wait3A_457 = tpu.memref_slice %arg11[%dma_wait3A_455, %dma_wait3A_456] : memref<256x128xf32, #tpu.memory_space<vmem>> -> memref<4x128xf32, #tpu.memory_space<vmem>>
    %dma_wait3A_458 = arith.constant 0 : i32
    %dma_wait3A_459 = arith.constant 0 : i32
    %dma_wait3A_460 = tpu.memref_slice %arg8[%add3A, %dma_wait3A_458, %dma_wait3A_459] : memref<32x4x128xf32, #tpu.memory_space<hbm>> -> memref<1x4x128xf32, #tpu.memory_space<hbm>>
    %dma_wait3A_461 = tpu.memref_squeeze %dma_wait3A_460 : memref<1x4x128xf32, #tpu.memory_space<hbm>> -> memref<4x128xf32, #tpu.memory_space<hbm>>
    tpu.wait_dma2 semaphore(%arg17 : memref<!tpu.dma_semaphore, #tpu.memory_space<semaphore_mem>>) src(%dma_wait3A_461 : memref<4x128xf32, #tpu.memory_space<hbm>>) dst(%dma_wait3A_457 : memref<4x128xf32, #tpu.memory_space<vmem>>)
    %dma_wait3A_462 = arith.constant 52 : i32
    %dma_wait3A_463 = arith.constant 0 : i32
    %dma_wait3A_464 = tpu.memref_slice %arg12[%dma_wait3A_462, %dma_wait3A_463] : memref<256x128xf32, #tpu.memory_space<vmem>> -> memref<4x128xf32, #tpu.memory_space<vmem>>
    %dma_wait3A_465 = arith.constant 0 : i32
    %dma_wait3A_466 = arith.constant 0 : i32
    %dma_wait3A_467 = tpu.memref_slice %arg8[%add3A, %dma_wait3A_465, %dma_wait3A_466] : memref<32x4x128xf32, #tpu.memory_space<hbm>> -> memref<1x4x128xf32, #tpu.memory_space<hbm>>
    %dma_wait3A_468 = tpu.memref_squeeze %dma_wait3A_467 : memref<1x4x128xf32, #tpu.memory_space<hbm>> -> memref<4x128xf32, #tpu.memory_space<hbm>>
    %dma_wait3A_469 = arith.constant 52 : i32
    %dma_wait3A_470 = arith.constant 0 : i32
    %dma_wait3A_471 = tpu.memref_slice %arg12[%dma_wait3A_469, %dma_wait3A_470] : memref<256x128xf32, #tpu.memory_space<vmem>> -> memref<4x128xf32, #tpu.memory_space<vmem>>
    %dma_wait3A_472 = arith.constant 0 : i32
    %dma_wait3A_473 = arith.constant 0 : i32
    %dma_wait3A_474 = tpu.memref_slice %arg8[%add3A, %dma_wait3A_472, %dma_wait3A_473] : memref<32x4x128xf32, #tpu.memory_space<hbm>> -> memref<1x4x128xf32, #tpu.memory_space<hbm>>
    %dma_wait3A_475 = tpu.memref_squeeze %dma_wait3A_474 : memref<1x4x128xf32, #tpu.memory_space<hbm>> -> memref<4x128xf32, #tpu.memory_space<hbm>>
    tpu.wait_dma2 semaphore(%arg18 : memref<!tpu.dma_semaphore, #tpu.memory_space<semaphore_mem>>) src(%dma_wait3A_475 : memref<4x128xf32, #tpu.memory_space<hbm>>) dst(%dma_wait3A_471 : memref<4x128xf32, #tpu.memory_space<vmem>>)
    %dma_wait3A_476 = arith.constant 56 : i32
    %dma_wait3A_477 = arith.constant 0 : i32
    %dma_wait3A_478 = tpu.memref_slice %arg11[%dma_wait3A_476, %dma_wait3A_477] : memref<256x128xf32, #tpu.memory_space<vmem>> -> memref<4x128xf32, #tpu.memory_space<vmem>>
    %dma_wait3A_479 = arith.constant 0 : i32
    %dma_wait3A_480 = arith.constant 0 : i32
    %dma_wait3A_481 = tpu.memref_slice %arg8[%add3A, %dma_wait3A_479, %dma_wait3A_480] : memref<32x4x128xf32, #tpu.memory_space<hbm>> -> memref<1x4x128xf32, #tpu.memory_space<hbm>>
    %dma_wait3A_482 = tpu.memref_squeeze %dma_wait3A_481 : memref<1x4x128xf32, #tpu.memory_space<hbm>> -> memref<4x128xf32, #tpu.memory_space<hbm>>
    %dma_wait3A_483 = arith.constant 56 : i32
    %dma_wait3A_484 = arith.constant 0 : i32
    %dma_wait3A_485 = tpu.memref_slice %arg11[%dma_wait3A_483, %dma_wait3A_484] : memref<256x128xf32, #tpu.memory_space<vmem>> -> memref<4x128xf32, #tpu.memory_space<vmem>>
    %dma_wait3A_486 = arith.constant 0 : i32
    %dma_wait3A_487 = arith.constant 0 : i32
    %dma_wait3A_488 = tpu.memref_slice %arg8[%add3A, %dma_wait3A_486, %dma_wait3A_487] : memref<32x4x128xf32, #tpu.memory_space<hbm>> -> memref<1x4x128xf32, #tpu.memory_space<hbm>>
    %dma_wait3A_489 = tpu.memref_squeeze %dma_wait3A_488 : memref<1x4x128xf32, #tpu.memory_space<hbm>> -> memref<4x128xf32, #tpu.memory_space<hbm>>
    tpu.wait_dma2 semaphore(%arg17 : memref<!tpu.dma_semaphore, #tpu.memory_space<semaphore_mem>>) src(%dma_wait3A_489 : memref<4x128xf32, #tpu.memory_space<hbm>>) dst(%dma_wait3A_485 : memref<4x128xf32, #tpu.memory_space<vmem>>)
    %dma_wait3A_490 = arith.constant 56 : i32
    %dma_wait3A_491 = arith.constant 0 : i32
    %dma_wait3A_492 = tpu.memref_slice %arg12[%dma_wait3A_490, %dma_wait3A_491] : memref<256x128xf32, #tpu.memory_space<vmem>> -> memref<4x128xf32, #tpu.memory_space<vmem>>
    %dma_wait3A_493 = arith.constant 0 : i32
    %dma_wait3A_494 = arith.constant 0 : i32
    %dma_wait3A_495 = tpu.memref_slice %arg8[%add3A, %dma_wait3A_493, %dma_wait3A_494] : memref<32x4x128xf32, #tpu.memory_space<hbm>> -> memref<1x4x128xf32, #tpu.memory_space<hbm>>
    %dma_wait3A_496 = tpu.memref_squeeze %dma_wait3A_495 : memref<1x4x128xf32, #tpu.memory_space<hbm>> -> memref<4x128xf32, #tpu.memory_space<hbm>>
    %dma_wait3A_497 = arith.constant 56 : i32
    %dma_wait3A_498 = arith.constant 0 : i32
    %dma_wait3A_499 = tpu.memref_slice %arg12[%dma_wait3A_497, %dma_wait3A_498] : memref<256x128xf32, #tpu.memory_space<vmem>> -> memref<4x128xf32, #tpu.memory_space<vmem>>
    %dma_wait3A_500 = arith.constant 0 : i32
    %dma_wait3A_501 = arith.constant 0 : i32
    %dma_wait3A_502 = tpu.memref_slice %arg8[%add3A, %dma_wait3A_500, %dma_wait3A_501] : memref<32x4x128xf32, #tpu.memory_space<hbm>> -> memref<1x4x128xf32, #tpu.memory_space<hbm>>
    %dma_wait3A_503 = tpu.memref_squeeze %dma_wait3A_502 : memref<1x4x128xf32, #tpu.memory_space<hbm>> -> memref<4x128xf32, #tpu.memory_space<hbm>>
    tpu.wait_dma2 semaphore(%arg18 : memref<!tpu.dma_semaphore, #tpu.memory_space<semaphore_mem>>) src(%dma_wait3A_503 : memref<4x128xf32, #tpu.memory_space<hbm>>) dst(%dma_wait3A_499 : memref<4x128xf32, #tpu.memory_space<vmem>>)
    %dma_wait3A_504 = arith.constant 60 : i32
    %dma_wait3A_505 = arith.constant 0 : i32
    %dma_wait3A_506 = tpu.memref_slice %arg11[%dma_wait3A_504, %dma_wait3A_505] : memref<256x128xf32, #tpu.memory_space<vmem>> -> memref<4x128xf32, #tpu.memory_space<vmem>>
    %dma_wait3A_507 = arith.constant 0 : i32
    %dma_wait3A_508 = arith.constant 0 : i32
    %dma_wait3A_509 = tpu.memref_slice %arg8[%add3A, %dma_wait3A_507, %dma_wait3A_508] : memref<32x4x128xf32, #tpu.memory_space<hbm>> -> memref<1x4x128xf32, #tpu.memory_space<hbm>>
    %dma_wait3A_510 = tpu.memref_squeeze %dma_wait3A_509 : memref<1x4x128xf32, #tpu.memory_space<hbm>> -> memref<4x128xf32, #tpu.memory_space<hbm>>
    %dma_wait3A_511 = arith.constant 60 : i32
    %dma_wait3A_512 = arith.constant 0 : i32
    %dma_wait3A_513 = tpu.memref_slice %arg11[%dma_wait3A_511, %dma_wait3A_512] : memref<256x128xf32, #tpu.memory_space<vmem>> -> memref<4x128xf32, #tpu.memory_space<vmem>>
    %dma_wait3A_514 = arith.constant 0 : i32
    %dma_wait3A_515 = arith.constant 0 : i32
    %dma_wait3A_516 = tpu.memref_slice %arg8[%add3A, %dma_wait3A_514, %dma_wait3A_515] : memref<32x4x128xf32, #tpu.memory_space<hbm>> -> memref<1x4x128xf32, #tpu.memory_space<hbm>>
    %dma_wait3A_517 = tpu.memref_squeeze %dma_wait3A_516 : memref<1x4x128xf32, #tpu.memory_space<hbm>> -> memref<4x128xf32, #tpu.memory_space<hbm>>
    tpu.wait_dma2 semaphore(%arg17 : memref<!tpu.dma_semaphore, #tpu.memory_space<semaphore_mem>>) src(%dma_wait3A_517 : memref<4x128xf32, #tpu.memory_space<hbm>>) dst(%dma_wait3A_513 : memref<4x128xf32, #tpu.memory_space<vmem>>)
    %dma_wait3A_518 = arith.constant 60 : i32
    %dma_wait3A_519 = arith.constant 0 : i32
    %dma_wait3A_520 = tpu.memref_slice %arg12[%dma_wait3A_518, %dma_wait3A_519] : memref<256x128xf32, #tpu.memory_space<vmem>> -> memref<4x128xf32, #tpu.memory_space<vmem>>
    %dma_wait3A_521 = arith.constant 0 : i32
    %dma_wait3A_522 = arith.constant 0 : i32
    %dma_wait3A_523 = tpu.memref_slice %arg8[%add3A, %dma_wait3A_521, %dma_wait3A_522] : memref<32x4x128xf32, #tpu.memory_space<hbm>> -> memref<1x4x128xf32, #tpu.memory_space<hbm>>
    %dma_wait3A_524 = tpu.memref_squeeze %dma_wait3A_523 : memref<1x4x128xf32, #tpu.memory_space<hbm>> -> memref<4x128xf32, #tpu.memory_space<hbm>>
    %dma_wait3A_525 = arith.constant 60 : i32
    %dma_wait3A_526 = arith.constant 0 : i32
    %dma_wait3A_527 = tpu.memref_slice %arg12[%dma_wait3A_525, %dma_wait3A_526] : memref<256x128xf32, #tpu.memory_space<vmem>> -> memref<4x128xf32, #tpu.memory_space<vmem>>
    %dma_wait3A_528 = arith.constant 0 : i32
    %dma_wait3A_529 = arith.constant 0 : i32
    %dma_wait3A_530 = tpu.memref_slice %arg8[%add3A, %dma_wait3A_528, %dma_wait3A_529] : memref<32x4x128xf32, #tpu.memory_space<hbm>> -> memref<1x4x128xf32, #tpu.memory_space<hbm>>
    %dma_wait3A_531 = tpu.memref_squeeze %dma_wait3A_530 : memref<1x4x128xf32, #tpu.memory_space<hbm>> -> memref<4x128xf32, #tpu.memory_space<hbm>>
    tpu.wait_dma2 semaphore(%arg18 : memref<!tpu.dma_semaphore, #tpu.memory_space<semaphore_mem>>) src(%dma_wait3A_531 : memref<4x128xf32, #tpu.memory_space<hbm>>) dst(%dma_wait3A_527 : memref<4x128xf32, #tpu.memory_space<vmem>>)
    %dma_wait3A_532 = arith.constant 64 : i32
    %dma_wait3A_533 = arith.constant 0 : i32
    %dma_wait3A_534 = tpu.memref_slice %arg11[%dma_wait3A_532, %dma_wait3A_533] : memref<256x128xf32, #tpu.memory_space<vmem>> -> memref<4x128xf32, #tpu.memory_space<vmem>>
    %dma_wait3A_535 = arith.constant 0 : i32
    %dma_wait3A_536 = arith.constant 0 : i32
    %dma_wait3A_537 = tpu.memref_slice %arg8[%add3A, %dma_wait3A_535, %dma_wait3A_536] : memref<32x4x128xf32, #tpu.memory_space<hbm>> -> memref<1x4x128xf32, #tpu.memory_space<hbm>>
    %dma_wait3A_538 = tpu.memref_squeeze %dma_wait3A_537 : memref<1x4x128xf32, #tpu.memory_space<hbm>> -> memref<4x128xf32, #tpu.memory_space<hbm>>
    %dma_wait3A_539 = arith.constant 64 : i32
    %dma_wait3A_540 = arith.constant 0 : i32
    %dma_wait3A_541 = tpu.memref_slice %arg11[%dma_wait3A_539, %dma_wait3A_540] : memref<256x128xf32, #tpu.memory_space<vmem>> -> memref<4x128xf32, #tpu.memory_space<vmem>>
    %dma_wait3A_542 = arith.constant 0 : i32
    %dma_wait3A_543 = arith.constant 0 : i32
    %dma_wait3A_544 = tpu.memref_slice %arg8[%add3A, %dma_wait3A_542, %dma_wait3A_543] : memref<32x4x128xf32, #tpu.memory_space<hbm>> -> memref<1x4x128xf32, #tpu.memory_space<hbm>>
    %dma_wait3A_545 = tpu.memref_squeeze %dma_wait3A_544 : memref<1x4x128xf32, #tpu.memory_space<hbm>> -> memref<4x128xf32, #tpu.memory_space<hbm>>
    tpu.wait_dma2 semaphore(%arg17 : memref<!tpu.dma_semaphore, #tpu.memory_space<semaphore_mem>>) src(%dma_wait3A_545 : memref<4x128xf32, #tpu.memory_space<hbm>>) dst(%dma_wait3A_541 : memref<4x128xf32, #tpu.memory_space<vmem>>)
    %dma_wait3A_546 = arith.constant 64 : i32
    %dma_wait3A_547 = arith.constant 0 : i32
    %dma_wait3A_548 = tpu.memref_slice %arg12[%dma_wait3A_546, %dma_wait3A_547] : memref<256x128xf32, #tpu.memory_space<vmem>> -> memref<4x128xf32, #tpu.memory_space<vmem>>
    %dma_wait3A_549 = arith.constant 0 : i32
    %dma_wait3A_550 = arith.constant 0 : i32
    %dma_wait3A_551 = tpu.memref_slice %arg8[%add3A, %dma_wait3A_549, %dma_wait3A_550] : memref<32x4x128xf32, #tpu.memory_space<hbm>> -> memref<1x4x128xf32, #tpu.memory_space<hbm>>
    %dma_wait3A_552 = tpu.memref_squeeze %dma_wait3A_551 : memref<1x4x128xf32, #tpu.memory_space<hbm>> -> memref<4x128xf32, #tpu.memory_space<hbm>>
    %dma_wait3A_553 = arith.constant 64 : i32
    %dma_wait3A_554 = arith.constant 0 : i32
    %dma_wait3A_555 = tpu.memref_slice %arg12[%dma_wait3A_553, %dma_wait3A_554] : memref<256x128xf32, #tpu.memory_space<vmem>> -> memref<4x128xf32, #tpu.memory_space<vmem>>
    %dma_wait3A_556 = arith.constant 0 : i32
    %dma_wait3A_557 = arith.constant 0 : i32
    %dma_wait3A_558 = tpu.memref_slice %arg8[%add3A, %dma_wait3A_556, %dma_wait3A_557] : memref<32x4x128xf32, #tpu.memory_space<hbm>> -> memref<1x4x128xf32, #tpu.memory_space<hbm>>
    %dma_wait3A_559 = tpu.memref_squeeze %dma_wait3A_558 : memref<1x4x128xf32, #tpu.memory_space<hbm>> -> memref<4x128xf32, #tpu.memory_space<hbm>>
    tpu.wait_dma2 semaphore(%arg18 : memref<!tpu.dma_semaphore, #tpu.memory_space<semaphore_mem>>) src(%dma_wait3A_559 : memref<4x128xf32, #tpu.memory_space<hbm>>) dst(%dma_wait3A_555 : memref<4x128xf32, #tpu.memory_space<vmem>>)
    %dma_wait3A_560 = arith.constant 68 : i32
    %dma_wait3A_561 = arith.constant 0 : i32
    %dma_wait3A_562 = tpu.memref_slice %arg11[%dma_wait3A_560, %dma_wait3A_561] : memref<256x128xf32, #tpu.memory_space<vmem>> -> memref<4x128xf32, #tpu.memory_space<vmem>>
    %dma_wait3A_563 = arith.constant 0 : i32
    %dma_wait3A_564 = arith.constant 0 : i32
    %dma_wait3A_565 = tpu.memref_slice %arg8[%add3A, %dma_wait3A_563, %dma_wait3A_564] : memref<32x4x128xf32, #tpu.memory_space<hbm>> -> memref<1x4x128xf32, #tpu.memory_space<hbm>>
    %dma_wait3A_566 = tpu.memref_squeeze %dma_wait3A_565 : memref<1x4x128xf32, #tpu.memory_space<hbm>> -> memref<4x128xf32, #tpu.memory_space<hbm>>
    %dma_wait3A_567 = arith.constant 68 : i32
    %dma_wait3A_568 = arith.constant 0 : i32
    %dma_wait3A_569 = tpu.memref_slice %arg11[%dma_wait3A_567, %dma_wait3A_568] : memref<256x128xf32, #tpu.memory_space<vmem>> -> memref<4x128xf32, #tpu.memory_space<vmem>>
    %dma_wait3A_570 = arith.constant 0 : i32
    %dma_wait3A_571 = arith.constant 0 : i32
    %dma_wait3A_572 = tpu.memref_slice %arg8[%add3A, %dma_wait3A_570, %dma_wait3A_571] : memref<32x4x128xf32, #tpu.memory_space<hbm>> -> memref<1x4x128xf32, #tpu.memory_space<hbm>>
    %dma_wait3A_573 = tpu.memref_squeeze %dma_wait3A_572 : memref<1x4x128xf32, #tpu.memory_space<hbm>> -> memref<4x128xf32, #tpu.memory_space<hbm>>
    tpu.wait_dma2 semaphore(%arg17 : memref<!tpu.dma_semaphore, #tpu.memory_space<semaphore_mem>>) src(%dma_wait3A_573 : memref<4x128xf32, #tpu.memory_space<hbm>>) dst(%dma_wait3A_569 : memref<4x128xf32, #tpu.memory_space<vmem>>)
    %dma_wait3A_574 = arith.constant 68 : i32
    %dma_wait3A_575 = arith.constant 0 : i32
    %dma_wait3A_576 = tpu.memref_slice %arg12[%dma_wait3A_574, %dma_wait3A_575] : memref<256x128xf32, #tpu.memory_space<vmem>> -> memref<4x128xf32, #tpu.memory_space<vmem>>
    %dma_wait3A_577 = arith.constant 0 : i32
    %dma_wait3A_578 = arith.constant 0 : i32
    %dma_wait3A_579 = tpu.memref_slice %arg8[%add3A, %dma_wait3A_577, %dma_wait3A_578] : memref<32x4x128xf32, #tpu.memory_space<hbm>> -> memref<1x4x128xf32, #tpu.memory_space<hbm>>
    %dma_wait3A_580 = tpu.memref_squeeze %dma_wait3A_579 : memref<1x4x128xf32, #tpu.memory_space<hbm>> -> memref<4x128xf32, #tpu.memory_space<hbm>>
    %dma_wait3A_581 = arith.constant 68 : i32
    %dma_wait3A_582 = arith.constant 0 : i32
    %dma_wait3A_583 = tpu.memref_slice %arg12[%dma_wait3A_581, %dma_wait3A_582] : memref<256x128xf32, #tpu.memory_space<vmem>> -> memref<4x128xf32, #tpu.memory_space<vmem>>
    %dma_wait3A_584 = arith.constant 0 : i32
    %dma_wait3A_585 = arith.constant 0 : i32
    %dma_wait3A_586 = tpu.memref_slice %arg8[%add3A, %dma_wait3A_584, %dma_wait3A_585] : memref<32x4x128xf32, #tpu.memory_space<hbm>> -> memref<1x4x128xf32, #tpu.memory_space<hbm>>
    %dma_wait3A_587 = tpu.memref_squeeze %dma_wait3A_586 : memref<1x4x128xf32, #tpu.memory_space<hbm>> -> memref<4x128xf32, #tpu.memory_space<hbm>>
    tpu.wait_dma2 semaphore(%arg18 : memref<!tpu.dma_semaphore, #tpu.memory_space<semaphore_mem>>) src(%dma_wait3A_587 : memref<4x128xf32, #tpu.memory_space<hbm>>) dst(%dma_wait3A_583 : memref<4x128xf32, #tpu.memory_space<vmem>>)
    %dma_wait3A_588 = arith.constant 72 : i32
    %dma_wait3A_589 = arith.constant 0 : i32
    %dma_wait3A_590 = tpu.memref_slice %arg11[%dma_wait3A_588, %dma_wait3A_589] : memref<256x128xf32, #tpu.memory_space<vmem>> -> memref<4x128xf32, #tpu.memory_space<vmem>>
    %dma_wait3A_591 = arith.constant 0 : i32
    %dma_wait3A_592 = arith.constant 0 : i32
    %dma_wait3A_593 = tpu.memref_slice %arg8[%add3A, %dma_wait3A_591, %dma_wait3A_592] : memref<32x4x128xf32, #tpu.memory_space<hbm>> -> memref<1x4x128xf32, #tpu.memory_space<hbm>>
    %dma_wait3A_594 = tpu.memref_squeeze %dma_wait3A_593 : memref<1x4x128xf32, #tpu.memory_space<hbm>> -> memref<4x128xf32, #tpu.memory_space<hbm>>
    %dma_wait3A_595 = arith.constant 72 : i32
    %dma_wait3A_596 = arith.constant 0 : i32
    %dma_wait3A_597 = tpu.memref_slice %arg11[%dma_wait3A_595, %dma_wait3A_596] : memref<256x128xf32, #tpu.memory_space<vmem>> -> memref<4x128xf32, #tpu.memory_space<vmem>>
    %dma_wait3A_598 = arith.constant 0 : i32
    %dma_wait3A_599 = arith.constant 0 : i32
    %dma_wait3A_600 = tpu.memref_slice %arg8[%add3A, %dma_wait3A_598, %dma_wait3A_599] : memref<32x4x128xf32, #tpu.memory_space<hbm>> -> memref<1x4x128xf32, #tpu.memory_space<hbm>>
    %dma_wait3A_601 = tpu.memref_squeeze %dma_wait3A_600 : memref<1x4x128xf32, #tpu.memory_space<hbm>> -> memref<4x128xf32, #tpu.memory_space<hbm>>
    tpu.wait_dma2 semaphore(%arg17 : memref<!tpu.dma_semaphore, #tpu.memory_space<semaphore_mem>>) src(%dma_wait3A_601 : memref<4x128xf32, #tpu.memory_space<hbm>>) dst(%dma_wait3A_597 : memref<4x128xf32, #tpu.memory_space<vmem>>)
    %dma_wait3A_602 = arith.constant 72 : i32
    %dma_wait3A_603 = arith.constant 0 : i32
    %dma_wait3A_604 = tpu.memref_slice %arg12[%dma_wait3A_602, %dma_wait3A_603] : memref<256x128xf32, #tpu.memory_space<vmem>> -> memref<4x128xf32, #tpu.memory_space<vmem>>
    %dma_wait3A_605 = arith.constant 0 : i32
    %dma_wait3A_606 = arith.constant 0 : i32
    %dma_wait3A_607 = tpu.memref_slice %arg8[%add3A, %dma_wait3A_605, %dma_wait3A_606] : memref<32x4x128xf32, #tpu.memory_space<hbm>> -> memref<1x4x128xf32, #tpu.memory_space<hbm>>
    %dma_wait3A_608 = tpu.memref_squeeze %dma_wait3A_607 : memref<1x4x128xf32, #tpu.memory_space<hbm>> -> memref<4x128xf32, #tpu.memory_space<hbm>>
    %dma_wait3A_609 = arith.constant 72 : i32
    %dma_wait3A_610 = arith.constant 0 : i32
    %dma_wait3A_611 = tpu.memref_slice %arg12[%dma_wait3A_609, %dma_wait3A_610] : memref<256x128xf32, #tpu.memory_space<vmem>> -> memref<4x128xf32, #tpu.memory_space<vmem>>
    %dma_wait3A_612 = arith.constant 0 : i32
    %dma_wait3A_613 = arith.constant 0 : i32
    %dma_wait3A_614 = tpu.memref_slice %arg8[%add3A, %dma_wait3A_612, %dma_wait3A_613] : memref<32x4x128xf32, #tpu.memory_space<hbm>> -> memref<1x4x128xf32, #tpu.memory_space<hbm>>
    %dma_wait3A_615 = tpu.memref_squeeze %dma_wait3A_614 : memref<1x4x128xf32, #tpu.memory_space<hbm>> -> memref<4x128xf32, #tpu.memory_space<hbm>>
    tpu.wait_dma2 semaphore(%arg18 : memref<!tpu.dma_semaphore, #tpu.memory_space<semaphore_mem>>) src(%dma_wait3A_615 : memref<4x128xf32, #tpu.memory_space<hbm>>) dst(%dma_wait3A_611 : memref<4x128xf32, #tpu.memory_space<vmem>>)
    %dma_wait3A_616 = arith.constant 76 : i32
    %dma_wait3A_617 = arith.constant 0 : i32
    %dma_wait3A_618 = tpu.memref_slice %arg11[%dma_wait3A_616, %dma_wait3A_617] : memref<256x128xf32, #tpu.memory_space<vmem>> -> memref<4x128xf32, #tpu.memory_space<vmem>>
    %dma_wait3A_619 = arith.constant 0 : i32
    %dma_wait3A_620 = arith.constant 0 : i32
    %dma_wait3A_621 = tpu.memref_slice %arg8[%add3A, %dma_wait3A_619, %dma_wait3A_620] : memref<32x4x128xf32, #tpu.memory_space<hbm>> -> memref<1x4x128xf32, #tpu.memory_space<hbm>>
    %dma_wait3A_622 = tpu.memref_squeeze %dma_wait3A_621 : memref<1x4x128xf32, #tpu.memory_space<hbm>> -> memref<4x128xf32, #tpu.memory_space<hbm>>
    %dma_wait3A_623 = arith.constant 76 : i32
    %dma_wait3A_624 = arith.constant 0 : i32
    %dma_wait3A_625 = tpu.memref_slice %arg11[%dma_wait3A_623, %dma_wait3A_624] : memref<256x128xf32, #tpu.memory_space<vmem>> -> memref<4x128xf32, #tpu.memory_space<vmem>>
    %dma_wait3A_626 = arith.constant 0 : i32
    %dma_wait3A_627 = arith.constant 0 : i32
    %dma_wait3A_628 = tpu.memref_slice %arg8[%add3A, %dma_wait3A_626, %dma_wait3A_627] : memref<32x4x128xf32, #tpu.memory_space<hbm>> -> memref<1x4x128xf32, #tpu.memory_space<hbm>>
    %dma_wait3A_629 = tpu.memref_squeeze %dma_wait3A_628 : memref<1x4x128xf32, #tpu.memory_space<hbm>> -> memref<4x128xf32, #tpu.memory_space<hbm>>
    tpu.wait_dma2 semaphore(%arg17 : memref<!tpu.dma_semaphore, #tpu.memory_space<semaphore_mem>>) src(%dma_wait3A_629 : memref<4x128xf32, #tpu.memory_space<hbm>>) dst(%dma_wait3A_625 : memref<4x128xf32, #tpu.memory_space<vmem>>)
    %dma_wait3A_630 = arith.constant 76 : i32
    %dma_wait3A_631 = arith.constant 0 : i32
    %dma_wait3A_632 = tpu.memref_slice %arg12[%dma_wait3A_630, %dma_wait3A_631] : memref<256x128xf32, #tpu.memory_space<vmem>> -> memref<4x128xf32, #tpu.memory_space<vmem>>
    %dma_wait3A_633 = arith.constant 0 : i32
    %dma_wait3A_634 = arith.constant 0 : i32
    %dma_wait3A_635 = tpu.memref_slice %arg8[%add3A, %dma_wait3A_633, %dma_wait3A_634] : memref<32x4x128xf32, #tpu.memory_space<hbm>> -> memref<1x4x128xf32, #tpu.memory_space<hbm>>
    %dma_wait3A_636 = tpu.memref_squeeze %dma_wait3A_635 : memref<1x4x128xf32, #tpu.memory_space<hbm>> -> memref<4x128xf32, #tpu.memory_space<hbm>>
    %dma_wait3A_637 = arith.constant 76 : i32
    %dma_wait3A_638 = arith.constant 0 : i32
    %dma_wait3A_639 = tpu.memref_slice %arg12[%dma_wait3A_637, %dma_wait3A_638] : memref<256x128xf32, #tpu.memory_space<vmem>> -> memref<4x128xf32, #tpu.memory_space<vmem>>
    %dma_wait3A_640 = arith.constant 0 : i32
    %dma_wait3A_641 = arith.constant 0 : i32
    %dma_wait3A_642 = tpu.memref_slice %arg8[%add3A, %dma_wait3A_640, %dma_wait3A_641] : memref<32x4x128xf32, #tpu.memory_space<hbm>> -> memref<1x4x128xf32, #tpu.memory_space<hbm>>
    %dma_wait3A_643 = tpu.memref_squeeze %dma_wait3A_642 : memref<1x4x128xf32, #tpu.memory_space<hbm>> -> memref<4x128xf32, #tpu.memory_space<hbm>>
    tpu.wait_dma2 semaphore(%arg18 : memref<!tpu.dma_semaphore, #tpu.memory_space<semaphore_mem>>) src(%dma_wait3A_643 : memref<4x128xf32, #tpu.memory_space<hbm>>) dst(%dma_wait3A_639 : memref<4x128xf32, #tpu.memory_space<vmem>>)
    %dma_wait3A_644 = arith.constant 80 : i32
    %dma_wait3A_645 = arith.constant 0 : i32
    %dma_wait3A_646 = tpu.memref_slice %arg11[%dma_wait3A_644, %dma_wait3A_645] : memref<256x128xf32, #tpu.memory_space<vmem>> -> memref<4x128xf32, #tpu.memory_space<vmem>>
    %dma_wait3A_647 = arith.constant 0 : i32
    %dma_wait3A_648 = arith.constant 0 : i32
    %dma_wait3A_649 = tpu.memref_slice %arg8[%add3A, %dma_wait3A_647, %dma_wait3A_648] : memref<32x4x128xf32, #tpu.memory_space<hbm>> -> memref<1x4x128xf32, #tpu.memory_space<hbm>>
    %dma_wait3A_650 = tpu.memref_squeeze %dma_wait3A_649 : memref<1x4x128xf32, #tpu.memory_space<hbm>> -> memref<4x128xf32, #tpu.memory_space<hbm>>
    %dma_wait3A_651 = arith.constant 80 : i32
    %dma_wait3A_652 = arith.constant 0 : i32
    %dma_wait3A_653 = tpu.memref_slice %arg11[%dma_wait3A_651, %dma_wait3A_652] : memref<256x128xf32, #tpu.memory_space<vmem>> -> memref<4x128xf32, #tpu.memory_space<vmem>>
    %dma_wait3A_654 = arith.constant 0 : i32
    %dma_wait3A_655 = arith.constant 0 : i32
    %dma_wait3A_656 = tpu.memref_slice %arg8[%add3A, %dma_wait3A_654, %dma_wait3A_655] : memref<32x4x128xf32, #tpu.memory_space<hbm>> -> memref<1x4x128xf32, #tpu.memory_space<hbm>>
    %dma_wait3A_657 = tpu.memref_squeeze %dma_wait3A_656 : memref<1x4x128xf32, #tpu.memory_space<hbm>> -> memref<4x128xf32, #tpu.memory_space<hbm>>
    tpu.wait_dma2 semaphore(%arg17 : memref<!tpu.dma_semaphore, #tpu.memory_space<semaphore_mem>>) src(%dma_wait3A_657 : memref<4x128xf32, #tpu.memory_space<hbm>>) dst(%dma_wait3A_653 : memref<4x128xf32, #tpu.memory_space<vmem>>)
    %dma_wait3A_658 = arith.constant 80 : i32
    %dma_wait3A_659 = arith.constant 0 : i32
    %dma_wait3A_660 = tpu.memref_slice %arg12[%dma_wait3A_658, %dma_wait3A_659] : memref<256x128xf32, #tpu.memory_space<vmem>> -> memref<4x128xf32, #tpu.memory_space<vmem>>
    %dma_wait3A_661 = arith.constant 0 : i32
    %dma_wait3A_662 = arith.constant 0 : i32
    %dma_wait3A_663 = tpu.memref_slice %arg8[%add3A, %dma_wait3A_661, %dma_wait3A_662] : memref<32x4x128xf32, #tpu.memory_space<hbm>> -> memref<1x4x128xf32, #tpu.memory_space<hbm>>
    %dma_wait3A_664 = tpu.memref_squeeze %dma_wait3A_663 : memref<1x4x128xf32, #tpu.memory_space<hbm>> -> memref<4x128xf32, #tpu.memory_space<hbm>>
    %dma_wait3A_665 = arith.constant 80 : i32
    %dma_wait3A_666 = arith.constant 0 : i32
    %dma_wait3A_667 = tpu.memref_slice %arg12[%dma_wait3A_665, %dma_wait3A_666] : memref<256x128xf32, #tpu.memory_space<vmem>> -> memref<4x128xf32, #tpu.memory_space<vmem>>
    %dma_wait3A_668 = arith.constant 0 : i32
    %dma_wait3A_669 = arith.constant 0 : i32
    %dma_wait3A_670 = tpu.memref_slice %arg8[%add3A, %dma_wait3A_668, %dma_wait3A_669] : memref<32x4x128xf32, #tpu.memory_space<hbm>> -> memref<1x4x128xf32, #tpu.memory_space<hbm>>
    %dma_wait3A_671 = tpu.memref_squeeze %dma_wait3A_670 : memref<1x4x128xf32, #tpu.memory_space<hbm>> -> memref<4x128xf32, #tpu.memory_space<hbm>>
    tpu.wait_dma2 semaphore(%arg18 : memref<!tpu.dma_semaphore, #tpu.memory_space<semaphore_mem>>) src(%dma_wait3A_671 : memref<4x128xf32, #tpu.memory_space<hbm>>) dst(%dma_wait3A_667 : memref<4x128xf32, #tpu.memory_space<vmem>>)
    %dma_wait3A_672 = arith.constant 84 : i32
    %dma_wait3A_673 = arith.constant 0 : i32
    %dma_wait3A_674 = tpu.memref_slice %arg11[%dma_wait3A_672, %dma_wait3A_673] : memref<256x128xf32, #tpu.memory_space<vmem>> -> memref<4x128xf32, #tpu.memory_space<vmem>>
    %dma_wait3A_675 = arith.constant 0 : i32
    %dma_wait3A_676 = arith.constant 0 : i32
    %dma_wait3A_677 = tpu.memref_slice %arg8[%add3A, %dma_wait3A_675, %dma_wait3A_676] : memref<32x4x128xf32, #tpu.memory_space<hbm>> -> memref<1x4x128xf32, #tpu.memory_space<hbm>>
    %dma_wait3A_678 = tpu.memref_squeeze %dma_wait3A_677 : memref<1x4x128xf32, #tpu.memory_space<hbm>> -> memref<4x128xf32, #tpu.memory_space<hbm>>
    %dma_wait3A_679 = arith.constant 84 : i32
    %dma_wait3A_680 = arith.constant 0 : i32
    %dma_wait3A_681 = tpu.memref_slice %arg11[%dma_wait3A_679, %dma_wait3A_680] : memref<256x128xf32, #tpu.memory_space<vmem>> -> memref<4x128xf32, #tpu.memory_space<vmem>>
    %dma_wait3A_682 = arith.constant 0 : i32
    %dma_wait3A_683 = arith.constant 0 : i32
    %dma_wait3A_684 = tpu.memref_slice %arg8[%add3A, %dma_wait3A_682, %dma_wait3A_683] : memref<32x4x128xf32, #tpu.memory_space<hbm>> -> memref<1x4x128xf32, #tpu.memory_space<hbm>>
    %dma_wait3A_685 = tpu.memref_squeeze %dma_wait3A_684 : memref<1x4x128xf32, #tpu.memory_space<hbm>> -> memref<4x128xf32, #tpu.memory_space<hbm>>
    tpu.wait_dma2 semaphore(%arg17 : memref<!tpu.dma_semaphore, #tpu.memory_space<semaphore_mem>>) src(%dma_wait3A_685 : memref<4x128xf32, #tpu.memory_space<hbm>>) dst(%dma_wait3A_681 : memref<4x128xf32, #tpu.memory_space<vmem>>)
    %dma_wait3A_686 = arith.constant 84 : i32
    %dma_wait3A_687 = arith.constant 0 : i32
    %dma_wait3A_688 = tpu.memref_slice %arg12[%dma_wait3A_686, %dma_wait3A_687] : memref<256x128xf32, #tpu.memory_space<vmem>> -> memref<4x128xf32, #tpu.memory_space<vmem>>
    %dma_wait3A_689 = arith.constant 0 : i32
    %dma_wait3A_690 = arith.constant 0 : i32
    %dma_wait3A_691 = tpu.memref_slice %arg8[%add3A, %dma_wait3A_689, %dma_wait3A_690] : memref<32x4x128xf32, #tpu.memory_space<hbm>> -> memref<1x4x128xf32, #tpu.memory_space<hbm>>
    %dma_wait3A_692 = tpu.memref_squeeze %dma_wait3A_691 : memref<1x4x128xf32, #tpu.memory_space<hbm>> -> memref<4x128xf32, #tpu.memory_space<hbm>>
    %dma_wait3A_693 = arith.constant 84 : i32
    %dma_wait3A_694 = arith.constant 0 : i32
    %dma_wait3A_695 = tpu.memref_slice %arg12[%dma_wait3A_693, %dma_wait3A_694] : memref<256x128xf32, #tpu.memory_space<vmem>> -> memref<4x128xf32, #tpu.memory_space<vmem>>
    %dma_wait3A_696 = arith.constant 0 : i32
    %dma_wait3A_697 = arith.constant 0 : i32
    %dma_wait3A_698 = tpu.memref_slice %arg8[%add3A, %dma_wait3A_696, %dma_wait3A_697] : memref<32x4x128xf32, #tpu.memory_space<hbm>> -> memref<1x4x128xf32, #tpu.memory_space<hbm>>
    %dma_wait3A_699 = tpu.memref_squeeze %dma_wait3A_698 : memref<1x4x128xf32, #tpu.memory_space<hbm>> -> memref<4x128xf32, #tpu.memory_space<hbm>>
    tpu.wait_dma2 semaphore(%arg18 : memref<!tpu.dma_semaphore, #tpu.memory_space<semaphore_mem>>) src(%dma_wait3A_699 : memref<4x128xf32, #tpu.memory_space<hbm>>) dst(%dma_wait3A_695 : memref<4x128xf32, #tpu.memory_space<vmem>>)
    %dma_wait3A_700 = arith.constant 88 : i32
    %dma_wait3A_701 = arith.constant 0 : i32
    %dma_wait3A_702 = tpu.memref_slice %arg11[%dma_wait3A_700, %dma_wait3A_701] : memref<256x128xf32, #tpu.memory_space<vmem>> -> memref<4x128xf32, #tpu.memory_space<vmem>>
    %dma_wait3A_703 = arith.constant 0 : i32
    %dma_wait3A_704 = arith.constant 0 : i32
    %dma_wait3A_705 = tpu.memref_slice %arg8[%add3A, %dma_wait3A_703, %dma_wait3A_704] : memref<32x4x128xf32, #tpu.memory_space<hbm>> -> memref<1x4x128xf32, #tpu.memory_space<hbm>>
    %dma_wait3A_706 = tpu.memref_squeeze %dma_wait3A_705 : memref<1x4x128xf32, #tpu.memory_space<hbm>> -> memref<4x128xf32, #tpu.memory_space<hbm>>
    %dma_wait3A_707 = arith.constant 88 : i32
    %dma_wait3A_708 = arith.constant 0 : i32
    %dma_wait3A_709 = tpu.memref_slice %arg11[%dma_wait3A_707, %dma_wait3A_708] : memref<256x128xf32, #tpu.memory_space<vmem>> -> memref<4x128xf32, #tpu.memory_space<vmem>>
    %dma_wait3A_710 = arith.constant 0 : i32
    %dma_wait3A_711 = arith.constant 0 : i32
    %dma_wait3A_712 = tpu.memref_slice %arg8[%add3A, %dma_wait3A_710, %dma_wait3A_711] : memref<32x4x128xf32, #tpu.memory_space<hbm>> -> memref<1x4x128xf32, #tpu.memory_space<hbm>>
    %dma_wait3A_713 = tpu.memref_squeeze %dma_wait3A_712 : memref<1x4x128xf32, #tpu.memory_space<hbm>> -> memref<4x128xf32, #tpu.memory_space<hbm>>
    tpu.wait_dma2 semaphore(%arg17 : memref<!tpu.dma_semaphore, #tpu.memory_space<semaphore_mem>>) src(%dma_wait3A_713 : memref<4x128xf32, #tpu.memory_space<hbm>>) dst(%dma_wait3A_709 : memref<4x128xf32, #tpu.memory_space<vmem>>)
    %dma_wait3A_714 = arith.constant 88 : i32
    %dma_wait3A_715 = arith.constant 0 : i32
    %dma_wait3A_716 = tpu.memref_slice %arg12[%dma_wait3A_714, %dma_wait3A_715] : memref<256x128xf32, #tpu.memory_space<vmem>> -> memref<4x128xf32, #tpu.memory_space<vmem>>
    %dma_wait3A_717 = arith.constant 0 : i32
    %dma_wait3A_718 = arith.constant 0 : i32
    %dma_wait3A_719 = tpu.memref_slice %arg8[%add3A, %dma_wait3A_717, %dma_wait3A_718] : memref<32x4x128xf32, #tpu.memory_space<hbm>> -> memref<1x4x128xf32, #tpu.memory_space<hbm>>
    %dma_wait3A_720 = tpu.memref_squeeze %dma_wait3A_719 : memref<1x4x128xf32, #tpu.memory_space<hbm>> -> memref<4x128xf32, #tpu.memory_space<hbm>>
    %dma_wait3A_721 = arith.constant 88 : i32
    %dma_wait3A_722 = arith.constant 0 : i32
    %dma_wait3A_723 = tpu.memref_slice %arg12[%dma_wait3A_721, %dma_wait3A_722] : memref<256x128xf32, #tpu.memory_space<vmem>> -> memref<4x128xf32, #tpu.memory_space<vmem>>
    %dma_wait3A_724 = arith.constant 0 : i32
    %dma_wait3A_725 = arith.constant 0 : i32
    %dma_wait3A_726 = tpu.memref_slice %arg8[%add3A, %dma_wait3A_724, %dma_wait3A_725] : memref<32x4x128xf32, #tpu.memory_space<hbm>> -> memref<1x4x128xf32, #tpu.memory_space<hbm>>
    %dma_wait3A_727 = tpu.memref_squeeze %dma_wait3A_726 : memref<1x4x128xf32, #tpu.memory_space<hbm>> -> memref<4x128xf32, #tpu.memory_space<hbm>>
    tpu.wait_dma2 semaphore(%arg18 : memref<!tpu.dma_semaphore, #tpu.memory_space<semaphore_mem>>) src(%dma_wait3A_727 : memref<4x128xf32, #tpu.memory_space<hbm>>) dst(%dma_wait3A_723 : memref<4x128xf32, #tpu.memory_space<vmem>>)
    %dma_wait3A_728 = arith.constant 92 : i32
    %dma_wait3A_729 = arith.constant 0 : i32
    %dma_wait3A_730 = tpu.memref_slice %arg11[%dma_wait3A_728, %dma_wait3A_729] : memref<256x128xf32, #tpu.memory_space<vmem>> -> memref<4x128xf32, #tpu.memory_space<vmem>>
    %dma_wait3A_731 = arith.constant 0 : i32
    %dma_wait3A_732 = arith.constant 0 : i32
    %dma_wait3A_733 = tpu.memref_slice %arg8[%add3A, %dma_wait3A_731, %dma_wait3A_732] : memref<32x4x128xf32, #tpu.memory_space<hbm>> -> memref<1x4x128xf32, #tpu.memory_space<hbm>>
    %dma_wait3A_734 = tpu.memref_squeeze %dma_wait3A_733 : memref<1x4x128xf32, #tpu.memory_space<hbm>> -> memref<4x128xf32, #tpu.memory_space<hbm>>
    %dma_wait3A_735 = arith.constant 92 : i32
    %dma_wait3A_736 = arith.constant 0 : i32
    %dma_wait3A_737 = tpu.memref_slice %arg11[%dma_wait3A_735, %dma_wait3A_736] : memref<256x128xf32, #tpu.memory_space<vmem>> -> memref<4x128xf32, #tpu.memory_space<vmem>>
    %dma_wait3A_738 = arith.constant 0 : i32
    %dma_wait3A_739 = arith.constant 0 : i32
    %dma_wait3A_740 = tpu.memref_slice %arg8[%add3A, %dma_wait3A_738, %dma_wait3A_739] : memref<32x4x128xf32, #tpu.memory_space<hbm>> -> memref<1x4x128xf32, #tpu.memory_space<hbm>>
    %dma_wait3A_741 = tpu.memref_squeeze %dma_wait3A_740 : memref<1x4x128xf32, #tpu.memory_space<hbm>> -> memref<4x128xf32, #tpu.memory_space<hbm>>
    tpu.wait_dma2 semaphore(%arg17 : memref<!tpu.dma_semaphore, #tpu.memory_space<semaphore_mem>>) src(%dma_wait3A_741 : memref<4x128xf32, #tpu.memory_space<hbm>>) dst(%dma_wait3A_737 : memref<4x128xf32, #tpu.memory_space<vmem>>)
    %dma_wait3A_742 = arith.constant 92 : i32
    %dma_wait3A_743 = arith.constant 0 : i32
    %dma_wait3A_744 = tpu.memref_slice %arg12[%dma_wait3A_742, %dma_wait3A_743] : memref<256x128xf32, #tpu.memory_space<vmem>> -> memref<4x128xf32, #tpu.memory_space<vmem>>
    %dma_wait3A_745 = arith.constant 0 : i32
    %dma_wait3A_746 = arith.constant 0 : i32
    %dma_wait3A_747 = tpu.memref_slice %arg8[%add3A, %dma_wait3A_745, %dma_wait3A_746] : memref<32x4x128xf32, #tpu.memory_space<hbm>> -> memref<1x4x128xf32, #tpu.memory_space<hbm>>
    %dma_wait3A_748 = tpu.memref_squeeze %dma_wait3A_747 : memref<1x4x128xf32, #tpu.memory_space<hbm>> -> memref<4x128xf32, #tpu.memory_space<hbm>>
    %dma_wait3A_749 = arith.constant 92 : i32
    %dma_wait3A_750 = arith.constant 0 : i32
    %dma_wait3A_751 = tpu.memref_slice %arg12[%dma_wait3A_749, %dma_wait3A_750] : memref<256x128xf32, #tpu.memory_space<vmem>> -> memref<4x128xf32, #tpu.memory_space<vmem>>
    %dma_wait3A_752 = arith.constant 0 : i32
    %dma_wait3A_753 = arith.constant 0 : i32
    %dma_wait3A_754 = tpu.memref_slice %arg8[%add3A, %dma_wait3A_752, %dma_wait3A_753] : memref<32x4x128xf32, #tpu.memory_space<hbm>> -> memref<1x4x128xf32, #tpu.memory_space<hbm>>
    %dma_wait3A_755 = tpu.memref_squeeze %dma_wait3A_754 : memref<1x4x128xf32, #tpu.memory_space<hbm>> -> memref<4x128xf32, #tpu.memory_space<hbm>>
    tpu.wait_dma2 semaphore(%arg18 : memref<!tpu.dma_semaphore, #tpu.memory_space<semaphore_mem>>) src(%dma_wait3A_755 : memref<4x128xf32, #tpu.memory_space<hbm>>) dst(%dma_wait3A_751 : memref<4x128xf32, #tpu.memory_space<vmem>>)
    %dma_wait3A_756 = arith.constant 96 : i32
    %dma_wait3A_757 = arith.constant 0 : i32
    %dma_wait3A_758 = tpu.memref_slice %arg11[%dma_wait3A_756, %dma_wait3A_757] : memref<256x128xf32, #tpu.memory_space<vmem>> -> memref<4x128xf32, #tpu.memory_space<vmem>>
    %dma_wait3A_759 = arith.constant 0 : i32
    %dma_wait3A_760 = arith.constant 0 : i32
    %dma_wait3A_761 = tpu.memref_slice %arg8[%add3A, %dma_wait3A_759, %dma_wait3A_760] : memref<32x4x128xf32, #tpu.memory_space<hbm>> -> memref<1x4x128xf32, #tpu.memory_space<hbm>>
    %dma_wait3A_762 = tpu.memref_squeeze %dma_wait3A_761 : memref<1x4x128xf32, #tpu.memory_space<hbm>> -> memref<4x128xf32, #tpu.memory_space<hbm>>
    %dma_wait3A_763 = arith.constant 96 : i32
    %dma_wait3A_764 = arith.constant 0 : i32
    %dma_wait3A_765 = tpu.memref_slice %arg11[%dma_wait3A_763, %dma_wait3A_764] : memref<256x128xf32, #tpu.memory_space<vmem>> -> memref<4x128xf32, #tpu.memory_space<vmem>>
    %dma_wait3A_766 = arith.constant 0 : i32
    %dma_wait3A_767 = arith.constant 0 : i32
    %dma_wait3A_768 = tpu.memref_slice %arg8[%add3A, %dma_wait3A_766, %dma_wait3A_767] : memref<32x4x128xf32, #tpu.memory_space<hbm>> -> memref<1x4x128xf32, #tpu.memory_space<hbm>>
    %dma_wait3A_769 = tpu.memref_squeeze %dma_wait3A_768 : memref<1x4x128xf32, #tpu.memory_space<hbm>> -> memref<4x128xf32, #tpu.memory_space<hbm>>
    tpu.wait_dma2 semaphore(%arg17 : memref<!tpu.dma_semaphore, #tpu.memory_space<semaphore_mem>>) src(%dma_wait3A_769 : memref<4x128xf32, #tpu.memory_space<hbm>>) dst(%dma_wait3A_765 : memref<4x128xf32, #tpu.memory_space<vmem>>)
    %dma_wait3A_770 = arith.constant 96 : i32
    %dma_wait3A_771 = arith.constant 0 : i32
    %dma_wait3A_772 = tpu.memref_slice %arg12[%dma_wait3A_770, %dma_wait3A_771] : memref<256x128xf32, #tpu.memory_space<vmem>> -> memref<4x128xf32, #tpu.memory_space<vmem>>
    %dma_wait3A_773 = arith.constant 0 : i32
    %dma_wait3A_774 = arith.constant 0 : i32
    %dma_wait3A_775 = tpu.memref_slice %arg8[%add3A, %dma_wait3A_773, %dma_wait3A_774] : memref<32x4x128xf32, #tpu.memory_space<hbm>> -> memref<1x4x128xf32, #tpu.memory_space<hbm>>
    %dma_wait3A_776 = tpu.memref_squeeze %dma_wait3A_775 : memref<1x4x128xf32, #tpu.memory_space<hbm>> -> memref<4x128xf32, #tpu.memory_space<hbm>>
    %dma_wait3A_777 = arith.constant 96 : i32
    %dma_wait3A_778 = arith.constant 0 : i32
    %dma_wait3A_779 = tpu.memref_slice %arg12[%dma_wait3A_777, %dma_wait3A_778] : memref<256x128xf32, #tpu.memory_space<vmem>> -> memref<4x128xf32, #tpu.memory_space<vmem>>
    %dma_wait3A_780 = arith.constant 0 : i32
    %dma_wait3A_781 = arith.constant 0 : i32
    %dma_wait3A_782 = tpu.memref_slice %arg8[%add3A, %dma_wait3A_780, %dma_wait3A_781] : memref<32x4x128xf32, #tpu.memory_space<hbm>> -> memref<1x4x128xf32, #tpu.memory_space<hbm>>
    %dma_wait3A_783 = tpu.memref_squeeze %dma_wait3A_782 : memref<1x4x128xf32, #tpu.memory_space<hbm>> -> memref<4x128xf32, #tpu.memory_space<hbm>>
    tpu.wait_dma2 semaphore(%arg18 : memref<!tpu.dma_semaphore, #tpu.memory_space<semaphore_mem>>) src(%dma_wait3A_783 : memref<4x128xf32, #tpu.memory_space<hbm>>) dst(%dma_wait3A_779 : memref<4x128xf32, #tpu.memory_space<vmem>>)
    %dma_wait3A_784 = arith.constant 100 : i32
    %dma_wait3A_785 = arith.constant 0 : i32
    %dma_wait3A_786 = tpu.memref_slice %arg11[%dma_wait3A_784, %dma_wait3A_785] : memref<256x128xf32, #tpu.memory_space<vmem>> -> memref<4x128xf32, #tpu.memory_space<vmem>>
    %dma_wait3A_787 = arith.constant 0 : i32
    %dma_wait3A_788 = arith.constant 0 : i32
    %dma_wait3A_789 = tpu.memref_slice %arg8[%add3A, %dma_wait3A_787, %dma_wait3A_788] : memref<32x4x128xf32, #tpu.memory_space<hbm>> -> memref<1x4x128xf32, #tpu.memory_space<hbm>>
    %dma_wait3A_790 = tpu.memref_squeeze %dma_wait3A_789 : memref<1x4x128xf32, #tpu.memory_space<hbm>> -> memref<4x128xf32, #tpu.memory_space<hbm>>
    %dma_wait3A_791 = arith.constant 100 : i32
    %dma_wait3A_792 = arith.constant 0 : i32
    %dma_wait3A_793 = tpu.memref_slice %arg11[%dma_wait3A_791, %dma_wait3A_792] : memref<256x128xf32, #tpu.memory_space<vmem>> -> memref<4x128xf32, #tpu.memory_space<vmem>>
    %dma_wait3A_794 = arith.constant 0 : i32
    %dma_wait3A_795 = arith.constant 0 : i32
    %dma_wait3A_796 = tpu.memref_slice %arg8[%add3A, %dma_wait3A_794, %dma_wait3A_795] : memref<32x4x128xf32, #tpu.memory_space<hbm>> -> memref<1x4x128xf32, #tpu.memory_space<hbm>>
    %dma_wait3A_797 = tpu.memref_squeeze %dma_wait3A_796 : memref<1x4x128xf32, #tpu.memory_space<hbm>> -> memref<4x128xf32, #tpu.memory_space<hbm>>
    tpu.wait_dma2 semaphore(%arg17 : memref<!tpu.dma_semaphore, #tpu.memory_space<semaphore_mem>>) src(%dma_wait3A_797 : memref<4x128xf32, #tpu.memory_space<hbm>>) dst(%dma_wait3A_793 : memref<4x128xf32, #tpu.memory_space<vmem>>)
    %dma_wait3A_798 = arith.constant 100 : i32
    %dma_wait3A_799 = arith.constant 0 : i32
    %dma_wait3A_800 = tpu.memref_slice %arg12[%dma_wait3A_798, %dma_wait3A_799] : memref<256x128xf32, #tpu.memory_space<vmem>> -> memref<4x128xf32, #tpu.memory_space<vmem>>
    %dma_wait3A_801 = arith.constant 0 : i32
    %dma_wait3A_802 = arith.constant 0 : i32
    %dma_wait3A_803 = tpu.memref_slice %arg8[%add3A, %dma_wait3A_801, %dma_wait3A_802] : memref<32x4x128xf32, #tpu.memory_space<hbm>> -> memref<1x4x128xf32, #tpu.memory_space<hbm>>
    %dma_wait3A_804 = tpu.memref_squeeze %dma_wait3A_803 : memref<1x4x128xf32, #tpu.memory_space<hbm>> -> memref<4x128xf32, #tpu.memory_space<hbm>>
    %dma_wait3A_805 = arith.constant 100 : i32
    %dma_wait3A_806 = arith.constant 0 : i32
    %dma_wait3A_807 = tpu.memref_slice %arg12[%dma_wait3A_805, %dma_wait3A_806] : memref<256x128xf32, #tpu.memory_space<vmem>> -> memref<4x128xf32, #tpu.memory_space<vmem>>
    %dma_wait3A_808 = arith.constant 0 : i32
    %dma_wait3A_809 = arith.constant 0 : i32
    %dma_wait3A_810 = tpu.memref_slice %arg8[%add3A, %dma_wait3A_808, %dma_wait3A_809] : memref<32x4x128xf32, #tpu.memory_space<hbm>> -> memref<1x4x128xf32, #tpu.memory_space<hbm>>
    %dma_wait3A_811 = tpu.memref_squeeze %dma_wait3A_810 : memref<1x4x128xf32, #tpu.memory_space<hbm>> -> memref<4x128xf32, #tpu.memory_space<hbm>>
    tpu.wait_dma2 semaphore(%arg18 : memref<!tpu.dma_semaphore, #tpu.memory_space<semaphore_mem>>) src(%dma_wait3A_811 : memref<4x128xf32, #tpu.memory_space<hbm>>) dst(%dma_wait3A_807 : memref<4x128xf32, #tpu.memory_space<vmem>>)
    %dma_wait3A_812 = arith.constant 104 : i32
    %dma_wait3A_813 = arith.constant 0 : i32
    %dma_wait3A_814 = tpu.memref_slice %arg11[%dma_wait3A_812, %dma_wait3A_813] : memref<256x128xf32, #tpu.memory_space<vmem>> -> memref<4x128xf32, #tpu.memory_space<vmem>>
    %dma_wait3A_815 = arith.constant 0 : i32
    %dma_wait3A_816 = arith.constant 0 : i32
    %dma_wait3A_817 = tpu.memref_slice %arg8[%add3A, %dma_wait3A_815, %dma_wait3A_816] : memref<32x4x128xf32, #tpu.memory_space<hbm>> -> memref<1x4x128xf32, #tpu.memory_space<hbm>>
    %dma_wait3A_818 = tpu.memref_squeeze %dma_wait3A_817 : memref<1x4x128xf32, #tpu.memory_space<hbm>> -> memref<4x128xf32, #tpu.memory_space<hbm>>
    %dma_wait3A_819 = arith.constant 104 : i32
    %dma_wait3A_820 = arith.constant 0 : i32
    %dma_wait3A_821 = tpu.memref_slice %arg11[%dma_wait3A_819, %dma_wait3A_820] : memref<256x128xf32, #tpu.memory_space<vmem>> -> memref<4x128xf32, #tpu.memory_space<vmem>>
    %dma_wait3A_822 = arith.constant 0 : i32
    %dma_wait3A_823 = arith.constant 0 : i32
    %dma_wait3A_824 = tpu.memref_slice %arg8[%add3A, %dma_wait3A_822, %dma_wait3A_823] : memref<32x4x128xf32, #tpu.memory_space<hbm>> -> memref<1x4x128xf32, #tpu.memory_space<hbm>>
    %dma_wait3A_825 = tpu.memref_squeeze %dma_wait3A_824 : memref<1x4x128xf32, #tpu.memory_space<hbm>> -> memref<4x128xf32, #tpu.memory_space<hbm>>
    tpu.wait_dma2 semaphore(%arg17 : memref<!tpu.dma_semaphore, #tpu.memory_space<semaphore_mem>>) src(%dma_wait3A_825 : memref<4x128xf32, #tpu.memory_space<hbm>>) dst(%dma_wait3A_821 : memref<4x128xf32, #tpu.memory_space<vmem>>)
    %dma_wait3A_826 = arith.constant 104 : i32
    %dma_wait3A_827 = arith.constant 0 : i32
    %dma_wait3A_828 = tpu.memref_slice %arg12[%dma_wait3A_826, %dma_wait3A_827] : memref<256x128xf32, #tpu.memory_space<vmem>> -> memref<4x128xf32, #tpu.memory_space<vmem>>
    %dma_wait3A_829 = arith.constant 0 : i32
    %dma_wait3A_830 = arith.constant 0 : i32
    %dma_wait3A_831 = tpu.memref_slice %arg8[%add3A, %dma_wait3A_829, %dma_wait3A_830] : memref<32x4x128xf32, #tpu.memory_space<hbm>> -> memref<1x4x128xf32, #tpu.memory_space<hbm>>
    %dma_wait3A_832 = tpu.memref_squeeze %dma_wait3A_831 : memref<1x4x128xf32, #tpu.memory_space<hbm>> -> memref<4x128xf32, #tpu.memory_space<hbm>>
    %dma_wait3A_833 = arith.constant 104 : i32
    %dma_wait3A_834 = arith.constant 0 : i32
    %dma_wait3A_835 = tpu.memref_slice %arg12[%dma_wait3A_833, %dma_wait3A_834] : memref<256x128xf32, #tpu.memory_space<vmem>> -> memref<4x128xf32, #tpu.memory_space<vmem>>
    %dma_wait3A_836 = arith.constant 0 : i32
    %dma_wait3A_837 = arith.constant 0 : i32
    %dma_wait3A_838 = tpu.memref_slice %arg8[%add3A, %dma_wait3A_836, %dma_wait3A_837] : memref<32x4x128xf32, #tpu.memory_space<hbm>> -> memref<1x4x128xf32, #tpu.memory_space<hbm>>
    %dma_wait3A_839 = tpu.memref_squeeze %dma_wait3A_838 : memref<1x4x128xf32, #tpu.memory_space<hbm>> -> memref<4x128xf32, #tpu.memory_space<hbm>>
    tpu.wait_dma2 semaphore(%arg18 : memref<!tpu.dma_semaphore, #tpu.memory_space<semaphore_mem>>) src(%dma_wait3A_839 : memref<4x128xf32, #tpu.memory_space<hbm>>) dst(%dma_wait3A_835 : memref<4x128xf32, #tpu.memory_space<vmem>>)
    %dma_wait3A_840 = arith.constant 108 : i32
    %dma_wait3A_841 = arith.constant 0 : i32
    %dma_wait3A_842 = tpu.memref_slice %arg11[%dma_wait3A_840, %dma_wait3A_841] : memref<256x128xf32, #tpu.memory_space<vmem>> -> memref<4x128xf32, #tpu.memory_space<vmem>>
    %dma_wait3A_843 = arith.constant 0 : i32
    %dma_wait3A_844 = arith.constant 0 : i32
    %dma_wait3A_845 = tpu.memref_slice %arg8[%add3A, %dma_wait3A_843, %dma_wait3A_844] : memref<32x4x128xf32, #tpu.memory_space<hbm>> -> memref<1x4x128xf32, #tpu.memory_space<hbm>>
    %dma_wait3A_846 = tpu.memref_squeeze %dma_wait3A_845 : memref<1x4x128xf32, #tpu.memory_space<hbm>> -> memref<4x128xf32, #tpu.memory_space<hbm>>
    %dma_wait3A_847 = arith.constant 108 : i32
    %dma_wait3A_848 = arith.constant 0 : i32
    %dma_wait3A_849 = tpu.memref_slice %arg11[%dma_wait3A_847, %dma_wait3A_848] : memref<256x128xf32, #tpu.memory_space<vmem>> -> memref<4x128xf32, #tpu.memory_space<vmem>>
    %dma_wait3A_850 = arith.constant 0 : i32
    %dma_wait3A_851 = arith.constant 0 : i32
    %dma_wait3A_852 = tpu.memref_slice %arg8[%add3A, %dma_wait3A_850, %dma_wait3A_851] : memref<32x4x128xf32, #tpu.memory_space<hbm>> -> memref<1x4x128xf32, #tpu.memory_space<hbm>>
    %dma_wait3A_853 = tpu.memref_squeeze %dma_wait3A_852 : memref<1x4x128xf32, #tpu.memory_space<hbm>> -> memref<4x128xf32, #tpu.memory_space<hbm>>
    tpu.wait_dma2 semaphore(%arg17 : memref<!tpu.dma_semaphore, #tpu.memory_space<semaphore_mem>>) src(%dma_wait3A_853 : memref<4x128xf32, #tpu.memory_space<hbm>>) dst(%dma_wait3A_849 : memref<4x128xf32, #tpu.memory_space<vmem>>)
    %dma_wait3A_854 = arith.constant 108 : i32
    %dma_wait3A_855 = arith.constant 0 : i32
    %dma_wait3A_856 = tpu.memref_slice %arg12[%dma_wait3A_854, %dma_wait3A_855] : memref<256x128xf32, #tpu.memory_space<vmem>> -> memref<4x128xf32, #tpu.memory_space<vmem>>
    %dma_wait3A_857 = arith.constant 0 : i32
    %dma_wait3A_858 = arith.constant 0 : i32
    %dma_wait3A_859 = tpu.memref_slice %arg8[%add3A, %dma_wait3A_857, %dma_wait3A_858] : memref<32x4x128xf32, #tpu.memory_space<hbm>> -> memref<1x4x128xf32, #tpu.memory_space<hbm>>
    %dma_wait3A_860 = tpu.memref_squeeze %dma_wait3A_859 : memref<1x4x128xf32, #tpu.memory_space<hbm>> -> memref<4x128xf32, #tpu.memory_space<hbm>>
    %dma_wait3A_861 = arith.constant 108 : i32
    %dma_wait3A_862 = arith.constant 0 : i32
    %dma_wait3A_863 = tpu.memref_slice %arg12[%dma_wait3A_861, %dma_wait3A_862] : memref<256x128xf32, #tpu.memory_space<vmem>> -> memref<4x128xf32, #tpu.memory_space<vmem>>
    %dma_wait3A_864 = arith.constant 0 : i32
    %dma_wait3A_865 = arith.constant 0 : i32
    %dma_wait3A_866 = tpu.memref_slice %arg8[%add3A, %dma_wait3A_864, %dma_wait3A_865] : memref<32x4x128xf32, #tpu.memory_space<hbm>> -> memref<1x4x128xf32, #tpu.memory_space<hbm>>
    %dma_wait3A_867 = tpu.memref_squeeze %dma_wait3A_866 : memref<1x4x128xf32, #tpu.memory_space<hbm>> -> memref<4x128xf32, #tpu.memory_space<hbm>>
    tpu.wait_dma2 semaphore(%arg18 : memref<!tpu.dma_semaphore, #tpu.memory_space<semaphore_mem>>) src(%dma_wait3A_867 : memref<4x128xf32, #tpu.memory_space<hbm>>) dst(%dma_wait3A_863 : memref<4x128xf32, #tpu.memory_space<vmem>>)
    %dma_wait3A_868 = arith.constant 112 : i32
    %dma_wait3A_869 = arith.constant 0 : i32
    %dma_wait3A_870 = tpu.memref_slice %arg11[%dma_wait3A_868, %dma_wait3A_869] : memref<256x128xf32, #tpu.memory_space<vmem>> -> memref<4x128xf32, #tpu.memory_space<vmem>>
    %dma_wait3A_871 = arith.constant 0 : i32
    %dma_wait3A_872 = arith.constant 0 : i32
    %dma_wait3A_873 = tpu.memref_slice %arg8[%add3A, %dma_wait3A_871, %dma_wait3A_872] : memref<32x4x128xf32, #tpu.memory_space<hbm>> -> memref<1x4x128xf32, #tpu.memory_space<hbm>>
    %dma_wait3A_874 = tpu.memref_squeeze %dma_wait3A_873 : memref<1x4x128xf32, #tpu.memory_space<hbm>> -> memref<4x128xf32, #tpu.memory_space<hbm>>
    %dma_wait3A_875 = arith.constant 112 : i32
    %dma_wait3A_876 = arith.constant 0 : i32
    %dma_wait3A_877 = tpu.memref_slice %arg11[%dma_wait3A_875, %dma_wait3A_876] : memref<256x128xf32, #tpu.memory_space<vmem>> -> memref<4x128xf32, #tpu.memory_space<vmem>>
    %dma_wait3A_878 = arith.constant 0 : i32
    %dma_wait3A_879 = arith.constant 0 : i32
    %dma_wait3A_880 = tpu.memref_slice %arg8[%add3A, %dma_wait3A_878, %dma_wait3A_879] : memref<32x4x128xf32, #tpu.memory_space<hbm>> -> memref<1x4x128xf32, #tpu.memory_space<hbm>>
    %dma_wait3A_881 = tpu.memref_squeeze %dma_wait3A_880 : memref<1x4x128xf32, #tpu.memory_space<hbm>> -> memref<4x128xf32, #tpu.memory_space<hbm>>
    tpu.wait_dma2 semaphore(%arg17 : memref<!tpu.dma_semaphore, #tpu.memory_space<semaphore_mem>>) src(%dma_wait3A_881 : memref<4x128xf32, #tpu.memory_space<hbm>>) dst(%dma_wait3A_877 : memref<4x128xf32, #tpu.memory_space<vmem>>)
    %dma_wait3A_882 = arith.constant 112 : i32
    %dma_wait3A_883 = arith.constant 0 : i32
    %dma_wait3A_884 = tpu.memref_slice %arg12[%dma_wait3A_882, %dma_wait3A_883] : memref<256x128xf32, #tpu.memory_space<vmem>> -> memref<4x128xf32, #tpu.memory_space<vmem>>
    %dma_wait3A_885 = arith.constant 0 : i32
    %dma_wait3A_886 = arith.constant 0 : i32
    %dma_wait3A_887 = tpu.memref_slice %arg8[%add3A, %dma_wait3A_885, %dma_wait3A_886] : memref<32x4x128xf32, #tpu.memory_space<hbm>> -> memref<1x4x128xf32, #tpu.memory_space<hbm>>
    %dma_wait3A_888 = tpu.memref_squeeze %dma_wait3A_887 : memref<1x4x128xf32, #tpu.memory_space<hbm>> -> memref<4x128xf32, #tpu.memory_space<hbm>>
    %dma_wait3A_889 = arith.constant 112 : i32
    %dma_wait3A_890 = arith.constant 0 : i32
    %dma_wait3A_891 = tpu.memref_slice %arg12[%dma_wait3A_889, %dma_wait3A_890] : memref<256x128xf32, #tpu.memory_space<vmem>> -> memref<4x128xf32, #tpu.memory_space<vmem>>
    %dma_wait3A_892 = arith.constant 0 : i32
    %dma_wait3A_893 = arith.constant 0 : i32
    %dma_wait3A_894 = tpu.memref_slice %arg8[%add3A, %dma_wait3A_892, %dma_wait3A_893] : memref<32x4x128xf32, #tpu.memory_space<hbm>> -> memref<1x4x128xf32, #tpu.memory_space<hbm>>
    %dma_wait3A_895 = tpu.memref_squeeze %dma_wait3A_894 : memref<1x4x128xf32, #tpu.memory_space<hbm>> -> memref<4x128xf32, #tpu.memory_space<hbm>>
    tpu.wait_dma2 semaphore(%arg18 : memref<!tpu.dma_semaphore, #tpu.memory_space<semaphore_mem>>) src(%dma_wait3A_895 : memref<4x128xf32, #tpu.memory_space<hbm>>) dst(%dma_wait3A_891 : memref<4x128xf32, #tpu.memory_space<vmem>>)
    %dma_wait3A_896 = arith.constant 116 : i32
    %dma_wait3A_897 = arith.constant 0 : i32
    %dma_wait3A_898 = tpu.memref_slice %arg11[%dma_wait3A_896, %dma_wait3A_897] : memref<256x128xf32, #tpu.memory_space<vmem>> -> memref<4x128xf32, #tpu.memory_space<vmem>>
    %dma_wait3A_899 = arith.constant 0 : i32
    %dma_wait3A_900 = arith.constant 0 : i32
    %dma_wait3A_901 = tpu.memref_slice %arg8[%add3A, %dma_wait3A_899, %dma_wait3A_900] : memref<32x4x128xf32, #tpu.memory_space<hbm>> -> memref<1x4x128xf32, #tpu.memory_space<hbm>>
    %dma_wait3A_902 = tpu.memref_squeeze %dma_wait3A_901 : memref<1x4x128xf32, #tpu.memory_space<hbm>> -> memref<4x128xf32, #tpu.memory_space<hbm>>
    %dma_wait3A_903 = arith.constant 116 : i32
    %dma_wait3A_904 = arith.constant 0 : i32
    %dma_wait3A_905 = tpu.memref_slice %arg11[%dma_wait3A_903, %dma_wait3A_904] : memref<256x128xf32, #tpu.memory_space<vmem>> -> memref<4x128xf32, #tpu.memory_space<vmem>>
    %dma_wait3A_906 = arith.constant 0 : i32
    %dma_wait3A_907 = arith.constant 0 : i32
    %dma_wait3A_908 = tpu.memref_slice %arg8[%add3A, %dma_wait3A_906, %dma_wait3A_907] : memref<32x4x128xf32, #tpu.memory_space<hbm>> -> memref<1x4x128xf32, #tpu.memory_space<hbm>>
    %dma_wait3A_909 = tpu.memref_squeeze %dma_wait3A_908 : memref<1x4x128xf32, #tpu.memory_space<hbm>> -> memref<4x128xf32, #tpu.memory_space<hbm>>
    tpu.wait_dma2 semaphore(%arg17 : memref<!tpu.dma_semaphore, #tpu.memory_space<semaphore_mem>>) src(%dma_wait3A_909 : memref<4x128xf32, #tpu.memory_space<hbm>>) dst(%dma_wait3A_905 : memref<4x128xf32, #tpu.memory_space<vmem>>)
    %dma_wait3A_910 = arith.constant 116 : i32
    %dma_wait3A_911 = arith.constant 0 : i32
    %dma_wait3A_912 = tpu.memref_slice %arg12[%dma_wait3A_910, %dma_wait3A_911] : memref<256x128xf32, #tpu.memory_space<vmem>> -> memref<4x128xf32, #tpu.memory_space<vmem>>
    %dma_wait3A_913 = arith.constant 0 : i32
    %dma_wait3A_914 = arith.constant 0 : i32
    %dma_wait3A_915 = tpu.memref_slice %arg8[%add3A, %dma_wait3A_913, %dma_wait3A_914] : memref<32x4x128xf32, #tpu.memory_space<hbm>> -> memref<1x4x128xf32, #tpu.memory_space<hbm>>
    %dma_wait3A_916 = tpu.memref_squeeze %dma_wait3A_915 : memref<1x4x128xf32, #tpu.memory_space<hbm>> -> memref<4x128xf32, #tpu.memory_space<hbm>>
    %dma_wait3A_917 = arith.constant 116 : i32
    %dma_wait3A_918 = arith.constant 0 : i32
    %dma_wait3A_919 = tpu.memref_slice %arg12[%dma_wait3A_917, %dma_wait3A_918] : memref<256x128xf32, #tpu.memory_space<vmem>> -> memref<4x128xf32, #tpu.memory_space<vmem>>
    %dma_wait3A_920 = arith.constant 0 : i32
    %dma_wait3A_921 = arith.constant 0 : i32
    %dma_wait3A_922 = tpu.memref_slice %arg8[%add3A, %dma_wait3A_920, %dma_wait3A_921] : memref<32x4x128xf32, #tpu.memory_space<hbm>> -> memref<1x4x128xf32, #tpu.memory_space<hbm>>
    %dma_wait3A_923 = tpu.memref_squeeze %dma_wait3A_922 : memref<1x4x128xf32, #tpu.memory_space<hbm>> -> memref<4x128xf32, #tpu.memory_space<hbm>>
    tpu.wait_dma2 semaphore(%arg18 : memref<!tpu.dma_semaphore, #tpu.memory_space<semaphore_mem>>) src(%dma_wait3A_923 : memref<4x128xf32, #tpu.memory_space<hbm>>) dst(%dma_wait3A_919 : memref<4x128xf32, #tpu.memory_space<vmem>>)
    %dma_wait3A_924 = arith.constant 120 : i32
    %dma_wait3A_925 = arith.constant 0 : i32
    %dma_wait3A_926 = tpu.memref_slice %arg11[%dma_wait3A_924, %dma_wait3A_925] : memref<256x128xf32, #tpu.memory_space<vmem>> -> memref<4x128xf32, #tpu.memory_space<vmem>>
    %dma_wait3A_927 = arith.constant 0 : i32
    %dma_wait3A_928 = arith.constant 0 : i32
    %dma_wait3A_929 = tpu.memref_slice %arg8[%add3A, %dma_wait3A_927, %dma_wait3A_928] : memref<32x4x128xf32, #tpu.memory_space<hbm>> -> memref<1x4x128xf32, #tpu.memory_space<hbm>>
    %dma_wait3A_930 = tpu.memref_squeeze %dma_wait3A_929 : memref<1x4x128xf32, #tpu.memory_space<hbm>> -> memref<4x128xf32, #tpu.memory_space<hbm>>
    %dma_wait3A_931 = arith.constant 120 : i32
    %dma_wait3A_932 = arith.constant 0 : i32
    %dma_wait3A_933 = tpu.memref_slice %arg11[%dma_wait3A_931, %dma_wait3A_932] : memref<256x128xf32, #tpu.memory_space<vmem>> -> memref<4x128xf32, #tpu.memory_space<vmem>>
    %dma_wait3A_934 = arith.constant 0 : i32
    %dma_wait3A_935 = arith.constant 0 : i32
    %dma_wait3A_936 = tpu.memref_slice %arg8[%add3A, %dma_wait3A_934, %dma_wait3A_935] : memref<32x4x128xf32, #tpu.memory_space<hbm>> -> memref<1x4x128xf32, #tpu.memory_space<hbm>>
    %dma_wait3A_937 = tpu.memref_squeeze %dma_wait3A_936 : memref<1x4x128xf32, #tpu.memory_space<hbm>> -> memref<4x128xf32, #tpu.memory_space<hbm>>
    tpu.wait_dma2 semaphore(%arg17 : memref<!tpu.dma_semaphore, #tpu.memory_space<semaphore_mem>>) src(%dma_wait3A_937 : memref<4x128xf32, #tpu.memory_space<hbm>>) dst(%dma_wait3A_933 : memref<4x128xf32, #tpu.memory_space<vmem>>)
    %dma_wait3A_938 = arith.constant 120 : i32
    %dma_wait3A_939 = arith.constant 0 : i32
    %dma_wait3A_940 = tpu.memref_slice %arg12[%dma_wait3A_938, %dma_wait3A_939] : memref<256x128xf32, #tpu.memory_space<vmem>> -> memref<4x128xf32, #tpu.memory_space<vmem>>
    %dma_wait3A_941 = arith.constant 0 : i32
    %dma_wait3A_942 = arith.constant 0 : i32
    %dma_wait3A_943 = tpu.memref_slice %arg8[%add3A, %dma_wait3A_941, %dma_wait3A_942] : memref<32x4x128xf32, #tpu.memory_space<hbm>> -> memref<1x4x128xf32, #tpu.memory_space<hbm>>
    %dma_wait3A_944 = tpu.memref_squeeze %dma_wait3A_943 : memref<1x4x128xf32, #tpu.memory_space<hbm>> -> memref<4x128xf32, #tpu.memory_space<hbm>>
    %dma_wait3A_945 = arith.constant 120 : i32
    %dma_wait3A_946 = arith.constant 0 : i32
    %dma_wait3A_947 = tpu.memref_slice %arg12[%dma_wait3A_945, %dma_wait3A_946] : memref<256x128xf32, #tpu.memory_space<vmem>> -> memref<4x128xf32, #tpu.memory_space<vmem>>
    %dma_wait3A_948 = arith.constant 0 : i32
    %dma_wait3A_949 = arith.constant 0 : i32
    %dma_wait3A_950 = tpu.memref_slice %arg8[%add3A, %dma_wait3A_948, %dma_wait3A_949] : memref<32x4x128xf32, #tpu.memory_space<hbm>> -> memref<1x4x128xf32, #tpu.memory_space<hbm>>
    %dma_wait3A_951 = tpu.memref_squeeze %dma_wait3A_950 : memref<1x4x128xf32, #tpu.memory_space<hbm>> -> memref<4x128xf32, #tpu.memory_space<hbm>>
    tpu.wait_dma2 semaphore(%arg18 : memref<!tpu.dma_semaphore, #tpu.memory_space<semaphore_mem>>) src(%dma_wait3A_951 : memref<4x128xf32, #tpu.memory_space<hbm>>) dst(%dma_wait3A_947 : memref<4x128xf32, #tpu.memory_space<vmem>>)
    %dma_wait3A_952 = arith.constant 124 : i32
    %dma_wait3A_953 = arith.constant 0 : i32
    %dma_wait3A_954 = tpu.memref_slice %arg11[%dma_wait3A_952, %dma_wait3A_953] : memref<256x128xf32, #tpu.memory_space<vmem>> -> memref<4x128xf32, #tpu.memory_space<vmem>>
    %dma_wait3A_955 = arith.constant 0 : i32
    %dma_wait3A_956 = arith.constant 0 : i32
    %dma_wait3A_957 = tpu.memref_slice %arg8[%add3A, %dma_wait3A_955, %dma_wait3A_956] : memref<32x4x128xf32, #tpu.memory_space<hbm>> -> memref<1x4x128xf32, #tpu.memory_space<hbm>>
    %dma_wait3A_958 = tpu.memref_squeeze %dma_wait3A_957 : memref<1x4x128xf32, #tpu.memory_space<hbm>> -> memref<4x128xf32, #tpu.memory_space<hbm>>
    %dma_wait3A_959 = arith.constant 124 : i32
    %dma_wait3A_960 = arith.constant 0 : i32
    %dma_wait3A_961 = tpu.memref_slice %arg11[%dma_wait3A_959, %dma_wait3A_960] : memref<256x128xf32, #tpu.memory_space<vmem>> -> memref<4x128xf32, #tpu.memory_space<vmem>>
    %dma_wait3A_962 = arith.constant 0 : i32
    %dma_wait3A_963 = arith.constant 0 : i32
    %dma_wait3A_964 = tpu.memref_slice %arg8[%add3A, %dma_wait3A_962, %dma_wait3A_963] : memref<32x4x128xf32, #tpu.memory_space<hbm>> -> memref<1x4x128xf32, #tpu.memory_space<hbm>>
    %dma_wait3A_965 = tpu.memref_squeeze %dma_wait3A_964 : memref<1x4x128xf32, #tpu.memory_space<hbm>> -> memref<4x128xf32, #tpu.memory_space<hbm>>
    tpu.wait_dma2 semaphore(%arg17 : memref<!tpu.dma_semaphore, #tpu.memory_space<semaphore_mem>>) src(%dma_wait3A_965 : memref<4x128xf32, #tpu.memory_space<hbm>>) dst(%dma_wait3A_961 : memref<4x128xf32, #tpu.memory_space<vmem>>)
    %dma_wait3A_966 = arith.constant 124 : i32
    %dma_wait3A_967 = arith.constant 0 : i32
    %dma_wait3A_968 = tpu.memref_slice %arg12[%dma_wait3A_966, %dma_wait3A_967] : memref<256x128xf32, #tpu.memory_space<vmem>> -> memref<4x128xf32, #tpu.memory_space<vmem>>
    %dma_wait3A_969 = arith.constant 0 : i32
    %dma_wait3A_970 = arith.constant 0 : i32
    %dma_wait3A_971 = tpu.memref_slice %arg8[%add3A, %dma_wait3A_969, %dma_wait3A_970] : memref<32x4x128xf32, #tpu.memory_space<hbm>> -> memref<1x4x128xf32, #tpu.memory_space<hbm>>
    %dma_wait3A_972 = tpu.memref_squeeze %dma_wait3A_971 : memref<1x4x128xf32, #tpu.memory_space<hbm>> -> memref<4x128xf32, #tpu.memory_space<hbm>>
    %dma_wait3A_973 = arith.constant 124 : i32
    %dma_wait3A_974 = arith.constant 0 : i32
    %dma_wait3A_975 = tpu.memref_slice %arg12[%dma_wait3A_973, %dma_wait3A_974] : memref<256x128xf32, #tpu.memory_space<vmem>> -> memref<4x128xf32, #tpu.memory_space<vmem>>
    %dma_wait3A_976 = arith.constant 0 : i32
    %dma_wait3A_977 = arith.constant 0 : i32
    %dma_wait3A_978 = tpu.memref_slice %arg8[%add3A, %dma_wait3A_976, %dma_wait3A_977] : memref<32x4x128xf32, #tpu.memory_space<hbm>> -> memref<1x4x128xf32, #tpu.memory_space<hbm>>
    %dma_wait3A_979 = tpu.memref_squeeze %dma_wait3A_978 : memref<1x4x128xf32, #tpu.memory_space<hbm>> -> memref<4x128xf32, #tpu.memory_space<hbm>>
    tpu.wait_dma2 semaphore(%arg18 : memref<!tpu.dma_semaphore, #tpu.memory_space<semaphore_mem>>) src(%dma_wait3A_979 : memref<4x128xf32, #tpu.memory_space<hbm>>) dst(%dma_wait3A_975 : memref<4x128xf32, #tpu.memory_space<vmem>>)
    %dma_wait3A_980 = arith.constant 128 : i32
    %dma_wait3A_981 = arith.constant 0 : i32
    %dma_wait3A_982 = tpu.memref_slice %arg11[%dma_wait3A_980, %dma_wait3A_981] : memref<256x128xf32, #tpu.memory_space<vmem>> -> memref<4x128xf32, #tpu.memory_space<vmem>>
    %dma_wait3A_983 = arith.constant 0 : i32
    %dma_wait3A_984 = arith.constant 0 : i32
    %dma_wait3A_985 = tpu.memref_slice %arg8[%add3A, %dma_wait3A_983, %dma_wait3A_984] : memref<32x4x128xf32, #tpu.memory_space<hbm>> -> memref<1x4x128xf32, #tpu.memory_space<hbm>>
    %dma_wait3A_986 = tpu.memref_squeeze %dma_wait3A_985 : memref<1x4x128xf32, #tpu.memory_space<hbm>> -> memref<4x128xf32, #tpu.memory_space<hbm>>
    %dma_wait3A_987 = arith.constant 128 : i32
    %dma_wait3A_988 = arith.constant 0 : i32
    %dma_wait3A_989 = tpu.memref_slice %arg11[%dma_wait3A_987, %dma_wait3A_988] : memref<256x128xf32, #tpu.memory_space<vmem>> -> memref<4x128xf32, #tpu.memory_space<vmem>>
    %dma_wait3A_990 = arith.constant 0 : i32
    %dma_wait3A_991 = arith.constant 0 : i32
    %dma_wait3A_992 = tpu.memref_slice %arg8[%add3A, %dma_wait3A_990, %dma_wait3A_991] : memref<32x4x128xf32, #tpu.memory_space<hbm>> -> memref<1x4x128xf32, #tpu.memory_space<hbm>>
    %dma_wait3A_993 = tpu.memref_squeeze %dma_wait3A_992 : memref<1x4x128xf32, #tpu.memory_space<hbm>> -> memref<4x128xf32, #tpu.memory_space<hbm>>
    tpu.wait_dma2 semaphore(%arg17 : memref<!tpu.dma_semaphore, #tpu.memory_space<semaphore_mem>>) src(%dma_wait3A_993 : memref<4x128xf32, #tpu.memory_space<hbm>>) dst(%dma_wait3A_989 : memref<4x128xf32, #tpu.memory_space<vmem>>)
    %dma_wait3A_994 = arith.constant 128 : i32
    %dma_wait3A_995 = arith.constant 0 : i32
    %dma_wait3A_996 = tpu.memref_slice %arg12[%dma_wait3A_994, %dma_wait3A_995] : memref<256x128xf32, #tpu.memory_space<vmem>> -> memref<4x128xf32, #tpu.memory_space<vmem>>
    %dma_wait3A_997 = arith.constant 0 : i32
    %dma_wait3A_998 = arith.constant 0 : i32
    %dma_wait3A_999 = tpu.memref_slice %arg8[%add3A, %dma_wait3A_997, %dma_wait3A_998] : memref<32x4x128xf32, #tpu.memory_space<hbm>> -> memref<1x4x128xf32, #tpu.memory_space<hbm>>
    %dma_wait3A_1000 = tpu.memref_squeeze %dma_wait3A_999 : memref<1x4x128xf32, #tpu.memory_space<hbm>> -> memref<4x128xf32, #tpu.memory_space<hbm>>
    %dma_wait3A_1001 = arith.constant 128 : i32
    %dma_wait3A_1002 = arith.constant 0 : i32
    %dma_wait3A_1003 = tpu.memref_slice %arg12[%dma_wait3A_1001, %dma_wait3A_1002] : memref<256x128xf32, #tpu.memory_space<vmem>> -> memref<4x128xf32, #tpu.memory_space<vmem>>
    %dma_wait3A_1004 = arith.constant 0 : i32
    %dma_wait3A_1005 = arith.constant 0 : i32
    %dma_wait3A_1006 = tpu.memref_slice %arg8[%add3A, %dma_wait3A_1004, %dma_wait3A_1005] : memref<32x4x128xf32, #tpu.memory_space<hbm>> -> memref<1x4x128xf32, #tpu.memory_space<hbm>>
    %dma_wait3A_1007 = tpu.memref_squeeze %dma_wait3A_1006 : memref<1x4x128xf32, #tpu.memory_space<hbm>> -> memref<4x128xf32, #tpu.memory_space<hbm>>
    tpu.wait_dma2 semaphore(%arg18 : memref<!tpu.dma_semaphore, #tpu.memory_space<semaphore_mem>>) src(%dma_wait3A_1007 : memref<4x128xf32, #tpu.memory_space<hbm>>) dst(%dma_wait3A_1003 : memref<4x128xf32, #tpu.memory_space<vmem>>)
    %dma_wait3A_1008 = arith.constant 132 : i32
    %dma_wait3A_1009 = arith.constant 0 : i32
    %dma_wait3A_1010 = tpu.memref_slice %arg11[%dma_wait3A_1008, %dma_wait3A_1009] : memref<256x128xf32, #tpu.memory_space<vmem>> -> memref<4x128xf32, #tpu.memory_space<vmem>>
    %dma_wait3A_1011 = arith.constant 0 : i32
    %dma_wait3A_1012 = arith.constant 0 : i32
    %dma_wait3A_1013 = tpu.memref_slice %arg8[%add3A, %dma_wait3A_1011, %dma_wait3A_1012] : memref<32x4x128xf32, #tpu.memory_space<hbm>> -> memref<1x4x128xf32, #tpu.memory_space<hbm>>
    %dma_wait3A_1014 = tpu.memref_squeeze %dma_wait3A_1013 : memref<1x4x128xf32, #tpu.memory_space<hbm>> -> memref<4x128xf32, #tpu.memory_space<hbm>>
    %dma_wait3A_1015 = arith.constant 132 : i32
    %dma_wait3A_1016 = arith.constant 0 : i32
    %dma_wait3A_1017 = tpu.memref_slice %arg11[%dma_wait3A_1015, %dma_wait3A_1016] : memref<256x128xf32, #tpu.memory_space<vmem>> -> memref<4x128xf32, #tpu.memory_space<vmem>>
    %dma_wait3A_1018 = arith.constant 0 : i32
    %dma_wait3A_1019 = arith.constant 0 : i32
    %dma_wait3A_1020 = tpu.memref_slice %arg8[%add3A, %dma_wait3A_1018, %dma_wait3A_1019] : memref<32x4x128xf32, #tpu.memory_space<hbm>> -> memref<1x4x128xf32, #tpu.memory_space<hbm>>
    %dma_wait3A_1021 = tpu.memref_squeeze %dma_wait3A_1020 : memref<1x4x128xf32, #tpu.memory_space<hbm>> -> memref<4x128xf32, #tpu.memory_space<hbm>>
    tpu.wait_dma2 semaphore(%arg17 : memref<!tpu.dma_semaphore, #tpu.memory_space<semaphore_mem>>) src(%dma_wait3A_1021 : memref<4x128xf32, #tpu.memory_space<hbm>>) dst(%dma_wait3A_1017 : memref<4x128xf32, #tpu.memory_space<vmem>>)
    %dma_wait3A_1022 = arith.constant 132 : i32
    %dma_wait3A_1023 = arith.constant 0 : i32
    %dma_wait3A_1024 = tpu.memref_slice %arg12[%dma_wait3A_1022, %dma_wait3A_1023] : memref<256x128xf32, #tpu.memory_space<vmem>> -> memref<4x128xf32, #tpu.memory_space<vmem>>
    %dma_wait3A_1025 = arith.constant 0 : i32
    %dma_wait3A_1026 = arith.constant 0 : i32
    %dma_wait3A_1027 = tpu.memref_slice %arg8[%add3A, %dma_wait3A_1025, %dma_wait3A_1026] : memref<32x4x128xf32, #tpu.memory_space<hbm>> -> memref<1x4x128xf32, #tpu.memory_space<hbm>>
    %dma_wait3A_1028 = tpu.memref_squeeze %dma_wait3A_1027 : memref<1x4x128xf32, #tpu.memory_space<hbm>> -> memref<4x128xf32, #tpu.memory_space<hbm>>
    %dma_wait3A_1029 = arith.constant 132 : i32
    %dma_wait3A_1030 = arith.constant 0 : i32
    %dma_wait3A_1031 = tpu.memref_slice %arg12[%dma_wait3A_1029, %dma_wait3A_1030] : memref<256x128xf32, #tpu.memory_space<vmem>> -> memref<4x128xf32, #tpu.memory_space<vmem>>
    %dma_wait3A_1032 = arith.constant 0 : i32
    %dma_wait3A_1033 = arith.constant 0 : i32
    %dma_wait3A_1034 = tpu.memref_slice %arg8[%add3A, %dma_wait3A_1032, %dma_wait3A_1033] : memref<32x4x128xf32, #tpu.memory_space<hbm>> -> memref<1x4x128xf32, #tpu.memory_space<hbm>>
    %dma_wait3A_1035 = tpu.memref_squeeze %dma_wait3A_1034 : memref<1x4x128xf32, #tpu.memory_space<hbm>> -> memref<4x128xf32, #tpu.memory_space<hbm>>
    tpu.wait_dma2 semaphore(%arg18 : memref<!tpu.dma_semaphore, #tpu.memory_space<semaphore_mem>>) src(%dma_wait3A_1035 : memref<4x128xf32, #tpu.memory_space<hbm>>) dst(%dma_wait3A_1031 : memref<4x128xf32, #tpu.memory_space<vmem>>)
    %dma_wait3A_1036 = arith.constant 136 : i32
    %dma_wait3A_1037 = arith.constant 0 : i32
    %dma_wait3A_1038 = tpu.memref_slice %arg11[%dma_wait3A_1036, %dma_wait3A_1037] : memref<256x128xf32, #tpu.memory_space<vmem>> -> memref<4x128xf32, #tpu.memory_space<vmem>>
    %dma_wait3A_1039 = arith.constant 0 : i32
    %dma_wait3A_1040 = arith.constant 0 : i32
    %dma_wait3A_1041 = tpu.memref_slice %arg8[%add3A, %dma_wait3A_1039, %dma_wait3A_1040] : memref<32x4x128xf32, #tpu.memory_space<hbm>> -> memref<1x4x128xf32, #tpu.memory_space<hbm>>
    %dma_wait3A_1042 = tpu.memref_squeeze %dma_wait3A_1041 : memref<1x4x128xf32, #tpu.memory_space<hbm>> -> memref<4x128xf32, #tpu.memory_space<hbm>>
    %dma_wait3A_1043 = arith.constant 136 : i32
    %dma_wait3A_1044 = arith.constant 0 : i32
    %dma_wait3A_1045 = tpu.memref_slice %arg11[%dma_wait3A_1043, %dma_wait3A_1044] : memref<256x128xf32, #tpu.memory_space<vmem>> -> memref<4x128xf32, #tpu.memory_space<vmem>>
    %dma_wait3A_1046 = arith.constant 0 : i32
    %dma_wait3A_1047 = arith.constant 0 : i32
    %dma_wait3A_1048 = tpu.memref_slice %arg8[%add3A, %dma_wait3A_1046, %dma_wait3A_1047] : memref<32x4x128xf32, #tpu.memory_space<hbm>> -> memref<1x4x128xf32, #tpu.memory_space<hbm>>
    %dma_wait3A_1049 = tpu.memref_squeeze %dma_wait3A_1048 : memref<1x4x128xf32, #tpu.memory_space<hbm>> -> memref<4x128xf32, #tpu.memory_space<hbm>>
    tpu.wait_dma2 semaphore(%arg17 : memref<!tpu.dma_semaphore, #tpu.memory_space<semaphore_mem>>) src(%dma_wait3A_1049 : memref<4x128xf32, #tpu.memory_space<hbm>>) dst(%dma_wait3A_1045 : memref<4x128xf32, #tpu.memory_space<vmem>>)
    %dma_wait3A_1050 = arith.constant 136 : i32
    %dma_wait3A_1051 = arith.constant 0 : i32
    %dma_wait3A_1052 = tpu.memref_slice %arg12[%dma_wait3A_1050, %dma_wait3A_1051] : memref<256x128xf32, #tpu.memory_space<vmem>> -> memref<4x128xf32, #tpu.memory_space<vmem>>
    %dma_wait3A_1053 = arith.constant 0 : i32
    %dma_wait3A_1054 = arith.constant 0 : i32
    %dma_wait3A_1055 = tpu.memref_slice %arg8[%add3A, %dma_wait3A_1053, %dma_wait3A_1054] : memref<32x4x128xf32, #tpu.memory_space<hbm>> -> memref<1x4x128xf32, #tpu.memory_space<hbm>>
    %dma_wait3A_1056 = tpu.memref_squeeze %dma_wait3A_1055 : memref<1x4x128xf32, #tpu.memory_space<hbm>> -> memref<4x128xf32, #tpu.memory_space<hbm>>
    %dma_wait3A_1057 = arith.constant 136 : i32
    %dma_wait3A_1058 = arith.constant 0 : i32
    %dma_wait3A_1059 = tpu.memref_slice %arg12[%dma_wait3A_1057, %dma_wait3A_1058] : memref<256x128xf32, #tpu.memory_space<vmem>> -> memref<4x128xf32, #tpu.memory_space<vmem>>
    %dma_wait3A_1060 = arith.constant 0 : i32
    %dma_wait3A_1061 = arith.constant 0 : i32
    %dma_wait3A_1062 = tpu.memref_slice %arg8[%add3A, %dma_wait3A_1060, %dma_wait3A_1061] : memref<32x4x128xf32, #tpu.memory_space<hbm>> -> memref<1x4x128xf32, #tpu.memory_space<hbm>>
    %dma_wait3A_1063 = tpu.memref_squeeze %dma_wait3A_1062 : memref<1x4x128xf32, #tpu.memory_space<hbm>> -> memref<4x128xf32, #tpu.memory_space<hbm>>
    tpu.wait_dma2 semaphore(%arg18 : memref<!tpu.dma_semaphore, #tpu.memory_space<semaphore_mem>>) src(%dma_wait3A_1063 : memref<4x128xf32, #tpu.memory_space<hbm>>) dst(%dma_wait3A_1059 : memref<4x128xf32, #tpu.memory_space<vmem>>)
    %dma_wait3A_1064 = arith.constant 140 : i32
    %dma_wait3A_1065 = arith.constant 0 : i32
    %dma_wait3A_1066 = tpu.memref_slice %arg11[%dma_wait3A_1064, %dma_wait3A_1065] : memref<256x128xf32, #tpu.memory_space<vmem>> -> memref<4x128xf32, #tpu.memory_space<vmem>>
    %dma_wait3A_1067 = arith.constant 0 : i32
    %dma_wait3A_1068 = arith.constant 0 : i32
    %dma_wait3A_1069 = tpu.memref_slice %arg8[%add3A, %dma_wait3A_1067, %dma_wait3A_1068] : memref<32x4x128xf32, #tpu.memory_space<hbm>> -> memref<1x4x128xf32, #tpu.memory_space<hbm>>
    %dma_wait3A_1070 = tpu.memref_squeeze %dma_wait3A_1069 : memref<1x4x128xf32, #tpu.memory_space<hbm>> -> memref<4x128xf32, #tpu.memory_space<hbm>>
    %dma_wait3A_1071 = arith.constant 140 : i32
    %dma_wait3A_1072 = arith.constant 0 : i32
    %dma_wait3A_1073 = tpu.memref_slice %arg11[%dma_wait3A_1071, %dma_wait3A_1072] : memref<256x128xf32, #tpu.memory_space<vmem>> -> memref<4x128xf32, #tpu.memory_space<vmem>>
    %dma_wait3A_1074 = arith.constant 0 : i32
    %dma_wait3A_1075 = arith.constant 0 : i32
    %dma_wait3A_1076 = tpu.memref_slice %arg8[%add3A, %dma_wait3A_1074, %dma_wait3A_1075] : memref<32x4x128xf32, #tpu.memory_space<hbm>> -> memref<1x4x128xf32, #tpu.memory_space<hbm>>
    %dma_wait3A_1077 = tpu.memref_squeeze %dma_wait3A_1076 : memref<1x4x128xf32, #tpu.memory_space<hbm>> -> memref<4x128xf32, #tpu.memory_space<hbm>>
    tpu.wait_dma2 semaphore(%arg17 : memref<!tpu.dma_semaphore, #tpu.memory_space<semaphore_mem>>) src(%dma_wait3A_1077 : memref<4x128xf32, #tpu.memory_space<hbm>>) dst(%dma_wait3A_1073 : memref<4x128xf32, #tpu.memory_space<vmem>>)
    %dma_wait3A_1078 = arith.constant 140 : i32
    %dma_wait3A_1079 = arith.constant 0 : i32
    %dma_wait3A_1080 = tpu.memref_slice %arg12[%dma_wait3A_1078, %dma_wait3A_1079] : memref<256x128xf32, #tpu.memory_space<vmem>> -> memref<4x128xf32, #tpu.memory_space<vmem>>
    %dma_wait3A_1081 = arith.constant 0 : i32
    %dma_wait3A_1082 = arith.constant 0 : i32
    %dma_wait3A_1083 = tpu.memref_slice %arg8[%add3A, %dma_wait3A_1081, %dma_wait3A_1082] : memref<32x4x128xf32, #tpu.memory_space<hbm>> -> memref<1x4x128xf32, #tpu.memory_space<hbm>>
    %dma_wait3A_1084 = tpu.memref_squeeze %dma_wait3A_1083 : memref<1x4x128xf32, #tpu.memory_space<hbm>> -> memref<4x128xf32, #tpu.memory_space<hbm>>
    %dma_wait3A_1085 = arith.constant 140 : i32
    %dma_wait3A_1086 = arith.constant 0 : i32
    %dma_wait3A_1087 = tpu.memref_slice %arg12[%dma_wait3A_1085, %dma_wait3A_1086] : memref<256x128xf32, #tpu.memory_space<vmem>> -> memref<4x128xf32, #tpu.memory_space<vmem>>
    %dma_wait3A_1088 = arith.constant 0 : i32
    %dma_wait3A_1089 = arith.constant 0 : i32
    %dma_wait3A_1090 = tpu.memref_slice %arg8[%add3A, %dma_wait3A_1088, %dma_wait3A_1089] : memref<32x4x128xf32, #tpu.memory_space<hbm>> -> memref<1x4x128xf32, #tpu.memory_space<hbm>>
    %dma_wait3A_1091 = tpu.memref_squeeze %dma_wait3A_1090 : memref<1x4x128xf32, #tpu.memory_space<hbm>> -> memref<4x128xf32, #tpu.memory_space<hbm>>
    tpu.wait_dma2 semaphore(%arg18 : memref<!tpu.dma_semaphore, #tpu.memory_space<semaphore_mem>>) src(%dma_wait3A_1091 : memref<4x128xf32, #tpu.memory_space<hbm>>) dst(%dma_wait3A_1087 : memref<4x128xf32, #tpu.memory_space<vmem>>)
    %dma_wait3A_1092 = arith.constant 144 : i32
    %dma_wait3A_1093 = arith.constant 0 : i32
    %dma_wait3A_1094 = tpu.memref_slice %arg11[%dma_wait3A_1092, %dma_wait3A_1093] : memref<256x128xf32, #tpu.memory_space<vmem>> -> memref<4x128xf32, #tpu.memory_space<vmem>>
    %dma_wait3A_1095 = arith.constant 0 : i32
    %dma_wait3A_1096 = arith.constant 0 : i32
    %dma_wait3A_1097 = tpu.memref_slice %arg8[%add3A, %dma_wait3A_1095, %dma_wait3A_1096] : memref<32x4x128xf32, #tpu.memory_space<hbm>> -> memref<1x4x128xf32, #tpu.memory_space<hbm>>
    %dma_wait3A_1098 = tpu.memref_squeeze %dma_wait3A_1097 : memref<1x4x128xf32, #tpu.memory_space<hbm>> -> memref<4x128xf32, #tpu.memory_space<hbm>>
    %dma_wait3A_1099 = arith.constant 144 : i32
    %dma_wait3A_1100 = arith.constant 0 : i32
    %dma_wait3A_1101 = tpu.memref_slice %arg11[%dma_wait3A_1099, %dma_wait3A_1100] : memref<256x128xf32, #tpu.memory_space<vmem>> -> memref<4x128xf32, #tpu.memory_space<vmem>>
    %dma_wait3A_1102 = arith.constant 0 : i32
    %dma_wait3A_1103 = arith.constant 0 : i32
    %dma_wait3A_1104 = tpu.memref_slice %arg8[%add3A, %dma_wait3A_1102, %dma_wait3A_1103] : memref<32x4x128xf32, #tpu.memory_space<hbm>> -> memref<1x4x128xf32, #tpu.memory_space<hbm>>
    %dma_wait3A_1105 = tpu.memref_squeeze %dma_wait3A_1104 : memref<1x4x128xf32, #tpu.memory_space<hbm>> -> memref<4x128xf32, #tpu.memory_space<hbm>>
    tpu.wait_dma2 semaphore(%arg17 : memref<!tpu.dma_semaphore, #tpu.memory_space<semaphore_mem>>) src(%dma_wait3A_1105 : memref<4x128xf32, #tpu.memory_space<hbm>>) dst(%dma_wait3A_1101 : memref<4x128xf32, #tpu.memory_space<vmem>>)
    %dma_wait3A_1106 = arith.constant 144 : i32
    %dma_wait3A_1107 = arith.constant 0 : i32
    %dma_wait3A_1108 = tpu.memref_slice %arg12[%dma_wait3A_1106, %dma_wait3A_1107] : memref<256x128xf32, #tpu.memory_space<vmem>> -> memref<4x128xf32, #tpu.memory_space<vmem>>
    %dma_wait3A_1109 = arith.constant 0 : i32
    %dma_wait3A_1110 = arith.constant 0 : i32
    %dma_wait3A_1111 = tpu.memref_slice %arg8[%add3A, %dma_wait3A_1109, %dma_wait3A_1110] : memref<32x4x128xf32, #tpu.memory_space<hbm>> -> memref<1x4x128xf32, #tpu.memory_space<hbm>>
    %dma_wait3A_1112 = tpu.memref_squeeze %dma_wait3A_1111 : memref<1x4x128xf32, #tpu.memory_space<hbm>> -> memref<4x128xf32, #tpu.memory_space<hbm>>
    %dma_wait3A_1113 = arith.constant 144 : i32
    %dma_wait3A_1114 = arith.constant 0 : i32
    %dma_wait3A_1115 = tpu.memref_slice %arg12[%dma_wait3A_1113, %dma_wait3A_1114] : memref<256x128xf32, #tpu.memory_space<vmem>> -> memref<4x128xf32, #tpu.memory_space<vmem>>
    %dma_wait3A_1116 = arith.constant 0 : i32
    %dma_wait3A_1117 = arith.constant 0 : i32
    %dma_wait3A_1118 = tpu.memref_slice %arg8[%add3A, %dma_wait3A_1116, %dma_wait3A_1117] : memref<32x4x128xf32, #tpu.memory_space<hbm>> -> memref<1x4x128xf32, #tpu.memory_space<hbm>>
    %dma_wait3A_1119 = tpu.memref_squeeze %dma_wait3A_1118 : memref<1x4x128xf32, #tpu.memory_space<hbm>> -> memref<4x128xf32, #tpu.memory_space<hbm>>
    tpu.wait_dma2 semaphore(%arg18 : memref<!tpu.dma_semaphore, #tpu.memory_space<semaphore_mem>>) src(%dma_wait3A_1119 : memref<4x128xf32, #tpu.memory_space<hbm>>) dst(%dma_wait3A_1115 : memref<4x128xf32, #tpu.memory_space<vmem>>)
    %dma_wait3A_1120 = arith.constant 148 : i32
    %dma_wait3A_1121 = arith.constant 0 : i32
    %dma_wait3A_1122 = tpu.memref_slice %arg11[%dma_wait3A_1120, %dma_wait3A_1121] : memref<256x128xf32, #tpu.memory_space<vmem>> -> memref<4x128xf32, #tpu.memory_space<vmem>>
    %dma_wait3A_1123 = arith.constant 0 : i32
    %dma_wait3A_1124 = arith.constant 0 : i32
    %dma_wait3A_1125 = tpu.memref_slice %arg8[%add3A, %dma_wait3A_1123, %dma_wait3A_1124] : memref<32x4x128xf32, #tpu.memory_space<hbm>> -> memref<1x4x128xf32, #tpu.memory_space<hbm>>
    %dma_wait3A_1126 = tpu.memref_squeeze %dma_wait3A_1125 : memref<1x4x128xf32, #tpu.memory_space<hbm>> -> memref<4x128xf32, #tpu.memory_space<hbm>>
    %dma_wait3A_1127 = arith.constant 148 : i32
    %dma_wait3A_1128 = arith.constant 0 : i32
    %dma_wait3A_1129 = tpu.memref_slice %arg11[%dma_wait3A_1127, %dma_wait3A_1128] : memref<256x128xf32, #tpu.memory_space<vmem>> -> memref<4x128xf32, #tpu.memory_space<vmem>>
    %dma_wait3A_1130 = arith.constant 0 : i32
    %dma_wait3A_1131 = arith.constant 0 : i32
    %dma_wait3A_1132 = tpu.memref_slice %arg8[%add3A, %dma_wait3A_1130, %dma_wait3A_1131] : memref<32x4x128xf32, #tpu.memory_space<hbm>> -> memref<1x4x128xf32, #tpu.memory_space<hbm>>
    %dma_wait3A_1133 = tpu.memref_squeeze %dma_wait3A_1132 : memref<1x4x128xf32, #tpu.memory_space<hbm>> -> memref<4x128xf32, #tpu.memory_space<hbm>>
    tpu.wait_dma2 semaphore(%arg17 : memref<!tpu.dma_semaphore, #tpu.memory_space<semaphore_mem>>) src(%dma_wait3A_1133 : memref<4x128xf32, #tpu.memory_space<hbm>>) dst(%dma_wait3A_1129 : memref<4x128xf32, #tpu.memory_space<vmem>>)
    %dma_wait3A_1134 = arith.constant 148 : i32
    %dma_wait3A_1135 = arith.constant 0 : i32
    %dma_wait3A_1136 = tpu.memref_slice %arg12[%dma_wait3A_1134, %dma_wait3A_1135] : memref<256x128xf32, #tpu.memory_space<vmem>> -> memref<4x128xf32, #tpu.memory_space<vmem>>
    %dma_wait3A_1137 = arith.constant 0 : i32
    %dma_wait3A_1138 = arith.constant 0 : i32
    %dma_wait3A_1139 = tpu.memref_slice %arg8[%add3A, %dma_wait3A_1137, %dma_wait3A_1138] : memref<32x4x128xf32, #tpu.memory_space<hbm>> -> memref<1x4x128xf32, #tpu.memory_space<hbm>>
    %dma_wait3A_1140 = tpu.memref_squeeze %dma_wait3A_1139 : memref<1x4x128xf32, #tpu.memory_space<hbm>> -> memref<4x128xf32, #tpu.memory_space<hbm>>
    %dma_wait3A_1141 = arith.constant 148 : i32
    %dma_wait3A_1142 = arith.constant 0 : i32
    %dma_wait3A_1143 = tpu.memref_slice %arg12[%dma_wait3A_1141, %dma_wait3A_1142] : memref<256x128xf32, #tpu.memory_space<vmem>> -> memref<4x128xf32, #tpu.memory_space<vmem>>
    %dma_wait3A_1144 = arith.constant 0 : i32
    %dma_wait3A_1145 = arith.constant 0 : i32
    %dma_wait3A_1146 = tpu.memref_slice %arg8[%add3A, %dma_wait3A_1144, %dma_wait3A_1145] : memref<32x4x128xf32, #tpu.memory_space<hbm>> -> memref<1x4x128xf32, #tpu.memory_space<hbm>>
    %dma_wait3A_1147 = tpu.memref_squeeze %dma_wait3A_1146 : memref<1x4x128xf32, #tpu.memory_space<hbm>> -> memref<4x128xf32, #tpu.memory_space<hbm>>
    tpu.wait_dma2 semaphore(%arg18 : memref<!tpu.dma_semaphore, #tpu.memory_space<semaphore_mem>>) src(%dma_wait3A_1147 : memref<4x128xf32, #tpu.memory_space<hbm>>) dst(%dma_wait3A_1143 : memref<4x128xf32, #tpu.memory_space<vmem>>)
    %dma_wait3A_1148 = arith.constant 152 : i32
    %dma_wait3A_1149 = arith.constant 0 : i32
    %dma_wait3A_1150 = tpu.memref_slice %arg11[%dma_wait3A_1148, %dma_wait3A_1149] : memref<256x128xf32, #tpu.memory_space<vmem>> -> memref<4x128xf32, #tpu.memory_space<vmem>>
    %dma_wait3A_1151 = arith.constant 0 : i32
    %dma_wait3A_1152 = arith.constant 0 : i32
    %dma_wait3A_1153 = tpu.memref_slice %arg8[%add3A, %dma_wait3A_1151, %dma_wait3A_1152] : memref<32x4x128xf32, #tpu.memory_space<hbm>> -> memref<1x4x128xf32, #tpu.memory_space<hbm>>
    %dma_wait3A_1154 = tpu.memref_squeeze %dma_wait3A_1153 : memref<1x4x128xf32, #tpu.memory_space<hbm>> -> memref<4x128xf32, #tpu.memory_space<hbm>>
    %dma_wait3A_1155 = arith.constant 152 : i32
    %dma_wait3A_1156 = arith.constant 0 : i32
    %dma_wait3A_1157 = tpu.memref_slice %arg11[%dma_wait3A_1155, %dma_wait3A_1156] : memref<256x128xf32, #tpu.memory_space<vmem>> -> memref<4x128xf32, #tpu.memory_space<vmem>>
    %dma_wait3A_1158 = arith.constant 0 : i32
    %dma_wait3A_1159 = arith.constant 0 : i32
    %dma_wait3A_1160 = tpu.memref_slice %arg8[%add3A, %dma_wait3A_1158, %dma_wait3A_1159] : memref<32x4x128xf32, #tpu.memory_space<hbm>> -> memref<1x4x128xf32, #tpu.memory_space<hbm>>
    %dma_wait3A_1161 = tpu.memref_squeeze %dma_wait3A_1160 : memref<1x4x128xf32, #tpu.memory_space<hbm>> -> memref<4x128xf32, #tpu.memory_space<hbm>>
    tpu.wait_dma2 semaphore(%arg17 : memref<!tpu.dma_semaphore, #tpu.memory_space<semaphore_mem>>) src(%dma_wait3A_1161 : memref<4x128xf32, #tpu.memory_space<hbm>>) dst(%dma_wait3A_1157 : memref<4x128xf32, #tpu.memory_space<vmem>>)
    %dma_wait3A_1162 = arith.constant 152 : i32
    %dma_wait3A_1163 = arith.constant 0 : i32
    %dma_wait3A_1164 = tpu.memref_slice %arg12[%dma_wait3A_1162, %dma_wait3A_1163] : memref<256x128xf32, #tpu.memory_space<vmem>> -> memref<4x128xf32, #tpu.memory_space<vmem>>
    %dma_wait3A_1165 = arith.constant 0 : i32
    %dma_wait3A_1166 = arith.constant 0 : i32
    %dma_wait3A_1167 = tpu.memref_slice %arg8[%add3A, %dma_wait3A_1165, %dma_wait3A_1166] : memref<32x4x128xf32, #tpu.memory_space<hbm>> -> memref<1x4x128xf32, #tpu.memory_space<hbm>>
    %dma_wait3A_1168 = tpu.memref_squeeze %dma_wait3A_1167 : memref<1x4x128xf32, #tpu.memory_space<hbm>> -> memref<4x128xf32, #tpu.memory_space<hbm>>
    %dma_wait3A_1169 = arith.constant 152 : i32
    %dma_wait3A_1170 = arith.constant 0 : i32
    %dma_wait3A_1171 = tpu.memref_slice %arg12[%dma_wait3A_1169, %dma_wait3A_1170] : memref<256x128xf32, #tpu.memory_space<vmem>> -> memref<4x128xf32, #tpu.memory_space<vmem>>
    %dma_wait3A_1172 = arith.constant 0 : i32
    %dma_wait3A_1173 = arith.constant 0 : i32
    %dma_wait3A_1174 = tpu.memref_slice %arg8[%add3A, %dma_wait3A_1172, %dma_wait3A_1173] : memref<32x4x128xf32, #tpu.memory_space<hbm>> -> memref<1x4x128xf32, #tpu.memory_space<hbm>>
    %dma_wait3A_1175 = tpu.memref_squeeze %dma_wait3A_1174 : memref<1x4x128xf32, #tpu.memory_space<hbm>> -> memref<4x128xf32, #tpu.memory_space<hbm>>
    tpu.wait_dma2 semaphore(%arg18 : memref<!tpu.dma_semaphore, #tpu.memory_space<semaphore_mem>>) src(%dma_wait3A_1175 : memref<4x128xf32, #tpu.memory_space<hbm>>) dst(%dma_wait3A_1171 : memref<4x128xf32, #tpu.memory_space<vmem>>)
    %dma_wait3A_1176 = arith.constant 156 : i32
    %dma_wait3A_1177 = arith.constant 0 : i32
    %dma_wait3A_1178 = tpu.memref_slice %arg11[%dma_wait3A_1176, %dma_wait3A_1177] : memref<256x128xf32, #tpu.memory_space<vmem>> -> memref<4x128xf32, #tpu.memory_space<vmem>>
    %dma_wait3A_1179 = arith.constant 0 : i32
    %dma_wait3A_1180 = arith.constant 0 : i32
    %dma_wait3A_1181 = tpu.memref_slice %arg8[%add3A, %dma_wait3A_1179, %dma_wait3A_1180] : memref<32x4x128xf32, #tpu.memory_space<hbm>> -> memref<1x4x128xf32, #tpu.memory_space<hbm>>
    %dma_wait3A_1182 = tpu.memref_squeeze %dma_wait3A_1181 : memref<1x4x128xf32, #tpu.memory_space<hbm>> -> memref<4x128xf32, #tpu.memory_space<hbm>>
    %dma_wait3A_1183 = arith.constant 156 : i32
    %dma_wait3A_1184 = arith.constant 0 : i32
    %dma_wait3A_1185 = tpu.memref_slice %arg11[%dma_wait3A_1183, %dma_wait3A_1184] : memref<256x128xf32, #tpu.memory_space<vmem>> -> memref<4x128xf32, #tpu.memory_space<vmem>>
    %dma_wait3A_1186 = arith.constant 0 : i32
    %dma_wait3A_1187 = arith.constant 0 : i32
    %dma_wait3A_1188 = tpu.memref_slice %arg8[%add3A, %dma_wait3A_1186, %dma_wait3A_1187] : memref<32x4x128xf32, #tpu.memory_space<hbm>> -> memref<1x4x128xf32, #tpu.memory_space<hbm>>
    %dma_wait3A_1189 = tpu.memref_squeeze %dma_wait3A_1188 : memref<1x4x128xf32, #tpu.memory_space<hbm>> -> memref<4x128xf32, #tpu.memory_space<hbm>>
    tpu.wait_dma2 semaphore(%arg17 : memref<!tpu.dma_semaphore, #tpu.memory_space<semaphore_mem>>) src(%dma_wait3A_1189 : memref<4x128xf32, #tpu.memory_space<hbm>>) dst(%dma_wait3A_1185 : memref<4x128xf32, #tpu.memory_space<vmem>>)
    %dma_wait3A_1190 = arith.constant 156 : i32
    %dma_wait3A_1191 = arith.constant 0 : i32
    %dma_wait3A_1192 = tpu.memref_slice %arg12[%dma_wait3A_1190, %dma_wait3A_1191] : memref<256x128xf32, #tpu.memory_space<vmem>> -> memref<4x128xf32, #tpu.memory_space<vmem>>
    %dma_wait3A_1193 = arith.constant 0 : i32
    %dma_wait3A_1194 = arith.constant 0 : i32
    %dma_wait3A_1195 = tpu.memref_slice %arg8[%add3A, %dma_wait3A_1193, %dma_wait3A_1194] : memref<32x4x128xf32, #tpu.memory_space<hbm>> -> memref<1x4x128xf32, #tpu.memory_space<hbm>>
    %dma_wait3A_1196 = tpu.memref_squeeze %dma_wait3A_1195 : memref<1x4x128xf32, #tpu.memory_space<hbm>> -> memref<4x128xf32, #tpu.memory_space<hbm>>
    %dma_wait3A_1197 = arith.constant 156 : i32
    %dma_wait3A_1198 = arith.constant 0 : i32
    %dma_wait3A_1199 = tpu.memref_slice %arg12[%dma_wait3A_1197, %dma_wait3A_1198] : memref<256x128xf32, #tpu.memory_space<vmem>> -> memref<4x128xf32, #tpu.memory_space<vmem>>
    %dma_wait3A_1200 = arith.constant 0 : i32
    %dma_wait3A_1201 = arith.constant 0 : i32
    %dma_wait3A_1202 = tpu.memref_slice %arg8[%add3A, %dma_wait3A_1200, %dma_wait3A_1201] : memref<32x4x128xf32, #tpu.memory_space<hbm>> -> memref<1x4x128xf32, #tpu.memory_space<hbm>>
    %dma_wait3A_1203 = tpu.memref_squeeze %dma_wait3A_1202 : memref<1x4x128xf32, #tpu.memory_space<hbm>> -> memref<4x128xf32, #tpu.memory_space<hbm>>
    tpu.wait_dma2 semaphore(%arg18 : memref<!tpu.dma_semaphore, #tpu.memory_space<semaphore_mem>>) src(%dma_wait3A_1203 : memref<4x128xf32, #tpu.memory_space<hbm>>) dst(%dma_wait3A_1199 : memref<4x128xf32, #tpu.memory_space<vmem>>)
    %dma_wait3A_1204 = arith.constant 160 : i32
    %dma_wait3A_1205 = arith.constant 0 : i32
    %dma_wait3A_1206 = tpu.memref_slice %arg11[%dma_wait3A_1204, %dma_wait3A_1205] : memref<256x128xf32, #tpu.memory_space<vmem>> -> memref<4x128xf32, #tpu.memory_space<vmem>>
    %dma_wait3A_1207 = arith.constant 0 : i32
    %dma_wait3A_1208 = arith.constant 0 : i32
    %dma_wait3A_1209 = tpu.memref_slice %arg8[%add3A, %dma_wait3A_1207, %dma_wait3A_1208] : memref<32x4x128xf32, #tpu.memory_space<hbm>> -> memref<1x4x128xf32, #tpu.memory_space<hbm>>
    %dma_wait3A_1210 = tpu.memref_squeeze %dma_wait3A_1209 : memref<1x4x128xf32, #tpu.memory_space<hbm>> -> memref<4x128xf32, #tpu.memory_space<hbm>>
    %dma_wait3A_1211 = arith.constant 160 : i32
    %dma_wait3A_1212 = arith.constant 0 : i32
    %dma_wait3A_1213 = tpu.memref_slice %arg11[%dma_wait3A_1211, %dma_wait3A_1212] : memref<256x128xf32, #tpu.memory_space<vmem>> -> memref<4x128xf32, #tpu.memory_space<vmem>>
    %dma_wait3A_1214 = arith.constant 0 : i32
    %dma_wait3A_1215 = arith.constant 0 : i32
    %dma_wait3A_1216 = tpu.memref_slice %arg8[%add3A, %dma_wait3A_1214, %dma_wait3A_1215] : memref<32x4x128xf32, #tpu.memory_space<hbm>> -> memref<1x4x128xf32, #tpu.memory_space<hbm>>
    %dma_wait3A_1217 = tpu.memref_squeeze %dma_wait3A_1216 : memref<1x4x128xf32, #tpu.memory_space<hbm>> -> memref<4x128xf32, #tpu.memory_space<hbm>>
    tpu.wait_dma2 semaphore(%arg17 : memref<!tpu.dma_semaphore, #tpu.memory_space<semaphore_mem>>) src(%dma_wait3A_1217 : memref<4x128xf32, #tpu.memory_space<hbm>>) dst(%dma_wait3A_1213 : memref<4x128xf32, #tpu.memory_space<vmem>>)
    %dma_wait3A_1218 = arith.constant 160 : i32
    %dma_wait3A_1219 = arith.constant 0 : i32
    %dma_wait3A_1220 = tpu.memref_slice %arg12[%dma_wait3A_1218, %dma_wait3A_1219] : memref<256x128xf32, #tpu.memory_space<vmem>> -> memref<4x128xf32, #tpu.memory_space<vmem>>
    %dma_wait3A_1221 = arith.constant 0 : i32
    %dma_wait3A_1222 = arith.constant 0 : i32
    %dma_wait3A_1223 = tpu.memref_slice %arg8[%add3A, %dma_wait3A_1221, %dma_wait3A_1222] : memref<32x4x128xf32, #tpu.memory_space<hbm>> -> memref<1x4x128xf32, #tpu.memory_space<hbm>>
    %dma_wait3A_1224 = tpu.memref_squeeze %dma_wait3A_1223 : memref<1x4x128xf32, #tpu.memory_space<hbm>> -> memref<4x128xf32, #tpu.memory_space<hbm>>
    %dma_wait3A_1225 = arith.constant 160 : i32
    %dma_wait3A_1226 = arith.constant 0 : i32
    %dma_wait3A_1227 = tpu.memref_slice %arg12[%dma_wait3A_1225, %dma_wait3A_1226] : memref<256x128xf32, #tpu.memory_space<vmem>> -> memref<4x128xf32, #tpu.memory_space<vmem>>
    %dma_wait3A_1228 = arith.constant 0 : i32
    %dma_wait3A_1229 = arith.constant 0 : i32
    %dma_wait3A_1230 = tpu.memref_slice %arg8[%add3A, %dma_wait3A_1228, %dma_wait3A_1229] : memref<32x4x128xf32, #tpu.memory_space<hbm>> -> memref<1x4x128xf32, #tpu.memory_space<hbm>>
    %dma_wait3A_1231 = tpu.memref_squeeze %dma_wait3A_1230 : memref<1x4x128xf32, #tpu.memory_space<hbm>> -> memref<4x128xf32, #tpu.memory_space<hbm>>
    tpu.wait_dma2 semaphore(%arg18 : memref<!tpu.dma_semaphore, #tpu.memory_space<semaphore_mem>>) src(%dma_wait3A_1231 : memref<4x128xf32, #tpu.memory_space<hbm>>) dst(%dma_wait3A_1227 : memref<4x128xf32, #tpu.memory_space<vmem>>)
    %dma_wait3A_1232 = arith.constant 164 : i32
    %dma_wait3A_1233 = arith.constant 0 : i32
    %dma_wait3A_1234 = tpu.memref_slice %arg11[%dma_wait3A_1232, %dma_wait3A_1233] : memref<256x128xf32, #tpu.memory_space<vmem>> -> memref<4x128xf32, #tpu.memory_space<vmem>>
    %dma_wait3A_1235 = arith.constant 0 : i32
    %dma_wait3A_1236 = arith.constant 0 : i32
    %dma_wait3A_1237 = tpu.memref_slice %arg8[%add3A, %dma_wait3A_1235, %dma_wait3A_1236] : memref<32x4x128xf32, #tpu.memory_space<hbm>> -> memref<1x4x128xf32, #tpu.memory_space<hbm>>
    %dma_wait3A_1238 = tpu.memref_squeeze %dma_wait3A_1237 : memref<1x4x128xf32, #tpu.memory_space<hbm>> -> memref<4x128xf32, #tpu.memory_space<hbm>>
    %dma_wait3A_1239 = arith.constant 164 : i32
    %dma_wait3A_1240 = arith.constant 0 : i32
    %dma_wait3A_1241 = tpu.memref_slice %arg11[%dma_wait3A_1239, %dma_wait3A_1240] : memref<256x128xf32, #tpu.memory_space<vmem>> -> memref<4x128xf32, #tpu.memory_space<vmem>>
    %dma_wait3A_1242 = arith.constant 0 : i32
    %dma_wait3A_1243 = arith.constant 0 : i32
    %dma_wait3A_1244 = tpu.memref_slice %arg8[%add3A, %dma_wait3A_1242, %dma_wait3A_1243] : memref<32x4x128xf32, #tpu.memory_space<hbm>> -> memref<1x4x128xf32, #tpu.memory_space<hbm>>
    %dma_wait3A_1245 = tpu.memref_squeeze %dma_wait3A_1244 : memref<1x4x128xf32, #tpu.memory_space<hbm>> -> memref<4x128xf32, #tpu.memory_space<hbm>>
    tpu.wait_dma2 semaphore(%arg17 : memref<!tpu.dma_semaphore, #tpu.memory_space<semaphore_mem>>) src(%dma_wait3A_1245 : memref<4x128xf32, #tpu.memory_space<hbm>>) dst(%dma_wait3A_1241 : memref<4x128xf32, #tpu.memory_space<vmem>>)
    %dma_wait3A_1246 = arith.constant 164 : i32
    %dma_wait3A_1247 = arith.constant 0 : i32
    %dma_wait3A_1248 = tpu.memref_slice %arg12[%dma_wait3A_1246, %dma_wait3A_1247] : memref<256x128xf32, #tpu.memory_space<vmem>> -> memref<4x128xf32, #tpu.memory_space<vmem>>
    %dma_wait3A_1249 = arith.constant 0 : i32
    %dma_wait3A_1250 = arith.constant 0 : i32
    %dma_wait3A_1251 = tpu.memref_slice %arg8[%add3A, %dma_wait3A_1249, %dma_wait3A_1250] : memref<32x4x128xf32, #tpu.memory_space<hbm>> -> memref<1x4x128xf32, #tpu.memory_space<hbm>>
    %dma_wait3A_1252 = tpu.memref_squeeze %dma_wait3A_1251 : memref<1x4x128xf32, #tpu.memory_space<hbm>> -> memref<4x128xf32, #tpu.memory_space<hbm>>
    %dma_wait3A_1253 = arith.constant 164 : i32
    %dma_wait3A_1254 = arith.constant 0 : i32
    %dma_wait3A_1255 = tpu.memref_slice %arg12[%dma_wait3A_1253, %dma_wait3A_1254] : memref<256x128xf32, #tpu.memory_space<vmem>> -> memref<4x128xf32, #tpu.memory_space<vmem>>
    %dma_wait3A_1256 = arith.constant 0 : i32
    %dma_wait3A_1257 = arith.constant 0 : i32
    %dma_wait3A_1258 = tpu.memref_slice %arg8[%add3A, %dma_wait3A_1256, %dma_wait3A_1257] : memref<32x4x128xf32, #tpu.memory_space<hbm>> -> memref<1x4x128xf32, #tpu.memory_space<hbm>>
    %dma_wait3A_1259 = tpu.memref_squeeze %dma_wait3A_1258 : memref<1x4x128xf32, #tpu.memory_space<hbm>> -> memref<4x128xf32, #tpu.memory_space<hbm>>
    tpu.wait_dma2 semaphore(%arg18 : memref<!tpu.dma_semaphore, #tpu.memory_space<semaphore_mem>>) src(%dma_wait3A_1259 : memref<4x128xf32, #tpu.memory_space<hbm>>) dst(%dma_wait3A_1255 : memref<4x128xf32, #tpu.memory_space<vmem>>)
    %dma_wait3A_1260 = arith.constant 168 : i32
    %dma_wait3A_1261 = arith.constant 0 : i32
    %dma_wait3A_1262 = tpu.memref_slice %arg11[%dma_wait3A_1260, %dma_wait3A_1261] : memref<256x128xf32, #tpu.memory_space<vmem>> -> memref<4x128xf32, #tpu.memory_space<vmem>>
    %dma_wait3A_1263 = arith.constant 0 : i32
    %dma_wait3A_1264 = arith.constant 0 : i32
    %dma_wait3A_1265 = tpu.memref_slice %arg8[%add3A, %dma_wait3A_1263, %dma_wait3A_1264] : memref<32x4x128xf32, #tpu.memory_space<hbm>> -> memref<1x4x128xf32, #tpu.memory_space<hbm>>
    %dma_wait3A_1266 = tpu.memref_squeeze %dma_wait3A_1265 : memref<1x4x128xf32, #tpu.memory_space<hbm>> -> memref<4x128xf32, #tpu.memory_space<hbm>>
    %dma_wait3A_1267 = arith.constant 168 : i32
    %dma_wait3A_1268 = arith.constant 0 : i32
    %dma_wait3A_1269 = tpu.memref_slice %arg11[%dma_wait3A_1267, %dma_wait3A_1268] : memref<256x128xf32, #tpu.memory_space<vmem>> -> memref<4x128xf32, #tpu.memory_space<vmem>>
    %dma_wait3A_1270 = arith.constant 0 : i32
    %dma_wait3A_1271 = arith.constant 0 : i32
    %dma_wait3A_1272 = tpu.memref_slice %arg8[%add3A, %dma_wait3A_1270, %dma_wait3A_1271] : memref<32x4x128xf32, #tpu.memory_space<hbm>> -> memref<1x4x128xf32, #tpu.memory_space<hbm>>
    %dma_wait3A_1273 = tpu.memref_squeeze %dma_wait3A_1272 : memref<1x4x128xf32, #tpu.memory_space<hbm>> -> memref<4x128xf32, #tpu.memory_space<hbm>>
    tpu.wait_dma2 semaphore(%arg17 : memref<!tpu.dma_semaphore, #tpu.memory_space<semaphore_mem>>) src(%dma_wait3A_1273 : memref<4x128xf32, #tpu.memory_space<hbm>>) dst(%dma_wait3A_1269 : memref<4x128xf32, #tpu.memory_space<vmem>>)
    %dma_wait3A_1274 = arith.constant 168 : i32
    %dma_wait3A_1275 = arith.constant 0 : i32
    %dma_wait3A_1276 = tpu.memref_slice %arg12[%dma_wait3A_1274, %dma_wait3A_1275] : memref<256x128xf32, #tpu.memory_space<vmem>> -> memref<4x128xf32, #tpu.memory_space<vmem>>
    %dma_wait3A_1277 = arith.constant 0 : i32
    %dma_wait3A_1278 = arith.constant 0 : i32
    %dma_wait3A_1279 = tpu.memref_slice %arg8[%add3A, %dma_wait3A_1277, %dma_wait3A_1278] : memref<32x4x128xf32, #tpu.memory_space<hbm>> -> memref<1x4x128xf32, #tpu.memory_space<hbm>>
    %dma_wait3A_1280 = tpu.memref_squeeze %dma_wait3A_1279 : memref<1x4x128xf32, #tpu.memory_space<hbm>> -> memref<4x128xf32, #tpu.memory_space<hbm>>
    %dma_wait3A_1281 = arith.constant 168 : i32
    %dma_wait3A_1282 = arith.constant 0 : i32
    %dma_wait3A_1283 = tpu.memref_slice %arg12[%dma_wait3A_1281, %dma_wait3A_1282] : memref<256x128xf32, #tpu.memory_space<vmem>> -> memref<4x128xf32, #tpu.memory_space<vmem>>
    %dma_wait3A_1284 = arith.constant 0 : i32
    %dma_wait3A_1285 = arith.constant 0 : i32
    %dma_wait3A_1286 = tpu.memref_slice %arg8[%add3A, %dma_wait3A_1284, %dma_wait3A_1285] : memref<32x4x128xf32, #tpu.memory_space<hbm>> -> memref<1x4x128xf32, #tpu.memory_space<hbm>>
    %dma_wait3A_1287 = tpu.memref_squeeze %dma_wait3A_1286 : memref<1x4x128xf32, #tpu.memory_space<hbm>> -> memref<4x128xf32, #tpu.memory_space<hbm>>
    tpu.wait_dma2 semaphore(%arg18 : memref<!tpu.dma_semaphore, #tpu.memory_space<semaphore_mem>>) src(%dma_wait3A_1287 : memref<4x128xf32, #tpu.memory_space<hbm>>) dst(%dma_wait3A_1283 : memref<4x128xf32, #tpu.memory_space<vmem>>)
    %dma_wait3A_1288 = arith.constant 172 : i32
    %dma_wait3A_1289 = arith.constant 0 : i32
    %dma_wait3A_1290 = tpu.memref_slice %arg11[%dma_wait3A_1288, %dma_wait3A_1289] : memref<256x128xf32, #tpu.memory_space<vmem>> -> memref<4x128xf32, #tpu.memory_space<vmem>>
    %dma_wait3A_1291 = arith.constant 0 : i32
    %dma_wait3A_1292 = arith.constant 0 : i32
    %dma_wait3A_1293 = tpu.memref_slice %arg8[%add3A, %dma_wait3A_1291, %dma_wait3A_1292] : memref<32x4x128xf32, #tpu.memory_space<hbm>> -> memref<1x4x128xf32, #tpu.memory_space<hbm>>
    %dma_wait3A_1294 = tpu.memref_squeeze %dma_wait3A_1293 : memref<1x4x128xf32, #tpu.memory_space<hbm>> -> memref<4x128xf32, #tpu.memory_space<hbm>>
    %dma_wait3A_1295 = arith.constant 172 : i32
    %dma_wait3A_1296 = arith.constant 0 : i32
    %dma_wait3A_1297 = tpu.memref_slice %arg11[%dma_wait3A_1295, %dma_wait3A_1296] : memref<256x128xf32, #tpu.memory_space<vmem>> -> memref<4x128xf32, #tpu.memory_space<vmem>>
    %dma_wait3A_1298 = arith.constant 0 : i32
    %dma_wait3A_1299 = arith.constant 0 : i32
    %dma_wait3A_1300 = tpu.memref_slice %arg8[%add3A, %dma_wait3A_1298, %dma_wait3A_1299] : memref<32x4x128xf32, #tpu.memory_space<hbm>> -> memref<1x4x128xf32, #tpu.memory_space<hbm>>
    %dma_wait3A_1301 = tpu.memref_squeeze %dma_wait3A_1300 : memref<1x4x128xf32, #tpu.memory_space<hbm>> -> memref<4x128xf32, #tpu.memory_space<hbm>>
    tpu.wait_dma2 semaphore(%arg17 : memref<!tpu.dma_semaphore, #tpu.memory_space<semaphore_mem>>) src(%dma_wait3A_1301 : memref<4x128xf32, #tpu.memory_space<hbm>>) dst(%dma_wait3A_1297 : memref<4x128xf32, #tpu.memory_space<vmem>>)
    %dma_wait3A_1302 = arith.constant 172 : i32
    %dma_wait3A_1303 = arith.constant 0 : i32
    %dma_wait3A_1304 = tpu.memref_slice %arg12[%dma_wait3A_1302, %dma_wait3A_1303] : memref<256x128xf32, #tpu.memory_space<vmem>> -> memref<4x128xf32, #tpu.memory_space<vmem>>
    %dma_wait3A_1305 = arith.constant 0 : i32
    %dma_wait3A_1306 = arith.constant 0 : i32
    %dma_wait3A_1307 = tpu.memref_slice %arg8[%add3A, %dma_wait3A_1305, %dma_wait3A_1306] : memref<32x4x128xf32, #tpu.memory_space<hbm>> -> memref<1x4x128xf32, #tpu.memory_space<hbm>>
    %dma_wait3A_1308 = tpu.memref_squeeze %dma_wait3A_1307 : memref<1x4x128xf32, #tpu.memory_space<hbm>> -> memref<4x128xf32, #tpu.memory_space<hbm>>
    %dma_wait3A_1309 = arith.constant 172 : i32
    %dma_wait3A_1310 = arith.constant 0 : i32
    %dma_wait3A_1311 = tpu.memref_slice %arg12[%dma_wait3A_1309, %dma_wait3A_1310] : memref<256x128xf32, #tpu.memory_space<vmem>> -> memref<4x128xf32, #tpu.memory_space<vmem>>
    %dma_wait3A_1312 = arith.constant 0 : i32
    %dma_wait3A_1313 = arith.constant 0 : i32
    %dma_wait3A_1314 = tpu.memref_slice %arg8[%add3A, %dma_wait3A_1312, %dma_wait3A_1313] : memref<32x4x128xf32, #tpu.memory_space<hbm>> -> memref<1x4x128xf32, #tpu.memory_space<hbm>>
    %dma_wait3A_1315 = tpu.memref_squeeze %dma_wait3A_1314 : memref<1x4x128xf32, #tpu.memory_space<hbm>> -> memref<4x128xf32, #tpu.memory_space<hbm>>
    tpu.wait_dma2 semaphore(%arg18 : memref<!tpu.dma_semaphore, #tpu.memory_space<semaphore_mem>>) src(%dma_wait3A_1315 : memref<4x128xf32, #tpu.memory_space<hbm>>) dst(%dma_wait3A_1311 : memref<4x128xf32, #tpu.memory_space<vmem>>)
    %dma_wait3A_1316 = arith.constant 176 : i32
    %dma_wait3A_1317 = arith.constant 0 : i32
    %dma_wait3A_1318 = tpu.memref_slice %arg11[%dma_wait3A_1316, %dma_wait3A_1317] : memref<256x128xf32, #tpu.memory_space<vmem>> -> memref<4x128xf32, #tpu.memory_space<vmem>>
    %dma_wait3A_1319 = arith.constant 0 : i32
    %dma_wait3A_1320 = arith.constant 0 : i32
    %dma_wait3A_1321 = tpu.memref_slice %arg8[%add3A, %dma_wait3A_1319, %dma_wait3A_1320] : memref<32x4x128xf32, #tpu.memory_space<hbm>> -> memref<1x4x128xf32, #tpu.memory_space<hbm>>
    %dma_wait3A_1322 = tpu.memref_squeeze %dma_wait3A_1321 : memref<1x4x128xf32, #tpu.memory_space<hbm>> -> memref<4x128xf32, #tpu.memory_space<hbm>>
    %dma_wait3A_1323 = arith.constant 176 : i32
    %dma_wait3A_1324 = arith.constant 0 : i32
    %dma_wait3A_1325 = tpu.memref_slice %arg11[%dma_wait3A_1323, %dma_wait3A_1324] : memref<256x128xf32, #tpu.memory_space<vmem>> -> memref<4x128xf32, #tpu.memory_space<vmem>>
    %dma_wait3A_1326 = arith.constant 0 : i32
    %dma_wait3A_1327 = arith.constant 0 : i32
    %dma_wait3A_1328 = tpu.memref_slice %arg8[%add3A, %dma_wait3A_1326, %dma_wait3A_1327] : memref<32x4x128xf32, #tpu.memory_space<hbm>> -> memref<1x4x128xf32, #tpu.memory_space<hbm>>
    %dma_wait3A_1329 = tpu.memref_squeeze %dma_wait3A_1328 : memref<1x4x128xf32, #tpu.memory_space<hbm>> -> memref<4x128xf32, #tpu.memory_space<hbm>>
    tpu.wait_dma2 semaphore(%arg17 : memref<!tpu.dma_semaphore, #tpu.memory_space<semaphore_mem>>) src(%dma_wait3A_1329 : memref<4x128xf32, #tpu.memory_space<hbm>>) dst(%dma_wait3A_1325 : memref<4x128xf32, #tpu.memory_space<vmem>>)
    %dma_wait3A_1330 = arith.constant 176 : i32
    %dma_wait3A_1331 = arith.constant 0 : i32
    %dma_wait3A_1332 = tpu.memref_slice %arg12[%dma_wait3A_1330, %dma_wait3A_1331] : memref<256x128xf32, #tpu.memory_space<vmem>> -> memref<4x128xf32, #tpu.memory_space<vmem>>
    %dma_wait3A_1333 = arith.constant 0 : i32
    %dma_wait3A_1334 = arith.constant 0 : i32
    %dma_wait3A_1335 = tpu.memref_slice %arg8[%add3A, %dma_wait3A_1333, %dma_wait3A_1334] : memref<32x4x128xf32, #tpu.memory_space<hbm>> -> memref<1x4x128xf32, #tpu.memory_space<hbm>>
    %dma_wait3A_1336 = tpu.memref_squeeze %dma_wait3A_1335 : memref<1x4x128xf32, #tpu.memory_space<hbm>> -> memref<4x128xf32, #tpu.memory_space<hbm>>
    %dma_wait3A_1337 = arith.constant 176 : i32
    %dma_wait3A_1338 = arith.constant 0 : i32
    %dma_wait3A_1339 = tpu.memref_slice %arg12[%dma_wait3A_1337, %dma_wait3A_1338] : memref<256x128xf32, #tpu.memory_space<vmem>> -> memref<4x128xf32, #tpu.memory_space<vmem>>
    %dma_wait3A_1340 = arith.constant 0 : i32
    %dma_wait3A_1341 = arith.constant 0 : i32
    %dma_wait3A_1342 = tpu.memref_slice %arg8[%add3A, %dma_wait3A_1340, %dma_wait3A_1341] : memref<32x4x128xf32, #tpu.memory_space<hbm>> -> memref<1x4x128xf32, #tpu.memory_space<hbm>>
    %dma_wait3A_1343 = tpu.memref_squeeze %dma_wait3A_1342 : memref<1x4x128xf32, #tpu.memory_space<hbm>> -> memref<4x128xf32, #tpu.memory_space<hbm>>
    tpu.wait_dma2 semaphore(%arg18 : memref<!tpu.dma_semaphore, #tpu.memory_space<semaphore_mem>>) src(%dma_wait3A_1343 : memref<4x128xf32, #tpu.memory_space<hbm>>) dst(%dma_wait3A_1339 : memref<4x128xf32, #tpu.memory_space<vmem>>)
    %dma_wait3A_1344 = arith.constant 180 : i32
    %dma_wait3A_1345 = arith.constant 0 : i32
    %dma_wait3A_1346 = tpu.memref_slice %arg11[%dma_wait3A_1344, %dma_wait3A_1345] : memref<256x128xf32, #tpu.memory_space<vmem>> -> memref<4x128xf32, #tpu.memory_space<vmem>>
    %dma_wait3A_1347 = arith.constant 0 : i32
    %dma_wait3A_1348 = arith.constant 0 : i32
    %dma_wait3A_1349 = tpu.memref_slice %arg8[%add3A, %dma_wait3A_1347, %dma_wait3A_1348] : memref<32x4x128xf32, #tpu.memory_space<hbm>> -> memref<1x4x128xf32, #tpu.memory_space<hbm>>
    %dma_wait3A_1350 = tpu.memref_squeeze %dma_wait3A_1349 : memref<1x4x128xf32, #tpu.memory_space<hbm>> -> memref<4x128xf32, #tpu.memory_space<hbm>>
    %dma_wait3A_1351 = arith.constant 180 : i32
    %dma_wait3A_1352 = arith.constant 0 : i32
    %dma_wait3A_1353 = tpu.memref_slice %arg11[%dma_wait3A_1351, %dma_wait3A_1352] : memref<256x128xf32, #tpu.memory_space<vmem>> -> memref<4x128xf32, #tpu.memory_space<vmem>>
    %dma_wait3A_1354 = arith.constant 0 : i32
    %dma_wait3A_1355 = arith.constant 0 : i32
    %dma_wait3A_1356 = tpu.memref_slice %arg8[%add3A, %dma_wait3A_1354, %dma_wait3A_1355] : memref<32x4x128xf32, #tpu.memory_space<hbm>> -> memref<1x4x128xf32, #tpu.memory_space<hbm>>
    %dma_wait3A_1357 = tpu.memref_squeeze %dma_wait3A_1356 : memref<1x4x128xf32, #tpu.memory_space<hbm>> -> memref<4x128xf32, #tpu.memory_space<hbm>>
    tpu.wait_dma2 semaphore(%arg17 : memref<!tpu.dma_semaphore, #tpu.memory_space<semaphore_mem>>) src(%dma_wait3A_1357 : memref<4x128xf32, #tpu.memory_space<hbm>>) dst(%dma_wait3A_1353 : memref<4x128xf32, #tpu.memory_space<vmem>>)
    %dma_wait3A_1358 = arith.constant 180 : i32
    %dma_wait3A_1359 = arith.constant 0 : i32
    %dma_wait3A_1360 = tpu.memref_slice %arg12[%dma_wait3A_1358, %dma_wait3A_1359] : memref<256x128xf32, #tpu.memory_space<vmem>> -> memref<4x128xf32, #tpu.memory_space<vmem>>
    %dma_wait3A_1361 = arith.constant 0 : i32
    %dma_wait3A_1362 = arith.constant 0 : i32
    %dma_wait3A_1363 = tpu.memref_slice %arg8[%add3A, %dma_wait3A_1361, %dma_wait3A_1362] : memref<32x4x128xf32, #tpu.memory_space<hbm>> -> memref<1x4x128xf32, #tpu.memory_space<hbm>>
    %dma_wait3A_1364 = tpu.memref_squeeze %dma_wait3A_1363 : memref<1x4x128xf32, #tpu.memory_space<hbm>> -> memref<4x128xf32, #tpu.memory_space<hbm>>
    %dma_wait3A_1365 = arith.constant 180 : i32
    %dma_wait3A_1366 = arith.constant 0 : i32
    %dma_wait3A_1367 = tpu.memref_slice %arg12[%dma_wait3A_1365, %dma_wait3A_1366] : memref<256x128xf32, #tpu.memory_space<vmem>> -> memref<4x128xf32, #tpu.memory_space<vmem>>
    %dma_wait3A_1368 = arith.constant 0 : i32
    %dma_wait3A_1369 = arith.constant 0 : i32
    %dma_wait3A_1370 = tpu.memref_slice %arg8[%add3A, %dma_wait3A_1368, %dma_wait3A_1369] : memref<32x4x128xf32, #tpu.memory_space<hbm>> -> memref<1x4x128xf32, #tpu.memory_space<hbm>>
    %dma_wait3A_1371 = tpu.memref_squeeze %dma_wait3A_1370 : memref<1x4x128xf32, #tpu.memory_space<hbm>> -> memref<4x128xf32, #tpu.memory_space<hbm>>
    tpu.wait_dma2 semaphore(%arg18 : memref<!tpu.dma_semaphore, #tpu.memory_space<semaphore_mem>>) src(%dma_wait3A_1371 : memref<4x128xf32, #tpu.memory_space<hbm>>) dst(%dma_wait3A_1367 : memref<4x128xf32, #tpu.memory_space<vmem>>)
    %dma_wait3A_1372 = arith.constant 184 : i32
    %dma_wait3A_1373 = arith.constant 0 : i32
    %dma_wait3A_1374 = tpu.memref_slice %arg11[%dma_wait3A_1372, %dma_wait3A_1373] : memref<256x128xf32, #tpu.memory_space<vmem>> -> memref<4x128xf32, #tpu.memory_space<vmem>>
    %dma_wait3A_1375 = arith.constant 0 : i32
    %dma_wait3A_1376 = arith.constant 0 : i32
    %dma_wait3A_1377 = tpu.memref_slice %arg8[%add3A, %dma_wait3A_1375, %dma_wait3A_1376] : memref<32x4x128xf32, #tpu.memory_space<hbm>> -> memref<1x4x128xf32, #tpu.memory_space<hbm>>
    %dma_wait3A_1378 = tpu.memref_squeeze %dma_wait3A_1377 : memref<1x4x128xf32, #tpu.memory_space<hbm>> -> memref<4x128xf32, #tpu.memory_space<hbm>>
    %dma_wait3A_1379 = arith.constant 184 : i32
    %dma_wait3A_1380 = arith.constant 0 : i32
    %dma_wait3A_1381 = tpu.memref_slice %arg11[%dma_wait3A_1379, %dma_wait3A_1380] : memref<256x128xf32, #tpu.memory_space<vmem>> -> memref<4x128xf32, #tpu.memory_space<vmem>>
    %dma_wait3A_1382 = arith.constant 0 : i32
    %dma_wait3A_1383 = arith.constant 0 : i32
    %dma_wait3A_1384 = tpu.memref_slice %arg8[%add3A, %dma_wait3A_1382, %dma_wait3A_1383] : memref<32x4x128xf32, #tpu.memory_space<hbm>> -> memref<1x4x128xf32, #tpu.memory_space<hbm>>
    %dma_wait3A_1385 = tpu.memref_squeeze %dma_wait3A_1384 : memref<1x4x128xf32, #tpu.memory_space<hbm>> -> memref<4x128xf32, #tpu.memory_space<hbm>>
    tpu.wait_dma2 semaphore(%arg17 : memref<!tpu.dma_semaphore, #tpu.memory_space<semaphore_mem>>) src(%dma_wait3A_1385 : memref<4x128xf32, #tpu.memory_space<hbm>>) dst(%dma_wait3A_1381 : memref<4x128xf32, #tpu.memory_space<vmem>>)
    %dma_wait3A_1386 = arith.constant 184 : i32
    %dma_wait3A_1387 = arith.constant 0 : i32
    %dma_wait3A_1388 = tpu.memref_slice %arg12[%dma_wait3A_1386, %dma_wait3A_1387] : memref<256x128xf32, #tpu.memory_space<vmem>> -> memref<4x128xf32, #tpu.memory_space<vmem>>
    %dma_wait3A_1389 = arith.constant 0 : i32
    %dma_wait3A_1390 = arith.constant 0 : i32
    %dma_wait3A_1391 = tpu.memref_slice %arg8[%add3A, %dma_wait3A_1389, %dma_wait3A_1390] : memref<32x4x128xf32, #tpu.memory_space<hbm>> -> memref<1x4x128xf32, #tpu.memory_space<hbm>>
    %dma_wait3A_1392 = tpu.memref_squeeze %dma_wait3A_1391 : memref<1x4x128xf32, #tpu.memory_space<hbm>> -> memref<4x128xf32, #tpu.memory_space<hbm>>
    %dma_wait3A_1393 = arith.constant 184 : i32
    %dma_wait3A_1394 = arith.constant 0 : i32
    %dma_wait3A_1395 = tpu.memref_slice %arg12[%dma_wait3A_1393, %dma_wait3A_1394] : memref<256x128xf32, #tpu.memory_space<vmem>> -> memref<4x128xf32, #tpu.memory_space<vmem>>
    %dma_wait3A_1396 = arith.constant 0 : i32
    %dma_wait3A_1397 = arith.constant 0 : i32
    %dma_wait3A_1398 = tpu.memref_slice %arg8[%add3A, %dma_wait3A_1396, %dma_wait3A_1397] : memref<32x4x128xf32, #tpu.memory_space<hbm>> -> memref<1x4x128xf32, #tpu.memory_space<hbm>>
    %dma_wait3A_1399 = tpu.memref_squeeze %dma_wait3A_1398 : memref<1x4x128xf32, #tpu.memory_space<hbm>> -> memref<4x128xf32, #tpu.memory_space<hbm>>
    tpu.wait_dma2 semaphore(%arg18 : memref<!tpu.dma_semaphore, #tpu.memory_space<semaphore_mem>>) src(%dma_wait3A_1399 : memref<4x128xf32, #tpu.memory_space<hbm>>) dst(%dma_wait3A_1395 : memref<4x128xf32, #tpu.memory_space<vmem>>)
    %dma_wait3A_1400 = arith.constant 188 : i32
    %dma_wait3A_1401 = arith.constant 0 : i32
    %dma_wait3A_1402 = tpu.memref_slice %arg11[%dma_wait3A_1400, %dma_wait3A_1401] : memref<256x128xf32, #tpu.memory_space<vmem>> -> memref<4x128xf32, #tpu.memory_space<vmem>>
    %dma_wait3A_1403 = arith.constant 0 : i32
    %dma_wait3A_1404 = arith.constant 0 : i32
    %dma_wait3A_1405 = tpu.memref_slice %arg8[%add3A, %dma_wait3A_1403, %dma_wait3A_1404] : memref<32x4x128xf32, #tpu.memory_space<hbm>> -> memref<1x4x128xf32, #tpu.memory_space<hbm>>
    %dma_wait3A_1406 = tpu.memref_squeeze %dma_wait3A_1405 : memref<1x4x128xf32, #tpu.memory_space<hbm>> -> memref<4x128xf32, #tpu.memory_space<hbm>>
    %dma_wait3A_1407 = arith.constant 188 : i32
    %dma_wait3A_1408 = arith.constant 0 : i32
    %dma_wait3A_1409 = tpu.memref_slice %arg11[%dma_wait3A_1407, %dma_wait3A_1408] : memref<256x128xf32, #tpu.memory_space<vmem>> -> memref<4x128xf32, #tpu.memory_space<vmem>>
    %dma_wait3A_1410 = arith.constant 0 : i32
    %dma_wait3A_1411 = arith.constant 0 : i32
    %dma_wait3A_1412 = tpu.memref_slice %arg8[%add3A, %dma_wait3A_1410, %dma_wait3A_1411] : memref<32x4x128xf32, #tpu.memory_space<hbm>> -> memref<1x4x128xf32, #tpu.memory_space<hbm>>
    %dma_wait3A_1413 = tpu.memref_squeeze %dma_wait3A_1412 : memref<1x4x128xf32, #tpu.memory_space<hbm>> -> memref<4x128xf32, #tpu.memory_space<hbm>>
    tpu.wait_dma2 semaphore(%arg17 : memref<!tpu.dma_semaphore, #tpu.memory_space<semaphore_mem>>) src(%dma_wait3A_1413 : memref<4x128xf32, #tpu.memory_space<hbm>>) dst(%dma_wait3A_1409 : memref<4x128xf32, #tpu.memory_space<vmem>>)
    %dma_wait3A_1414 = arith.constant 188 : i32
    %dma_wait3A_1415 = arith.constant 0 : i32
    %dma_wait3A_1416 = tpu.memref_slice %arg12[%dma_wait3A_1414, %dma_wait3A_1415] : memref<256x128xf32, #tpu.memory_space<vmem>> -> memref<4x128xf32, #tpu.memory_space<vmem>>
    %dma_wait3A_1417 = arith.constant 0 : i32
    %dma_wait3A_1418 = arith.constant 0 : i32
    %dma_wait3A_1419 = tpu.memref_slice %arg8[%add3A, %dma_wait3A_1417, %dma_wait3A_1418] : memref<32x4x128xf32, #tpu.memory_space<hbm>> -> memref<1x4x128xf32, #tpu.memory_space<hbm>>
    %dma_wait3A_1420 = tpu.memref_squeeze %dma_wait3A_1419 : memref<1x4x128xf32, #tpu.memory_space<hbm>> -> memref<4x128xf32, #tpu.memory_space<hbm>>
    %dma_wait3A_1421 = arith.constant 188 : i32
    %dma_wait3A_1422 = arith.constant 0 : i32
    %dma_wait3A_1423 = tpu.memref_slice %arg12[%dma_wait3A_1421, %dma_wait3A_1422] : memref<256x128xf32, #tpu.memory_space<vmem>> -> memref<4x128xf32, #tpu.memory_space<vmem>>
    %dma_wait3A_1424 = arith.constant 0 : i32
    %dma_wait3A_1425 = arith.constant 0 : i32
    %dma_wait3A_1426 = tpu.memref_slice %arg8[%add3A, %dma_wait3A_1424, %dma_wait3A_1425] : memref<32x4x128xf32, #tpu.memory_space<hbm>> -> memref<1x4x128xf32, #tpu.memory_space<hbm>>
    %dma_wait3A_1427 = tpu.memref_squeeze %dma_wait3A_1426 : memref<1x4x128xf32, #tpu.memory_space<hbm>> -> memref<4x128xf32, #tpu.memory_space<hbm>>
    tpu.wait_dma2 semaphore(%arg18 : memref<!tpu.dma_semaphore, #tpu.memory_space<semaphore_mem>>) src(%dma_wait3A_1427 : memref<4x128xf32, #tpu.memory_space<hbm>>) dst(%dma_wait3A_1423 : memref<4x128xf32, #tpu.memory_space<vmem>>)
    %dma_wait3A_1428 = arith.constant 192 : i32
    %dma_wait3A_1429 = arith.constant 0 : i32
    %dma_wait3A_1430 = tpu.memref_slice %arg11[%dma_wait3A_1428, %dma_wait3A_1429] : memref<256x128xf32, #tpu.memory_space<vmem>> -> memref<4x128xf32, #tpu.memory_space<vmem>>
    %dma_wait3A_1431 = arith.constant 0 : i32
    %dma_wait3A_1432 = arith.constant 0 : i32
    %dma_wait3A_1433 = tpu.memref_slice %arg8[%add3A, %dma_wait3A_1431, %dma_wait3A_1432] : memref<32x4x128xf32, #tpu.memory_space<hbm>> -> memref<1x4x128xf32, #tpu.memory_space<hbm>>
    %dma_wait3A_1434 = tpu.memref_squeeze %dma_wait3A_1433 : memref<1x4x128xf32, #tpu.memory_space<hbm>> -> memref<4x128xf32, #tpu.memory_space<hbm>>
    %dma_wait3A_1435 = arith.constant 192 : i32
    %dma_wait3A_1436 = arith.constant 0 : i32
    %dma_wait3A_1437 = tpu.memref_slice %arg11[%dma_wait3A_1435, %dma_wait3A_1436] : memref<256x128xf32, #tpu.memory_space<vmem>> -> memref<4x128xf32, #tpu.memory_space<vmem>>
    %dma_wait3A_1438 = arith.constant 0 : i32
    %dma_wait3A_1439 = arith.constant 0 : i32
    %dma_wait3A_1440 = tpu.memref_slice %arg8[%add3A, %dma_wait3A_1438, %dma_wait3A_1439] : memref<32x4x128xf32, #tpu.memory_space<hbm>> -> memref<1x4x128xf32, #tpu.memory_space<hbm>>
    %dma_wait3A_1441 = tpu.memref_squeeze %dma_wait3A_1440 : memref<1x4x128xf32, #tpu.memory_space<hbm>> -> memref<4x128xf32, #tpu.memory_space<hbm>>
    tpu.wait_dma2 semaphore(%arg17 : memref<!tpu.dma_semaphore, #tpu.memory_space<semaphore_mem>>) src(%dma_wait3A_1441 : memref<4x128xf32, #tpu.memory_space<hbm>>) dst(%dma_wait3A_1437 : memref<4x128xf32, #tpu.memory_space<vmem>>)
    %dma_wait3A_1442 = arith.constant 192 : i32
    %dma_wait3A_1443 = arith.constant 0 : i32
    %dma_wait3A_1444 = tpu.memref_slice %arg12[%dma_wait3A_1442, %dma_wait3A_1443] : memref<256x128xf32, #tpu.memory_space<vmem>> -> memref<4x128xf32, #tpu.memory_space<vmem>>
    %dma_wait3A_1445 = arith.constant 0 : i32
    %dma_wait3A_1446 = arith.constant 0 : i32
    %dma_wait3A_1447 = tpu.memref_slice %arg8[%add3A, %dma_wait3A_1445, %dma_wait3A_1446] : memref<32x4x128xf32, #tpu.memory_space<hbm>> -> memref<1x4x128xf32, #tpu.memory_space<hbm>>
    %dma_wait3A_1448 = tpu.memref_squeeze %dma_wait3A_1447 : memref<1x4x128xf32, #tpu.memory_space<hbm>> -> memref<4x128xf32, #tpu.memory_space<hbm>>
    %dma_wait3A_1449 = arith.constant 192 : i32
    %dma_wait3A_1450 = arith.constant 0 : i32
    %dma_wait3A_1451 = tpu.memref_slice %arg12[%dma_wait3A_1449, %dma_wait3A_1450] : memref<256x128xf32, #tpu.memory_space<vmem>> -> memref<4x128xf32, #tpu.memory_space<vmem>>
    %dma_wait3A_1452 = arith.constant 0 : i32
    %dma_wait3A_1453 = arith.constant 0 : i32
    %dma_wait3A_1454 = tpu.memref_slice %arg8[%add3A, %dma_wait3A_1452, %dma_wait3A_1453] : memref<32x4x128xf32, #tpu.memory_space<hbm>> -> memref<1x4x128xf32, #tpu.memory_space<hbm>>
    %dma_wait3A_1455 = tpu.memref_squeeze %dma_wait3A_1454 : memref<1x4x128xf32, #tpu.memory_space<hbm>> -> memref<4x128xf32, #tpu.memory_space<hbm>>
    tpu.wait_dma2 semaphore(%arg18 : memref<!tpu.dma_semaphore, #tpu.memory_space<semaphore_mem>>) src(%dma_wait3A_1455 : memref<4x128xf32, #tpu.memory_space<hbm>>) dst(%dma_wait3A_1451 : memref<4x128xf32, #tpu.memory_space<vmem>>)
    %dma_wait3A_1456 = arith.constant 196 : i32
    %dma_wait3A_1457 = arith.constant 0 : i32
    %dma_wait3A_1458 = tpu.memref_slice %arg11[%dma_wait3A_1456, %dma_wait3A_1457] : memref<256x128xf32, #tpu.memory_space<vmem>> -> memref<4x128xf32, #tpu.memory_space<vmem>>
    %dma_wait3A_1459 = arith.constant 0 : i32
    %dma_wait3A_1460 = arith.constant 0 : i32
    %dma_wait3A_1461 = tpu.memref_slice %arg8[%add3A, %dma_wait3A_1459, %dma_wait3A_1460] : memref<32x4x128xf32, #tpu.memory_space<hbm>> -> memref<1x4x128xf32, #tpu.memory_space<hbm>>
    %dma_wait3A_1462 = tpu.memref_squeeze %dma_wait3A_1461 : memref<1x4x128xf32, #tpu.memory_space<hbm>> -> memref<4x128xf32, #tpu.memory_space<hbm>>
    %dma_wait3A_1463 = arith.constant 196 : i32
    %dma_wait3A_1464 = arith.constant 0 : i32
    %dma_wait3A_1465 = tpu.memref_slice %arg11[%dma_wait3A_1463, %dma_wait3A_1464] : memref<256x128xf32, #tpu.memory_space<vmem>> -> memref<4x128xf32, #tpu.memory_space<vmem>>
    %dma_wait3A_1466 = arith.constant 0 : i32
    %dma_wait3A_1467 = arith.constant 0 : i32
    %dma_wait3A_1468 = tpu.memref_slice %arg8[%add3A, %dma_wait3A_1466, %dma_wait3A_1467] : memref<32x4x128xf32, #tpu.memory_space<hbm>> -> memref<1x4x128xf32, #tpu.memory_space<hbm>>
    %dma_wait3A_1469 = tpu.memref_squeeze %dma_wait3A_1468 : memref<1x4x128xf32, #tpu.memory_space<hbm>> -> memref<4x128xf32, #tpu.memory_space<hbm>>
    tpu.wait_dma2 semaphore(%arg17 : memref<!tpu.dma_semaphore, #tpu.memory_space<semaphore_mem>>) src(%dma_wait3A_1469 : memref<4x128xf32, #tpu.memory_space<hbm>>) dst(%dma_wait3A_1465 : memref<4x128xf32, #tpu.memory_space<vmem>>)
    %dma_wait3A_1470 = arith.constant 196 : i32
    %dma_wait3A_1471 = arith.constant 0 : i32
    %dma_wait3A_1472 = tpu.memref_slice %arg12[%dma_wait3A_1470, %dma_wait3A_1471] : memref<256x128xf32, #tpu.memory_space<vmem>> -> memref<4x128xf32, #tpu.memory_space<vmem>>
    %dma_wait3A_1473 = arith.constant 0 : i32
    %dma_wait3A_1474 = arith.constant 0 : i32
    %dma_wait3A_1475 = tpu.memref_slice %arg8[%add3A, %dma_wait3A_1473, %dma_wait3A_1474] : memref<32x4x128xf32, #tpu.memory_space<hbm>> -> memref<1x4x128xf32, #tpu.memory_space<hbm>>
    %dma_wait3A_1476 = tpu.memref_squeeze %dma_wait3A_1475 : memref<1x4x128xf32, #tpu.memory_space<hbm>> -> memref<4x128xf32, #tpu.memory_space<hbm>>
    %dma_wait3A_1477 = arith.constant 196 : i32
    %dma_wait3A_1478 = arith.constant 0 : i32
    %dma_wait3A_1479 = tpu.memref_slice %arg12[%dma_wait3A_1477, %dma_wait3A_1478] : memref<256x128xf32, #tpu.memory_space<vmem>> -> memref<4x128xf32, #tpu.memory_space<vmem>>
    %dma_wait3A_1480 = arith.constant 0 : i32
    %dma_wait3A_1481 = arith.constant 0 : i32
    %dma_wait3A_1482 = tpu.memref_slice %arg8[%add3A, %dma_wait3A_1480, %dma_wait3A_1481] : memref<32x4x128xf32, #tpu.memory_space<hbm>> -> memref<1x4x128xf32, #tpu.memory_space<hbm>>
    %dma_wait3A_1483 = tpu.memref_squeeze %dma_wait3A_1482 : memref<1x4x128xf32, #tpu.memory_space<hbm>> -> memref<4x128xf32, #tpu.memory_space<hbm>>
    tpu.wait_dma2 semaphore(%arg18 : memref<!tpu.dma_semaphore, #tpu.memory_space<semaphore_mem>>) src(%dma_wait3A_1483 : memref<4x128xf32, #tpu.memory_space<hbm>>) dst(%dma_wait3A_1479 : memref<4x128xf32, #tpu.memory_space<vmem>>)
    %dma_wait3A_1484 = arith.constant 200 : i32
    %dma_wait3A_1485 = arith.constant 0 : i32
    %dma_wait3A_1486 = tpu.memref_slice %arg11[%dma_wait3A_1484, %dma_wait3A_1485] : memref<256x128xf32, #tpu.memory_space<vmem>> -> memref<4x128xf32, #tpu.memory_space<vmem>>
    %dma_wait3A_1487 = arith.constant 0 : i32
    %dma_wait3A_1488 = arith.constant 0 : i32
    %dma_wait3A_1489 = tpu.memref_slice %arg8[%add3A, %dma_wait3A_1487, %dma_wait3A_1488] : memref<32x4x128xf32, #tpu.memory_space<hbm>> -> memref<1x4x128xf32, #tpu.memory_space<hbm>>
    %dma_wait3A_1490 = tpu.memref_squeeze %dma_wait3A_1489 : memref<1x4x128xf32, #tpu.memory_space<hbm>> -> memref<4x128xf32, #tpu.memory_space<hbm>>
    %dma_wait3A_1491 = arith.constant 200 : i32
    %dma_wait3A_1492 = arith.constant 0 : i32
    %dma_wait3A_1493 = tpu.memref_slice %arg11[%dma_wait3A_1491, %dma_wait3A_1492] : memref<256x128xf32, #tpu.memory_space<vmem>> -> memref<4x128xf32, #tpu.memory_space<vmem>>
    %dma_wait3A_1494 = arith.constant 0 : i32
    %dma_wait3A_1495 = arith.constant 0 : i32
    %dma_wait3A_1496 = tpu.memref_slice %arg8[%add3A, %dma_wait3A_1494, %dma_wait3A_1495] : memref<32x4x128xf32, #tpu.memory_space<hbm>> -> memref<1x4x128xf32, #tpu.memory_space<hbm>>
    %dma_wait3A_1497 = tpu.memref_squeeze %dma_wait3A_1496 : memref<1x4x128xf32, #tpu.memory_space<hbm>> -> memref<4x128xf32, #tpu.memory_space<hbm>>
    tpu.wait_dma2 semaphore(%arg17 : memref<!tpu.dma_semaphore, #tpu.memory_space<semaphore_mem>>) src(%dma_wait3A_1497 : memref<4x128xf32, #tpu.memory_space<hbm>>) dst(%dma_wait3A_1493 : memref<4x128xf32, #tpu.memory_space<vmem>>)
    %dma_wait3A_1498 = arith.constant 200 : i32
    %dma_wait3A_1499 = arith.constant 0 : i32
    %dma_wait3A_1500 = tpu.memref_slice %arg12[%dma_wait3A_1498, %dma_wait3A_1499] : memref<256x128xf32, #tpu.memory_space<vmem>> -> memref<4x128xf32, #tpu.memory_space<vmem>>
    %dma_wait3A_1501 = arith.constant 0 : i32
    %dma_wait3A_1502 = arith.constant 0 : i32
    %dma_wait3A_1503 = tpu.memref_slice %arg8[%add3A, %dma_wait3A_1501, %dma_wait3A_1502] : memref<32x4x128xf32, #tpu.memory_space<hbm>> -> memref<1x4x128xf32, #tpu.memory_space<hbm>>
    %dma_wait3A_1504 = tpu.memref_squeeze %dma_wait3A_1503 : memref<1x4x128xf32, #tpu.memory_space<hbm>> -> memref<4x128xf32, #tpu.memory_space<hbm>>
    %dma_wait3A_1505 = arith.constant 200 : i32
    %dma_wait3A_1506 = arith.constant 0 : i32
    %dma_wait3A_1507 = tpu.memref_slice %arg12[%dma_wait3A_1505, %dma_wait3A_1506] : memref<256x128xf32, #tpu.memory_space<vmem>> -> memref<4x128xf32, #tpu.memory_space<vmem>>
    %dma_wait3A_1508 = arith.constant 0 : i32
    %dma_wait3A_1509 = arith.constant 0 : i32
    %dma_wait3A_1510 = tpu.memref_slice %arg8[%add3A, %dma_wait3A_1508, %dma_wait3A_1509] : memref<32x4x128xf32, #tpu.memory_space<hbm>> -> memref<1x4x128xf32, #tpu.memory_space<hbm>>
    %dma_wait3A_1511 = tpu.memref_squeeze %dma_wait3A_1510 : memref<1x4x128xf32, #tpu.memory_space<hbm>> -> memref<4x128xf32, #tpu.memory_space<hbm>>
    tpu.wait_dma2 semaphore(%arg18 : memref<!tpu.dma_semaphore, #tpu.memory_space<semaphore_mem>>) src(%dma_wait3A_1511 : memref<4x128xf32, #tpu.memory_space<hbm>>) dst(%dma_wait3A_1507 : memref<4x128xf32, #tpu.memory_space<vmem>>)
    %dma_wait3A_1512 = arith.constant 204 : i32
    %dma_wait3A_1513 = arith.constant 0 : i32
    %dma_wait3A_1514 = tpu.memref_slice %arg11[%dma_wait3A_1512, %dma_wait3A_1513] : memref<256x128xf32, #tpu.memory_space<vmem>> -> memref<4x128xf32, #tpu.memory_space<vmem>>
    %dma_wait3A_1515 = arith.constant 0 : i32
    %dma_wait3A_1516 = arith.constant 0 : i32
    %dma_wait3A_1517 = tpu.memref_slice %arg8[%add3A, %dma_wait3A_1515, %dma_wait3A_1516] : memref<32x4x128xf32, #tpu.memory_space<hbm>> -> memref<1x4x128xf32, #tpu.memory_space<hbm>>
    %dma_wait3A_1518 = tpu.memref_squeeze %dma_wait3A_1517 : memref<1x4x128xf32, #tpu.memory_space<hbm>> -> memref<4x128xf32, #tpu.memory_space<hbm>>
    %dma_wait3A_1519 = arith.constant 204 : i32
    %dma_wait3A_1520 = arith.constant 0 : i32
    %dma_wait3A_1521 = tpu.memref_slice %arg11[%dma_wait3A_1519, %dma_wait3A_1520] : memref<256x128xf32, #tpu.memory_space<vmem>> -> memref<4x128xf32, #tpu.memory_space<vmem>>
    %dma_wait3A_1522 = arith.constant 0 : i32
    %dma_wait3A_1523 = arith.constant 0 : i32
    %dma_wait3A_1524 = tpu.memref_slice %arg8[%add3A, %dma_wait3A_1522, %dma_wait3A_1523] : memref<32x4x128xf32, #tpu.memory_space<hbm>> -> memref<1x4x128xf32, #tpu.memory_space<hbm>>
    %dma_wait3A_1525 = tpu.memref_squeeze %dma_wait3A_1524 : memref<1x4x128xf32, #tpu.memory_space<hbm>> -> memref<4x128xf32, #tpu.memory_space<hbm>>
    tpu.wait_dma2 semaphore(%arg17 : memref<!tpu.dma_semaphore, #tpu.memory_space<semaphore_mem>>) src(%dma_wait3A_1525 : memref<4x128xf32, #tpu.memory_space<hbm>>) dst(%dma_wait3A_1521 : memref<4x128xf32, #tpu.memory_space<vmem>>)
    %dma_wait3A_1526 = arith.constant 204 : i32
    %dma_wait3A_1527 = arith.constant 0 : i32
    %dma_wait3A_1528 = tpu.memref_slice %arg12[%dma_wait3A_1526, %dma_wait3A_1527] : memref<256x128xf32, #tpu.memory_space<vmem>> -> memref<4x128xf32, #tpu.memory_space<vmem>>
    %dma_wait3A_1529 = arith.constant 0 : i32
    %dma_wait3A_1530 = arith.constant 0 : i32
    %dma_wait3A_1531 = tpu.memref_slice %arg8[%add3A, %dma_wait3A_1529, %dma_wait3A_1530] : memref<32x4x128xf32, #tpu.memory_space<hbm>> -> memref<1x4x128xf32, #tpu.memory_space<hbm>>
    %dma_wait3A_1532 = tpu.memref_squeeze %dma_wait3A_1531 : memref<1x4x128xf32, #tpu.memory_space<hbm>> -> memref<4x128xf32, #tpu.memory_space<hbm>>
    %dma_wait3A_1533 = arith.constant 204 : i32
    %dma_wait3A_1534 = arith.constant 0 : i32
    %dma_wait3A_1535 = tpu.memref_slice %arg12[%dma_wait3A_1533, %dma_wait3A_1534] : memref<256x128xf32, #tpu.memory_space<vmem>> -> memref<4x128xf32, #tpu.memory_space<vmem>>
    %dma_wait3A_1536 = arith.constant 0 : i32
    %dma_wait3A_1537 = arith.constant 0 : i32
    %dma_wait3A_1538 = tpu.memref_slice %arg8[%add3A, %dma_wait3A_1536, %dma_wait3A_1537] : memref<32x4x128xf32, #tpu.memory_space<hbm>> -> memref<1x4x128xf32, #tpu.memory_space<hbm>>
    %dma_wait3A_1539 = tpu.memref_squeeze %dma_wait3A_1538 : memref<1x4x128xf32, #tpu.memory_space<hbm>> -> memref<4x128xf32, #tpu.memory_space<hbm>>
    tpu.wait_dma2 semaphore(%arg18 : memref<!tpu.dma_semaphore, #tpu.memory_space<semaphore_mem>>) src(%dma_wait3A_1539 : memref<4x128xf32, #tpu.memory_space<hbm>>) dst(%dma_wait3A_1535 : memref<4x128xf32, #tpu.memory_space<vmem>>)
    %dma_wait3A_1540 = arith.constant 208 : i32
    %dma_wait3A_1541 = arith.constant 0 : i32
    %dma_wait3A_1542 = tpu.memref_slice %arg11[%dma_wait3A_1540, %dma_wait3A_1541] : memref<256x128xf32, #tpu.memory_space<vmem>> -> memref<4x128xf32, #tpu.memory_space<vmem>>
    %dma_wait3A_1543 = arith.constant 0 : i32
    %dma_wait3A_1544 = arith.constant 0 : i32
    %dma_wait3A_1545 = tpu.memref_slice %arg8[%add3A, %dma_wait3A_1543, %dma_wait3A_1544] : memref<32x4x128xf32, #tpu.memory_space<hbm>> -> memref<1x4x128xf32, #tpu.memory_space<hbm>>
    %dma_wait3A_1546 = tpu.memref_squeeze %dma_wait3A_1545 : memref<1x4x128xf32, #tpu.memory_space<hbm>> -> memref<4x128xf32, #tpu.memory_space<hbm>>
    %dma_wait3A_1547 = arith.constant 208 : i32
    %dma_wait3A_1548 = arith.constant 0 : i32
    %dma_wait3A_1549 = tpu.memref_slice %arg11[%dma_wait3A_1547, %dma_wait3A_1548] : memref<256x128xf32, #tpu.memory_space<vmem>> -> memref<4x128xf32, #tpu.memory_space<vmem>>
    %dma_wait3A_1550 = arith.constant 0 : i32
    %dma_wait3A_1551 = arith.constant 0 : i32
    %dma_wait3A_1552 = tpu.memref_slice %arg8[%add3A, %dma_wait3A_1550, %dma_wait3A_1551] : memref<32x4x128xf32, #tpu.memory_space<hbm>> -> memref<1x4x128xf32, #tpu.memory_space<hbm>>
    %dma_wait3A_1553 = tpu.memref_squeeze %dma_wait3A_1552 : memref<1x4x128xf32, #tpu.memory_space<hbm>> -> memref<4x128xf32, #tpu.memory_space<hbm>>
    tpu.wait_dma2 semaphore(%arg17 : memref<!tpu.dma_semaphore, #tpu.memory_space<semaphore_mem>>) src(%dma_wait3A_1553 : memref<4x128xf32, #tpu.memory_space<hbm>>) dst(%dma_wait3A_1549 : memref<4x128xf32, #tpu.memory_space<vmem>>)
    %dma_wait3A_1554 = arith.constant 208 : i32
    %dma_wait3A_1555 = arith.constant 0 : i32
    %dma_wait3A_1556 = tpu.memref_slice %arg12[%dma_wait3A_1554, %dma_wait3A_1555] : memref<256x128xf32, #tpu.memory_space<vmem>> -> memref<4x128xf32, #tpu.memory_space<vmem>>
    %dma_wait3A_1557 = arith.constant 0 : i32
    %dma_wait3A_1558 = arith.constant 0 : i32
    %dma_wait3A_1559 = tpu.memref_slice %arg8[%add3A, %dma_wait3A_1557, %dma_wait3A_1558] : memref<32x4x128xf32, #tpu.memory_space<hbm>> -> memref<1x4x128xf32, #tpu.memory_space<hbm>>
    %dma_wait3A_1560 = tpu.memref_squeeze %dma_wait3A_1559 : memref<1x4x128xf32, #tpu.memory_space<hbm>> -> memref<4x128xf32, #tpu.memory_space<hbm>>
    %dma_wait3A_1561 = arith.constant 208 : i32
    %dma_wait3A_1562 = arith.constant 0 : i32
    %dma_wait3A_1563 = tpu.memref_slice %arg12[%dma_wait3A_1561, %dma_wait3A_1562] : memref<256x128xf32, #tpu.memory_space<vmem>> -> memref<4x128xf32, #tpu.memory_space<vmem>>
    %dma_wait3A_1564 = arith.constant 0 : i32
    %dma_wait3A_1565 = arith.constant 0 : i32
    %dma_wait3A_1566 = tpu.memref_slice %arg8[%add3A, %dma_wait3A_1564, %dma_wait3A_1565] : memref<32x4x128xf32, #tpu.memory_space<hbm>> -> memref<1x4x128xf32, #tpu.memory_space<hbm>>
    %dma_wait3A_1567 = tpu.memref_squeeze %dma_wait3A_1566 : memref<1x4x128xf32, #tpu.memory_space<hbm>> -> memref<4x128xf32, #tpu.memory_space<hbm>>
    tpu.wait_dma2 semaphore(%arg18 : memref<!tpu.dma_semaphore, #tpu.memory_space<semaphore_mem>>) src(%dma_wait3A_1567 : memref<4x128xf32, #tpu.memory_space<hbm>>) dst(%dma_wait3A_1563 : memref<4x128xf32, #tpu.memory_space<vmem>>)
    %dma_wait3A_1568 = arith.constant 212 : i32
    %dma_wait3A_1569 = arith.constant 0 : i32
    %dma_wait3A_1570 = tpu.memref_slice %arg11[%dma_wait3A_1568, %dma_wait3A_1569] : memref<256x128xf32, #tpu.memory_space<vmem>> -> memref<4x128xf32, #tpu.memory_space<vmem>>
    %dma_wait3A_1571 = arith.constant 0 : i32
    %dma_wait3A_1572 = arith.constant 0 : i32
    %dma_wait3A_1573 = tpu.memref_slice %arg8[%add3A, %dma_wait3A_1571, %dma_wait3A_1572] : memref<32x4x128xf32, #tpu.memory_space<hbm>> -> memref<1x4x128xf32, #tpu.memory_space<hbm>>
    %dma_wait3A_1574 = tpu.memref_squeeze %dma_wait3A_1573 : memref<1x4x128xf32, #tpu.memory_space<hbm>> -> memref<4x128xf32, #tpu.memory_space<hbm>>
    %dma_wait3A_1575 = arith.constant 212 : i32
    %dma_wait3A_1576 = arith.constant 0 : i32
    %dma_wait3A_1577 = tpu.memref_slice %arg11[%dma_wait3A_1575, %dma_wait3A_1576] : memref<256x128xf32, #tpu.memory_space<vmem>> -> memref<4x128xf32, #tpu.memory_space<vmem>>
    %dma_wait3A_1578 = arith.constant 0 : i32
    %dma_wait3A_1579 = arith.constant 0 : i32
    %dma_wait3A_1580 = tpu.memref_slice %arg8[%add3A, %dma_wait3A_1578, %dma_wait3A_1579] : memref<32x4x128xf32, #tpu.memory_space<hbm>> -> memref<1x4x128xf32, #tpu.memory_space<hbm>>
    %dma_wait3A_1581 = tpu.memref_squeeze %dma_wait3A_1580 : memref<1x4x128xf32, #tpu.memory_space<hbm>> -> memref<4x128xf32, #tpu.memory_space<hbm>>
    tpu.wait_dma2 semaphore(%arg17 : memref<!tpu.dma_semaphore, #tpu.memory_space<semaphore_mem>>) src(%dma_wait3A_1581 : memref<4x128xf32, #tpu.memory_space<hbm>>) dst(%dma_wait3A_1577 : memref<4x128xf32, #tpu.memory_space<vmem>>)
    %dma_wait3A_1582 = arith.constant 212 : i32
    %dma_wait3A_1583 = arith.constant 0 : i32
    %dma_wait3A_1584 = tpu.memref_slice %arg12[%dma_wait3A_1582, %dma_wait3A_1583] : memref<256x128xf32, #tpu.memory_space<vmem>> -> memref<4x128xf32, #tpu.memory_space<vmem>>
    %dma_wait3A_1585 = arith.constant 0 : i32
    %dma_wait3A_1586 = arith.constant 0 : i32
    %dma_wait3A_1587 = tpu.memref_slice %arg8[%add3A, %dma_wait3A_1585, %dma_wait3A_1586] : memref<32x4x128xf32, #tpu.memory_space<hbm>> -> memref<1x4x128xf32, #tpu.memory_space<hbm>>
    %dma_wait3A_1588 = tpu.memref_squeeze %dma_wait3A_1587 : memref<1x4x128xf32, #tpu.memory_space<hbm>> -> memref<4x128xf32, #tpu.memory_space<hbm>>
    %dma_wait3A_1589 = arith.constant 212 : i32
    %dma_wait3A_1590 = arith.constant 0 : i32
    %dma_wait3A_1591 = tpu.memref_slice %arg12[%dma_wait3A_1589, %dma_wait3A_1590] : memref<256x128xf32, #tpu.memory_space<vmem>> -> memref<4x128xf32, #tpu.memory_space<vmem>>
    %dma_wait3A_1592 = arith.constant 0 : i32
    %dma_wait3A_1593 = arith.constant 0 : i32
    %dma_wait3A_1594 = tpu.memref_slice %arg8[%add3A, %dma_wait3A_1592, %dma_wait3A_1593] : memref<32x4x128xf32, #tpu.memory_space<hbm>> -> memref<1x4x128xf32, #tpu.memory_space<hbm>>
    %dma_wait3A_1595 = tpu.memref_squeeze %dma_wait3A_1594 : memref<1x4x128xf32, #tpu.memory_space<hbm>> -> memref<4x128xf32, #tpu.memory_space<hbm>>
    tpu.wait_dma2 semaphore(%arg18 : memref<!tpu.dma_semaphore, #tpu.memory_space<semaphore_mem>>) src(%dma_wait3A_1595 : memref<4x128xf32, #tpu.memory_space<hbm>>) dst(%dma_wait3A_1591 : memref<4x128xf32, #tpu.memory_space<vmem>>)
    %dma_wait3A_1596 = arith.constant 216 : i32
    %dma_wait3A_1597 = arith.constant 0 : i32
    %dma_wait3A_1598 = tpu.memref_slice %arg11[%dma_wait3A_1596, %dma_wait3A_1597] : memref<256x128xf32, #tpu.memory_space<vmem>> -> memref<4x128xf32, #tpu.memory_space<vmem>>
    %dma_wait3A_1599 = arith.constant 0 : i32
    %dma_wait3A_1600 = arith.constant 0 : i32
    %dma_wait3A_1601 = tpu.memref_slice %arg8[%add3A, %dma_wait3A_1599, %dma_wait3A_1600] : memref<32x4x128xf32, #tpu.memory_space<hbm>> -> memref<1x4x128xf32, #tpu.memory_space<hbm>>
    %dma_wait3A_1602 = tpu.memref_squeeze %dma_wait3A_1601 : memref<1x4x128xf32, #tpu.memory_space<hbm>> -> memref<4x128xf32, #tpu.memory_space<hbm>>
    %dma_wait3A_1603 = arith.constant 216 : i32
    %dma_wait3A_1604 = arith.constant 0 : i32
    %dma_wait3A_1605 = tpu.memref_slice %arg11[%dma_wait3A_1603, %dma_wait3A_1604] : memref<256x128xf32, #tpu.memory_space<vmem>> -> memref<4x128xf32, #tpu.memory_space<vmem>>
    %dma_wait3A_1606 = arith.constant 0 : i32
    %dma_wait3A_1607 = arith.constant 0 : i32
    %dma_wait3A_1608 = tpu.memref_slice %arg8[%add3A, %dma_wait3A_1606, %dma_wait3A_1607] : memref<32x4x128xf32, #tpu.memory_space<hbm>> -> memref<1x4x128xf32, #tpu.memory_space<hbm>>
    %dma_wait3A_1609 = tpu.memref_squeeze %dma_wait3A_1608 : memref<1x4x128xf32, #tpu.memory_space<hbm>> -> memref<4x128xf32, #tpu.memory_space<hbm>>
    tpu.wait_dma2 semaphore(%arg17 : memref<!tpu.dma_semaphore, #tpu.memory_space<semaphore_mem>>) src(%dma_wait3A_1609 : memref<4x128xf32, #tpu.memory_space<hbm>>) dst(%dma_wait3A_1605 : memref<4x128xf32, #tpu.memory_space<vmem>>)
    %dma_wait3A_1610 = arith.constant 216 : i32
    %dma_wait3A_1611 = arith.constant 0 : i32
    %dma_wait3A_1612 = tpu.memref_slice %arg12[%dma_wait3A_1610, %dma_wait3A_1611] : memref<256x128xf32, #tpu.memory_space<vmem>> -> memref<4x128xf32, #tpu.memory_space<vmem>>
    %dma_wait3A_1613 = arith.constant 0 : i32
    %dma_wait3A_1614 = arith.constant 0 : i32
    %dma_wait3A_1615 = tpu.memref_slice %arg8[%add3A, %dma_wait3A_1613, %dma_wait3A_1614] : memref<32x4x128xf32, #tpu.memory_space<hbm>> -> memref<1x4x128xf32, #tpu.memory_space<hbm>>
    %dma_wait3A_1616 = tpu.memref_squeeze %dma_wait3A_1615 : memref<1x4x128xf32, #tpu.memory_space<hbm>> -> memref<4x128xf32, #tpu.memory_space<hbm>>
    %dma_wait3A_1617 = arith.constant 216 : i32
    %dma_wait3A_1618 = arith.constant 0 : i32
    %dma_wait3A_1619 = tpu.memref_slice %arg12[%dma_wait3A_1617, %dma_wait3A_1618] : memref<256x128xf32, #tpu.memory_space<vmem>> -> memref<4x128xf32, #tpu.memory_space<vmem>>
    %dma_wait3A_1620 = arith.constant 0 : i32
    %dma_wait3A_1621 = arith.constant 0 : i32
    %dma_wait3A_1622 = tpu.memref_slice %arg8[%add3A, %dma_wait3A_1620, %dma_wait3A_1621] : memref<32x4x128xf32, #tpu.memory_space<hbm>> -> memref<1x4x128xf32, #tpu.memory_space<hbm>>
    %dma_wait3A_1623 = tpu.memref_squeeze %dma_wait3A_1622 : memref<1x4x128xf32, #tpu.memory_space<hbm>> -> memref<4x128xf32, #tpu.memory_space<hbm>>
    tpu.wait_dma2 semaphore(%arg18 : memref<!tpu.dma_semaphore, #tpu.memory_space<semaphore_mem>>) src(%dma_wait3A_1623 : memref<4x128xf32, #tpu.memory_space<hbm>>) dst(%dma_wait3A_1619 : memref<4x128xf32, #tpu.memory_space<vmem>>)
    %dma_wait3A_1624 = arith.constant 220 : i32
    %dma_wait3A_1625 = arith.constant 0 : i32
    %dma_wait3A_1626 = tpu.memref_slice %arg11[%dma_wait3A_1624, %dma_wait3A_1625] : memref<256x128xf32, #tpu.memory_space<vmem>> -> memref<4x128xf32, #tpu.memory_space<vmem>>
    %dma_wait3A_1627 = arith.constant 0 : i32
    %dma_wait3A_1628 = arith.constant 0 : i32
    %dma_wait3A_1629 = tpu.memref_slice %arg8[%add3A, %dma_wait3A_1627, %dma_wait3A_1628] : memref<32x4x128xf32, #tpu.memory_space<hbm>> -> memref<1x4x128xf32, #tpu.memory_space<hbm>>
    %dma_wait3A_1630 = tpu.memref_squeeze %dma_wait3A_1629 : memref<1x4x128xf32, #tpu.memory_space<hbm>> -> memref<4x128xf32, #tpu.memory_space<hbm>>
    %dma_wait3A_1631 = arith.constant 220 : i32
    %dma_wait3A_1632 = arith.constant 0 : i32
    %dma_wait3A_1633 = tpu.memref_slice %arg11[%dma_wait3A_1631, %dma_wait3A_1632] : memref<256x128xf32, #tpu.memory_space<vmem>> -> memref<4x128xf32, #tpu.memory_space<vmem>>
    %dma_wait3A_1634 = arith.constant 0 : i32
    %dma_wait3A_1635 = arith.constant 0 : i32
    %dma_wait3A_1636 = tpu.memref_slice %arg8[%add3A, %dma_wait3A_1634, %dma_wait3A_1635] : memref<32x4x128xf32, #tpu.memory_space<hbm>> -> memref<1x4x128xf32, #tpu.memory_space<hbm>>
    %dma_wait3A_1637 = tpu.memref_squeeze %dma_wait3A_1636 : memref<1x4x128xf32, #tpu.memory_space<hbm>> -> memref<4x128xf32, #tpu.memory_space<hbm>>
    tpu.wait_dma2 semaphore(%arg17 : memref<!tpu.dma_semaphore, #tpu.memory_space<semaphore_mem>>) src(%dma_wait3A_1637 : memref<4x128xf32, #tpu.memory_space<hbm>>) dst(%dma_wait3A_1633 : memref<4x128xf32, #tpu.memory_space<vmem>>)
    %dma_wait3A_1638 = arith.constant 220 : i32
    %dma_wait3A_1639 = arith.constant 0 : i32
    %dma_wait3A_1640 = tpu.memref_slice %arg12[%dma_wait3A_1638, %dma_wait3A_1639] : memref<256x128xf32, #tpu.memory_space<vmem>> -> memref<4x128xf32, #tpu.memory_space<vmem>>
    %dma_wait3A_1641 = arith.constant 0 : i32
    %dma_wait3A_1642 = arith.constant 0 : i32
    %dma_wait3A_1643 = tpu.memref_slice %arg8[%add3A, %dma_wait3A_1641, %dma_wait3A_1642] : memref<32x4x128xf32, #tpu.memory_space<hbm>> -> memref<1x4x128xf32, #tpu.memory_space<hbm>>
    %dma_wait3A_1644 = tpu.memref_squeeze %dma_wait3A_1643 : memref<1x4x128xf32, #tpu.memory_space<hbm>> -> memref<4x128xf32, #tpu.memory_space<hbm>>
    %dma_wait3A_1645 = arith.constant 220 : i32
    %dma_wait3A_1646 = arith.constant 0 : i32
    %dma_wait3A_1647 = tpu.memref_slice %arg12[%dma_wait3A_1645, %dma_wait3A_1646] : memref<256x128xf32, #tpu.memory_space<vmem>> -> memref<4x128xf32, #tpu.memory_space<vmem>>
    %dma_wait3A_1648 = arith.constant 0 : i32
    %dma_wait3A_1649 = arith.constant 0 : i32
    %dma_wait3A_1650 = tpu.memref_slice %arg8[%add3A, %dma_wait3A_1648, %dma_wait3A_1649] : memref<32x4x128xf32, #tpu.memory_space<hbm>> -> memref<1x4x128xf32, #tpu.memory_space<hbm>>
    %dma_wait3A_1651 = tpu.memref_squeeze %dma_wait3A_1650 : memref<1x4x128xf32, #tpu.memory_space<hbm>> -> memref<4x128xf32, #tpu.memory_space<hbm>>
    tpu.wait_dma2 semaphore(%arg18 : memref<!tpu.dma_semaphore, #tpu.memory_space<semaphore_mem>>) src(%dma_wait3A_1651 : memref<4x128xf32, #tpu.memory_space<hbm>>) dst(%dma_wait3A_1647 : memref<4x128xf32, #tpu.memory_space<vmem>>)
    %dma_wait3A_1652 = arith.constant 224 : i32
    %dma_wait3A_1653 = arith.constant 0 : i32
    %dma_wait3A_1654 = tpu.memref_slice %arg11[%dma_wait3A_1652, %dma_wait3A_1653] : memref<256x128xf32, #tpu.memory_space<vmem>> -> memref<4x128xf32, #tpu.memory_space<vmem>>
    %dma_wait3A_1655 = arith.constant 0 : i32
    %dma_wait3A_1656 = arith.constant 0 : i32
    %dma_wait3A_1657 = tpu.memref_slice %arg8[%add3A, %dma_wait3A_1655, %dma_wait3A_1656] : memref<32x4x128xf32, #tpu.memory_space<hbm>> -> memref<1x4x128xf32, #tpu.memory_space<hbm>>
    %dma_wait3A_1658 = tpu.memref_squeeze %dma_wait3A_1657 : memref<1x4x128xf32, #tpu.memory_space<hbm>> -> memref<4x128xf32, #tpu.memory_space<hbm>>
    %dma_wait3A_1659 = arith.constant 224 : i32
    %dma_wait3A_1660 = arith.constant 0 : i32
    %dma_wait3A_1661 = tpu.memref_slice %arg11[%dma_wait3A_1659, %dma_wait3A_1660] : memref<256x128xf32, #tpu.memory_space<vmem>> -> memref<4x128xf32, #tpu.memory_space<vmem>>
    %dma_wait3A_1662 = arith.constant 0 : i32
    %dma_wait3A_1663 = arith.constant 0 : i32
    %dma_wait3A_1664 = tpu.memref_slice %arg8[%add3A, %dma_wait3A_1662, %dma_wait3A_1663] : memref<32x4x128xf32, #tpu.memory_space<hbm>> -> memref<1x4x128xf32, #tpu.memory_space<hbm>>
    %dma_wait3A_1665 = tpu.memref_squeeze %dma_wait3A_1664 : memref<1x4x128xf32, #tpu.memory_space<hbm>> -> memref<4x128xf32, #tpu.memory_space<hbm>>
    tpu.wait_dma2 semaphore(%arg17 : memref<!tpu.dma_semaphore, #tpu.memory_space<semaphore_mem>>) src(%dma_wait3A_1665 : memref<4x128xf32, #tpu.memory_space<hbm>>) dst(%dma_wait3A_1661 : memref<4x128xf32, #tpu.memory_space<vmem>>)
    %dma_wait3A_1666 = arith.constant 224 : i32
    %dma_wait3A_1667 = arith.constant 0 : i32
    %dma_wait3A_1668 = tpu.memref_slice %arg12[%dma_wait3A_1666, %dma_wait3A_1667] : memref<256x128xf32, #tpu.memory_space<vmem>> -> memref<4x128xf32, #tpu.memory_space<vmem>>
    %dma_wait3A_1669 = arith.constant 0 : i32
    %dma_wait3A_1670 = arith.constant 0 : i32
    %dma_wait3A_1671 = tpu.memref_slice %arg8[%add3A, %dma_wait3A_1669, %dma_wait3A_1670] : memref<32x4x128xf32, #tpu.memory_space<hbm>> -> memref<1x4x128xf32, #tpu.memory_space<hbm>>
    %dma_wait3A_1672 = tpu.memref_squeeze %dma_wait3A_1671 : memref<1x4x128xf32, #tpu.memory_space<hbm>> -> memref<4x128xf32, #tpu.memory_space<hbm>>
    %dma_wait3A_1673 = arith.constant 224 : i32
    %dma_wait3A_1674 = arith.constant 0 : i32
    %dma_wait3A_1675 = tpu.memref_slice %arg12[%dma_wait3A_1673, %dma_wait3A_1674] : memref<256x128xf32, #tpu.memory_space<vmem>> -> memref<4x128xf32, #tpu.memory_space<vmem>>
    %dma_wait3A_1676 = arith.constant 0 : i32
    %dma_wait3A_1677 = arith.constant 0 : i32
    %dma_wait3A_1678 = tpu.memref_slice %arg8[%add3A, %dma_wait3A_1676, %dma_wait3A_1677] : memref<32x4x128xf32, #tpu.memory_space<hbm>> -> memref<1x4x128xf32, #tpu.memory_space<hbm>>
    %dma_wait3A_1679 = tpu.memref_squeeze %dma_wait3A_1678 : memref<1x4x128xf32, #tpu.memory_space<hbm>> -> memref<4x128xf32, #tpu.memory_space<hbm>>
    tpu.wait_dma2 semaphore(%arg18 : memref<!tpu.dma_semaphore, #tpu.memory_space<semaphore_mem>>) src(%dma_wait3A_1679 : memref<4x128xf32, #tpu.memory_space<hbm>>) dst(%dma_wait3A_1675 : memref<4x128xf32, #tpu.memory_space<vmem>>)
    %dma_wait3A_1680 = arith.constant 228 : i32
    %dma_wait3A_1681 = arith.constant 0 : i32
    %dma_wait3A_1682 = tpu.memref_slice %arg11[%dma_wait3A_1680, %dma_wait3A_1681] : memref<256x128xf32, #tpu.memory_space<vmem>> -> memref<4x128xf32, #tpu.memory_space<vmem>>
    %dma_wait3A_1683 = arith.constant 0 : i32
    %dma_wait3A_1684 = arith.constant 0 : i32
    %dma_wait3A_1685 = tpu.memref_slice %arg8[%add3A, %dma_wait3A_1683, %dma_wait3A_1684] : memref<32x4x128xf32, #tpu.memory_space<hbm>> -> memref<1x4x128xf32, #tpu.memory_space<hbm>>
    %dma_wait3A_1686 = tpu.memref_squeeze %dma_wait3A_1685 : memref<1x4x128xf32, #tpu.memory_space<hbm>> -> memref<4x128xf32, #tpu.memory_space<hbm>>
    %dma_wait3A_1687 = arith.constant 228 : i32
    %dma_wait3A_1688 = arith.constant 0 : i32
    %dma_wait3A_1689 = tpu.memref_slice %arg11[%dma_wait3A_1687, %dma_wait3A_1688] : memref<256x128xf32, #tpu.memory_space<vmem>> -> memref<4x128xf32, #tpu.memory_space<vmem>>
    %dma_wait3A_1690 = arith.constant 0 : i32
    %dma_wait3A_1691 = arith.constant 0 : i32
    %dma_wait3A_1692 = tpu.memref_slice %arg8[%add3A, %dma_wait3A_1690, %dma_wait3A_1691] : memref<32x4x128xf32, #tpu.memory_space<hbm>> -> memref<1x4x128xf32, #tpu.memory_space<hbm>>
    %dma_wait3A_1693 = tpu.memref_squeeze %dma_wait3A_1692 : memref<1x4x128xf32, #tpu.memory_space<hbm>> -> memref<4x128xf32, #tpu.memory_space<hbm>>
    tpu.wait_dma2 semaphore(%arg17 : memref<!tpu.dma_semaphore, #tpu.memory_space<semaphore_mem>>) src(%dma_wait3A_1693 : memref<4x128xf32, #tpu.memory_space<hbm>>) dst(%dma_wait3A_1689 : memref<4x128xf32, #tpu.memory_space<vmem>>)
    %dma_wait3A_1694 = arith.constant 228 : i32
    %dma_wait3A_1695 = arith.constant 0 : i32
    %dma_wait3A_1696 = tpu.memref_slice %arg12[%dma_wait3A_1694, %dma_wait3A_1695] : memref<256x128xf32, #tpu.memory_space<vmem>> -> memref<4x128xf32, #tpu.memory_space<vmem>>
    %dma_wait3A_1697 = arith.constant 0 : i32
    %dma_wait3A_1698 = arith.constant 0 : i32
    %dma_wait3A_1699 = tpu.memref_slice %arg8[%add3A, %dma_wait3A_1697, %dma_wait3A_1698] : memref<32x4x128xf32, #tpu.memory_space<hbm>> -> memref<1x4x128xf32, #tpu.memory_space<hbm>>
    %dma_wait3A_1700 = tpu.memref_squeeze %dma_wait3A_1699 : memref<1x4x128xf32, #tpu.memory_space<hbm>> -> memref<4x128xf32, #tpu.memory_space<hbm>>
    %dma_wait3A_1701 = arith.constant 228 : i32
    %dma_wait3A_1702 = arith.constant 0 : i32
    %dma_wait3A_1703 = tpu.memref_slice %arg12[%dma_wait3A_1701, %dma_wait3A_1702] : memref<256x128xf32, #tpu.memory_space<vmem>> -> memref<4x128xf32, #tpu.memory_space<vmem>>
    %dma_wait3A_1704 = arith.constant 0 : i32
    %dma_wait3A_1705 = arith.constant 0 : i32
    %dma_wait3A_1706 = tpu.memref_slice %arg8[%add3A, %dma_wait3A_1704, %dma_wait3A_1705] : memref<32x4x128xf32, #tpu.memory_space<hbm>> -> memref<1x4x128xf32, #tpu.memory_space<hbm>>
    %dma_wait3A_1707 = tpu.memref_squeeze %dma_wait3A_1706 : memref<1x4x128xf32, #tpu.memory_space<hbm>> -> memref<4x128xf32, #tpu.memory_space<hbm>>
    tpu.wait_dma2 semaphore(%arg18 : memref<!tpu.dma_semaphore, #tpu.memory_space<semaphore_mem>>) src(%dma_wait3A_1707 : memref<4x128xf32, #tpu.memory_space<hbm>>) dst(%dma_wait3A_1703 : memref<4x128xf32, #tpu.memory_space<vmem>>)
    %dma_wait3A_1708 = arith.constant 232 : i32
    %dma_wait3A_1709 = arith.constant 0 : i32
    %dma_wait3A_1710 = tpu.memref_slice %arg11[%dma_wait3A_1708, %dma_wait3A_1709] : memref<256x128xf32, #tpu.memory_space<vmem>> -> memref<4x128xf32, #tpu.memory_space<vmem>>
    %dma_wait3A_1711 = arith.constant 0 : i32
    %dma_wait3A_1712 = arith.constant 0 : i32
    %dma_wait3A_1713 = tpu.memref_slice %arg8[%add3A, %dma_wait3A_1711, %dma_wait3A_1712] : memref<32x4x128xf32, #tpu.memory_space<hbm>> -> memref<1x4x128xf32, #tpu.memory_space<hbm>>
    %dma_wait3A_1714 = tpu.memref_squeeze %dma_wait3A_1713 : memref<1x4x128xf32, #tpu.memory_space<hbm>> -> memref<4x128xf32, #tpu.memory_space<hbm>>
    %dma_wait3A_1715 = arith.constant 232 : i32
    %dma_wait3A_1716 = arith.constant 0 : i32
    %dma_wait3A_1717 = tpu.memref_slice %arg11[%dma_wait3A_1715, %dma_wait3A_1716] : memref<256x128xf32, #tpu.memory_space<vmem>> -> memref<4x128xf32, #tpu.memory_space<vmem>>
    %dma_wait3A_1718 = arith.constant 0 : i32
    %dma_wait3A_1719 = arith.constant 0 : i32
    %dma_wait3A_1720 = tpu.memref_slice %arg8[%add3A, %dma_wait3A_1718, %dma_wait3A_1719] : memref<32x4x128xf32, #tpu.memory_space<hbm>> -> memref<1x4x128xf32, #tpu.memory_space<hbm>>
    %dma_wait3A_1721 = tpu.memref_squeeze %dma_wait3A_1720 : memref<1x4x128xf32, #tpu.memory_space<hbm>> -> memref<4x128xf32, #tpu.memory_space<hbm>>
    tpu.wait_dma2 semaphore(%arg17 : memref<!tpu.dma_semaphore, #tpu.memory_space<semaphore_mem>>) src(%dma_wait3A_1721 : memref<4x128xf32, #tpu.memory_space<hbm>>) dst(%dma_wait3A_1717 : memref<4x128xf32, #tpu.memory_space<vmem>>)
    %dma_wait3A_1722 = arith.constant 232 : i32
    %dma_wait3A_1723 = arith.constant 0 : i32
    %dma_wait3A_1724 = tpu.memref_slice %arg12[%dma_wait3A_1722, %dma_wait3A_1723] : memref<256x128xf32, #tpu.memory_space<vmem>> -> memref<4x128xf32, #tpu.memory_space<vmem>>
    %dma_wait3A_1725 = arith.constant 0 : i32
    %dma_wait3A_1726 = arith.constant 0 : i32
    %dma_wait3A_1727 = tpu.memref_slice %arg8[%add3A, %dma_wait3A_1725, %dma_wait3A_1726] : memref<32x4x128xf32, #tpu.memory_space<hbm>> -> memref<1x4x128xf32, #tpu.memory_space<hbm>>
    %dma_wait3A_1728 = tpu.memref_squeeze %dma_wait3A_1727 : memref<1x4x128xf32, #tpu.memory_space<hbm>> -> memref<4x128xf32, #tpu.memory_space<hbm>>
    %dma_wait3A_1729 = arith.constant 232 : i32
    %dma_wait3A_1730 = arith.constant 0 : i32
    %dma_wait3A_1731 = tpu.memref_slice %arg12[%dma_wait3A_1729, %dma_wait3A_1730] : memref<256x128xf32, #tpu.memory_space<vmem>> -> memref<4x128xf32, #tpu.memory_space<vmem>>
    %dma_wait3A_1732 = arith.constant 0 : i32
    %dma_wait3A_1733 = arith.constant 0 : i32
    %dma_wait3A_1734 = tpu.memref_slice %arg8[%add3A, %dma_wait3A_1732, %dma_wait3A_1733] : memref<32x4x128xf32, #tpu.memory_space<hbm>> -> memref<1x4x128xf32, #tpu.memory_space<hbm>>
    %dma_wait3A_1735 = tpu.memref_squeeze %dma_wait3A_1734 : memref<1x4x128xf32, #tpu.memory_space<hbm>> -> memref<4x128xf32, #tpu.memory_space<hbm>>
    tpu.wait_dma2 semaphore(%arg18 : memref<!tpu.dma_semaphore, #tpu.memory_space<semaphore_mem>>) src(%dma_wait3A_1735 : memref<4x128xf32, #tpu.memory_space<hbm>>) dst(%dma_wait3A_1731 : memref<4x128xf32, #tpu.memory_space<vmem>>)
    %dma_wait3A_1736 = arith.constant 236 : i32
    %dma_wait3A_1737 = arith.constant 0 : i32
    %dma_wait3A_1738 = tpu.memref_slice %arg11[%dma_wait3A_1736, %dma_wait3A_1737] : memref<256x128xf32, #tpu.memory_space<vmem>> -> memref<4x128xf32, #tpu.memory_space<vmem>>
    %dma_wait3A_1739 = arith.constant 0 : i32
    %dma_wait3A_1740 = arith.constant 0 : i32
    %dma_wait3A_1741 = tpu.memref_slice %arg8[%add3A, %dma_wait3A_1739, %dma_wait3A_1740] : memref<32x4x128xf32, #tpu.memory_space<hbm>> -> memref<1x4x128xf32, #tpu.memory_space<hbm>>
    %dma_wait3A_1742 = tpu.memref_squeeze %dma_wait3A_1741 : memref<1x4x128xf32, #tpu.memory_space<hbm>> -> memref<4x128xf32, #tpu.memory_space<hbm>>
    %dma_wait3A_1743 = arith.constant 236 : i32
    %dma_wait3A_1744 = arith.constant 0 : i32
    %dma_wait3A_1745 = tpu.memref_slice %arg11[%dma_wait3A_1743, %dma_wait3A_1744] : memref<256x128xf32, #tpu.memory_space<vmem>> -> memref<4x128xf32, #tpu.memory_space<vmem>>
    %dma_wait3A_1746 = arith.constant 0 : i32
    %dma_wait3A_1747 = arith.constant 0 : i32
    %dma_wait3A_1748 = tpu.memref_slice %arg8[%add3A, %dma_wait3A_1746, %dma_wait3A_1747] : memref<32x4x128xf32, #tpu.memory_space<hbm>> -> memref<1x4x128xf32, #tpu.memory_space<hbm>>
    %dma_wait3A_1749 = tpu.memref_squeeze %dma_wait3A_1748 : memref<1x4x128xf32, #tpu.memory_space<hbm>> -> memref<4x128xf32, #tpu.memory_space<hbm>>
    tpu.wait_dma2 semaphore(%arg17 : memref<!tpu.dma_semaphore, #tpu.memory_space<semaphore_mem>>) src(%dma_wait3A_1749 : memref<4x128xf32, #tpu.memory_space<hbm>>) dst(%dma_wait3A_1745 : memref<4x128xf32, #tpu.memory_space<vmem>>)
    %dma_wait3A_1750 = arith.constant 236 : i32
    %dma_wait3A_1751 = arith.constant 0 : i32
    %dma_wait3A_1752 = tpu.memref_slice %arg12[%dma_wait3A_1750, %dma_wait3A_1751] : memref<256x128xf32, #tpu.memory_space<vmem>> -> memref<4x128xf32, #tpu.memory_space<vmem>>
    %dma_wait3A_1753 = arith.constant 0 : i32
    %dma_wait3A_1754 = arith.constant 0 : i32
    %dma_wait3A_1755 = tpu.memref_slice %arg8[%add3A, %dma_wait3A_1753, %dma_wait3A_1754] : memref<32x4x128xf32, #tpu.memory_space<hbm>> -> memref<1x4x128xf32, #tpu.memory_space<hbm>>
    %dma_wait3A_1756 = tpu.memref_squeeze %dma_wait3A_1755 : memref<1x4x128xf32, #tpu.memory_space<hbm>> -> memref<4x128xf32, #tpu.memory_space<hbm>>
    %dma_wait3A_1757 = arith.constant 236 : i32
    %dma_wait3A_1758 = arith.constant 0 : i32
    %dma_wait3A_1759 = tpu.memref_slice %arg12[%dma_wait3A_1757, %dma_wait3A_1758] : memref<256x128xf32, #tpu.memory_space<vmem>> -> memref<4x128xf32, #tpu.memory_space<vmem>>
    %dma_wait3A_1760 = arith.constant 0 : i32
    %dma_wait3A_1761 = arith.constant 0 : i32
    %dma_wait3A_1762 = tpu.memref_slice %arg8[%add3A, %dma_wait3A_1760, %dma_wait3A_1761] : memref<32x4x128xf32, #tpu.memory_space<hbm>> -> memref<1x4x128xf32, #tpu.memory_space<hbm>>
    %dma_wait3A_1763 = tpu.memref_squeeze %dma_wait3A_1762 : memref<1x4x128xf32, #tpu.memory_space<hbm>> -> memref<4x128xf32, #tpu.memory_space<hbm>>
    tpu.wait_dma2 semaphore(%arg18 : memref<!tpu.dma_semaphore, #tpu.memory_space<semaphore_mem>>) src(%dma_wait3A_1763 : memref<4x128xf32, #tpu.memory_space<hbm>>) dst(%dma_wait3A_1759 : memref<4x128xf32, #tpu.memory_space<vmem>>)
    %dma_wait3A_1764 = arith.constant 240 : i32
    %dma_wait3A_1765 = arith.constant 0 : i32
    %dma_wait3A_1766 = tpu.memref_slice %arg11[%dma_wait3A_1764, %dma_wait3A_1765] : memref<256x128xf32, #tpu.memory_space<vmem>> -> memref<4x128xf32, #tpu.memory_space<vmem>>
    %dma_wait3A_1767 = arith.constant 0 : i32
    %dma_wait3A_1768 = arith.constant 0 : i32
    %dma_wait3A_1769 = tpu.memref_slice %arg8[%add3A, %dma_wait3A_1767, %dma_wait3A_1768] : memref<32x4x128xf32, #tpu.memory_space<hbm>> -> memref<1x4x128xf32, #tpu.memory_space<hbm>>
    %dma_wait3A_1770 = tpu.memref_squeeze %dma_wait3A_1769 : memref<1x4x128xf32, #tpu.memory_space<hbm>> -> memref<4x128xf32, #tpu.memory_space<hbm>>
    %dma_wait3A_1771 = arith.constant 240 : i32
    %dma_wait3A_1772 = arith.constant 0 : i32
    %dma_wait3A_1773 = tpu.memref_slice %arg11[%dma_wait3A_1771, %dma_wait3A_1772] : memref<256x128xf32, #tpu.memory_space<vmem>> -> memref<4x128xf32, #tpu.memory_space<vmem>>
    %dma_wait3A_1774 = arith.constant 0 : i32
    %dma_wait3A_1775 = arith.constant 0 : i32
    %dma_wait3A_1776 = tpu.memref_slice %arg8[%add3A, %dma_wait3A_1774, %dma_wait3A_1775] : memref<32x4x128xf32, #tpu.memory_space<hbm>> -> memref<1x4x128xf32, #tpu.memory_space<hbm>>
    %dma_wait3A_1777 = tpu.memref_squeeze %dma_wait3A_1776 : memref<1x4x128xf32, #tpu.memory_space<hbm>> -> memref<4x128xf32, #tpu.memory_space<hbm>>
    tpu.wait_dma2 semaphore(%arg17 : memref<!tpu.dma_semaphore, #tpu.memory_space<semaphore_mem>>) src(%dma_wait3A_1777 : memref<4x128xf32, #tpu.memory_space<hbm>>) dst(%dma_wait3A_1773 : memref<4x128xf32, #tpu.memory_space<vmem>>)
    %dma_wait3A_1778 = arith.constant 240 : i32
    %dma_wait3A_1779 = arith.constant 0 : i32
    %dma_wait3A_1780 = tpu.memref_slice %arg12[%dma_wait3A_1778, %dma_wait3A_1779] : memref<256x128xf32, #tpu.memory_space<vmem>> -> memref<4x128xf32, #tpu.memory_space<vmem>>
    %dma_wait3A_1781 = arith.constant 0 : i32
    %dma_wait3A_1782 = arith.constant 0 : i32
    %dma_wait3A_1783 = tpu.memref_slice %arg8[%add3A, %dma_wait3A_1781, %dma_wait3A_1782] : memref<32x4x128xf32, #tpu.memory_space<hbm>> -> memref<1x4x128xf32, #tpu.memory_space<hbm>>
    %dma_wait3A_1784 = tpu.memref_squeeze %dma_wait3A_1783 : memref<1x4x128xf32, #tpu.memory_space<hbm>> -> memref<4x128xf32, #tpu.memory_space<hbm>>
    %dma_wait3A_1785 = arith.constant 240 : i32
    %dma_wait3A_1786 = arith.constant 0 : i32
    %dma_wait3A_1787 = tpu.memref_slice %arg12[%dma_wait3A_1785, %dma_wait3A_1786] : memref<256x128xf32, #tpu.memory_space<vmem>> -> memref<4x128xf32, #tpu.memory_space<vmem>>
    %dma_wait3A_1788 = arith.constant 0 : i32
    %dma_wait3A_1789 = arith.constant 0 : i32
    %dma_wait3A_1790 = tpu.memref_slice %arg8[%add3A, %dma_wait3A_1788, %dma_wait3A_1789] : memref<32x4x128xf32, #tpu.memory_space<hbm>> -> memref<1x4x128xf32, #tpu.memory_space<hbm>>
    %dma_wait3A_1791 = tpu.memref_squeeze %dma_wait3A_1790 : memref<1x4x128xf32, #tpu.memory_space<hbm>> -> memref<4x128xf32, #tpu.memory_space<hbm>>
    tpu.wait_dma2 semaphore(%arg18 : memref<!tpu.dma_semaphore, #tpu.memory_space<semaphore_mem>>) src(%dma_wait3A_1791 : memref<4x128xf32, #tpu.memory_space<hbm>>) dst(%dma_wait3A_1787 : memref<4x128xf32, #tpu.memory_space<vmem>>)
    %dma_wait3A_1792 = arith.constant 244 : i32
    %dma_wait3A_1793 = arith.constant 0 : i32
    %dma_wait3A_1794 = tpu.memref_slice %arg11[%dma_wait3A_1792, %dma_wait3A_1793] : memref<256x128xf32, #tpu.memory_space<vmem>> -> memref<4x128xf32, #tpu.memory_space<vmem>>
    %dma_wait3A_1795 = arith.constant 0 : i32
    %dma_wait3A_1796 = arith.constant 0 : i32
    %dma_wait3A_1797 = tpu.memref_slice %arg8[%add3A, %dma_wait3A_1795, %dma_wait3A_1796] : memref<32x4x128xf32, #tpu.memory_space<hbm>> -> memref<1x4x128xf32, #tpu.memory_space<hbm>>
    %dma_wait3A_1798 = tpu.memref_squeeze %dma_wait3A_1797 : memref<1x4x128xf32, #tpu.memory_space<hbm>> -> memref<4x128xf32, #tpu.memory_space<hbm>>
    %dma_wait3A_1799 = arith.constant 244 : i32
    %dma_wait3A_1800 = arith.constant 0 : i32
    %dma_wait3A_1801 = tpu.memref_slice %arg11[%dma_wait3A_1799, %dma_wait3A_1800] : memref<256x128xf32, #tpu.memory_space<vmem>> -> memref<4x128xf32, #tpu.memory_space<vmem>>
    %dma_wait3A_1802 = arith.constant 0 : i32
    %dma_wait3A_1803 = arith.constant 0 : i32
    %dma_wait3A_1804 = tpu.memref_slice %arg8[%add3A, %dma_wait3A_1802, %dma_wait3A_1803] : memref<32x4x128xf32, #tpu.memory_space<hbm>> -> memref<1x4x128xf32, #tpu.memory_space<hbm>>
    %dma_wait3A_1805 = tpu.memref_squeeze %dma_wait3A_1804 : memref<1x4x128xf32, #tpu.memory_space<hbm>> -> memref<4x128xf32, #tpu.memory_space<hbm>>
    tpu.wait_dma2 semaphore(%arg17 : memref<!tpu.dma_semaphore, #tpu.memory_space<semaphore_mem>>) src(%dma_wait3A_1805 : memref<4x128xf32, #tpu.memory_space<hbm>>) dst(%dma_wait3A_1801 : memref<4x128xf32, #tpu.memory_space<vmem>>)
    %dma_wait3A_1806 = arith.constant 244 : i32
    %dma_wait3A_1807 = arith.constant 0 : i32
    %dma_wait3A_1808 = tpu.memref_slice %arg12[%dma_wait3A_1806, %dma_wait3A_1807] : memref<256x128xf32, #tpu.memory_space<vmem>> -> memref<4x128xf32, #tpu.memory_space<vmem>>
    %dma_wait3A_1809 = arith.constant 0 : i32
    %dma_wait3A_1810 = arith.constant 0 : i32
    %dma_wait3A_1811 = tpu.memref_slice %arg8[%add3A, %dma_wait3A_1809, %dma_wait3A_1810] : memref<32x4x128xf32, #tpu.memory_space<hbm>> -> memref<1x4x128xf32, #tpu.memory_space<hbm>>
    %dma_wait3A_1812 = tpu.memref_squeeze %dma_wait3A_1811 : memref<1x4x128xf32, #tpu.memory_space<hbm>> -> memref<4x128xf32, #tpu.memory_space<hbm>>
    %dma_wait3A_1813 = arith.constant 244 : i32
    %dma_wait3A_1814 = arith.constant 0 : i32
    %dma_wait3A_1815 = tpu.memref_slice %arg12[%dma_wait3A_1813, %dma_wait3A_1814] : memref<256x128xf32, #tpu.memory_space<vmem>> -> memref<4x128xf32, #tpu.memory_space<vmem>>
    %dma_wait3A_1816 = arith.constant 0 : i32
    %dma_wait3A_1817 = arith.constant 0 : i32
    %dma_wait3A_1818 = tpu.memref_slice %arg8[%add3A, %dma_wait3A_1816, %dma_wait3A_1817] : memref<32x4x128xf32, #tpu.memory_space<hbm>> -> memref<1x4x128xf32, #tpu.memory_space<hbm>>
    %dma_wait3A_1819 = tpu.memref_squeeze %dma_wait3A_1818 : memref<1x4x128xf32, #tpu.memory_space<hbm>> -> memref<4x128xf32, #tpu.memory_space<hbm>>
    tpu.wait_dma2 semaphore(%arg18 : memref<!tpu.dma_semaphore, #tpu.memory_space<semaphore_mem>>) src(%dma_wait3A_1819 : memref<4x128xf32, #tpu.memory_space<hbm>>) dst(%dma_wait3A_1815 : memref<4x128xf32, #tpu.memory_space<vmem>>)
    %dma_wait3A_1820 = arith.constant 248 : i32
    %dma_wait3A_1821 = arith.constant 0 : i32
    %dma_wait3A_1822 = tpu.memref_slice %arg11[%dma_wait3A_1820, %dma_wait3A_1821] : memref<256x128xf32, #tpu.memory_space<vmem>> -> memref<4x128xf32, #tpu.memory_space<vmem>>
    %dma_wait3A_1823 = arith.constant 0 : i32
    %dma_wait3A_1824 = arith.constant 0 : i32
    %dma_wait3A_1825 = tpu.memref_slice %arg8[%add3A, %dma_wait3A_1823, %dma_wait3A_1824] : memref<32x4x128xf32, #tpu.memory_space<hbm>> -> memref<1x4x128xf32, #tpu.memory_space<hbm>>
    %dma_wait3A_1826 = tpu.memref_squeeze %dma_wait3A_1825 : memref<1x4x128xf32, #tpu.memory_space<hbm>> -> memref<4x128xf32, #tpu.memory_space<hbm>>
    %dma_wait3A_1827 = arith.constant 248 : i32
    %dma_wait3A_1828 = arith.constant 0 : i32
    %dma_wait3A_1829 = tpu.memref_slice %arg11[%dma_wait3A_1827, %dma_wait3A_1828] : memref<256x128xf32, #tpu.memory_space<vmem>> -> memref<4x128xf32, #tpu.memory_space<vmem>>
    %dma_wait3A_1830 = arith.constant 0 : i32
    %dma_wait3A_1831 = arith.constant 0 : i32
    %dma_wait3A_1832 = tpu.memref_slice %arg8[%add3A, %dma_wait3A_1830, %dma_wait3A_1831] : memref<32x4x128xf32, #tpu.memory_space<hbm>> -> memref<1x4x128xf32, #tpu.memory_space<hbm>>
    %dma_wait3A_1833 = tpu.memref_squeeze %dma_wait3A_1832 : memref<1x4x128xf32, #tpu.memory_space<hbm>> -> memref<4x128xf32, #tpu.memory_space<hbm>>
    tpu.wait_dma2 semaphore(%arg17 : memref<!tpu.dma_semaphore, #tpu.memory_space<semaphore_mem>>) src(%dma_wait3A_1833 : memref<4x128xf32, #tpu.memory_space<hbm>>) dst(%dma_wait3A_1829 : memref<4x128xf32, #tpu.memory_space<vmem>>)
    %dma_wait3A_1834 = arith.constant 248 : i32
    %dma_wait3A_1835 = arith.constant 0 : i32
    %dma_wait3A_1836 = tpu.memref_slice %arg12[%dma_wait3A_1834, %dma_wait3A_1835] : memref<256x128xf32, #tpu.memory_space<vmem>> -> memref<4x128xf32, #tpu.memory_space<vmem>>
    %dma_wait3A_1837 = arith.constant 0 : i32
    %dma_wait3A_1838 = arith.constant 0 : i32
    %dma_wait3A_1839 = tpu.memref_slice %arg8[%add3A, %dma_wait3A_1837, %dma_wait3A_1838] : memref<32x4x128xf32, #tpu.memory_space<hbm>> -> memref<1x4x128xf32, #tpu.memory_space<hbm>>
    %dma_wait3A_1840 = tpu.memref_squeeze %dma_wait3A_1839 : memref<1x4x128xf32, #tpu.memory_space<hbm>> -> memref<4x128xf32, #tpu.memory_space<hbm>>
    %dma_wait3A_1841 = arith.constant 248 : i32
    %dma_wait3A_1842 = arith.constant 0 : i32
    %dma_wait3A_1843 = tpu.memref_slice %arg12[%dma_wait3A_1841, %dma_wait3A_1842] : memref<256x128xf32, #tpu.memory_space<vmem>> -> memref<4x128xf32, #tpu.memory_space<vmem>>
    %dma_wait3A_1844 = arith.constant 0 : i32
    %dma_wait3A_1845 = arith.constant 0 : i32
    %dma_wait3A_1846 = tpu.memref_slice %arg8[%add3A, %dma_wait3A_1844, %dma_wait3A_1845] : memref<32x4x128xf32, #tpu.memory_space<hbm>> -> memref<1x4x128xf32, #tpu.memory_space<hbm>>
    %dma_wait3A_1847 = tpu.memref_squeeze %dma_wait3A_1846 : memref<1x4x128xf32, #tpu.memory_space<hbm>> -> memref<4x128xf32, #tpu.memory_space<hbm>>
    tpu.wait_dma2 semaphore(%arg18 : memref<!tpu.dma_semaphore, #tpu.memory_space<semaphore_mem>>) src(%dma_wait3A_1847 : memref<4x128xf32, #tpu.memory_space<hbm>>) dst(%dma_wait3A_1843 : memref<4x128xf32, #tpu.memory_space<vmem>>)
    %dma_wait3A_1848 = arith.constant 252 : i32
    %dma_wait3A_1849 = arith.constant 0 : i32
    %dma_wait3A_1850 = tpu.memref_slice %arg11[%dma_wait3A_1848, %dma_wait3A_1849] : memref<256x128xf32, #tpu.memory_space<vmem>> -> memref<4x128xf32, #tpu.memory_space<vmem>>
    %dma_wait3A_1851 = arith.constant 0 : i32
    %dma_wait3A_1852 = arith.constant 0 : i32
    %dma_wait3A_1853 = tpu.memref_slice %arg8[%add3A, %dma_wait3A_1851, %dma_wait3A_1852] : memref<32x4x128xf32, #tpu.memory_space<hbm>> -> memref<1x4x128xf32, #tpu.memory_space<hbm>>
    %dma_wait3A_1854 = tpu.memref_squeeze %dma_wait3A_1853 : memref<1x4x128xf32, #tpu.memory_space<hbm>> -> memref<4x128xf32, #tpu.memory_space<hbm>>
    %dma_wait3A_1855 = arith.constant 252 : i32
    %dma_wait3A_1856 = arith.constant 0 : i32
    %dma_wait3A_1857 = tpu.memref_slice %arg11[%dma_wait3A_1855, %dma_wait3A_1856] : memref<256x128xf32, #tpu.memory_space<vmem>> -> memref<4x128xf32, #tpu.memory_space<vmem>>
    %dma_wait3A_1858 = arith.constant 0 : i32
    %dma_wait3A_1859 = arith.constant 0 : i32
    %dma_wait3A_1860 = tpu.memref_slice %arg8[%add3A, %dma_wait3A_1858, %dma_wait3A_1859] : memref<32x4x128xf32, #tpu.memory_space<hbm>> -> memref<1x4x128xf32, #tpu.memory_space<hbm>>
    %dma_wait3A_1861 = tpu.memref_squeeze %dma_wait3A_1860 : memref<1x4x128xf32, #tpu.memory_space<hbm>> -> memref<4x128xf32, #tpu.memory_space<hbm>>
    tpu.wait_dma2 semaphore(%arg17 : memref<!tpu.dma_semaphore, #tpu.memory_space<semaphore_mem>>) src(%dma_wait3A_1861 : memref<4x128xf32, #tpu.memory_space<hbm>>) dst(%dma_wait3A_1857 : memref<4x128xf32, #tpu.memory_space<vmem>>)
    %dma_wait3A_1862 = arith.constant 252 : i32
    %dma_wait3A_1863 = arith.constant 0 : i32
    %dma_wait3A_1864 = tpu.memref_slice %arg12[%dma_wait3A_1862, %dma_wait3A_1863] : memref<256x128xf32, #tpu.memory_space<vmem>> -> memref<4x128xf32, #tpu.memory_space<vmem>>
    %dma_wait3A_1865 = arith.constant 0 : i32
    %dma_wait3A_1866 = arith.constant 0 : i32
    %dma_wait3A_1867 = tpu.memref_slice %arg8[%add3A, %dma_wait3A_1865, %dma_wait3A_1866] : memref<32x4x128xf32, #tpu.memory_space<hbm>> -> memref<1x4x128xf32, #tpu.memory_space<hbm>>
    %dma_wait3A_1868 = tpu.memref_squeeze %dma_wait3A_1867 : memref<1x4x128xf32, #tpu.memory_space<hbm>> -> memref<4x128xf32, #tpu.memory_space<hbm>>
    %dma_wait3A_1869 = arith.constant 252 : i32
    %dma_wait3A_1870 = arith.constant 0 : i32
    %dma_wait3A_1871 = tpu.memref_slice %arg12[%dma_wait3A_1869, %dma_wait3A_1870] : memref<256x128xf32, #tpu.memory_space<vmem>> -> memref<4x128xf32, #tpu.memory_space<vmem>>
    %dma_wait3A_1872 = arith.constant 0 : i32
    %dma_wait3A_1873 = arith.constant 0 : i32
    %dma_wait3A_1874 = tpu.memref_slice %arg8[%add3A, %dma_wait3A_1872, %dma_wait3A_1873] : memref<32x4x128xf32, #tpu.memory_space<hbm>> -> memref<1x4x128xf32, #tpu.memory_space<hbm>>
    %dma_wait3A_1875 = tpu.memref_squeeze %dma_wait3A_1874 : memref<1x4x128xf32, #tpu.memory_space<hbm>> -> memref<4x128xf32, #tpu.memory_space<hbm>>
    tpu.wait_dma2 semaphore(%arg18 : memref<!tpu.dma_semaphore, #tpu.memory_space<semaphore_mem>>) src(%dma_wait3A_1875 : memref<4x128xf32, #tpu.memory_space<hbm>>) dst(%dma_wait3A_1871 : memref<4x128xf32, #tpu.memory_space<vmem>>)
    %dma_wait3A_1876 = arith.constant 0 : i32
    %dma_wait3A_1877 = arith.constant 0 : i32
    %dma_wait3A_1878 = arith.constant 0 : i32
    %dma_wait3A_1879 = tpu.memref_slice %arg13[%dma_wait3A_1877, %dma_wait3A_1878] : memref<4x128xf32, #tpu.memory_space<vmem>> -> memref<1x128xf32, #tpu.memory_space<vmem>>
    %dma_wait3A_1880 = tpu.memref_squeeze %dma_wait3A_1879 : memref<1x128xf32, #tpu.memory_space<vmem>> -> memref<128xf32, #tpu.memory_space<vmem>>
    %dma_wait3A_1881 = arith.constant 0 : i32
    %dma_wait3A_1882 = tpu.memref_slice %arg9[%dma_wait3A_1876, %dma_wait3A_1881] : memref<4x128xi32, #tpu.memory_space<vmem>> -> memref<1x128xi32, #tpu.memory_space<vmem>>
    %dma_wait3A_1883 = tpu.memref_squeeze %dma_wait3A_1882 : memref<1x128xi32, #tpu.memory_space<vmem>> -> memref<128xi32, #tpu.memory_space<vmem>>
    %dma_wait3A_1884 = arith.constant 0 : i32
    %dma_wait3A_1885 = tpu.memref_slice %arg6[%dma_wait3A_1884] : memref<1000000xf32, #tpu.memory_space<hbm>> -> memref<1000000xf32, #tpu.memory_space<hbm>>
    tpu.wait_indirect_dma semaphore(%arg16 : memref<!tpu.dma_semaphore, #tpu.memory_space<semaphore_mem>>) src(%dma_wait3A_1885 : memref<1000000xf32, #tpu.memory_space<hbm>>) dst(%dma_wait3A_1880 : memref<128xf32, #tpu.memory_space<vmem>>)
    %dma_wait3A_1886 = arith.constant 0 : i32
    %dma_wait3A_1887 = arith.constant 0 : i32
    %dma_wait3A_1888 = arith.constant 0 : i32
    %dma_wait3A_1889 = tpu.memref_slice %arg14[%dma_wait3A_1887, %dma_wait3A_1888] : memref<4x128xf32, #tpu.memory_space<vmem>> -> memref<1x128xf32, #tpu.memory_space<vmem>>
    %dma_wait3A_1890 = tpu.memref_squeeze %dma_wait3A_1889 : memref<1x128xf32, #tpu.memory_space<vmem>> -> memref<128xf32, #tpu.memory_space<vmem>>
    %dma_wait3A_1891 = arith.constant 0 : i32
    %dma_wait3A_1892 = tpu.memref_slice %arg10[%dma_wait3A_1886, %dma_wait3A_1891] : memref<4x128xi32, #tpu.memory_space<vmem>> -> memref<1x128xi32, #tpu.memory_space<vmem>>
    %dma_wait3A_1893 = tpu.memref_squeeze %dma_wait3A_1892 : memref<1x128xi32, #tpu.memory_space<vmem>> -> memref<128xi32, #tpu.memory_space<vmem>>
    %dma_wait3A_1894 = arith.constant 0 : i32
    %dma_wait3A_1895 = tpu.memref_slice %arg7[%dma_wait3A_1894] : memref<100000xf32, #tpu.memory_space<hbm>> -> memref<100000xf32, #tpu.memory_space<hbm>>
    tpu.wait_indirect_dma semaphore(%arg16 : memref<!tpu.dma_semaphore, #tpu.memory_space<semaphore_mem>>) src(%dma_wait3A_1895 : memref<100000xf32, #tpu.memory_space<hbm>>) dst(%dma_wait3A_1890 : memref<128xf32, #tpu.memory_space<vmem>>)
    %dma_wait3A_1896 = arith.constant 1 : i32
    %dma_wait3A_1897 = arith.constant 1 : i32
    %dma_wait3A_1898 = arith.constant 0 : i32
    %dma_wait3A_1899 = tpu.memref_slice %arg13[%dma_wait3A_1897, %dma_wait3A_1898] : memref<4x128xf32, #tpu.memory_space<vmem>> -> memref<1x128xf32, #tpu.memory_space<vmem>>
    %dma_wait3A_1900 = tpu.memref_squeeze %dma_wait3A_1899 : memref<1x128xf32, #tpu.memory_space<vmem>> -> memref<128xf32, #tpu.memory_space<vmem>>
    %dma_wait3A_1901 = arith.constant 0 : i32
    %dma_wait3A_1902 = tpu.memref_slice %arg9[%dma_wait3A_1896, %dma_wait3A_1901] : memref<4x128xi32, #tpu.memory_space<vmem>> -> memref<1x128xi32, #tpu.memory_space<vmem>>
    %dma_wait3A_1903 = tpu.memref_squeeze %dma_wait3A_1902 : memref<1x128xi32, #tpu.memory_space<vmem>> -> memref<128xi32, #tpu.memory_space<vmem>>
    %dma_wait3A_1904 = arith.constant 0 : i32
    %dma_wait3A_1905 = tpu.memref_slice %arg6[%dma_wait3A_1904] : memref<1000000xf32, #tpu.memory_space<hbm>> -> memref<1000000xf32, #tpu.memory_space<hbm>>
    tpu.wait_indirect_dma semaphore(%arg16 : memref<!tpu.dma_semaphore, #tpu.memory_space<semaphore_mem>>) src(%dma_wait3A_1905 : memref<1000000xf32, #tpu.memory_space<hbm>>) dst(%dma_wait3A_1900 : memref<128xf32, #tpu.memory_space<vmem>>)
    %dma_wait3A_1906 = arith.constant 1 : i32
    %dma_wait3A_1907 = arith.constant 1 : i32
    %dma_wait3A_1908 = arith.constant 0 : i32
    %dma_wait3A_1909 = tpu.memref_slice %arg14[%dma_wait3A_1907, %dma_wait3A_1908] : memref<4x128xf32, #tpu.memory_space<vmem>> -> memref<1x128xf32, #tpu.memory_space<vmem>>
    %dma_wait3A_1910 = tpu.memref_squeeze %dma_wait3A_1909 : memref<1x128xf32, #tpu.memory_space<vmem>> -> memref<128xf32, #tpu.memory_space<vmem>>
    %dma_wait3A_1911 = arith.constant 0 : i32
    %dma_wait3A_1912 = tpu.memref_slice %arg10[%dma_wait3A_1906, %dma_wait3A_1911] : memref<4x128xi32, #tpu.memory_space<vmem>> -> memref<1x128xi32, #tpu.memory_space<vmem>>
    %dma_wait3A_1913 = tpu.memref_squeeze %dma_wait3A_1912 : memref<1x128xi32, #tpu.memory_space<vmem>> -> memref<128xi32, #tpu.memory_space<vmem>>
    %dma_wait3A_1914 = arith.constant 0 : i32
    %dma_wait3A_1915 = tpu.memref_slice %arg7[%dma_wait3A_1914] : memref<100000xf32, #tpu.memory_space<hbm>> -> memref<100000xf32, #tpu.memory_space<hbm>>
    tpu.wait_indirect_dma semaphore(%arg16 : memref<!tpu.dma_semaphore, #tpu.memory_space<semaphore_mem>>) src(%dma_wait3A_1915 : memref<100000xf32, #tpu.memory_space<hbm>>) dst(%dma_wait3A_1910 : memref<128xf32, #tpu.memory_space<vmem>>)
    %dma_wait3A_1916 = arith.constant 2 : i32
    %dma_wait3A_1917 = arith.constant 2 : i32
    %dma_wait3A_1918 = arith.constant 0 : i32
    %dma_wait3A_1919 = tpu.memref_slice %arg13[%dma_wait3A_1917, %dma_wait3A_1918] : memref<4x128xf32, #tpu.memory_space<vmem>> -> memref<1x128xf32, #tpu.memory_space<vmem>>
    %dma_wait3A_1920 = tpu.memref_squeeze %dma_wait3A_1919 : memref<1x128xf32, #tpu.memory_space<vmem>> -> memref<128xf32, #tpu.memory_space<vmem>>
    %dma_wait3A_1921 = arith.constant 0 : i32
    %dma_wait3A_1922 = tpu.memref_slice %arg9[%dma_wait3A_1916, %dma_wait3A_1921] : memref<4x128xi32, #tpu.memory_space<vmem>> -> memref<1x128xi32, #tpu.memory_space<vmem>>
    %dma_wait3A_1923 = tpu.memref_squeeze %dma_wait3A_1922 : memref<1x128xi32, #tpu.memory_space<vmem>> -> memref<128xi32, #tpu.memory_space<vmem>>
    %dma_wait3A_1924 = arith.constant 0 : i32
    %dma_wait3A_1925 = tpu.memref_slice %arg6[%dma_wait3A_1924] : memref<1000000xf32, #tpu.memory_space<hbm>> -> memref<1000000xf32, #tpu.memory_space<hbm>>
    tpu.wait_indirect_dma semaphore(%arg16 : memref<!tpu.dma_semaphore, #tpu.memory_space<semaphore_mem>>) src(%dma_wait3A_1925 : memref<1000000xf32, #tpu.memory_space<hbm>>) dst(%dma_wait3A_1920 : memref<128xf32, #tpu.memory_space<vmem>>)
    %dma_wait3A_1926 = arith.constant 2 : i32
    %dma_wait3A_1927 = arith.constant 2 : i32
    %dma_wait3A_1928 = arith.constant 0 : i32
    %dma_wait3A_1929 = tpu.memref_slice %arg14[%dma_wait3A_1927, %dma_wait3A_1928] : memref<4x128xf32, #tpu.memory_space<vmem>> -> memref<1x128xf32, #tpu.memory_space<vmem>>
    %dma_wait3A_1930 = tpu.memref_squeeze %dma_wait3A_1929 : memref<1x128xf32, #tpu.memory_space<vmem>> -> memref<128xf32, #tpu.memory_space<vmem>>
    %dma_wait3A_1931 = arith.constant 0 : i32
    %dma_wait3A_1932 = tpu.memref_slice %arg10[%dma_wait3A_1926, %dma_wait3A_1931] : memref<4x128xi32, #tpu.memory_space<vmem>> -> memref<1x128xi32, #tpu.memory_space<vmem>>
    %dma_wait3A_1933 = tpu.memref_squeeze %dma_wait3A_1932 : memref<1x128xi32, #tpu.memory_space<vmem>> -> memref<128xi32, #tpu.memory_space<vmem>>
    %dma_wait3A_1934 = arith.constant 0 : i32
    %dma_wait3A_1935 = tpu.memref_slice %arg7[%dma_wait3A_1934] : memref<100000xf32, #tpu.memory_space<hbm>> -> memref<100000xf32, #tpu.memory_space<hbm>>
    tpu.wait_indirect_dma semaphore(%arg16 : memref<!tpu.dma_semaphore, #tpu.memory_space<semaphore_mem>>) src(%dma_wait3A_1935 : memref<100000xf32, #tpu.memory_space<hbm>>) dst(%dma_wait3A_1930 : memref<128xf32, #tpu.memory_space<vmem>>)
    %dma_wait3A_1936 = arith.constant 3 : i32
    %dma_wait3A_1937 = arith.constant 3 : i32
    %dma_wait3A_1938 = arith.constant 0 : i32
    %dma_wait3A_1939 = tpu.memref_slice %arg13[%dma_wait3A_1937, %dma_wait3A_1938] : memref<4x128xf32, #tpu.memory_space<vmem>> -> memref<1x128xf32, #tpu.memory_space<vmem>>
    %dma_wait3A_1940 = tpu.memref_squeeze %dma_wait3A_1939 : memref<1x128xf32, #tpu.memory_space<vmem>> -> memref<128xf32, #tpu.memory_space<vmem>>
    %dma_wait3A_1941 = arith.constant 0 : i32
    %dma_wait3A_1942 = tpu.memref_slice %arg9[%dma_wait3A_1936, %dma_wait3A_1941] : memref<4x128xi32, #tpu.memory_space<vmem>> -> memref<1x128xi32, #tpu.memory_space<vmem>>
    %dma_wait3A_1943 = tpu.memref_squeeze %dma_wait3A_1942 : memref<1x128xi32, #tpu.memory_space<vmem>> -> memref<128xi32, #tpu.memory_space<vmem>>
    %dma_wait3A_1944 = arith.constant 0 : i32
    %dma_wait3A_1945 = tpu.memref_slice %arg6[%dma_wait3A_1944] : memref<1000000xf32, #tpu.memory_space<hbm>> -> memref<1000000xf32, #tpu.memory_space<hbm>>
    tpu.wait_indirect_dma semaphore(%arg16 : memref<!tpu.dma_semaphore, #tpu.memory_space<semaphore_mem>>) src(%dma_wait3A_1945 : memref<1000000xf32, #tpu.memory_space<hbm>>) dst(%dma_wait3A_1940 : memref<128xf32, #tpu.memory_space<vmem>>)
    %dma_wait3A_1946 = arith.constant 3 : i32
    %dma_wait3A_1947 = arith.constant 3 : i32
    %dma_wait3A_1948 = arith.constant 0 : i32
    %dma_wait3A_1949 = tpu.memref_slice %arg14[%dma_wait3A_1947, %dma_wait3A_1948] : memref<4x128xf32, #tpu.memory_space<vmem>> -> memref<1x128xf32, #tpu.memory_space<vmem>>
    %dma_wait3A_1950 = tpu.memref_squeeze %dma_wait3A_1949 : memref<1x128xf32, #tpu.memory_space<vmem>> -> memref<128xf32, #tpu.memory_space<vmem>>
    %dma_wait3A_1951 = arith.constant 0 : i32
    %dma_wait3A_1952 = tpu.memref_slice %arg10[%dma_wait3A_1946, %dma_wait3A_1951] : memref<4x128xi32, #tpu.memory_space<vmem>> -> memref<1x128xi32, #tpu.memory_space<vmem>>
    %dma_wait3A_1953 = tpu.memref_squeeze %dma_wait3A_1952 : memref<1x128xi32, #tpu.memory_space<vmem>> -> memref<128xi32, #tpu.memory_space<vmem>>
    %dma_wait3A_1954 = arith.constant 0 : i32
    %dma_wait3A_1955 = tpu.memref_slice %arg7[%dma_wait3A_1954] : memref<100000xf32, #tpu.memory_space<hbm>> -> memref<100000xf32, #tpu.memory_space<hbm>>
    tpu.wait_indirect_dma semaphore(%arg16 : memref<!tpu.dma_semaphore, #tpu.memory_space<semaphore_mem>>) src(%dma_wait3A_1955 : memref<100000xf32, #tpu.memory_space<hbm>>) dst(%dma_wait3A_1950 : memref<128xf32, #tpu.memory_space<vmem>>)
    %scan3A_1956 = arith.constant 0 : i32
    %scan3A_1957 = arith.constant 0 : i32
    %scan3A_1958 = arith.constant 32 : i32
    %scan3A_1959 = arith.addi %scan3A_1957, %scan3A_1958 : i32
    %scan3A_1960 = arith.constant 1 : i32
    scf.for %scan3A_1962 = %scan3A_1957 to %scan3A_1959 step %scan3A_1960  : i32 {
      %iota3A = tpu.iota {dimensions = array<i32: 0>} : vector<16xi32>
      %eq3A = arith.constant 0 : i32
      %eq3A_1963 = vector.broadcast %eq3A : i32 to vector<16xi32>
      %eq3A_1964 = arith.cmpi eq, %iota3A, %eq3A_1963 : vector<16xi32>
      %convert_element_type3A = arith.extui %eq3A_1964 : vector<16xi1> to vector<16xi32>
      %convert_element_type3A_1965 = arith.sitofp %convert_element_type3A : vector<16xi32> to vector<16xf32>
      %eq3A_1966 = arith.constant 1 : i32
      %eq3A_1967 = vector.broadcast %eq3A_1966 : i32 to vector<16xi32>
      %eq3A_1968 = arith.cmpi eq, %iota3A, %eq3A_1967 : vector<16xi32>
      %convert_element_type3A_1969 = arith.extui %eq3A_1968 : vector<16xi1> to vector<16xi32>
      %convert_element_type3A_1970 = arith.sitofp %convert_element_type3A_1969 : vector<16xi32> to vector<16xf32>
      %eq3A_1971 = arith.constant 2 : i32
      %eq3A_1972 = vector.broadcast %eq3A_1971 : i32 to vector<16xi32>
      %eq3A_1973 = arith.cmpi eq, %iota3A, %eq3A_1972 : vector<16xi32>
      %convert_element_type3A_1974 = arith.extui %eq3A_1973 : vector<16xi1> to vector<16xi32>
      %convert_element_type3A_1975 = arith.sitofp %convert_element_type3A_1974 : vector<16xi32> to vector<16xf32>
      %eq3A_1976 = arith.constant 3 : i32
      %eq3A_1977 = vector.broadcast %eq3A_1976 : i32 to vector<16xi32>
      %eq3A_1978 = arith.cmpi eq, %iota3A, %eq3A_1977 : vector<16xi32>
      %convert_element_type3A_1979 = arith.extui %eq3A_1978 : vector<16xi1> to vector<16xi32>
      %convert_element_type3A_1980 = arith.sitofp %convert_element_type3A_1979 : vector<16xi32> to vector<16xf32>
      %eq3A_1981 = arith.constant 4 : i32
      %eq3A_1982 = vector.broadcast %eq3A_1981 : i32 to vector<16xi32>
      %eq3A_1983 = arith.cmpi eq, %iota3A, %eq3A_1982 : vector<16xi32>
      %convert_element_type3A_1984 = arith.extui %eq3A_1983 : vector<16xi1> to vector<16xi32>
      %convert_element_type3A_1985 = arith.sitofp %convert_element_type3A_1984 : vector<16xi32> to vector<16xf32>
      %eq3A_1986 = arith.constant 5 : i32
      %eq3A_1987 = vector.broadcast %eq3A_1986 : i32 to vector<16xi32>
      %eq3A_1988 = arith.cmpi eq, %iota3A, %eq3A_1987 : vector<16xi32>
      %convert_element_type3A_1989 = arith.extui %eq3A_1988 : vector<16xi1> to vector<16xi32>
      %convert_element_type3A_1990 = arith.sitofp %convert_element_type3A_1989 : vector<16xi32> to vector<16xf32>
      %eq3A_1991 = arith.constant 6 : i32
      %eq3A_1992 = vector.broadcast %eq3A_1991 : i32 to vector<16xi32>
      %eq3A_1993 = arith.cmpi eq, %iota3A, %eq3A_1992 : vector<16xi32>
      %convert_element_type3A_1994 = arith.extui %eq3A_1993 : vector<16xi1> to vector<16xi32>
      %convert_element_type3A_1995 = arith.sitofp %convert_element_type3A_1994 : vector<16xi32> to vector<16xf32>
      %eq3A_1996 = arith.constant 7 : i32
      %eq3A_1997 = vector.broadcast %eq3A_1996 : i32 to vector<16xi32>
      %eq3A_1998 = arith.cmpi eq, %iota3A, %eq3A_1997 : vector<16xi32>
      %convert_element_type3A_1999 = arith.extui %eq3A_1998 : vector<16xi1> to vector<16xi32>
      %convert_element_type3A_2000 = arith.sitofp %convert_element_type3A_1999 : vector<16xi32> to vector<16xf32>
      %eq3A_2001 = arith.constant 8 : i32
      %eq3A_2002 = vector.broadcast %eq3A_2001 : i32 to vector<16xi32>
      %eq3A_2003 = arith.cmpi eq, %iota3A, %eq3A_2002 : vector<16xi32>
      %convert_element_type3A_2004 = arith.extui %eq3A_2003 : vector<16xi1> to vector<16xi32>
      %convert_element_type3A_2005 = arith.sitofp %convert_element_type3A_2004 : vector<16xi32> to vector<16xf32>
      %eq3A_2006 = arith.constant 9 : i32
      %eq3A_2007 = vector.broadcast %eq3A_2006 : i32 to vector<16xi32>
      %eq3A_2008 = arith.cmpi eq, %iota3A, %eq3A_2007 : vector<16xi32>
      %convert_element_type3A_2009 = arith.extui %eq3A_2008 : vector<16xi1> to vector<16xi32>
      %convert_element_type3A_2010 = arith.sitofp %convert_element_type3A_2009 : vector<16xi32> to vector<16xf32>
      %eq3A_2011 = arith.constant 10 : i32
      %eq3A_2012 = vector.broadcast %eq3A_2011 : i32 to vector<16xi32>
      %eq3A_2013 = arith.cmpi eq, %iota3A, %eq3A_2012 : vector<16xi32>
      %convert_element_type3A_2014 = arith.extui %eq3A_2013 : vector<16xi1> to vector<16xi32>
      %convert_element_type3A_2015 = arith.sitofp %convert_element_type3A_2014 : vector<16xi32> to vector<16xf32>
      %eq3A_2016 = arith.constant 11 : i32
      %eq3A_2017 = vector.broadcast %eq3A_2016 : i32 to vector<16xi32>
      %eq3A_2018 = arith.cmpi eq, %iota3A, %eq3A_2017 : vector<16xi32>
      %convert_element_type3A_2019 = arith.extui %eq3A_2018 : vector<16xi1> to vector<16xi32>
      %convert_element_type3A_2020 = arith.sitofp %convert_element_type3A_2019 : vector<16xi32> to vector<16xf32>
      %eq3A_2021 = arith.constant 12 : i32
      %eq3A_2022 = vector.broadcast %eq3A_2021 : i32 to vector<16xi32>
      %eq3A_2023 = arith.cmpi eq, %iota3A, %eq3A_2022 : vector<16xi32>
      %convert_element_type3A_2024 = arith.extui %eq3A_2023 : vector<16xi1> to vector<16xi32>
      %convert_element_type3A_2025 = arith.sitofp %convert_element_type3A_2024 : vector<16xi32> to vector<16xf32>
      %eq3A_2026 = arith.constant 13 : i32
      %eq3A_2027 = vector.broadcast %eq3A_2026 : i32 to vector<16xi32>
      %eq3A_2028 = arith.cmpi eq, %iota3A, %eq3A_2027 : vector<16xi32>
      %convert_element_type3A_2029 = arith.extui %eq3A_2028 : vector<16xi1> to vector<16xi32>
      %convert_element_type3A_2030 = arith.sitofp %convert_element_type3A_2029 : vector<16xi32> to vector<16xf32>
      %eq3A_2031 = arith.constant 14 : i32
      %eq3A_2032 = vector.broadcast %eq3A_2031 : i32 to vector<16xi32>
      %eq3A_2033 = arith.cmpi eq, %iota3A, %eq3A_2032 : vector<16xi32>
      %convert_element_type3A_2034 = arith.extui %eq3A_2033 : vector<16xi1> to vector<16xi32>
      %convert_element_type3A_2035 = arith.sitofp %convert_element_type3A_2034 : vector<16xi32> to vector<16xf32>
      %eq3A_2036 = arith.constant 15 : i32
      %eq3A_2037 = vector.broadcast %eq3A_2036 : i32 to vector<16xi32>
      %eq3A_2038 = arith.cmpi eq, %iota3A, %eq3A_2037 : vector<16xi32>
      %convert_element_type3A_2039 = arith.extui %eq3A_2038 : vector<16xi1> to vector<16xi32>
      %convert_element_type3A_2040 = arith.sitofp %convert_element_type3A_2039 : vector<16xi32> to vector<16xf32>
      %jit3A = arith.constant 8 : i32
      %div3A = arith.divsi %scan3A_1962, %jit3A : i32
      %sign3A = arith.constant 0 : i32
      %sign3A_2041 = arith.cmpi sgt, %scan3A_1962, %sign3A : i32
      %sign3A_2042 = arith.extui %sign3A_2041 : i1 to i32
      %sign3A_2043 = arith.constant 0 : i32
      %sign3A_2044 = arith.cmpi slt, %scan3A_1962, %sign3A_2043 : i32
      %sign3A_2045 = arith.extui %sign3A_2044 : i1 to i32
      %sign3A_2046 = arith.subi %sign3A_2042, %sign3A_2045 : i32
      %sign3A_2047 = arith.constant 0 : i32
      %sign3A_2048 = arith.cmpi sgt, %jit3A, %sign3A_2047 : i32
      %sign3A_2049 = arith.extui %sign3A_2048 : i1 to i32
      %sign3A_2050 = arith.constant 0 : i32
      %sign3A_2051 = arith.cmpi slt, %jit3A, %sign3A_2050 : i32
      %sign3A_2052 = arith.extui %sign3A_2051 : i1 to i32
      %sign3A_2053 = arith.subi %sign3A_2049, %sign3A_2052 : i32
      %ne3A = arith.cmpi ne, %sign3A_2046, %sign3A_2053 : i32
      %rem3A = arith.remsi %scan3A_1962, %jit3A : i32
      %ne3A_2054 = arith.constant 0 : i32
      %ne3A_2055 = arith.cmpi ne, %rem3A, %ne3A_2054 : i32
      %and3A = arith.andi %ne3A, %ne3A_2055 : i1
      %sub3A = arith.constant 1 : i32
      %sub3A_2056 = arith.subi %div3A, %sub3A : i32
      %select_n3A = arith.select %and3A, %sub3A_2056, %div3A : i32
      %jit3A_2057 = arith.constant 8 : i32
      %eq3A_2058 = arith.constant 0 : i32
      %eq3A_2059 = arith.cmpi eq, %jit3A_2057, %eq3A_2058 : i32
      %jit3A_2060 = arith.constant 1 : i32
      %select_n3A_2061 = arith.select %eq3A_2059, %jit3A_2060, %jit3A_2057 : i32
      %rem3A_2062 = arith.remsi %scan3A_1962, %select_n3A_2061 : i32
      %ne3A_2063 = arith.constant 0 : i32
      %ne3A_2064 = arith.cmpi ne, %rem3A_2062, %ne3A_2063 : i32
      %lt3A = arith.constant 0 : i32
      %lt3A_2065 = arith.cmpi slt, %rem3A_2062, %lt3A : i32
      %lt3A_2066 = arith.constant 0 : i32
      %lt3A_2067 = arith.cmpi slt, %select_n3A_2061, %lt3A_2066 : i32
      %ne3A_2068 = arith.xori %lt3A_2065, %lt3A_2067 : i1
      %and3A_2069 = arith.andi %ne3A_2068, %ne3A_2064 : i1
      %add3A_2070 = arith.addi %rem3A_2062, %select_n3A_2061 : i32
      %select_n3A_2071 = arith.select %and3A_2069, %add3A_2070, %rem3A_2062 : i32
      %mul3A_2072 = arith.constant 16 : i32
      %mul3A_2073 = arith.muli %select_n3A_2071, %mul3A_2072 : i32
      %get3A = arith.index_cast %select_n3A : i32 to index
      %get3A_2074 = arith.index_cast %mul3A_2073 : i32 to index
      %get3A_2075 = tpu.vector_load %arg13[%get3A, %get3A_2074] {strides = array<i32>} : memref<4x128xf32, #tpu.memory_space<vmem>>, vector<16xf32>,
      %get3A_2076 = arith.index_cast %select_n3A : i32 to index
      %get3A_2077 = arith.index_cast %mul3A_2073 : i32 to index
      %get3A_2078 = tpu.vector_load %arg14[%get3A_2076, %get3A_2077] {strides = array<i32>} : memref<4x128xf32, #tpu.memory_space<vmem>>, vector<16xf32>,
      %add3A_2079 = arith.addf %get3A_2075, %get3A_2078 : vector<16xf32>
      %mul3A_2080 = arith.constant 8 : i32
      %mul3A_2081 = arith.muli %scan3A_1962, %mul3A_2080 : i32
      %add3A_2082 = arith.constant 0 : i32
      %add3A_2083 = arith.addi %mul3A_2081, %add3A_2082 : i32
      %get3A_2084 = arith.index_cast %add3A_2083 : i32 to index
      %get3A_2085 = arith.constant 0 : index
      %get3A_2086 = tpu.vector_load %arg11[%get3A_2084, %get3A_2085] {strides = array<i32>} : memref<256x128xf32, #tpu.memory_space<vmem>>, vector<16xf32>,
      %get3A_2087 = arith.index_cast %add3A_2083 : i32 to index
      %get3A_2088 = arith.constant 0 : index
      %get3A_2089 = tpu.vector_load %arg12[%get3A_2087, %get3A_2088] {strides = array<i32>} : memref<256x128xf32, #tpu.memory_space<vmem>>, vector<16xf32>,
      %mul3A_2090 = arith.mulf %get3A_2086, %get3A_2089 : vector<16xf32>
      %get3A_2091 = arith.index_cast %add3A_2083 : i32 to index
      %get3A_2092 = arith.constant 16 : index
      %get3A_2093 = tpu.vector_load %arg11[%get3A_2091, %get3A_2092] {strides = array<i32>} : memref<256x128xf32, #tpu.memory_space<vmem>>, vector<16xf32>,
      %get3A_2094 = arith.index_cast %add3A_2083 : i32 to index
      %get3A_2095 = arith.constant 16 : index
      %get3A_2096 = tpu.vector_load %arg12[%get3A_2094, %get3A_2095] {strides = array<i32>} : memref<256x128xf32, #tpu.memory_space<vmem>>, vector<16xf32>,
      %mul3A_2097 = arith.mulf %get3A_2093, %get3A_2096 : vector<16xf32>
      %add3A_2098 = arith.addf %mul3A_2090, %mul3A_2097 : vector<16xf32>
      %get3A_2099 = arith.index_cast %add3A_2083 : i32 to index
      %get3A_2100 = arith.constant 32 : index
      %get3A_2101 = tpu.vector_load %arg11[%get3A_2099, %get3A_2100] {strides = array<i32>} : memref<256x128xf32, #tpu.memory_space<vmem>>, vector<16xf32>,
      %get3A_2102 = arith.index_cast %add3A_2083 : i32 to index
      %get3A_2103 = arith.constant 32 : index
      %get3A_2104 = tpu.vector_load %arg12[%get3A_2102, %get3A_2103] {strides = array<i32>} : memref<256x128xf32, #tpu.memory_space<vmem>>, vector<16xf32>,
      %mul3A_2105 = arith.mulf %get3A_2101, %get3A_2104 : vector<16xf32>
      %add3A_2106 = arith.addf %add3A_2098, %mul3A_2105 : vector<16xf32>
      %get3A_2107 = arith.index_cast %add3A_2083 : i32 to index
      %get3A_2108 = arith.constant 48 : index
      %get3A_2109 = tpu.vector_load %arg11[%get3A_2107, %get3A_2108] {strides = array<i32>} : memref<256x128xf32, #tpu.memory_space<vmem>>, vector<16xf32>,
      %get3A_2110 = arith.index_cast %add3A_2083 : i32 to index
      %get3A_2111 = arith.constant 48 : index
      %get3A_2112 = tpu.vector_load %arg12[%get3A_2110, %get3A_2111] {strides = array<i32>} : memref<256x128xf32, #tpu.memory_space<vmem>>, vector<16xf32>,
      %mul3A_2113 = arith.mulf %get3A_2109, %get3A_2112 : vector<16xf32>
      %add3A_2114 = arith.addf %add3A_2106, %mul3A_2113 : vector<16xf32>
      %reduce_sum3A = arith.constant true
      %reduce_sum3A_2115 = vector.broadcast %reduce_sum3A : i1 to vector<16xi1>
      %reduce_sum3A_2116 = tpu.scan <sum>, %add3A_2114 masked %reduce_sum3A_2115 : vector<16xf32>, vector<16xi1> -> vector<16xf32>
      %reduce_sum3A_2117 = vector.extract %reduce_sum3A_2116[15] : f32 from vector<16xf32>
      %mul3A_2118 = vector.broadcast %reduce_sum3A_2117 : f32 to vector<16xf32>
      %mul3A_2119 = arith.mulf %mul3A_2118, %convert_element_type3A_1965 : vector<16xf32>
      %add3A_2120 = arith.addf %add3A_2079, %mul3A_2119 : vector<16xf32>
      %mul3A_2121 = arith.constant 8 : i32
      %mul3A_2122 = arith.muli %scan3A_1962, %mul3A_2121 : i32
      %add3A_2123 = arith.constant 0 : i32
      %add3A_2124 = arith.addi %mul3A_2122, %add3A_2123 : i32
      %get3A_2125 = arith.index_cast %add3A_2124 : i32 to index
      %get3A_2126 = arith.constant 64 : index
      %get3A_2127 = tpu.vector_load %arg11[%get3A_2125, %get3A_2126] {strides = array<i32>} : memref<256x128xf32, #tpu.memory_space<vmem>>, vector<16xf32>,
      %get3A_2128 = arith.index_cast %add3A_2124 : i32 to index
      %get3A_2129 = arith.constant 64 : index
      %get3A_2130 = tpu.vector_load %arg12[%get3A_2128, %get3A_2129] {strides = array<i32>} : memref<256x128xf32, #tpu.memory_space<vmem>>, vector<16xf32>,
      %mul3A_2131 = arith.mulf %get3A_2127, %get3A_2130 : vector<16xf32>
      %get3A_2132 = arith.index_cast %add3A_2124 : i32 to index
      %get3A_2133 = arith.constant 80 : index
      %get3A_2134 = tpu.vector_load %arg11[%get3A_2132, %get3A_2133] {strides = array<i32>} : memref<256x128xf32, #tpu.memory_space<vmem>>, vector<16xf32>,
      %get3A_2135 = arith.index_cast %add3A_2124 : i32 to index
      %get3A_2136 = arith.constant 80 : index
      %get3A_2137 = tpu.vector_load %arg12[%get3A_2135, %get3A_2136] {strides = array<i32>} : memref<256x128xf32, #tpu.memory_space<vmem>>, vector<16xf32>,
      %mul3A_2138 = arith.mulf %get3A_2134, %get3A_2137 : vector<16xf32>
      %add3A_2139 = arith.addf %mul3A_2131, %mul3A_2138 : vector<16xf32>
      %get3A_2140 = arith.index_cast %add3A_2124 : i32 to index
      %get3A_2141 = arith.constant 96 : index
      %get3A_2142 = tpu.vector_load %arg11[%get3A_2140, %get3A_2141] {strides = array<i32>} : memref<256x128xf32, #tpu.memory_space<vmem>>, vector<16xf32>,
      %get3A_2143 = arith.index_cast %add3A_2124 : i32 to index
      %get3A_2144 = arith.constant 96 : index
      %get3A_2145 = tpu.vector_load %arg12[%get3A_2143, %get3A_2144] {strides = array<i32>} : memref<256x128xf32, #tpu.memory_space<vmem>>, vector<16xf32>,
      %mul3A_2146 = arith.mulf %get3A_2142, %get3A_2145 : vector<16xf32>
      %add3A_2147 = arith.addf %add3A_2139, %mul3A_2146 : vector<16xf32>
      %get3A_2148 = arith.index_cast %add3A_2124 : i32 to index
      %get3A_2149 = arith.constant 112 : index
      %get3A_2150 = tpu.vector_load %arg11[%get3A_2148, %get3A_2149] {strides = array<i32>} : memref<256x128xf32, #tpu.memory_space<vmem>>, vector<16xf32>,
      %get3A_2151 = arith.index_cast %add3A_2124 : i32 to index
      %get3A_2152 = arith.constant 112 : index
      %get3A_2153 = tpu.vector_load %arg12[%get3A_2151, %get3A_2152] {strides = array<i32>} : memref<256x128xf32, #tpu.memory_space<vmem>>, vector<16xf32>,
      %mul3A_2154 = arith.mulf %get3A_2150, %get3A_2153 : vector<16xf32>
      %add3A_2155 = arith.addf %add3A_2147, %mul3A_2154 : vector<16xf32>
      %reduce_sum3A_2156 = arith.constant true
      %reduce_sum3A_2157 = vector.broadcast %reduce_sum3A_2156 : i1 to vector<16xi1>
      %reduce_sum3A_2158 = tpu.scan <sum>, %add3A_2155 masked %reduce_sum3A_2157 : vector<16xf32>, vector<16xi1> -> vector<16xf32>
      %reduce_sum3A_2159 = vector.extract %reduce_sum3A_2158[15] : f32 from vector<16xf32>
      %mul3A_2160 = vector.broadcast %reduce_sum3A_2159 : f32 to vector<16xf32>
      %mul3A_2161 = arith.mulf %mul3A_2160, %convert_element_type3A_1970 : vector<16xf32>
      %add3A_2162 = arith.addf %add3A_2120, %mul3A_2161 : vector<16xf32>
      %mul3A_2163 = arith.constant 8 : i32
      %mul3A_2164 = arith.muli %scan3A_1962, %mul3A_2163 : i32
      %add3A_2165 = arith.constant 1 : i32
      %add3A_2166 = arith.addi %mul3A_2164, %add3A_2165 : i32
      %get3A_2167 = arith.index_cast %add3A_2166 : i32 to index
      %get3A_2168 = arith.constant 0 : index
      %get3A_2169 = tpu.vector_load %arg11[%get3A_2167, %get3A_2168] {strides = array<i32>} : memref<256x128xf32, #tpu.memory_space<vmem>>, vector<16xf32>,
      %get3A_2170 = arith.index_cast %add3A_2166 : i32 to index
      %get3A_2171 = arith.constant 0 : index
      %get3A_2172 = tpu.vector_load %arg12[%get3A_2170, %get3A_2171] {strides = array<i32>} : memref<256x128xf32, #tpu.memory_space<vmem>>, vector<16xf32>,
      %mul3A_2173 = arith.mulf %get3A_2169, %get3A_2172 : vector<16xf32>
      %get3A_2174 = arith.index_cast %add3A_2166 : i32 to index
      %get3A_2175 = arith.constant 16 : index
      %get3A_2176 = tpu.vector_load %arg11[%get3A_2174, %get3A_2175] {strides = array<i32>} : memref<256x128xf32, #tpu.memory_space<vmem>>, vector<16xf32>,
      %get3A_2177 = arith.index_cast %add3A_2166 : i32 to index
      %get3A_2178 = arith.constant 16 : index
      %get3A_2179 = tpu.vector_load %arg12[%get3A_2177, %get3A_2178] {strides = array<i32>} : memref<256x128xf32, #tpu.memory_space<vmem>>, vector<16xf32>,
      %mul3A_2180 = arith.mulf %get3A_2176, %get3A_2179 : vector<16xf32>
      %add3A_2181 = arith.addf %mul3A_2173, %mul3A_2180 : vector<16xf32>
      %get3A_2182 = arith.index_cast %add3A_2166 : i32 to index
      %get3A_2183 = arith.constant 32 : index
      %get3A_2184 = tpu.vector_load %arg11[%get3A_2182, %get3A_2183] {strides = array<i32>} : memref<256x128xf32, #tpu.memory_space<vmem>>, vector<16xf32>,
      %get3A_2185 = arith.index_cast %add3A_2166 : i32 to index
      %get3A_2186 = arith.constant 32 : index
      %get3A_2187 = tpu.vector_load %arg12[%get3A_2185, %get3A_2186] {strides = array<i32>} : memref<256x128xf32, #tpu.memory_space<vmem>>, vector<16xf32>,
      %mul3A_2188 = arith.mulf %get3A_2184, %get3A_2187 : vector<16xf32>
      %add3A_2189 = arith.addf %add3A_2181, %mul3A_2188 : vector<16xf32>
      %get3A_2190 = arith.index_cast %add3A_2166 : i32 to index
      %get3A_2191 = arith.constant 48 : index
      %get3A_2192 = tpu.vector_load %arg11[%get3A_2190, %get3A_2191] {strides = array<i32>} : memref<256x128xf32, #tpu.memory_space<vmem>>, vector<16xf32>,
      %get3A_2193 = arith.index_cast %add3A_2166 : i32 to index
      %get3A_2194 = arith.constant 48 : index
      %get3A_2195 = tpu.vector_load %arg12[%get3A_2193, %get3A_2194] {strides = array<i32>} : memref<256x128xf32, #tpu.memory_space<vmem>>, vector<16xf32>,
      %mul3A_2196 = arith.mulf %get3A_2192, %get3A_2195 : vector<16xf32>
      %add3A_2197 = arith.addf %add3A_2189, %mul3A_2196 : vector<16xf32>
      %reduce_sum3A_2198 = arith.constant true
      %reduce_sum3A_2199 = vector.broadcast %reduce_sum3A_2198 : i1 to vector<16xi1>
      %reduce_sum3A_2200 = tpu.scan <sum>, %add3A_2197 masked %reduce_sum3A_2199 : vector<16xf32>, vector<16xi1> -> vector<16xf32>
      %reduce_sum3A_2201 = vector.extract %reduce_sum3A_2200[15] : f32 from vector<16xf32>
      %mul3A_2202 = vector.broadcast %reduce_sum3A_2201 : f32 to vector<16xf32>
      %mul3A_2203 = arith.mulf %mul3A_2202, %convert_element_type3A_1975 : vector<16xf32>
      %add3A_2204 = arith.addf %add3A_2162, %mul3A_2203 : vector<16xf32>
      %mul3A_2205 = arith.constant 8 : i32
      %mul3A_2206 = arith.muli %scan3A_1962, %mul3A_2205 : i32
      %add3A_2207 = arith.constant 1 : i32
      %add3A_2208 = arith.addi %mul3A_2206, %add3A_2207 : i32
      %get3A_2209 = arith.index_cast %add3A_2208 : i32 to index
      %get3A_2210 = arith.constant 64 : index
      %get3A_2211 = tpu.vector_load %arg11[%get3A_2209, %get3A_2210] {strides = array<i32>} : memref<256x128xf32, #tpu.memory_space<vmem>>, vector<16xf32>,
      %get3A_2212 = arith.index_cast %add3A_2208 : i32 to index
      %get3A_2213 = arith.constant 64 : index
      %get3A_2214 = tpu.vector_load %arg12[%get3A_2212, %get3A_2213] {strides = array<i32>} : memref<256x128xf32, #tpu.memory_space<vmem>>, vector<16xf32>,
      %mul3A_2215 = arith.mulf %get3A_2211, %get3A_2214 : vector<16xf32>
      %get3A_2216 = arith.index_cast %add3A_2208 : i32 to index
      %get3A_2217 = arith.constant 80 : index
      %get3A_2218 = tpu.vector_load %arg11[%get3A_2216, %get3A_2217] {strides = array<i32>} : memref<256x128xf32, #tpu.memory_space<vmem>>, vector<16xf32>,
      %get3A_2219 = arith.index_cast %add3A_2208 : i32 to index
      %get3A_2220 = arith.constant 80 : index
      %get3A_2221 = tpu.vector_load %arg12[%get3A_2219, %get3A_2220] {strides = array<i32>} : memref<256x128xf32, #tpu.memory_space<vmem>>, vector<16xf32>,
      %mul3A_2222 = arith.mulf %get3A_2218, %get3A_2221 : vector<16xf32>
      %add3A_2223 = arith.addf %mul3A_2215, %mul3A_2222 : vector<16xf32>
      %get3A_2224 = arith.index_cast %add3A_2208 : i32 to index
      %get3A_2225 = arith.constant 96 : index
      %get3A_2226 = tpu.vector_load %arg11[%get3A_2224, %get3A_2225] {strides = array<i32>} : memref<256x128xf32, #tpu.memory_space<vmem>>, vector<16xf32>,
      %get3A_2227 = arith.index_cast %add3A_2208 : i32 to index
      %get3A_2228 = arith.constant 96 : index
      %get3A_2229 = tpu.vector_load %arg12[%get3A_2227, %get3A_2228] {strides = array<i32>} : memref<256x128xf32, #tpu.memory_space<vmem>>, vector<16xf32>,
      %mul3A_2230 = arith.mulf %get3A_2226, %get3A_2229 : vector<16xf32>
      %add3A_2231 = arith.addf %add3A_2223, %mul3A_2230 : vector<16xf32>
      %get3A_2232 = arith.index_cast %add3A_2208 : i32 to index
      %get3A_2233 = arith.constant 112 : index
      %get3A_2234 = tpu.vector_load %arg11[%get3A_2232, %get3A_2233] {strides = array<i32>} : memref<256x128xf32, #tpu.memory_space<vmem>>, vector<16xf32>,
      %get3A_2235 = arith.index_cast %add3A_2208 : i32 to index
      %get3A_2236 = arith.constant 112 : index
      %get3A_2237 = tpu.vector_load %arg12[%get3A_2235, %get3A_2236] {strides = array<i32>} : memref<256x128xf32, #tpu.memory_space<vmem>>, vector<16xf32>,
      %mul3A_2238 = arith.mulf %get3A_2234, %get3A_2237 : vector<16xf32>
      %add3A_2239 = arith.addf %add3A_2231, %mul3A_2238 : vector<16xf32>
      %reduce_sum3A_2240 = arith.constant true
      %reduce_sum3A_2241 = vector.broadcast %reduce_sum3A_2240 : i1 to vector<16xi1>
      %reduce_sum3A_2242 = tpu.scan <sum>, %add3A_2239 masked %reduce_sum3A_2241 : vector<16xf32>, vector<16xi1> -> vector<16xf32>
      %reduce_sum3A_2243 = vector.extract %reduce_sum3A_2242[15] : f32 from vector<16xf32>
      %mul3A_2244 = vector.broadcast %reduce_sum3A_2243 : f32 to vector<16xf32>
      %mul3A_2245 = arith.mulf %mul3A_2244, %convert_element_type3A_1980 : vector<16xf32>
      %add3A_2246 = arith.addf %add3A_2204, %mul3A_2245 : vector<16xf32>
      %mul3A_2247 = arith.constant 8 : i32
      %mul3A_2248 = arith.muli %scan3A_1962, %mul3A_2247 : i32
      %add3A_2249 = arith.constant 2 : i32
      %add3A_2250 = arith.addi %mul3A_2248, %add3A_2249 : i32
      %get3A_2251 = arith.index_cast %add3A_2250 : i32 to index
      %get3A_2252 = arith.constant 0 : index
      %get3A_2253 = tpu.vector_load %arg11[%get3A_2251, %get3A_2252] {strides = array<i32>} : memref<256x128xf32, #tpu.memory_space<vmem>>, vector<16xf32>,
      %get3A_2254 = arith.index_cast %add3A_2250 : i32 to index
      %get3A_2255 = arith.constant 0 : index
      %get3A_2256 = tpu.vector_load %arg12[%get3A_2254, %get3A_2255] {strides = array<i32>} : memref<256x128xf32, #tpu.memory_space<vmem>>, vector<16xf32>,
      %mul3A_2257 = arith.mulf %get3A_2253, %get3A_2256 : vector<16xf32>
      %get3A_2258 = arith.index_cast %add3A_2250 : i32 to index
      %get3A_2259 = arith.constant 16 : index
      %get3A_2260 = tpu.vector_load %arg11[%get3A_2258, %get3A_2259] {strides = array<i32>} : memref<256x128xf32, #tpu.memory_space<vmem>>, vector<16xf32>,
      %get3A_2261 = arith.index_cast %add3A_2250 : i32 to index
      %get3A_2262 = arith.constant 16 : index
      %get3A_2263 = tpu.vector_load %arg12[%get3A_2261, %get3A_2262] {strides = array<i32>} : memref<256x128xf32, #tpu.memory_space<vmem>>, vector<16xf32>,
      %mul3A_2264 = arith.mulf %get3A_2260, %get3A_2263 : vector<16xf32>
      %add3A_2265 = arith.addf %mul3A_2257, %mul3A_2264 : vector<16xf32>
      %get3A_2266 = arith.index_cast %add3A_2250 : i32 to index
      %get3A_2267 = arith.constant 32 : index
      %get3A_2268 = tpu.vector_load %arg11[%get3A_2266, %get3A_2267] {strides = array<i32>} : memref<256x128xf32, #tpu.memory_space<vmem>>, vector<16xf32>,
      %get3A_2269 = arith.index_cast %add3A_2250 : i32 to index
      %get3A_2270 = arith.constant 32 : index
      %get3A_2271 = tpu.vector_load %arg12[%get3A_2269, %get3A_2270] {strides = array<i32>} : memref<256x128xf32, #tpu.memory_space<vmem>>, vector<16xf32>,
      %mul3A_2272 = arith.mulf %get3A_2268, %get3A_2271 : vector<16xf32>
      %add3A_2273 = arith.addf %add3A_2265, %mul3A_2272 : vector<16xf32>
      %get3A_2274 = arith.index_cast %add3A_2250 : i32 to index
      %get3A_2275 = arith.constant 48 : index
      %get3A_2276 = tpu.vector_load %arg11[%get3A_2274, %get3A_2275] {strides = array<i32>} : memref<256x128xf32, #tpu.memory_space<vmem>>, vector<16xf32>,
      %get3A_2277 = arith.index_cast %add3A_2250 : i32 to index
      %get3A_2278 = arith.constant 48 : index
      %get3A_2279 = tpu.vector_load %arg12[%get3A_2277, %get3A_2278] {strides = array<i32>} : memref<256x128xf32, #tpu.memory_space<vmem>>, vector<16xf32>,
      %mul3A_2280 = arith.mulf %get3A_2276, %get3A_2279 : vector<16xf32>
      %add3A_2281 = arith.addf %add3A_2273, %mul3A_2280 : vector<16xf32>
      %reduce_sum3A_2282 = arith.constant true
      %reduce_sum3A_2283 = vector.broadcast %reduce_sum3A_2282 : i1 to vector<16xi1>
      %reduce_sum3A_2284 = tpu.scan <sum>, %add3A_2281 masked %reduce_sum3A_2283 : vector<16xf32>, vector<16xi1> -> vector<16xf32>
      %reduce_sum3A_2285 = vector.extract %reduce_sum3A_2284[15] : f32 from vector<16xf32>
      %mul3A_2286 = vector.broadcast %reduce_sum3A_2285 : f32 to vector<16xf32>
      %mul3A_2287 = arith.mulf %mul3A_2286, %convert_element_type3A_1985 : vector<16xf32>
      %add3A_2288 = arith.addf %add3A_2246, %mul3A_2287 : vector<16xf32>
      %mul3A_2289 = arith.constant 8 : i32
      %mul3A_2290 = arith.muli %scan3A_1962, %mul3A_2289 : i32
      %add3A_2291 = arith.constant 2 : i32
      %add3A_2292 = arith.addi %mul3A_2290, %add3A_2291 : i32
      %get3A_2293 = arith.index_cast %add3A_2292 : i32 to index
      %get3A_2294 = arith.constant 64 : index
      %get3A_2295 = tpu.vector_load %arg11[%get3A_2293, %get3A_2294] {strides = array<i32>} : memref<256x128xf32, #tpu.memory_space<vmem>>, vector<16xf32>,
      %get3A_2296 = arith.index_cast %add3A_2292 : i32 to index
      %get3A_2297 = arith.constant 64 : index
      %get3A_2298 = tpu.vector_load %arg12[%get3A_2296, %get3A_2297] {strides = array<i32>} : memref<256x128xf32, #tpu.memory_space<vmem>>, vector<16xf32>,
      %mul3A_2299 = arith.mulf %get3A_2295, %get3A_2298 : vector<16xf32>
      %get3A_2300 = arith.index_cast %add3A_2292 : i32 to index
      %get3A_2301 = arith.constant 80 : index
      %get3A_2302 = tpu.vector_load %arg11[%get3A_2300, %get3A_2301] {strides = array<i32>} : memref<256x128xf32, #tpu.memory_space<vmem>>, vector<16xf32>,
      %get3A_2303 = arith.index_cast %add3A_2292 : i32 to index
      %get3A_2304 = arith.constant 80 : index
      %get3A_2305 = tpu.vector_load %arg12[%get3A_2303, %get3A_2304] {strides = array<i32>} : memref<256x128xf32, #tpu.memory_space<vmem>>, vector<16xf32>,
      %mul3A_2306 = arith.mulf %get3A_2302, %get3A_2305 : vector<16xf32>
      %add3A_2307 = arith.addf %mul3A_2299, %mul3A_2306 : vector<16xf32>
      %get3A_2308 = arith.index_cast %add3A_2292 : i32 to index
      %get3A_2309 = arith.constant 96 : index
      %get3A_2310 = tpu.vector_load %arg11[%get3A_2308, %get3A_2309] {strides = array<i32>} : memref<256x128xf32, #tpu.memory_space<vmem>>, vector<16xf32>,
      %get3A_2311 = arith.index_cast %add3A_2292 : i32 to index
      %get3A_2312 = arith.constant 96 : index
      %get3A_2313 = tpu.vector_load %arg12[%get3A_2311, %get3A_2312] {strides = array<i32>} : memref<256x128xf32, #tpu.memory_space<vmem>>, vector<16xf32>,
      %mul3A_2314 = arith.mulf %get3A_2310, %get3A_2313 : vector<16xf32>
      %add3A_2315 = arith.addf %add3A_2307, %mul3A_2314 : vector<16xf32>
      %get3A_2316 = arith.index_cast %add3A_2292 : i32 to index
      %get3A_2317 = arith.constant 112 : index
      %get3A_2318 = tpu.vector_load %arg11[%get3A_2316, %get3A_2317] {strides = array<i32>} : memref<256x128xf32, #tpu.memory_space<vmem>>, vector<16xf32>,
      %get3A_2319 = arith.index_cast %add3A_2292 : i32 to index
      %get3A_2320 = arith.constant 112 : index
      %get3A_2321 = tpu.vector_load %arg12[%get3A_2319, %get3A_2320] {strides = array<i32>} : memref<256x128xf32, #tpu.memory_space<vmem>>, vector<16xf32>,
      %mul3A_2322 = arith.mulf %get3A_2318, %get3A_2321 : vector<16xf32>
      %add3A_2323 = arith.addf %add3A_2315, %mul3A_2322 : vector<16xf32>
      %reduce_sum3A_2324 = arith.constant true
      %reduce_sum3A_2325 = vector.broadcast %reduce_sum3A_2324 : i1 to vector<16xi1>
      %reduce_sum3A_2326 = tpu.scan <sum>, %add3A_2323 masked %reduce_sum3A_2325 : vector<16xf32>, vector<16xi1> -> vector<16xf32>
      %reduce_sum3A_2327 = vector.extract %reduce_sum3A_2326[15] : f32 from vector<16xf32>
      %mul3A_2328 = vector.broadcast %reduce_sum3A_2327 : f32 to vector<16xf32>
      %mul3A_2329 = arith.mulf %mul3A_2328, %convert_element_type3A_1990 : vector<16xf32>
      %add3A_2330 = arith.addf %add3A_2288, %mul3A_2329 : vector<16xf32>
      %mul3A_2331 = arith.constant 8 : i32
      %mul3A_2332 = arith.muli %scan3A_1962, %mul3A_2331 : i32
      %add3A_2333 = arith.constant 3 : i32
      %add3A_2334 = arith.addi %mul3A_2332, %add3A_2333 : i32
      %get3A_2335 = arith.index_cast %add3A_2334 : i32 to index
      %get3A_2336 = arith.constant 0 : index
      %get3A_2337 = tpu.vector_load %arg11[%get3A_2335, %get3A_2336] {strides = array<i32>} : memref<256x128xf32, #tpu.memory_space<vmem>>, vector<16xf32>,
      %get3A_2338 = arith.index_cast %add3A_2334 : i32 to index
      %get3A_2339 = arith.constant 0 : index
      %get3A_2340 = tpu.vector_load %arg12[%get3A_2338, %get3A_2339] {strides = array<i32>} : memref<256x128xf32, #tpu.memory_space<vmem>>, vector<16xf32>,
      %mul3A_2341 = arith.mulf %get3A_2337, %get3A_2340 : vector<16xf32>
      %get3A_2342 = arith.index_cast %add3A_2334 : i32 to index
      %get3A_2343 = arith.constant 16 : index
      %get3A_2344 = tpu.vector_load %arg11[%get3A_2342, %get3A_2343] {strides = array<i32>} : memref<256x128xf32, #tpu.memory_space<vmem>>, vector<16xf32>,
      %get3A_2345 = arith.index_cast %add3A_2334 : i32 to index
      %get3A_2346 = arith.constant 16 : index
      %get3A_2347 = tpu.vector_load %arg12[%get3A_2345, %get3A_2346] {strides = array<i32>} : memref<256x128xf32, #tpu.memory_space<vmem>>, vector<16xf32>,
      %mul3A_2348 = arith.mulf %get3A_2344, %get3A_2347 : vector<16xf32>
      %add3A_2349 = arith.addf %mul3A_2341, %mul3A_2348 : vector<16xf32>
      %get3A_2350 = arith.index_cast %add3A_2334 : i32 to index
      %get3A_2351 = arith.constant 32 : index
      %get3A_2352 = tpu.vector_load %arg11[%get3A_2350, %get3A_2351] {strides = array<i32>} : memref<256x128xf32, #tpu.memory_space<vmem>>, vector<16xf32>,
      %get3A_2353 = arith.index_cast %add3A_2334 : i32 to index
      %get3A_2354 = arith.constant 32 : index
      %get3A_2355 = tpu.vector_load %arg12[%get3A_2353, %get3A_2354] {strides = array<i32>} : memref<256x128xf32, #tpu.memory_space<vmem>>, vector<16xf32>,
      %mul3A_2356 = arith.mulf %get3A_2352, %get3A_2355 : vector<16xf32>
      %add3A_2357 = arith.addf %add3A_2349, %mul3A_2356 : vector<16xf32>
      %get3A_2358 = arith.index_cast %add3A_2334 : i32 to index
      %get3A_2359 = arith.constant 48 : index
      %get3A_2360 = tpu.vector_load %arg11[%get3A_2358, %get3A_2359] {strides = array<i32>} : memref<256x128xf32, #tpu.memory_space<vmem>>, vector<16xf32>,
      %get3A_2361 = arith.index_cast %add3A_2334 : i32 to index
      %get3A_2362 = arith.constant 48 : index
      %get3A_2363 = tpu.vector_load %arg12[%get3A_2361, %get3A_2362] {strides = array<i32>} : memref<256x128xf32, #tpu.memory_space<vmem>>, vector<16xf32>,
      %mul3A_2364 = arith.mulf %get3A_2360, %get3A_2363 : vector<16xf32>
      %add3A_2365 = arith.addf %add3A_2357, %mul3A_2364 : vector<16xf32>
      %reduce_sum3A_2366 = arith.constant true
      %reduce_sum3A_2367 = vector.broadcast %reduce_sum3A_2366 : i1 to vector<16xi1>
      %reduce_sum3A_2368 = tpu.scan <sum>, %add3A_2365 masked %reduce_sum3A_2367 : vector<16xf32>, vector<16xi1> -> vector<16xf32>
      %reduce_sum3A_2369 = vector.extract %reduce_sum3A_2368[15] : f32 from vector<16xf32>
      %mul3A_2370 = vector.broadcast %reduce_sum3A_2369 : f32 to vector<16xf32>
      %mul3A_2371 = arith.mulf %mul3A_2370, %convert_element_type3A_1995 : vector<16xf32>
      %add3A_2372 = arith.addf %add3A_2330, %mul3A_2371 : vector<16xf32>
      %mul3A_2373 = arith.constant 8 : i32
      %mul3A_2374 = arith.muli %scan3A_1962, %mul3A_2373 : i32
      %add3A_2375 = arith.constant 3 : i32
      %add3A_2376 = arith.addi %mul3A_2374, %add3A_2375 : i32
      %get3A_2377 = arith.index_cast %add3A_2376 : i32 to index
      %get3A_2378 = arith.constant 64 : index
      %get3A_2379 = tpu.vector_load %arg11[%get3A_2377, %get3A_2378] {strides = array<i32>} : memref<256x128xf32, #tpu.memory_space<vmem>>, vector<16xf32>,
      %get3A_2380 = arith.index_cast %add3A_2376 : i32 to index
      %get3A_2381 = arith.constant 64 : index
      %get3A_2382 = tpu.vector_load %arg12[%get3A_2380, %get3A_2381] {strides = array<i32>} : memref<256x128xf32, #tpu.memory_space<vmem>>, vector<16xf32>,
      %mul3A_2383 = arith.mulf %get3A_2379, %get3A_2382 : vector<16xf32>
      %get3A_2384 = arith.index_cast %add3A_2376 : i32 to index
      %get3A_2385 = arith.constant 80 : index
      %get3A_2386 = tpu.vector_load %arg11[%get3A_2384, %get3A_2385] {strides = array<i32>} : memref<256x128xf32, #tpu.memory_space<vmem>>, vector<16xf32>,
      %get3A_2387 = arith.index_cast %add3A_2376 : i32 to index
      %get3A_2388 = arith.constant 80 : index
      %get3A_2389 = tpu.vector_load %arg12[%get3A_2387, %get3A_2388] {strides = array<i32>} : memref<256x128xf32, #tpu.memory_space<vmem>>, vector<16xf32>,
      %mul3A_2390 = arith.mulf %get3A_2386, %get3A_2389 : vector<16xf32>
      %add3A_2391 = arith.addf %mul3A_2383, %mul3A_2390 : vector<16xf32>
      %get3A_2392 = arith.index_cast %add3A_2376 : i32 to index
      %get3A_2393 = arith.constant 96 : index
      %get3A_2394 = tpu.vector_load %arg11[%get3A_2392, %get3A_2393] {strides = array<i32>} : memref<256x128xf32, #tpu.memory_space<vmem>>, vector<16xf32>,
      %get3A_2395 = arith.index_cast %add3A_2376 : i32 to index
      %get3A_2396 = arith.constant 96 : index
      %get3A_2397 = tpu.vector_load %arg12[%get3A_2395, %get3A_2396] {strides = array<i32>} : memref<256x128xf32, #tpu.memory_space<vmem>>, vector<16xf32>,
      %mul3A_2398 = arith.mulf %get3A_2394, %get3A_2397 : vector<16xf32>
      %add3A_2399 = arith.addf %add3A_2391, %mul3A_2398 : vector<16xf32>
      %get3A_2400 = arith.index_cast %add3A_2376 : i32 to index
      %get3A_2401 = arith.constant 112 : index
      %get3A_2402 = tpu.vector_load %arg11[%get3A_2400, %get3A_2401] {strides = array<i32>} : memref<256x128xf32, #tpu.memory_space<vmem>>, vector<16xf32>,
      %get3A_2403 = arith.index_cast %add3A_2376 : i32 to index
      %get3A_2404 = arith.constant 112 : index
      %get3A_2405 = tpu.vector_load %arg12[%get3A_2403, %get3A_2404] {strides = array<i32>} : memref<256x128xf32, #tpu.memory_space<vmem>>, vector<16xf32>,
      %mul3A_2406 = arith.mulf %get3A_2402, %get3A_2405 : vector<16xf32>
      %add3A_2407 = arith.addf %add3A_2399, %mul3A_2406 : vector<16xf32>
      %reduce_sum3A_2408 = arith.constant true
      %reduce_sum3A_2409 = vector.broadcast %reduce_sum3A_2408 : i1 to vector<16xi1>
      %reduce_sum3A_2410 = tpu.scan <sum>, %add3A_2407 masked %reduce_sum3A_2409 : vector<16xf32>, vector<16xi1> -> vector<16xf32>
      %reduce_sum3A_2411 = vector.extract %reduce_sum3A_2410[15] : f32 from vector<16xf32>
      %mul3A_2412 = vector.broadcast %reduce_sum3A_2411 : f32 to vector<16xf32>
      %mul3A_2413 = arith.mulf %mul3A_2412, %convert_element_type3A_2000 : vector<16xf32>
      %add3A_2414 = arith.addf %add3A_2372, %mul3A_2413 : vector<16xf32>
      %mul3A_2415 = arith.constant 8 : i32
      %mul3A_2416 = arith.muli %scan3A_1962, %mul3A_2415 : i32
      %add3A_2417 = arith.constant 4 : i32
      %add3A_2418 = arith.addi %mul3A_2416, %add3A_2417 : i32
      %get3A_2419 = arith.index_cast %add3A_2418 : i32 to index
      %get3A_2420 = arith.constant 0 : index
      %get3A_2421 = tpu.vector_load %arg11[%get3A_2419, %get3A_2420] {strides = array<i32>} : memref<256x128xf32, #tpu.memory_space<vmem>>, vector<16xf32>,
      %get3A_2422 = arith.index_cast %add3A_2418 : i32 to index
      %get3A_2423 = arith.constant 0 : index
      %get3A_2424 = tpu.vector_load %arg12[%get3A_2422, %get3A_2423] {strides = array<i32>} : memref<256x128xf32, #tpu.memory_space<vmem>>, vector<16xf32>,
      %mul3A_2425 = arith.mulf %get3A_2421, %get3A_2424 : vector<16xf32>
      %get3A_2426 = arith.index_cast %add3A_2418 : i32 to index
      %get3A_2427 = arith.constant 16 : index
      %get3A_2428 = tpu.vector_load %arg11[%get3A_2426, %get3A_2427] {strides = array<i32>} : memref<256x128xf32, #tpu.memory_space<vmem>>, vector<16xf32>,
      %get3A_2429 = arith.index_cast %add3A_2418 : i32 to index
      %get3A_2430 = arith.constant 16 : index
      %get3A_2431 = tpu.vector_load %arg12[%get3A_2429, %get3A_2430] {strides = array<i32>} : memref<256x128xf32, #tpu.memory_space<vmem>>, vector<16xf32>,
      %mul3A_2432 = arith.mulf %get3A_2428, %get3A_2431 : vector<16xf32>
      %add3A_2433 = arith.addf %mul3A_2425, %mul3A_2432 : vector<16xf32>
      %get3A_2434 = arith.index_cast %add3A_2418 : i32 to index
      %get3A_2435 = arith.constant 32 : index
      %get3A_2436 = tpu.vector_load %arg11[%get3A_2434, %get3A_2435] {strides = array<i32>} : memref<256x128xf32, #tpu.memory_space<vmem>>, vector<16xf32>,
      %get3A_2437 = arith.index_cast %add3A_2418 : i32 to index
      %get3A_2438 = arith.constant 32 : index
      %get3A_2439 = tpu.vector_load %arg12[%get3A_2437, %get3A_2438] {strides = array<i32>} : memref<256x128xf32, #tpu.memory_space<vmem>>, vector<16xf32>,
      %mul3A_2440 = arith.mulf %get3A_2436, %get3A_2439 : vector<16xf32>
      %add3A_2441 = arith.addf %add3A_2433, %mul3A_2440 : vector<16xf32>
      %get3A_2442 = arith.index_cast %add3A_2418 : i32 to index
      %get3A_2443 = arith.constant 48 : index
      %get3A_2444 = tpu.vector_load %arg11[%get3A_2442, %get3A_2443] {strides = array<i32>} : memref<256x128xf32, #tpu.memory_space<vmem>>, vector<16xf32>,
      %get3A_2445 = arith.index_cast %add3A_2418 : i32 to index
      %get3A_2446 = arith.constant 48 : index
      %get3A_2447 = tpu.vector_load %arg12[%get3A_2445, %get3A_2446] {strides = array<i32>} : memref<256x128xf32, #tpu.memory_space<vmem>>, vector<16xf32>,
      %mul3A_2448 = arith.mulf %get3A_2444, %get3A_2447 : vector<16xf32>
      %add3A_2449 = arith.addf %add3A_2441, %mul3A_2448 : vector<16xf32>
      %reduce_sum3A_2450 = arith.constant true
      %reduce_sum3A_2451 = vector.broadcast %reduce_sum3A_2450 : i1 to vector<16xi1>
      %reduce_sum3A_2452 = tpu.scan <sum>, %add3A_2449 masked %reduce_sum3A_2451 : vector<16xf32>, vector<16xi1> -> vector<16xf32>
      %reduce_sum3A_2453 = vector.extract %reduce_sum3A_2452[15] : f32 from vector<16xf32>
      %mul3A_2454 = vector.broadcast %reduce_sum3A_2453 : f32 to vector<16xf32>
      %mul3A_2455 = arith.mulf %mul3A_2454, %convert_element_type3A_2005 : vector<16xf32>
      %add3A_2456 = arith.addf %add3A_2414, %mul3A_2455 : vector<16xf32>
      %mul3A_2457 = arith.constant 8 : i32
      %mul3A_2458 = arith.muli %scan3A_1962, %mul3A_2457 : i32
      %add3A_2459 = arith.constant 4 : i32
      %add3A_2460 = arith.addi %mul3A_2458, %add3A_2459 : i32
      %get3A_2461 = arith.index_cast %add3A_2460 : i32 to index
      %get3A_2462 = arith.constant 64 : index
      %get3A_2463 = tpu.vector_load %arg11[%get3A_2461, %get3A_2462] {strides = array<i32>} : memref<256x128xf32, #tpu.memory_space<vmem>>, vector<16xf32>,
      %get3A_2464 = arith.index_cast %add3A_2460 : i32 to index
      %get3A_2465 = arith.constant 64 : index
      %get3A_2466 = tpu.vector_load %arg12[%get3A_2464, %get3A_2465] {strides = array<i32>} : memref<256x128xf32, #tpu.memory_space<vmem>>, vector<16xf32>,
      %mul3A_2467 = arith.mulf %get3A_2463, %get3A_2466 : vector<16xf32>
      %get3A_2468 = arith.index_cast %add3A_2460 : i32 to index
      %get3A_2469 = arith.constant 80 : index
      %get3A_2470 = tpu.vector_load %arg11[%get3A_2468, %get3A_2469] {strides = array<i32>} : memref<256x128xf32, #tpu.memory_space<vmem>>, vector<16xf32>,
      %get3A_2471 = arith.index_cast %add3A_2460 : i32 to index
      %get3A_2472 = arith.constant 80 : index
      %get3A_2473 = tpu.vector_load %arg12[%get3A_2471, %get3A_2472] {strides = array<i32>} : memref<256x128xf32, #tpu.memory_space<vmem>>, vector<16xf32>,
      %mul3A_2474 = arith.mulf %get3A_2470, %get3A_2473 : vector<16xf32>
      %add3A_2475 = arith.addf %mul3A_2467, %mul3A_2474 : vector<16xf32>
      %get3A_2476 = arith.index_cast %add3A_2460 : i32 to index
      %get3A_2477 = arith.constant 96 : index
      %get3A_2478 = tpu.vector_load %arg11[%get3A_2476, %get3A_2477] {strides = array<i32>} : memref<256x128xf32, #tpu.memory_space<vmem>>, vector<16xf32>,
      %get3A_2479 = arith.index_cast %add3A_2460 : i32 to index
      %get3A_2480 = arith.constant 96 : index
      %get3A_2481 = tpu.vector_load %arg12[%get3A_2479, %get3A_2480] {strides = array<i32>} : memref<256x128xf32, #tpu.memory_space<vmem>>, vector<16xf32>,
      %mul3A_2482 = arith.mulf %get3A_2478, %get3A_2481 : vector<16xf32>
      %add3A_2483 = arith.addf %add3A_2475, %mul3A_2482 : vector<16xf32>
      %get3A_2484 = arith.index_cast %add3A_2460 : i32 to index
      %get3A_2485 = arith.constant 112 : index
      %get3A_2486 = tpu.vector_load %arg11[%get3A_2484, %get3A_2485] {strides = array<i32>} : memref<256x128xf32, #tpu.memory_space<vmem>>, vector<16xf32>,
      %get3A_2487 = arith.index_cast %add3A_2460 : i32 to index
      %get3A_2488 = arith.constant 112 : index
      %get3A_2489 = tpu.vector_load %arg12[%get3A_2487, %get3A_2488] {strides = array<i32>} : memref<256x128xf32, #tpu.memory_space<vmem>>, vector<16xf32>,
      %mul3A_2490 = arith.mulf %get3A_2486, %get3A_2489 : vector<16xf32>
      %add3A_2491 = arith.addf %add3A_2483, %mul3A_2490 : vector<16xf32>
      %reduce_sum3A_2492 = arith.constant true
      %reduce_sum3A_2493 = vector.broadcast %reduce_sum3A_2492 : i1 to vector<16xi1>
      %reduce_sum3A_2494 = tpu.scan <sum>, %add3A_2491 masked %reduce_sum3A_2493 : vector<16xf32>, vector<16xi1> -> vector<16xf32>
      %reduce_sum3A_2495 = vector.extract %reduce_sum3A_2494[15] : f32 from vector<16xf32>
      %mul3A_2496 = vector.broadcast %reduce_sum3A_2495 : f32 to vector<16xf32>
      %mul3A_2497 = arith.mulf %mul3A_2496, %convert_element_type3A_2010 : vector<16xf32>
      %add3A_2498 = arith.addf %add3A_2456, %mul3A_2497 : vector<16xf32>
      %mul3A_2499 = arith.constant 8 : i32
      %mul3A_2500 = arith.muli %scan3A_1962, %mul3A_2499 : i32
      %add3A_2501 = arith.constant 5 : i32
      %add3A_2502 = arith.addi %mul3A_2500, %add3A_2501 : i32
      %get3A_2503 = arith.index_cast %add3A_2502 : i32 to index
      %get3A_2504 = arith.constant 0 : index
      %get3A_2505 = tpu.vector_load %arg11[%get3A_2503, %get3A_2504] {strides = array<i32>} : memref<256x128xf32, #tpu.memory_space<vmem>>, vector<16xf32>,
      %get3A_2506 = arith.index_cast %add3A_2502 : i32 to index
      %get3A_2507 = arith.constant 0 : index
      %get3A_2508 = tpu.vector_load %arg12[%get3A_2506, %get3A_2507] {strides = array<i32>} : memref<256x128xf32, #tpu.memory_space<vmem>>, vector<16xf32>,
      %mul3A_2509 = arith.mulf %get3A_2505, %get3A_2508 : vector<16xf32>
      %get3A_2510 = arith.index_cast %add3A_2502 : i32 to index
      %get3A_2511 = arith.constant 16 : index
      %get3A_2512 = tpu.vector_load %arg11[%get3A_2510, %get3A_2511] {strides = array<i32>} : memref<256x128xf32, #tpu.memory_space<vmem>>, vector<16xf32>,
      %get3A_2513 = arith.index_cast %add3A_2502 : i32 to index
      %get3A_2514 = arith.constant 16 : index
      %get3A_2515 = tpu.vector_load %arg12[%get3A_2513, %get3A_2514] {strides = array<i32>} : memref<256x128xf32, #tpu.memory_space<vmem>>, vector<16xf32>,
      %mul3A_2516 = arith.mulf %get3A_2512, %get3A_2515 : vector<16xf32>
      %add3A_2517 = arith.addf %mul3A_2509, %mul3A_2516 : vector<16xf32>
      %get3A_2518 = arith.index_cast %add3A_2502 : i32 to index
      %get3A_2519 = arith.constant 32 : index
      %get3A_2520 = tpu.vector_load %arg11[%get3A_2518, %get3A_2519] {strides = array<i32>} : memref<256x128xf32, #tpu.memory_space<vmem>>, vector<16xf32>,
      %get3A_2521 = arith.index_cast %add3A_2502 : i32 to index
      %get3A_2522 = arith.constant 32 : index
      %get3A_2523 = tpu.vector_load %arg12[%get3A_2521, %get3A_2522] {strides = array<i32>} : memref<256x128xf32, #tpu.memory_space<vmem>>, vector<16xf32>,
      %mul3A_2524 = arith.mulf %get3A_2520, %get3A_2523 : vector<16xf32>
      %add3A_2525 = arith.addf %add3A_2517, %mul3A_2524 : vector<16xf32>
      %get3A_2526 = arith.index_cast %add3A_2502 : i32 to index
      %get3A_2527 = arith.constant 48 : index
      %get3A_2528 = tpu.vector_load %arg11[%get3A_2526, %get3A_2527] {strides = array<i32>} : memref<256x128xf32, #tpu.memory_space<vmem>>, vector<16xf32>,
      %get3A_2529 = arith.index_cast %add3A_2502 : i32 to index
      %get3A_2530 = arith.constant 48 : index
      %get3A_2531 = tpu.vector_load %arg12[%get3A_2529, %get3A_2530] {strides = array<i32>} : memref<256x128xf32, #tpu.memory_space<vmem>>, vector<16xf32>,
      %mul3A_2532 = arith.mulf %get3A_2528, %get3A_2531 : vector<16xf32>
      %add3A_2533 = arith.addf %add3A_2525, %mul3A_2532 : vector<16xf32>
      %reduce_sum3A_2534 = arith.constant true
      %reduce_sum3A_2535 = vector.broadcast %reduce_sum3A_2534 : i1 to vector<16xi1>
      %reduce_sum3A_2536 = tpu.scan <sum>, %add3A_2533 masked %reduce_sum3A_2535 : vector<16xf32>, vector<16xi1> -> vector<16xf32>
      %reduce_sum3A_2537 = vector.extract %reduce_sum3A_2536[15] : f32 from vector<16xf32>
      %mul3A_2538 = vector.broadcast %reduce_sum3A_2537 : f32 to vector<16xf32>
      %mul3A_2539 = arith.mulf %mul3A_2538, %convert_element_type3A_2015 : vector<16xf32>
      %add3A_2540 = arith.addf %add3A_2498, %mul3A_2539 : vector<16xf32>
      %mul3A_2541 = arith.constant 8 : i32
      %mul3A_2542 = arith.muli %scan3A_1962, %mul3A_2541 : i32
      %add3A_2543 = arith.constant 5 : i32
      %add3A_2544 = arith.addi %mul3A_2542, %add3A_2543 : i32
      %get3A_2545 = arith.index_cast %add3A_2544 : i32 to index
      %get3A_2546 = arith.constant 64 : index
      %get3A_2547 = tpu.vector_load %arg11[%get3A_2545, %get3A_2546] {strides = array<i32>} : memref<256x128xf32, #tpu.memory_space<vmem>>, vector<16xf32>,
      %get3A_2548 = arith.index_cast %add3A_2544 : i32 to index
      %get3A_2549 = arith.constant 64 : index
      %get3A_2550 = tpu.vector_load %arg12[%get3A_2548, %get3A_2549] {strides = array<i32>} : memref<256x128xf32, #tpu.memory_space<vmem>>, vector<16xf32>,
      %mul3A_2551 = arith.mulf %get3A_2547, %get3A_2550 : vector<16xf32>
      %get3A_2552 = arith.index_cast %add3A_2544 : i32 to index
      %get3A_2553 = arith.constant 80 : index
      %get3A_2554 = tpu.vector_load %arg11[%get3A_2552, %get3A_2553] {strides = array<i32>} : memref<256x128xf32, #tpu.memory_space<vmem>>, vector<16xf32>,
      %get3A_2555 = arith.index_cast %add3A_2544 : i32 to index
      %get3A_2556 = arith.constant 80 : index
      %get3A_2557 = tpu.vector_load %arg12[%get3A_2555, %get3A_2556] {strides = array<i32>} : memref<256x128xf32, #tpu.memory_space<vmem>>, vector<16xf32>,
      %mul3A_2558 = arith.mulf %get3A_2554, %get3A_2557 : vector<16xf32>
      %add3A_2559 = arith.addf %mul3A_2551, %mul3A_2558 : vector<16xf32>
      %get3A_2560 = arith.index_cast %add3A_2544 : i32 to index
      %get3A_2561 = arith.constant 96 : index
      %get3A_2562 = tpu.vector_load %arg11[%get3A_2560, %get3A_2561] {strides = array<i32>} : memref<256x128xf32, #tpu.memory_space<vmem>>, vector<16xf32>,
      %get3A_2563 = arith.index_cast %add3A_2544 : i32 to index
      %get3A_2564 = arith.constant 96 : index
      %get3A_2565 = tpu.vector_load %arg12[%get3A_2563, %get3A_2564] {strides = array<i32>} : memref<256x128xf32, #tpu.memory_space<vmem>>, vector<16xf32>,
      %mul3A_2566 = arith.mulf %get3A_2562, %get3A_2565 : vector<16xf32>
      %add3A_2567 = arith.addf %add3A_2559, %mul3A_2566 : vector<16xf32>
      %get3A_2568 = arith.index_cast %add3A_2544 : i32 to index
      %get3A_2569 = arith.constant 112 : index
      %get3A_2570 = tpu.vector_load %arg11[%get3A_2568, %get3A_2569] {strides = array<i32>} : memref<256x128xf32, #tpu.memory_space<vmem>>, vector<16xf32>,
      %get3A_2571 = arith.index_cast %add3A_2544 : i32 to index
      %get3A_2572 = arith.constant 112 : index
      %get3A_2573 = tpu.vector_load %arg12[%get3A_2571, %get3A_2572] {strides = array<i32>} : memref<256x128xf32, #tpu.memory_space<vmem>>, vector<16xf32>,
      %mul3A_2574 = arith.mulf %get3A_2570, %get3A_2573 : vector<16xf32>
      %add3A_2575 = arith.addf %add3A_2567, %mul3A_2574 : vector<16xf32>
      %reduce_sum3A_2576 = arith.constant true
      %reduce_sum3A_2577 = vector.broadcast %reduce_sum3A_2576 : i1 to vector<16xi1>
      %reduce_sum3A_2578 = tpu.scan <sum>, %add3A_2575 masked %reduce_sum3A_2577 : vector<16xf32>, vector<16xi1> -> vector<16xf32>
      %reduce_sum3A_2579 = vector.extract %reduce_sum3A_2578[15] : f32 from vector<16xf32>
      %mul3A_2580 = vector.broadcast %reduce_sum3A_2579 : f32 to vector<16xf32>
      %mul3A_2581 = arith.mulf %mul3A_2580, %convert_element_type3A_2020 : vector<16xf32>
      %add3A_2582 = arith.addf %add3A_2540, %mul3A_2581 : vector<16xf32>
      %mul3A_2583 = arith.constant 8 : i32
      %mul3A_2584 = arith.muli %scan3A_1962, %mul3A_2583 : i32
      %add3A_2585 = arith.constant 6 : i32
      %add3A_2586 = arith.addi %mul3A_2584, %add3A_2585 : i32
      %get3A_2587 = arith.index_cast %add3A_2586 : i32 to index
      %get3A_2588 = arith.constant 0 : index
      %get3A_2589 = tpu.vector_load %arg11[%get3A_2587, %get3A_2588] {strides = array<i32>} : memref<256x128xf32, #tpu.memory_space<vmem>>, vector<16xf32>,
      %get3A_2590 = arith.index_cast %add3A_2586 : i32 to index
      %get3A_2591 = arith.constant 0 : index
      %get3A_2592 = tpu.vector_load %arg12[%get3A_2590, %get3A_2591] {strides = array<i32>} : memref<256x128xf32, #tpu.memory_space<vmem>>, vector<16xf32>,
      %mul3A_2593 = arith.mulf %get3A_2589, %get3A_2592 : vector<16xf32>
      %get3A_2594 = arith.index_cast %add3A_2586 : i32 to index
      %get3A_2595 = arith.constant 16 : index
      %get3A_2596 = tpu.vector_load %arg11[%get3A_2594, %get3A_2595] {strides = array<i32>} : memref<256x128xf32, #tpu.memory_space<vmem>>, vector<16xf32>,
      %get3A_2597 = arith.index_cast %add3A_2586 : i32 to index
      %get3A_2598 = arith.constant 16 : index
      %get3A_2599 = tpu.vector_load %arg12[%get3A_2597, %get3A_2598] {strides = array<i32>} : memref<256x128xf32, #tpu.memory_space<vmem>>, vector<16xf32>,
      %mul3A_2600 = arith.mulf %get3A_2596, %get3A_2599 : vector<16xf32>
      %add3A_2601 = arith.addf %mul3A_2593, %mul3A_2600 : vector<16xf32>
      %get3A_2602 = arith.index_cast %add3A_2586 : i32 to index
      %get3A_2603 = arith.constant 32 : index
      %get3A_2604 = tpu.vector_load %arg11[%get3A_2602, %get3A_2603] {strides = array<i32>} : memref<256x128xf32, #tpu.memory_space<vmem>>, vector<16xf32>,
      %get3A_2605 = arith.index_cast %add3A_2586 : i32 to index
      %get3A_2606 = arith.constant 32 : index
      %get3A_2607 = tpu.vector_load %arg12[%get3A_2605, %get3A_2606] {strides = array<i32>} : memref<256x128xf32, #tpu.memory_space<vmem>>, vector<16xf32>,
      %mul3A_2608 = arith.mulf %get3A_2604, %get3A_2607 : vector<16xf32>
      %add3A_2609 = arith.addf %add3A_2601, %mul3A_2608 : vector<16xf32>
      %get3A_2610 = arith.index_cast %add3A_2586 : i32 to index
      %get3A_2611 = arith.constant 48 : index
      %get3A_2612 = tpu.vector_load %arg11[%get3A_2610, %get3A_2611] {strides = array<i32>} : memref<256x128xf32, #tpu.memory_space<vmem>>, vector<16xf32>,
      %get3A_2613 = arith.index_cast %add3A_2586 : i32 to index
      %get3A_2614 = arith.constant 48 : index
      %get3A_2615 = tpu.vector_load %arg12[%get3A_2613, %get3A_2614] {strides = array<i32>} : memref<256x128xf32, #tpu.memory_space<vmem>>, vector<16xf32>,
      %mul3A_2616 = arith.mulf %get3A_2612, %get3A_2615 : vector<16xf32>
      %add3A_2617 = arith.addf %add3A_2609, %mul3A_2616 : vector<16xf32>
      %reduce_sum3A_2618 = arith.constant true
      %reduce_sum3A_2619 = vector.broadcast %reduce_sum3A_2618 : i1 to vector<16xi1>
      %reduce_sum3A_2620 = tpu.scan <sum>, %add3A_2617 masked %reduce_sum3A_2619 : vector<16xf32>, vector<16xi1> -> vector<16xf32>
      %reduce_sum3A_2621 = vector.extract %reduce_sum3A_2620[15] : f32 from vector<16xf32>
      %mul3A_2622 = vector.broadcast %reduce_sum3A_2621 : f32 to vector<16xf32>
      %mul3A_2623 = arith.mulf %mul3A_2622, %convert_element_type3A_2025 : vector<16xf32>
      %add3A_2624 = arith.addf %add3A_2582, %mul3A_2623 : vector<16xf32>
      %mul3A_2625 = arith.constant 8 : i32
      %mul3A_2626 = arith.muli %scan3A_1962, %mul3A_2625 : i32
      %add3A_2627 = arith.constant 6 : i32
      %add3A_2628 = arith.addi %mul3A_2626, %add3A_2627 : i32
      %get3A_2629 = arith.index_cast %add3A_2628 : i32 to index
      %get3A_2630 = arith.constant 64 : index
      %get3A_2631 = tpu.vector_load %arg11[%get3A_2629, %get3A_2630] {strides = array<i32>} : memref<256x128xf32, #tpu.memory_space<vmem>>, vector<16xf32>,
      %get3A_2632 = arith.index_cast %add3A_2628 : i32 to index
      %get3A_2633 = arith.constant 64 : index
      %get3A_2634 = tpu.vector_load %arg12[%get3A_2632, %get3A_2633] {strides = array<i32>} : memref<256x128xf32, #tpu.memory_space<vmem>>, vector<16xf32>,
      %mul3A_2635 = arith.mulf %get3A_2631, %get3A_2634 : vector<16xf32>
      %get3A_2636 = arith.index_cast %add3A_2628 : i32 to index
      %get3A_2637 = arith.constant 80 : index
      %get3A_2638 = tpu.vector_load %arg11[%get3A_2636, %get3A_2637] {strides = array<i32>} : memref<256x128xf32, #tpu.memory_space<vmem>>, vector<16xf32>,
      %get3A_2639 = arith.index_cast %add3A_2628 : i32 to index
      %get3A_2640 = arith.constant 80 : index
      %get3A_2641 = tpu.vector_load %arg12[%get3A_2639, %get3A_2640] {strides = array<i32>} : memref<256x128xf32, #tpu.memory_space<vmem>>, vector<16xf32>,
      %mul3A_2642 = arith.mulf %get3A_2638, %get3A_2641 : vector<16xf32>
      %add3A_2643 = arith.addf %mul3A_2635, %mul3A_2642 : vector<16xf32>
      %get3A_2644 = arith.index_cast %add3A_2628 : i32 to index
      %get3A_2645 = arith.constant 96 : index
      %get3A_2646 = tpu.vector_load %arg11[%get3A_2644, %get3A_2645] {strides = array<i32>} : memref<256x128xf32, #tpu.memory_space<vmem>>, vector<16xf32>,
      %get3A_2647 = arith.index_cast %add3A_2628 : i32 to index
      %get3A_2648 = arith.constant 96 : index
      %get3A_2649 = tpu.vector_load %arg12[%get3A_2647, %get3A_2648] {strides = array<i32>} : memref<256x128xf32, #tpu.memory_space<vmem>>, vector<16xf32>,
      %mul3A_2650 = arith.mulf %get3A_2646, %get3A_2649 : vector<16xf32>
      %add3A_2651 = arith.addf %add3A_2643, %mul3A_2650 : vector<16xf32>
      %get3A_2652 = arith.index_cast %add3A_2628 : i32 to index
      %get3A_2653 = arith.constant 112 : index
      %get3A_2654 = tpu.vector_load %arg11[%get3A_2652, %get3A_2653] {strides = array<i32>} : memref<256x128xf32, #tpu.memory_space<vmem>>, vector<16xf32>,
      %get3A_2655 = arith.index_cast %add3A_2628 : i32 to index
      %get3A_2656 = arith.constant 112 : index
      %get3A_2657 = tpu.vector_load %arg12[%get3A_2655, %get3A_2656] {strides = array<i32>} : memref<256x128xf32, #tpu.memory_space<vmem>>, vector<16xf32>,
      %mul3A_2658 = arith.mulf %get3A_2654, %get3A_2657 : vector<16xf32>
      %add3A_2659 = arith.addf %add3A_2651, %mul3A_2658 : vector<16xf32>
      %reduce_sum3A_2660 = arith.constant true
      %reduce_sum3A_2661 = vector.broadcast %reduce_sum3A_2660 : i1 to vector<16xi1>
      %reduce_sum3A_2662 = tpu.scan <sum>, %add3A_2659 masked %reduce_sum3A_2661 : vector<16xf32>, vector<16xi1> -> vector<16xf32>
      %reduce_sum3A_2663 = vector.extract %reduce_sum3A_2662[15] : f32 from vector<16xf32>
      %mul3A_2664 = vector.broadcast %reduce_sum3A_2663 : f32 to vector<16xf32>
      %mul3A_2665 = arith.mulf %mul3A_2664, %convert_element_type3A_2030 : vector<16xf32>
      %add3A_2666 = arith.addf %add3A_2624, %mul3A_2665 : vector<16xf32>
      %mul3A_2667 = arith.constant 8 : i32
      %mul3A_2668 = arith.muli %scan3A_1962, %mul3A_2667 : i32
      %add3A_2669 = arith.constant 7 : i32
      %add3A_2670 = arith.addi %mul3A_2668, %add3A_2669 : i32
      %get3A_2671 = arith.index_cast %add3A_2670 : i32 to index
      %get3A_2672 = arith.constant 0 : index
      %get3A_2673 = tpu.vector_load %arg11[%get3A_2671, %get3A_2672] {strides = array<i32>} : memref<256x128xf32, #tpu.memory_space<vmem>>, vector<16xf32>,
      %get3A_2674 = arith.index_cast %add3A_2670 : i32 to index
      %get3A_2675 = arith.constant 0 : index
      %get3A_2676 = tpu.vector_load %arg12[%get3A_2674, %get3A_2675] {strides = array<i32>} : memref<256x128xf32, #tpu.memory_space<vmem>>, vector<16xf32>,
      %mul3A_2677 = arith.mulf %get3A_2673, %get3A_2676 : vector<16xf32>
      %get3A_2678 = arith.index_cast %add3A_2670 : i32 to index
      %get3A_2679 = arith.constant 16 : index
      %get3A_2680 = tpu.vector_load %arg11[%get3A_2678, %get3A_2679] {strides = array<i32>} : memref<256x128xf32, #tpu.memory_space<vmem>>, vector<16xf32>,
      %get3A_2681 = arith.index_cast %add3A_2670 : i32 to index
      %get3A_2682 = arith.constant 16 : index
      %get3A_2683 = tpu.vector_load %arg12[%get3A_2681, %get3A_2682] {strides = array<i32>} : memref<256x128xf32, #tpu.memory_space<vmem>>, vector<16xf32>,
      %mul3A_2684 = arith.mulf %get3A_2680, %get3A_2683 : vector<16xf32>
      %add3A_2685 = arith.addf %mul3A_2677, %mul3A_2684 : vector<16xf32>
      %get3A_2686 = arith.index_cast %add3A_2670 : i32 to index
      %get3A_2687 = arith.constant 32 : index
      %get3A_2688 = tpu.vector_load %arg11[%get3A_2686, %get3A_2687] {strides = array<i32>} : memref<256x128xf32, #tpu.memory_space<vmem>>, vector<16xf32>,
      %get3A_2689 = arith.index_cast %add3A_2670 : i32 to index
      %get3A_2690 = arith.constant 32 : index
      %get3A_2691 = tpu.vector_load %arg12[%get3A_2689, %get3A_2690] {strides = array<i32>} : memref<256x128xf32, #tpu.memory_space<vmem>>, vector<16xf32>,
      %mul3A_2692 = arith.mulf %get3A_2688, %get3A_2691 : vector<16xf32>
      %add3A_2693 = arith.addf %add3A_2685, %mul3A_2692 : vector<16xf32>
      %get3A_2694 = arith.index_cast %add3A_2670 : i32 to index
      %get3A_2695 = arith.constant 48 : index
      %get3A_2696 = tpu.vector_load %arg11[%get3A_2694, %get3A_2695] {strides = array<i32>} : memref<256x128xf32, #tpu.memory_space<vmem>>, vector<16xf32>,
      %get3A_2697 = arith.index_cast %add3A_2670 : i32 to index
      %get3A_2698 = arith.constant 48 : index
      %get3A_2699 = tpu.vector_load %arg12[%get3A_2697, %get3A_2698] {strides = array<i32>} : memref<256x128xf32, #tpu.memory_space<vmem>>, vector<16xf32>,
      %mul3A_2700 = arith.mulf %get3A_2696, %get3A_2699 : vector<16xf32>
      %add3A_2701 = arith.addf %add3A_2693, %mul3A_2700 : vector<16xf32>
      %reduce_sum3A_2702 = arith.constant true
      %reduce_sum3A_2703 = vector.broadcast %reduce_sum3A_2702 : i1 to vector<16xi1>
      %reduce_sum3A_2704 = tpu.scan <sum>, %add3A_2701 masked %reduce_sum3A_2703 : vector<16xf32>, vector<16xi1> -> vector<16xf32>
      %reduce_sum3A_2705 = vector.extract %reduce_sum3A_2704[15] : f32 from vector<16xf32>
      %mul3A_2706 = vector.broadcast %reduce_sum3A_2705 : f32 to vector<16xf32>
      %mul3A_2707 = arith.mulf %mul3A_2706, %convert_element_type3A_2035 : vector<16xf32>
      %add3A_2708 = arith.addf %add3A_2666, %mul3A_2707 : vector<16xf32>
      %mul3A_2709 = arith.constant 8 : i32
      %mul3A_2710 = arith.muli %scan3A_1962, %mul3A_2709 : i32
      %add3A_2711 = arith.constant 7 : i32
      %add3A_2712 = arith.addi %mul3A_2710, %add3A_2711 : i32
      %get3A_2713 = arith.index_cast %add3A_2712 : i32 to index
      %get3A_2714 = arith.constant 64 : index
      %get3A_2715 = tpu.vector_load %arg11[%get3A_2713, %get3A_2714] {strides = array<i32>} : memref<256x128xf32, #tpu.memory_space<vmem>>, vector<16xf32>,
      %get3A_2716 = arith.index_cast %add3A_2712 : i32 to index
      %get3A_2717 = arith.constant 64 : index
      %get3A_2718 = tpu.vector_load %arg12[%get3A_2716, %get3A_2717] {strides = array<i32>} : memref<256x128xf32, #tpu.memory_space<vmem>>, vector<16xf32>,
      %mul3A_2719 = arith.mulf %get3A_2715, %get3A_2718 : vector<16xf32>
      %get3A_2720 = arith.index_cast %add3A_2712 : i32 to index
      %get3A_2721 = arith.constant 80 : index
      %get3A_2722 = tpu.vector_load %arg11[%get3A_2720, %get3A_2721] {strides = array<i32>} : memref<256x128xf32, #tpu.memory_space<vmem>>, vector<16xf32>,
      %get3A_2723 = arith.index_cast %add3A_2712 : i32 to index
      %get3A_2724 = arith.constant 80 : index
      %get3A_2725 = tpu.vector_load %arg12[%get3A_2723, %get3A_2724] {strides = array<i32>} : memref<256x128xf32, #tpu.memory_space<vmem>>, vector<16xf32>,
      %mul3A_2726 = arith.mulf %get3A_2722, %get3A_2725 : vector<16xf32>
      %add3A_2727 = arith.addf %mul3A_2719, %mul3A_2726 : vector<16xf32>
      %get3A_2728 = arith.index_cast %add3A_2712 : i32 to index
      %get3A_2729 = arith.constant 96 : index
      %get3A_2730 = tpu.vector_load %arg11[%get3A_2728, %get3A_2729] {strides = array<i32>} : memref<256x128xf32, #tpu.memory_space<vmem>>, vector<16xf32>,
      %get3A_2731 = arith.index_cast %add3A_2712 : i32 to index
      %get3A_2732 = arith.constant 96 : index
      %get3A_2733 = tpu.vector_load %arg12[%get3A_2731, %get3A_2732] {strides = array<i32>} : memref<256x128xf32, #tpu.memory_space<vmem>>, vector<16xf32>,
      %mul3A_2734 = arith.mulf %get3A_2730, %get3A_2733 : vector<16xf32>
      %add3A_2735 = arith.addf %add3A_2727, %mul3A_2734 : vector<16xf32>
      %get3A_2736 = arith.index_cast %add3A_2712 : i32 to index
      %get3A_2737 = arith.constant 112 : index
      %get3A_2738 = tpu.vector_load %arg11[%get3A_2736, %get3A_2737] {strides = array<i32>} : memref<256x128xf32, #tpu.memory_space<vmem>>, vector<16xf32>,
      %get3A_2739 = arith.index_cast %add3A_2712 : i32 to index
      %get3A_2740 = arith.constant 112 : index
      %get3A_2741 = tpu.vector_load %arg12[%get3A_2739, %get3A_2740] {strides = array<i32>} : memref<256x128xf32, #tpu.memory_space<vmem>>, vector<16xf32>,
      %mul3A_2742 = arith.mulf %get3A_2738, %get3A_2741 : vector<16xf32>
      %add3A_2743 = arith.addf %add3A_2735, %mul3A_2742 : vector<16xf32>
      %reduce_sum3A_2744 = arith.constant true
      %reduce_sum3A_2745 = vector.broadcast %reduce_sum3A_2744 : i1 to vector<16xi1>
      %reduce_sum3A_2746 = tpu.scan <sum>, %add3A_2743 masked %reduce_sum3A_2745 : vector<16xf32>, vector<16xi1> -> vector<16xf32>
      %reduce_sum3A_2747 = vector.extract %reduce_sum3A_2746[15] : f32 from vector<16xf32>
      %mul3A_2748 = vector.broadcast %reduce_sum3A_2747 : f32 to vector<16xf32>
      %mul3A_2749 = arith.mulf %mul3A_2748, %convert_element_type3A_2040 : vector<16xf32>
      %add3A_2750 = arith.addf %add3A_2708, %mul3A_2749 : vector<16xf32>
      %jit3A_2751 = arith.constant 8 : i32
      %div3A_2752 = arith.divsi %scan3A_1962, %jit3A_2751 : i32
      %sign3A_2753 = arith.constant 0 : i32
      %sign3A_2754 = arith.cmpi sgt, %scan3A_1962, %sign3A_2753 : i32
      %sign3A_2755 = arith.extui %sign3A_2754 : i1 to i32
      %sign3A_2756 = arith.constant 0 : i32
      %sign3A_2757 = arith.cmpi slt, %scan3A_1962, %sign3A_2756 : i32
      %sign3A_2758 = arith.extui %sign3A_2757 : i1 to i32
      %sign3A_2759 = arith.subi %sign3A_2755, %sign3A_2758 : i32
      %sign3A_2760 = arith.constant 0 : i32
      %sign3A_2761 = arith.cmpi sgt, %jit3A_2751, %sign3A_2760 : i32
      %sign3A_2762 = arith.extui %sign3A_2761 : i1 to i32
      %sign3A_2763 = arith.constant 0 : i32
      %sign3A_2764 = arith.cmpi slt, %jit3A_2751, %sign3A_2763 : i32
      %sign3A_2765 = arith.extui %sign3A_2764 : i1 to i32
      %sign3A_2766 = arith.subi %sign3A_2762, %sign3A_2765 : i32
      %ne3A_2767 = arith.cmpi ne, %sign3A_2759, %sign3A_2766 : i32
      %rem3A_2768 = arith.remsi %scan3A_1962, %jit3A_2751 : i32
      %ne3A_2769 = arith.constant 0 : i32
      %ne3A_2770 = arith.cmpi ne, %rem3A_2768, %ne3A_2769 : i32
      %and3A_2771 = arith.andi %ne3A_2767, %ne3A_2770 : i1
      %sub3A_2772 = arith.constant 1 : i32
      %sub3A_2773 = arith.subi %div3A_2752, %sub3A_2772 : i32
      %select_n3A_2774 = arith.select %and3A_2771, %sub3A_2773, %div3A_2752 : i32
      %jit3A_2775 = arith.constant 8 : i32
      %eq3A_2776 = arith.constant 0 : i32
      %eq3A_2777 = arith.cmpi eq, %jit3A_2775, %eq3A_2776 : i32
      %jit3A_2778 = arith.constant 1 : i32
      %select_n3A_2779 = arith.select %eq3A_2777, %jit3A_2778, %jit3A_2775 : i32
      %rem3A_2780 = arith.remsi %scan3A_1962, %select_n3A_2779 : i32
      %ne3A_2781 = arith.constant 0 : i32
      %ne3A_2782 = arith.cmpi ne, %rem3A_2780, %ne3A_2781 : i32
      %lt3A_2783 = arith.constant 0 : i32
      %lt3A_2784 = arith.cmpi slt, %rem3A_2780, %lt3A_2783 : i32
      %lt3A_2785 = arith.constant 0 : i32
      %lt3A_2786 = arith.cmpi slt, %select_n3A_2779, %lt3A_2785 : i32
      %ne3A_2787 = arith.xori %lt3A_2784, %lt3A_2786 : i1
      %and3A_2788 = arith.andi %ne3A_2787, %ne3A_2782 : i1
      %add3A_2789 = arith.addi %rem3A_2780, %select_n3A_2779 : i32
      %select_n3A_2790 = arith.select %and3A_2788, %add3A_2789, %rem3A_2780 : i32
      %mul3A_2791 = arith.constant 16 : i32
      %mul3A_2792 = arith.muli %select_n3A_2790, %mul3A_2791 : i32
      %swap3A = arith.index_cast %select_n3A_2774 : i32 to index
      %swap3A_2793 = arith.index_cast %mul3A_2792 : i32 to index
      %swap3A_2794 = tpu.vector_load %arg15[%swap3A, %swap3A_2793] {strides = array<i32>} : memref<4x128xf32, #tpu.memory_space<vmem>>, vector<16xf32>,
      tpu.vector_store %arg15[%swap3A, %swap3A_2793], %add3A_2750 {strides = array<i32>} : memref<4x128xf32, #tpu.memory_space<vmem>>, vector<16xf32>,
    }
    %scan3A_1961 = arith.constant 32 : i32
    "tpu.region"() ({
      %run_scoped3A = tpu.sem_alloc : memref<!tpu.dma_semaphore, #tpu.memory_space<semaphore_mem>>
      %dma_start3A_1962 = arith.constant 0 : i32
      %dma_start3A_1963 = arith.constant 0 : i32
      %dma_start3A_1964 = tpu.memref_slice %arg8[%add3A, %dma_start3A_1962, %dma_start3A_1963] : memref<32x4x128xf32, #tpu.memory_space<hbm>> -> memref<1x4x128xf32, #tpu.memory_space<hbm>>
      %dma_start3A_1965 = tpu.memref_squeeze %dma_start3A_1964 : memref<1x4x128xf32, #tpu.memory_space<hbm>> -> memref<4x128xf32, #tpu.memory_space<hbm>>
      %dma_start3A_1966 = arith.constant 0 : i32
      %dma_start3A_1967 = arith.constant 0 : i32
      %dma_start3A_1968 = tpu.memref_slice %arg8[%add3A, %dma_start3A_1966, %dma_start3A_1967] : memref<32x4x128xf32, #tpu.memory_space<hbm>> -> memref<1x4x128xf32, #tpu.memory_space<hbm>>
      %dma_start3A_1969 = tpu.memref_squeeze %dma_start3A_1968 : memref<1x4x128xf32, #tpu.memory_space<hbm>> -> memref<4x128xf32, #tpu.memory_space<hbm>>
      tpu.enqueue_dma source(%arg15 : memref<4x128xf32, #tpu.memory_space<vmem>>) target(%dma_start3A_1969 : memref<4x128xf32, #tpu.memory_space<hbm>>) target_semaphore(%run_scoped3A : memref<!tpu.dma_semaphore, #tpu.memory_space<semaphore_mem>>)
      %dma_wait3A_1970 = arith.constant 0 : i32
      %dma_wait3A_1971 = arith.constant 0 : i32
      %dma_wait3A_1972 = tpu.memref_slice %arg8[%add3A, %dma_wait3A_1970, %dma_wait3A_1971] : memref<32x4x128xf32, #tpu.memory_space<hbm>> -> memref<1x4x128xf32, #tpu.memory_space<hbm>>
      %dma_wait3A_1973 = tpu.memref_squeeze %dma_wait3A_1972 : memref<1x4x128xf32, #tpu.memory_space<hbm>> -> memref<4x128xf32, #tpu.memory_space<hbm>>
      %dma_wait3A_1974 = arith.constant 0 : i32
      %dma_wait3A_1975 = arith.constant 0 : i32
      %dma_wait3A_1976 = tpu.memref_slice %arg8[%add3A, %dma_wait3A_1974, %dma_wait3A_1975] : memref<32x4x128xf32, #tpu.memory_space<hbm>> -> memref<1x4x128xf32, #tpu.memory_space<hbm>>
      %dma_wait3A_1977 = tpu.memref_squeeze %dma_wait3A_1976 : memref<1x4x128xf32, #tpu.memory_space<hbm>> -> memref<4x128xf32, #tpu.memory_space<hbm>>
      tpu.wait_dma2 semaphore(%run_scoped3A : memref<!tpu.dma_semaphore, #tpu.memory_space<semaphore_mem>>) src(%arg15 : memref<4x128xf32, #tpu.memory_space<vmem>>) dst(%dma_wait3A_1977 : memref<4x128xf32, #tpu.memory_space<hbm>>)
      tpu.yield
    }) : () -> ()
    return
  }
}

</mosaic_0001>

<sc_bundles>
// kernel: kernel.3.cloned.1.call-start
scs
__scs_entry_jumppad:
0x0: {  	(pc) =	sbr.rel $0x88, $3  }
0x1: {  	(tag) =	ssettag $0x0;
	lr =	simm.s32 $0x1  }
0x2: {  	[smem:$0x3F9B] =	sst lr;
	_ =	strace $0xD0000000  }
0x3: {  	_ = 	snop  }
0x4: {  	_ = 	snop  }
0x5: {  	_ = 	snop  }
0x6: {  	_ = 	snop  }
0x7: {  	_ = 	snop  }
__scs_overlays_trampoline_lowered:
0x8: {  	[smem:$0x3FAA] =	sst s0  }
0x9: {  	[smem:$0x3FAB] =	sst s1  }
0xa: {  	[smem:$0x3FAC] =	sst s2  }
0xb: {  	[smem:$0x3FAD] =	sst s3  }
0xc: {  	[smem:$0x3FAE] =	sst s4  }
0xd: {  	[smem:$0x3FAF] =	sst s5  }
0xe: {  	[smem:$0x3FB0] =	sst s6  }
0xf: {  	[smem:$0x3FB1] =	sst s7  }
0x10: {  	[smem:$0x3FB2] =	sst s8  }
0x11: {  	[smem:$0x3FB3] =	sst s9;
	s0 =	simm.s32 @!p0 $0x0  }
0x12: {  	s1 =	sld [smem:$0x3F99];
	s0 =	simm.s32 @p0 $0x1  }
0x13: {  	[smem:$0x3FB4] =	sst s0;
	s0 =	simm.s32 @!p1 $0x0  }
0x14: {  	s2 =	sld [smem:$0x3F98];
	s0 =	simm.s32 @p1 $0x1  }
0x15: {  	[smem:$0x3FB5] =	sst s0;
	s0 =	simm.s32 @!p2 $0x0  }
0x16: {  	s3 =	sld [smem:$0x3FDB];
	s0 =	simm.s32 @p2 $0x1  }
0x17: {  	s4 =	simm.s32 $0x1BF5;
	[smem:$0x3FB7] =	sst s0  }
0x18: {  	s0 =	sld [smem:$0x3F9A];
	_ =	swait.ge [sflag:s4], $0x0  }
0x19: {  	s7 =	sld [smem:$0x3F9B]  }
0x1a: {  	s8 =	sadd.s32 $0xFFFFE003, lr  }
0x1b: {  	s9 =	sadd.s32 $0xFFFFFEF7, lr;
	s5 =	simm.s32 $0xFFFFFFFF;
	p2 =	slt.u32 s8, $0xFFFFF086  }
0x1c: {  	p1 =	slt.u32 s9, $0xF7A;
	s5 =	simm.s32 @!p2 $0x0  }
0x1d: {  	s5 =	simm.s32 @p1 $0x1;
	p0 =	seq.s32 s7, s2  }
0x1e: {  	s7 =	smul.u32 @!p0 $0xF7A, s2;
	p2 =	seq.s32 @!p0 s5, $0x0  }
0x1f: {  	s9 =	smul.u32 $0xF7A, s1;
	s8 =	simm.s32 @!p0 $0x1BF5;
	p2 =	por !p2, p0  }
0x20: {  	[sflag:s8] =	ssyncset.s32 @!p0 $0xFFFFF086;
	s6 =	sadd.s32 @!p0 s3, s7;
	s7 =	simm.s32 @!p0 $0x108  }
0x21: {  	s3 =	sadd.s32 s3, s9;
	s6 =	sadd.s32 @!p0 $0x88, s6;
	s7 =	simm.s32 @p2 $0x1082  }
0x22: {  	[simem:s7], [sflag:s8] =	dma.local @!p0 [hbm:s6], $0xF7A  }
0x23: {  	s9 =	sor.u32 $0xD0000000, s2;
	s6 =	simm.s32 $0x108;
	_ =	swait.ge @!p0 [sflag:s8], $0x0  }
0x24: {  	s3 =	sadd.s32 $0x88, s3;
	s6 =	simm.s32 @!p1 $0x1082;
	[sflag:s4] =	ssyncset.s32 $0xFFFFF086  }
0x25: {  	[simem:s6], [sflag:s4] =	dma.local [hbm:s3], $0xF7A  }
0x26: {  	[smem:$0x3F9B] =	sst s1;
	(tag) =	ssettag s2;
	_ =	strace s9  }
0x27: {  	s1 =	sld [smem:$0x3FAB]  }
0x28: {  	s2 =	sld [smem:$0x3FAC]  }
0x29: {  	s4 =	sld [smem:$0x3FAE]  }
0x2a: {  	p0 =	seq.s32 s5, $0x0;
	s5 =	sld [smem:$0x3FAF]  }
0x2b: {  	s6 =	sld [smem:$0x3FB0]  }
0x2c: {  	s7 =	sld [smem:$0x3FB1]  }
0x2d: {  	s3 =	simm.s32 $0x108;
	s8 =	sld [smem:$0x3FB2]  }
0x2e: {  	s3 =	simm.s32 @!p0 $0x1082;
	s9 =	sld [smem:$0x3FB3]  }
0x2f: {  	lr =	sadd.s32 s0, s3;
	s0 =	sld [smem:$0x3FAA]  }
0x30: {  	s3 =	sld [smem:$0x3FAD]  }
0x31: {  	[smem:$0x3FB6] =	sst s10  }
0x32: {  	s10 =	sld [smem:$0x3FB4];
	_ =	sdelay $0x3  }
0x33: {  	p0 =	seq.s32 s10, $0x1;
	s10 =	sld [smem:$0x3FB6];
	_ =	sdelay $0x3  }
0x34: {  	[smem:$0x3FB6] =	sst s10  }
0x35: {  	s10 =	sld [smem:$0x3FB5];
	_ =	sdelay $0x3  }
0x36: {  	p1 =	seq.s32 s10, $0x1;
	s10 =	sld [smem:$0x3FB6];
	_ =	sdelay $0x3  }
0x37: {  	[smem:$0x3FB6] =	sst s10  }
0x38: {  	s10 =	sld [smem:$0x3FB7]  }
0x39: {  	_ = 	snop;
	(pc) =	sbr.ind lr, $3  }
0x3a: {  	_ = 	snop  }
0x3b: {  	_ = 	snop  }
0x3c: {  	p2 =	seq.s32 s10, $0x1;
	s10 =	sld [smem:$0x3FB6]  }
0x3d: {  	_ =	shalt  }
0x3e: {  	_ =	shalt  }
0x3f: {  	_ =	shalt  }
0x40: {  	_ =	shalt  }
0x41: {  	_ =	shalt  }
0x42: {  	_ =	shalt  }
0x43: {  	_ =	shalt  }
0x44: {  	_ =	shalt  }
0x45: {  	_ =	shalt  }
0x46: {  	_ =	shalt  }
0x47: {  	_ =	shalt  }
0x48: {  	_ =	shalt  }
0x49: {  	_ =	shalt  }
0x4a: {  	_ =	shalt  }
0x4b: {  	_ =	shalt  }
0x4c: {  	_ =	shalt  }
0x4d: {  	_ =	shalt  }
0x4e: {  	_ =	shalt  }
0x4f: {  	_ =	shalt  }
0x50: {  	_ =	shalt  }
0x51: {  	_ =	shalt  }
0x52: {  	_ =	shalt  }
0x53: {  	_ =	shalt  }
0x54: {  	_ =	shalt  }
0x55: {  	_ =	shalt  }
0x56: {  	_ =	shalt  }
0x57: {  	_ =	shalt  }
0x58: {  	_ =	shalt  }
0x59: {  	_ =	shalt  }
0x5a: {  	_ =	shalt  }
0x5b: {  	_ =	shalt  }
0x5c: {  	_ =	shalt  }
0x5d: {  	_ =	shalt  }
0x5e: {  	_ =	shalt  }
0x5f: {  	_ =	shalt  }
0x60: {  	_ =	shalt  }
0x61: {  	_ =	shalt  }
0x62: {  	_ =	shalt  }
0x63: {  	_ =	shalt  }
0x64: {  	_ =	shalt  }
0x65: {  	_ =	shalt  }
0x66: {  	_ =	shalt  }
0x67: {  	_ =	shalt  }
0x68: {  	_ =	shalt  }
0x69: {  	_ =	shalt  }
0x6a: {  	_ =	shalt  }
0x6b: {  	_ =	shalt  }
0x6c: {  	_ =	shalt  }
0x6d: {  	_ =	shalt  }
0x6e: {  	_ =	shalt  }
0x6f: {  	_ =	shalt  }
0x70: {  	_ =	shalt  }
0x71: {  	_ =	shalt  }
0x72: {  	_ =	shalt  }
0x73: {  	_ =	shalt  }
0x74: {  	_ =	shalt  }
0x75: {  	_ =	shalt  }
0x76: {  	_ =	shalt  }
0x77: {  	_ =	shalt  }
0x78: {  	_ =	shalt  }
0x79: {  	_ =	shalt  }
0x7a: {  	_ =	shalt  }
0x7b: {  	_ =	shalt  }
0x7c: {  	_ =	shalt  }
0x7d: {  	_ =	shalt  }
0x7e: {  	_ =	shalt  }
0x7f: {  	_ =	shalt  }
0x80: {  	_ =	shalt  }
0x81: {  	_ =	shalt  }
0x82: {  	_ =	shalt  }
0x83: {  	_ =	shalt  }
0x84: {  	_ =	shalt  }
0x85: {  	_ =	shalt  }
0x86: {  	_ =	shalt  }
0x87: {  	_ =	shalt  }
.Lfunc_end0:
.L_simem_size_0:
called_computation_lowered:
.L_overlay_start_0:
0x88: {  	s2 =	sld [smem:$0x3FD9]  }
0x89: {  	s3 =	sld [smem:$0x3FFE];
	_ =	sdelay $0x1  }
0x8a: {  	s1 =	srdreg.scid  }
0x8b: {  	s0 =	sand.u32 $0x1, s1  }
0x8c: {  	s17 =	sshll.u32 s0, $0xA;
	s2 =	sadd.s32 s3, s2  }
0x8d: {  	s2 =	sadd.s32 s2, s17  }
0x8e: {  	[smem:$0x3FC2] =	sst s2  }
0x8f: {  	_ = 	snop  }
0x90: {  	s2 =	sld [smem:$0x3FC9]  }
0x91: {  	s18 =	sld [smem:$0x3FC8]  }
0x92: {  	s4 =	sld [smem:$0x3FC5]  }
0x93: {  	s5 =	sld [smem:$0x3FC4]  }
0x94: {  	s6 =	sld [smem:$0x3FD0];
	(tm) =	ssettm $0x1  }
0x95: {  	s7 =	sld [smem:$0x3FFB];
	_ =	sdelay $0x3  }
0x96: {  	_ =	strace s7  }
0x97: {  	s7 =	sld [smem:$0x3FFC];
	_ =	sdelay $0x3  }
0x98: {  	_ =	strace s7  }
0x99: {  	s7 =	sld [smem:$0x3FFD];
	_ =	sdelay $0x3  }
0x9a: {  	_ =	strace s7  }
0x9b: {  	_ =	strace $0x8FFFFFFF  }
0x9c: {  	s19 =	sld [smem:$0x3FDB];
	_ =	sdelay $0x1  }
0x9d: {  	s8 =	simm.s32 $_scs_section_size  }
0x9e: {  	s9 =	simm.s32 $_size__tile_overlayer_lowered;
	s10 =	simm.s32 $_tile_overlayer_lowered  }
0x9f: {  	s22 =	simm.s32 $0x1BFF;
	s21 =	sshll.u32 s10, $0x1;
	s7 =	sadd.s32 s8, s19  }
0xa0: {  	s11 =	simm.s32 $0x0;
	s20 =	sshll.u32 s9, $0x1;
	s9 =	sadd.s32 s21, s7  }
0xa1: {  	[timem:s11], [sflag:s22] =	dma.local [hbm:s9], s20  }
0xa2: {  	_ =	swait.ge [sflag:s22], s20  }
0xa3: {  	s8 =	ssub.s32 $0x0, s20;
	[sflag:s22] =	ssyncset.done $0x0  }
0xa4: {  	[sflag:s22] =	ssyncadd.s32 s8;
	_ =	sdelay $0x1  }
0xa5: {  	s23 =	simm.s32 $0x1B8B  }
0xa6: {  	_ =	swait.ge [sflag:s23], $0x1  }
0xa7: {  	[sflag:s23] =	ssyncset.done $0x0  }
0xa8: {  	s25 =	simm.s32 $0x1B8E;
	s24 =	sld [smem:$0x3FFE];
	[sflag:s23] =	ssyncadd.s32 $0xFFFFFFFF  }
0xa9: {  	s26 =	simm.s32 $execute0_lowered;
	[smem:$0x3FD2] =	sst s25  }
0xaa: {  	s9 =	sshll.u32 s26, $0x1;
	_ =	strace $0x80000046;
	[dreg:$0x1] =	wrdreg $0xFFFFFFFF  }
0xab: {  	s28 =	simm.s32 $_size_execute0_lowered;
	s7 =	sadd.s32 s7, s9;
	[dreg:$0x0] =	wrdreg $0x0  }
0xac: {  	s9 =	sshll.u32 s28, $0x1;
	[dreg:$0x2] =	wrdreg s7  }
0xad: {  	[dreg:$0x3] =	wrdreg s9  }
0xae: {  	[dreg:$0x4] =	wrdreg $0xC0  }
0xaf: {  	_ =	task [dreg:s11], $0x5FFFF  }
0xb0: {  	[dreg:$0x1] =	wrdreg $0xFFFFFFFF  }
0xb1: {  	[dreg:$0x0] =	wrdreg $0x60  }
0xb2: {  	[dreg:$0x2] =	wrdreg s2  }
0xb3: {  	[dreg:$0x3] =	wrdreg s18  }
0xb4: {  	[dreg:$0x4] =	wrdreg s24  }
0xb5: {  	[dreg:$0x5] =	wrdreg s4  }
0xb6: {  	[dreg:$0x6] =	wrdreg s5  }
0xb7: {  	[dreg:$0x7] =	wrdreg s6  }
0xb8: {  	[dreg:$0x8] =	wrdreg $0x9  }
0xb9: {  	_ =	task.clear_ibuf [dreg:s11], $0x9FFFF;
	_ =	strace $0x90000046  }
0xba: {  	s29 =	simm.s32 $0x9;
	_ =	strace $0x80000048  }
0xbb: {  	_ =	swait.ge [sflag:s29], $0x1  }
0xbc: {  	[sflag:s29] =	ssyncadd.s32 $0xFFFFFFFF  }
0xbd: {  	_ =	strace $0x90000048  }
0xbe: {  	_ =	sfence  }
0xbf: {  	s30 =	sld [smem:$0x0];
	_ =	sdelay $0x2  }
0xc0: {  	s31 =	sshll.u32 s1, $0xD;
	s1 =	sshrl.u32 s1, $0x2  }
0xc1: {  	s3 =	sand.u32 $0x4000, s31;
	s1 =	sadd.s32 s1, s30  }
0xc2: {  	s0 =	sor.u32 s3, s0;
	s1 =	sshll.u32 s1, $0x11  }
0xc3: {  	s0 =	sor.u32 s1, s0  }
0xc4: {  	s0 =	sadd.s32 $0x8F2B, s0  }
0xc5: {  	[sflag:s0] =	ssyncadd.remote.s32 $0x1  }
0xc6: {  	_ =	sfence.sel $0xFFFF  }
0xc7: {  	[dreg:$0x0] =	wrdreg $0xFFFFFFFF;
	(pc) =	sbr.abs _section_cstart, $3  }
0xc8: {  	[dreg:$0x1] =	wrdreg $0xFFFFFFFF  }
0xc9: {  	_ =	task.clear_ibuf [dreg:s11], $0x2FFFF;
	_ =	strace $0x9FFFFFFF  }
0xca: {  	(tm) =	ssettm $0x7FFFFFFF  }
0xcb: {  	_ =	shalt  }
tec
execute0_lowered:
.L_overlay_start_1:
0x0: {  	(tag) =	ssettag $0x1  }
0x1: {  	s0 =	rddreg [dreg:$0x0]  }
0x2: {  	s3 =	rddreg [dreg:$0x1]  }
0x3: {  	s6 =	rddreg [dreg:$0x2];
	s4 =	simm.s32 $0x0;
	vm0 =	vcmask $0x300;
	v0 =	vimm.f32 $0.0e+00  }
0x4: {  	vm15 =	vcmask $0x704;
	[smem:$0x7FF] =	sst s4;
	v21 =	vsel vm0, $0x3F800000, v0  }
0x5: {  	s7 =	rddreg [dreg:$0x5];
	vm4 =	vcmask $0xB08;
	v5 =	vsel vm15, $0x3F800000, v0;
	_ =	strace $0x80000047;
	[tilespmem:$0x1FF00] =	vst v21  }
0x6: {  	vm1 =	vcmask $0xF0C;
	v6 =	vsel vm4, $0x3F800000, v0;
	[tilespmem:$0x1FF10] =	vst v5  }
0x7: {  	vm5 =	vcmask $0x1310;
	v7 =	vsel vm1, $0x3F800000, v0;
	[tilespmem:$0x1FF20] =	vst v6  }
0x8: {  	vm6 =	vcmask $0x1714;
	v8 =	vsel vm5, $0x3F800000, v0;
	[tilespmem:$0x1FF30] =	vst v7  }
0x9: {  	vm7 =	vcmask $0x1B18;
	v36 =	vsel vm6, $0x3F800000, v0;
	[tilespmem:$0x1FF40] =	vst v8  }
0xa: {  	vm8 =	vcmask $0x1F1C;
	v10 =	vsel vm7, $0x3F800000, v0;
	[tilespmem:$0x1FF50] =	vst v36  }
0xb: {  	vm9 =	vcmask $0x2320;
	v11 =	vsel vm8, $0x3F800000, v0;
	[tilespmem:$0x1FF60] =	vst v10  }
0xc: {  	s5 =	srdreg.scid;
	s1 =	stileid.u32;
	vm10 =	vcmask $0x2724;
	v12 =	vsel vm9, $0x3F800000, v0;
	[tilespmem:$0x1FF70] =	vst v11  }
0xd: {  	s2 =	simm.s32 $0x4;
	s12 =	simm.s32 $0x80;
	vm11 =	vcmask $0x2B28;
	s5 =	sand.u32 $0x1, s5;
	v13 =	vsel vm10, $0x3F800000, v0;
	[tilespmem:$0x1FF80] =	vst v12  }
0xe: {  	vm12 =	vcmask $0x2F2C;
	s28 =	simm.s32 $0x2;
	s9 =	sshll.u32 s1, $0x7;
	v14 =	vsel vm11, $0x3F800000, v0;
	s10 =	sshll.u32 s5, $0x6;
	[tilespmem:$0x1FF90] =	vst v13  }
0xf: {  	vm13 =	vcmask $0x3330;
	s29 =	simm.s32 $0x3;
	s30 =	simm.s32 $0x1;
	v15 =	vsel vm12, $0x3F800000, v0;
	[tilespmem:$0x1FFA0] =	vst v14;
	s9 =	sor.u32 s10, s9  }
0x10: {  	vm14 =	vcmask $0x3734;
	v18 =	vsel vm13, $0x3F800000, v0;
	s8 =	ssub.s32 $0x2, s5;
	s5 =	sadd.s32 $0x186E00, s6;
	[tilespmem:$0x1FFB0] =	vst v15;
	s0 =	sadd.s32 s0, s9  }
0x11: {  	v1 =	vimm.f32 $1.000000000e+00;
	vm2 =	vcmask $0x3B00;
	v19 =	vsel vm14, $0x3F800000, v0;
	[tilespmem:$0x1FFC0] =	vst v18;
	s11 =	sshrl.u32 s8, $0x1;
	s25 =	sadd.s32 s3, s9;
	[dreg:$0x7] =	wrdreg s0  }
0x12: {  	vm15 =	vcmask $0x3B38;
	v22 =	vsel vm2, $0x0, v1;
	[tilespmem:$0x1FFD0] =	vst v19;
	s8 =	ssub.s32 s8, s11;
	s26 =	sadd.s32 s7, s9;
	[dreg:$0x8] =	wrdreg s25  }
0x13: {  	s6 =	sadd.s32 $0x400, s6;
	v20 =	vsel vm15, $0x3F800000, v0;
	[tilespmem:$0x1FFF0] =	vst v22;
	[dreg:$0x9] =	wrdreg s26;
	s31 =	smax.u32 s8, $0x1  }
0x14: {  	[tilespmem:$0x1FFE0] =	vst v20;
	s26 =	simm.s32 $0x400;
	s0 =	simm.s32 $0x0;
	[dreg:$0xa] =	wrdreg s31  }
.LBB2_1:
0x15: {  	s1 =	rddreg [dreg:$0x7]  }
0x16: {  	[tilespmem:s4], [sflag:$0x4] =	stream.linear.gather [hbm4b:s1+s4], $0x200, $0x38;
	[tilespmem:$0x10A00] =	vst v63  }
0x17: {  	_ =	swait.ge [sflag:s2], $0x200  }
0x18: {  	[sflag:s2] =	ssyncset.done $0x0  }
0x19: {  	s3 =	simm.s32 $0x200;
	s23 =	rddreg [dreg:$0x8];
	[sflag:s2] =	ssyncadd.s32 $0xFFFFFE00  }
0x1a: {  	[tilespmem:s3], [sflag:$0x4] =	stream.linear.gather [hbm4b:s23+s4], $0x200, $0x38;
	[tilespmem:$0x10A00] =	vst v63  }
0x1b: {  	_ =	swait.ge [sflag:s2], $0x200  }
0x1c: {  	[sflag:s2] =	ssyncset.done $0x0  }
0x1d: {  	[sflag:s2] =	ssyncadd.s32 $0xFFFFFE00  }
0x1e: {  	s25 =	simm.s32 $0x10400;
	s24 =	rddreg [dreg:$0x3]  }
0x1f: {  	[tilespmem:s25], [sflag:$0x1] =	stream.indirect.gather [hbm4b:s24+s12], $0x1, s4, s12, $0xb8;
	[tilespmem:$0x10A00] =	vst v63  }
0x20: {  	s7 =	simm.s32 $0x10600;
	s31 =	rddreg [dreg:$0x4]  }
0x21: {  	[tilespmem:s7], [sflag:$0x1] =	stream.indirect.gather [hbm4b:s31+s12], $0x1, s3, s12, $0xb8;
	[tilespmem:$0x10A00] =	vst v63  }
0x22: {  	s8 =	simm.s32 $0x10480  }
0x23: {  	[tilespmem:s8], [sflag:$0x1] =	stream.indirect.gather [hbm4b:s24+s12], $0x1, s12, s12, $0xb8;
	[tilespmem:$0x10A00] =	vst v63  }
0x24: {  	s9 =	simm.s32 $0x280;
	s8 =	simm.s32 $0x10680  }
0x25: {  	[tilespmem:s8], [sflag:$0x1] =	stream.indirect.gather [hbm4b:s31+s12], $0x1, s9, s12, $0xb8;
	[tilespmem:$0x10A00] =	vst v63  }
0x26: {  	s10 =	simm.s32 $0x100;
	s11 =	simm.s32 $0x10500  }
0x27: {  	[tilespmem:s11], [sflag:$0x1] =	stream.indirect.gather [hbm4b:s24+s12], $0x1, s10, s12, $0xb8;
	[tilespmem:$0x10A00] =	vst v63  }
0x28: {  	s13 =	simm.s32 $0x300;
	s14 =	simm.s32 $0x10700  }
0x29: {  	[tilespmem:s14], [sflag:$0x1] =	stream.indirect.gather [hbm4b:s31+s12], $0x1, s13, s12, $0xb8;
	[tilespmem:$0x10A00] =	vst v63  }
0x2a: {  	s15 =	simm.s32 $0x180;
	s16 =	simm.s32 $0x10580  }
0x2b: {  	[tilespmem:s16], [sflag:$0x1] =	stream.indirect.gather [hbm4b:s24+s12], $0x1, s15, s12, $0xb8;
	[tilespmem:$0x10A00] =	vst v63  }
0x2c: {  	s17 =	simm.s32 $0x380;
	s18 =	simm.s32 $0x10780  }
0x2d: {  	[tilespmem:s18], [sflag:$0x1] =	stream.indirect.gather [hbm4b:s31+s12], $0x1, s17, s12, $0xb8;
	[tilespmem:$0x10A00] =	vst v63  }
0x2e: {  	v0 =	vld [tilespmem:s4+$0x0];
	_ =	sdelay $0x3  }
0x2f: {  	v63 =	vld [tilespmem:s3+$0x0]  }
0x30: {  	v17 =	vshll.u32 v0, $0x4  }
0x31: {  	(v2sf) =	vpush v17, $0x0  }
0x32: {  	(v2sf) =	vpush v17, $0x1  }
0x33: {  	(v2sf) =	vpush v17, $0x2  }
0x34: {  	v16 =	vshll.u32 v63, $0x4  }
0x35: {  	(v2sf) =	vpush v16, $0x0;
	_ =	sdelay $0x6  }
0x36: {  	(v2sf) =	vpush v16, $0x1;
	_ =	sdelay $0x3  }
0x37: {  	s19 =	spop (v2sf)  }
0x38: {  	s7 =	sand.u32 $0x1FFFFFF0, s19;
	s20 =	spop (v2sf)  }
0x39: {  	s9 =	simm.s32 $0x400;
	s7 =	sadd.s32 s5, s7;
	s10 =	spop (v2sf)  }
0x3a: {  	[tilespmem:s9], [sflag:$0x2] =	stream.strided.gather [hbm4b:s7+s12], $0x0, s26, s12, $0x38;
	[tilespmem:$0x10A00] =	vst v63  }
0x3b: {  	(v2sf) =	vpush v16, $0x2;
	s21 =	spop (v2sf)  }
0x3c: {  	[tilespmem:s9], [sflag:$0x2] =	stream.linear.gather [hbm4b:s7+s4], $0x40, $0x38;
	[tilespmem:$0x10A00] =	vst v63  }
0x3d: {  	s7 =	sand.u32 $0x1FFFFFF0, s21  }
0x3e: {  	s22 =	simm.s32 $0x8400;
	s7 =	sadd.s32 s6, s7  }
0x3f: {  	(v2sf) =	vpush v17, $0x3;
	[tilespmem:s22], [sflag:$0x3] =	stream.strided.gather [hbm4b:s7+s12], $0x0, s26, s12, $0x38;
	[tilespmem:$0x10A00] =	vst v63  }
0x40: {  	s8 =	sand.u32 $0x1FFFFFF0, s20  }
0x41: {  	[tilespmem:s22], [sflag:$0x3] =	stream.linear.gather [hbm4b:s7+s4], $0x40, $0x38;
	[tilespmem:$0x10A00] =	vst v63  }
0x42: {  	s24 =	simm.s32 $0x440;
	s8 =	sadd.s32 s5, s8;
	s23 =	spop (v2sf)  }
0x43: {  	(v2sf) =	vpush v16, $0x3;
	[tilespmem:s24], [sflag:$0x2] =	stream.strided.gather [hbm4b:s8+s12], $0x0, s26, s12, $0x38;
	[tilespmem:$0x10A00] =	vst v63  }
0x44: {  	s7 =	sand.u32 $0x1FFFFFF0, s23  }
0x45: {  	[tilespmem:s24], [sflag:$0x2] =	stream.linear.gather [hbm4b:s8+s4], $0x40, $0x38;
	[tilespmem:$0x10A00] =	vst v63  }
0x46: {  	s25 =	simm.s32 $0x8440;
	s7 =	sadd.s32 s6, s7  }
0x47: {  	(v2sf) =	vpush v17, $0x4;
	[tilespmem:s25], [sflag:$0x3] =	stream.strided.gather [hbm4b:s7+s12], $0x0, s26, s12, $0x38;
	[tilespmem:$0x10A00] =	vst v63  }
0x48: {  	s31 =	sand.u32 $0x1FFFFFF0, s10  }
0x49: {  	[tilespmem:s25], [sflag:$0x3] =	stream.linear.gather [hbm4b:s7+s4], $0x40, $0x38;
	[tilespmem:$0x10A00] =	vst v63  }
0x4a: {  	s2 =	simm.s32 $0x480;
	s9 =	sadd.s32 s5, s31;
	s1 =	spop (v2sf)  }
0x4b: {  	(v2sf) =	vpush v16, $0x4;
	[tilespmem:s2], [sflag:$0x2] =	stream.strided.gather [hbm4b:s9+s12], $0x0, s26, s12, $0x38;
	[tilespmem:$0x10A00] =	vst v63  }
0x4c: {  	s7 =	sand.u32 $0x1FFFFFF0, s1  }
0x4d: {  	[tilespmem:s2], [sflag:$0x2] =	stream.linear.gather [hbm4b:s9+s4], $0x40, $0x38;
	[tilespmem:$0x10A00] =	vst v63  }
0x4e: {  	s11 =	simm.s32 $0x8480;
	s10 =	spop (v2sf);
	s7 =	sadd.s32 s6, s7  }
0x4f: {  	(v2sf) =	vpush v17, $0x5;
	[tilespmem:s11], [sflag:$0x3] =	stream.strided.gather [hbm4b:s7+s12], $0x0, s26, s12, $0x38;
	[tilespmem:$0x10A00] =	vst v63  }
0x50: {  	s8 =	sand.u32 $0x1FFFFFF0, s10  }
0x51: {  	[tilespmem:s11], [sflag:$0x3] =	stream.linear.gather [hbm4b:s7+s4], $0x40, $0x38;
	[tilespmem:$0x10A00] =	vst v63  }
0x52: {  	s14 =	simm.s32 $0x4C0;
	s13 =	spop (v2sf);
	s8 =	sadd.s32 s5, s8  }
0x53: {  	(v2sf) =	vpush v16, $0x5;
	[tilespmem:s14], [sflag:$0x2] =	stream.strided.gather [hbm4b:s8+s12], $0x0, s26, s12, $0x38;
	[tilespmem:$0x10A00] =	vst v63  }
0x54: {  	s7 =	sand.u32 $0x1FFFFFF0, s13  }
0x55: {  	[tilespmem:s14], [sflag:$0x2] =	stream.linear.gather [hbm4b:s8+s4], $0x40, $0x38;
	[tilespmem:$0x10A00] =	vst v63  }
0x56: {  	s16 =	simm.s32 $0x84C0;
	s15 =	spop (v2sf);
	s7 =	sadd.s32 s6, s7  }
0x57: {  	(v2sf) =	vpush v17, $0x6;
	[tilespmem:s16], [sflag:$0x3] =	stream.strided.gather [hbm4b:s7+s12], $0x0, s26, s12, $0x38;
	[tilespmem:$0x10A00] =	vst v63  }
0x58: {  	s8 =	sand.u32 $0x1FFFFFF0, s15  }
0x59: {  	[tilespmem:s16], [sflag:$0x3] =	stream.linear.gather [hbm4b:s7+s4], $0x40, $0x38;
	[tilespmem:$0x10A00] =	vst v63  }
0x5a: {  	s18 =	simm.s32 $0x500;
	s17 =	spop (v2sf);
	s8 =	sadd.s32 s5, s8  }
0x5b: {  	(v2sf) =	vpush v16, $0x6;
	[tilespmem:s18], [sflag:$0x2] =	stream.strided.gather [hbm4b:s8+s12], $0x0, s26, s12, $0x38;
	[tilespmem:$0x10A00] =	vst v63  }
0x5c: {  	s7 =	sand.u32 $0x1FFFFFF0, s17  }
0x5d: {  	[tilespmem:s18], [sflag:$0x2] =	stream.linear.gather [hbm4b:s8+s4], $0x40, $0x38;
	[tilespmem:$0x10A00] =	vst v63  }
0x5e: {  	s20 =	simm.s32 $0x8500;
	s19 =	spop (v2sf);
	s7 =	sadd.s32 s6, s7  }
0x5f: {  	(v2sf) =	vpush v17, $0x7;
	[tilespmem:s20], [sflag:$0x3] =	stream.strided.gather [hbm4b:s7+s12], $0x0, s26, s12, $0x38;
	[tilespmem:$0x10A00] =	vst v63  }
0x60: {  	s8 =	sand.u32 $0x1FFFFFF0, s19  }
0x61: {  	[tilespmem:s20], [sflag:$0x3] =	stream.linear.gather [hbm4b:s7+s4], $0x40, $0x38;
	[tilespmem:$0x10A00] =	vst v63  }
0x62: {  	s22 =	simm.s32 $0x540;
	s21 =	spop (v2sf);
	s8 =	sadd.s32 s5, s8  }
0x63: {  	(v2sf) =	vpush v16, $0x7;
	[tilespmem:s22], [sflag:$0x2] =	stream.strided.gather [hbm4b:s8+s12], $0x0, s26, s12, $0x38;
	[tilespmem:$0x10A00] =	vst v63  }
0x64: {  	s7 =	sand.u32 $0x1FFFFFF0, s21  }
0x65: {  	[tilespmem:s22], [sflag:$0x2] =	stream.linear.gather [hbm4b:s8+s4], $0x40, $0x38;
	[tilespmem:$0x10A00] =	vst v63  }
0x66: {  	s24 =	simm.s32 $0x8540;
	s23 =	spop (v2sf);
	s7 =	sadd.s32 s6, s7  }
0x67: {  	(v2sf) =	vpush v17, $0x8;
	[tilespmem:s24], [sflag:$0x3] =	stream.strided.gather [hbm4b:s7+s12], $0x0, s26, s12, $0x38;
	[tilespmem:$0x10A00] =	vst v63  }
0x68: {  	s8 =	sand.u32 $0x1FFFFFF0, s23  }
0x69: {  	[tilespmem:s24], [sflag:$0x3] =	stream.linear.gather [hbm4b:s7+s4], $0x40, $0x38;
	[tilespmem:$0x10A00] =	vst v63  }
0x6a: {  	s31 =	simm.s32 $0x580;
	s25 =	spop (v2sf);
	s8 =	sadd.s32 s5, s8  }
0x6b: {  	(v2sf) =	vpush v16, $0x8;
	[tilespmem:s31], [sflag:$0x2] =	stream.strided.gather [hbm4b:s8+s12], $0x0, s26, s12, $0x38;
	[tilespmem:$0x10A00] =	vst v63  }
0x6c: {  	s7 =	sand.u32 $0x1FFFFFF0, s25  }
0x6d: {  	[tilespmem:s31], [sflag:$0x2] =	stream.linear.gather [hbm4b:s8+s4], $0x40, $0x38;
	[tilespmem:$0x10A00] =	vst v63  }
0x6e: {  	s2 =	simm.s32 $0x8580;
	s1 =	spop (v2sf);
	s7 =	sadd.s32 s6, s7  }
0x6f: {  	(v2sf) =	vpush v17, $0x9;
	[tilespmem:s2], [sflag:$0x3] =	stream.strided.gather [hbm4b:s7+s12], $0x0, s26, s12, $0x38;
	[tilespmem:$0x10A00] =	vst v63  }
0x70: {  	s8 =	sand.u32 $0x1FFFFFF0, s1  }
0x71: {  	[tilespmem:s2], [sflag:$0x3] =	stream.linear.gather [hbm4b:s7+s4], $0x40, $0x38;
	[tilespmem:$0x10A00] =	vst v63  }
0x72: {  	s11 =	simm.s32 $0x5C0;
	s10 =	spop (v2sf);
	s8 =	sadd.s32 s5, s8  }
0x73: {  	(v2sf) =	vpush v16, $0x9;
	[tilespmem:s11], [sflag:$0x2] =	stream.strided.gather [hbm4b:s8+s12], $0x0, s26, s12, $0x38;
	[tilespmem:$0x10A00] =	vst v63  }
0x74: {  	s7 =	sand.u32 $0x1FFFFFF0, s10  }
0x75: {  	[tilespmem:s11], [sflag:$0x2] =	stream.linear.gather [hbm4b:s8+s4], $0x40, $0x38;
	[tilespmem:$0x10A00] =	vst v63  }
0x76: {  	s14 =	simm.s32 $0x85C0;
	s13 =	spop (v2sf);
	s7 =	sadd.s32 s6, s7  }
0x77: {  	(v2sf) =	vpush v17, $0xA;
	[tilespmem:s14], [sflag:$0x3] =	stream.strided.gather [hbm4b:s7+s12], $0x0, s26, s12, $0x38;
	[tilespmem:$0x10A00] =	vst v63  }
0x78: {  	s8 =	sand.u32 $0x1FFFFFF0, s13  }
0x79: {  	[tilespmem:s14], [sflag:$0x3] =	stream.linear.gather [hbm4b:s7+s4], $0x40, $0x38;
	[tilespmem:$0x10A00] =	vst v63  }
0x7a: {  	s16 =	simm.s32 $0x600;
	s15 =	spop (v2sf);
	s8 =	sadd.s32 s5, s8  }
0x7b: {  	(v2sf) =	vpush v16, $0xA;
	[tilespmem:s16], [sflag:$0x2] =	stream.strided.gather [hbm4b:s8+s12], $0x0, s26, s12, $0x38;
	[tilespmem:$0x10A00] =	vst v63  }
0x7c: {  	s7 =	sand.u32 $0x1FFFFFF0, s15  }
0x7d: {  	[tilespmem:s16], [sflag:$0x2] =	stream.linear.gather [hbm4b:s8+s4], $0x40, $0x38;
	[tilespmem:$0x10A00] =	vst v63  }
0x7e: {  	s18 =	simm.s32 $0x8600;
	s17 =	spop (v2sf);
	s7 =	sadd.s32 s6, s7  }
0x7f: {  	(v2sf) =	vpush v17, $0xB;
	[tilespmem:s18], [sflag:$0x3] =	stream.strided.gather [hbm4b:s7+s12], $0x0, s26, s12, $0x38;
	[tilespmem:$0x10A00] =	vst v63  }
0x80: {  	s8 =	sand.u32 $0x1FFFFFF0, s17  }
0x81: {  	[tilespmem:s18], [sflag:$0x3] =	stream.linear.gather [hbm4b:s7+s4], $0x40, $0x38;
	[tilespmem:$0x10A00] =	vst v63  }
0x82: {  	s20 =	simm.s32 $0x640;
	s19 =	spop (v2sf);
	s8 =	sadd.s32 s5, s8  }
0x83: {  	(v2sf) =	vpush v16, $0xB;
	[tilespmem:s20], [sflag:$0x2] =	stream.strided.gather [hbm4b:s8+s12], $0x0, s26, s12, $0x38;
	[tilespmem:$0x10A00] =	vst v63  }
0x84: {  	s7 =	sand.u32 $0x1FFFFFF0, s19  }
0x85: {  	[tilespmem:s20], [sflag:$0x2] =	stream.linear.gather [hbm4b:s8+s4], $0x40, $0x38;
	[tilespmem:$0x10A00] =	vst v63  }
0x86: {  	s22 =	simm.s32 $0x8640;
	s21 =	spop (v2sf);
	s7 =	sadd.s32 s6, s7  }
0x87: {  	(v2sf) =	vpush v17, $0xC;
	[tilespmem:s22], [sflag:$0x3] =	stream.strided.gather [hbm4b:s7+s12], $0x0, s26, s12, $0x38;
	[tilespmem:$0x10A00] =	vst v63  }
0x88: {  	s8 =	sand.u32 $0x1FFFFFF0, s21  }
0x89: {  	[tilespmem:s22], [sflag:$0x3] =	stream.linear.gather [hbm4b:s7+s4], $0x40, $0x38;
	[tilespmem:$0x10A00] =	vst v63  }
0x8a: {  	s24 =	simm.s32 $0x680;
	s23 =	spop (v2sf);
	s8 =	sadd.s32 s5, s8  }
0x8b: {  	(v2sf) =	vpush v16, $0xC;
	[tilespmem:s24], [sflag:$0x2] =	stream.strided.gather [hbm4b:s8+s12], $0x0, s26, s12, $0x38;
	[tilespmem:$0x10A00] =	vst v63  }
0x8c: {  	s7 =	sand.u32 $0x1FFFFFF0, s23  }
0x8d: {  	[tilespmem:s24], [sflag:$0x2] =	stream.linear.gather [hbm4b:s8+s4], $0x40, $0x38;
	[tilespmem:$0x10A00] =	vst v63  }
0x8e: {  	s31 =	simm.s32 $0x8680;
	s25 =	spop (v2sf);
	s7 =	sadd.s32 s6, s7  }
0x8f: {  	(v2sf) =	vpush v17, $0xD;
	[tilespmem:s31], [sflag:$0x3] =	stream.strided.gather [hbm4b:s7+s12], $0x0, s26, s12, $0x38;
	[tilespmem:$0x10A00] =	vst v63  }
0x90: {  	s8 =	sand.u32 $0x1FFFFFF0, s25  }
0x91: {  	[tilespmem:s31], [sflag:$0x3] =	stream.linear.gather [hbm4b:s7+s4], $0x40, $0x38;
	[tilespmem:$0x10A00] =	vst v63  }
0x92: {  	s2 =	simm.s32 $0x6C0;
	s1 =	spop (v2sf);
	s8 =	sadd.s32 s5, s8  }
0x93: {  	(v2sf) =	vpush v16, $0xD;
	[tilespmem:s2], [sflag:$0x2] =	stream.strided.gather [hbm4b:s8+s12], $0x0, s26, s12, $0x38;
	[tilespmem:$0x10A00] =	vst v63  }
0x94: {  	s7 =	sand.u32 $0x1FFFFFF0, s1  }
0x95: {  	[tilespmem:s2], [sflag:$0x2] =	stream.linear.gather [hbm4b:s8+s4], $0x40, $0x38;
	[tilespmem:$0x10A00] =	vst v63  }
0x96: {  	s10 =	simm.s32 $0x86C0;
	s9 =	spop (v2sf);
	s7 =	sadd.s32 s6, s7  }
0x97: {  	(v2sf) =	vpush v17, $0xE;
	[tilespmem:s10], [sflag:$0x3] =	stream.strided.gather [hbm4b:s7+s12], $0x0, s26, s12, $0x38;
	[tilespmem:$0x10A00] =	vst v63  }
0x98: {  	s8 =	sand.u32 $0x1FFFFFF0, s9  }
0x99: {  	[tilespmem:s10], [sflag:$0x3] =	stream.linear.gather [hbm4b:s7+s4], $0x40, $0x38;
	[tilespmem:$0x10A00] =	vst v63  }
0x9a: {  	s13 =	simm.s32 $0x700;
	s11 =	spop (v2sf);
	s8 =	sadd.s32 s5, s8  }
0x9b: {  	(v2sf) =	vpush v16, $0xE;
	[tilespmem:s13], [sflag:$0x2] =	stream.strided.gather [hbm4b:s8+s12], $0x0, s26, s12, $0x38;
	[tilespmem:$0x10A00] =	vst v63  }
0x9c: {  	s7 =	sand.u32 $0x1FFFFFF0, s11  }
0x9d: {  	[tilespmem:s13], [sflag:$0x2] =	stream.linear.gather [hbm4b:s8+s4], $0x40, $0x38;
	[tilespmem:$0x10A00] =	vst v63  }
0x9e: {  	s15 =	simm.s32 $0x8700;
	s14 =	spop (v2sf);
	s7 =	sadd.s32 s6, s7  }
0x9f: {  	(v2sf) =	vpush v17, $0xF;
	[tilespmem:s15], [sflag:$0x3] =	stream.strided.gather [hbm4b:s7+s12], $0x0, s26, s12, $0x38;
	[tilespmem:$0x10A00] =	vst v63  }
0xa0: {  	s8 =	sand.u32 $0x1FFFFFF0, s14  }
0xa1: {  	[tilespmem:s15], [sflag:$0x3] =	stream.linear.gather [hbm4b:s7+s4], $0x40, $0x38;
	[tilespmem:$0x10A00] =	vst v63  }
0xa2: {  	s17 =	simm.s32 $0x740;
	s16 =	spop (v2sf);
	s8 =	sadd.s32 s5, s8  }
0xa3: {  	(v2sf) =	vpush v16, $0xF;
	[tilespmem:s17], [sflag:$0x2] =	stream.strided.gather [hbm4b:s8+s12], $0x0, s26, s12, $0x38;
	[tilespmem:$0x10A00] =	vst v63  }
0xa4: {  	s7 =	sand.u32 $0x1FFFFFF0, s16  }
0xa5: {  	[tilespmem:s17], [sflag:$0x2] =	stream.linear.gather [hbm4b:s8+s4], $0x40, $0x38;
	[tilespmem:$0x10A00] =	vst v63  }
0xa6: {  	s19 =	simm.s32 $0x8740;
	s18 =	spop (v2sf);
	s7 =	sadd.s32 s6, s7  }
0xa7: {  	[tilespmem:s19], [sflag:$0x3] =	stream.strided.gather [hbm4b:s7+s12], $0x0, s26, s12, $0x38;
	[tilespmem:$0x10A00] =	vst v63  }
0xa8: {  	s8 =	sand.u32 $0x1FFFFFF0, s18  }
0xa9: {  	[tilespmem:s19], [sflag:$0x3] =	stream.linear.gather [hbm4b:s7+s4], $0x40, $0x38;
	[tilespmem:$0x10A00] =	vst v63  }
0xaa: {  	s21 =	simm.s32 $0x780;
	s20 =	spop (v2sf);
	s8 =	sadd.s32 s5, s8  }
0xab: {  	[tilespmem:s21], [sflag:$0x2] =	stream.strided.gather [hbm4b:s8+s12], $0x0, s26, s12, $0x38;
	[tilespmem:$0x10A00] =	vst v63  }
0xac: {  	s7 =	sand.u32 $0x1FFFFFF0, s20  }
0xad: {  	[tilespmem:s21], [sflag:$0x2] =	stream.linear.gather [hbm4b:s8+s4], $0x40, $0x38;
	[tilespmem:$0x10A00] =	vst v63  }
0xae: {  	s23 =	simm.s32 $0x8780;
	s22 =	spop (v2sf);
	s7 =	sadd.s32 s6, s7  }
0xaf: {  	[tilespmem:s23], [sflag:$0x3] =	stream.strided.gather [hbm4b:s7+s12], $0x0, s26, s12, $0x38;
	[tilespmem:$0x10A00] =	vst v63  }
0xb0: {  	s8 =	sand.u32 $0x1FFFFFF0, s22  }
0xb1: {  	[tilespmem:s23], [sflag:$0x3] =	stream.linear.gather [hbm4b:s7+s4], $0x40, $0x38;
	[tilespmem:$0x10A00] =	vst v63  }
0xb2: {  	s25 =	simm.s32 $0x7C0;
	s24 =	spop (v2sf);
	s8 =	sadd.s32 s5, s8  }
0xb3: {  	[tilespmem:s25], [sflag:$0x2] =	stream.strided.gather [hbm4b:s8+s12], $0x0, s26, s12, $0x38;
	[tilespmem:$0x10A00] =	vst v63  }
0xb4: {  	s13 =	simm.s32 $0x1000;
	s31 =	sand.u32 $0x1FFFFFF0, s24  }
0xb5: {  	[tilespmem:s25], [sflag:$0x2] =	stream.linear.gather [hbm4b:s8+s4], $0x40, $0x38;
	[tilespmem:$0x10A00] =	vst v63  }
0xb6: {  	s14 =	simm.s32 $0x0;
	s7 =	simm.s32 $0x87C0;
	s8 =	sadd.s32 s6, s31  }
0xb7: {  	[tilespmem:s7], [sflag:$0x3] =	stream.strided.gather [hbm4b:s8+s12], $0x0, s26, s12, $0x38;
	[tilespmem:$0x10A00] =	vst v63  }
.LBB2_2:
0xb8: {  	p0 =	sne.s32 s13, $0x1F000;
	s14 =	sadd.s32 $0x10, s14;
	s3 =	sadd.s32 $0x10, s3  }
0xb9: {  	[tilespmem:s7], [sflag:$0x3] =	stream.linear.gather [hbm4b:s8+s4], $0x40, $0x38;
	[tilespmem:$0x10A00] =	vst v63  }
0xba: {  	s7 =	smov.u32 s13;
	s13 =	sadd.s32 $0x1000, s13;
	v0 =	vld [tilespmem:s14+$0x0];
	_ =	sdelay $0x3  }
0xbb: {  	v1 =	vld [tilespmem:s3+$0x0]  }
0xbc: {  	v16 =	vshll.u32 v0, $0x4  }
0xbd: {  	(v2sf) =	vpush v16, $0x0  }
0xbe: {  	(v2sf) =	vpush v16, $0x1  }
0xbf: {  	(v2sf) =	vpush v16, $0x2  }
0xc0: {  	v17 =	vshll.u32 v1, $0x4  }
0xc1: {  	(v2sf) =	vpush v17, $0x0;
	_ =	sdelay $0x1  }
0xc2: {  	(v2sf) =	vpush v17, $0x1  }
0xc3: {  	(v2sf) =	vpush v17, $0x2;
	_ =	sdelay $0x3  }
0xc4: {  	(v2sf) =	vpush v16, $0x3;
	_ =	sdelay $0x3  }
0xc5: {  	s8 =	spop (v2sf);
	(v2sf) =	vpush v17, $0x3  }
0xc6: {  	s15 =	sshra.s32 s7, $0x2;
	s7 =	sand.u32 $0x1FFFFFF0, s8;
	s8 =	spop (v2sf)  }
0xc7: {  	s9 =	sadd.s32 $0x400, s15;
	s7 =	sadd.s32 s5, s7;
	s10 =	spop (v2sf)  }
0xc8: {  	[tilespmem:s9], [sflag:$0x2] =	stream.strided.gather [hbm4b:s7+s12], $0x0, s26, s12, $0x38;
	[tilespmem:$0x10A00] =	vst v63  }
0xc9: {  	s8 =	sand.u32 $0x1FFFFFF0, s8;
	s10 =	sand.u32 $0x1FFFFFF0, s10;
	s16 =	spop (v2sf);
	(v2sf) =	vpush v16, $0x4  }
0xca: {  	[tilespmem:s9], [sflag:$0x2] =	stream.linear.gather [hbm4b:s7+s4], $0x40, $0x38;
	[tilespmem:$0x10A00] =	vst v63  }
0xcb: {  	s7 =	sadd.s32 $0x8400, s15;
	s9 =	sand.u32 $0x1FFFFFF0, s16;
	s16 =	spop (v2sf);
	(v2sf) =	vpush v17, $0x4  }
0xcc: {  	s9 =	sadd.s32 s6, s9;
	s16 =	sand.u32 $0x1FFFFFF0, s16;
	s17 =	spop (v2sf)  }
0xcd: {  	[tilespmem:s7], [sflag:$0x3] =	stream.strided.gather [hbm4b:s9+s12], $0x0, s26, s12, $0x38;
	(v2sf) =	vpush v16, $0x5;
	[tilespmem:$0x10A00] =	vst v63  }
0xce: {  	s18 =	sadd.s32 $0x440, s15;
	s8 =	sadd.s32 s5, s8;
	s17 =	sand.u32 $0x1FFFFFF0, s17  }
0xcf: {  	[tilespmem:s7], [sflag:$0x3] =	stream.linear.gather [hbm4b:s9+s4], $0x40, $0x38;
	(v2sf) =	vpush v17, $0x5;
	[tilespmem:$0x10A00] =	vst v63  }
0xd0: {  	s7 =	spop (v2sf)  }
0xd1: {  	[tilespmem:s18], [sflag:$0x2] =	stream.strided.gather [hbm4b:s8+s12], $0x0, s26, s12, $0x38;
	(v2sf) =	vpush v16, $0x6;
	[tilespmem:$0x10A00] =	vst v63  }
0xd2: {  	s16 =	sadd.s32 s6, s16;
	s9 =	sadd.s32 $0x8440, s15;
	s7 =	sand.u32 $0x1FFFFFF0, s7  }
0xd3: {  	[tilespmem:s18], [sflag:$0x2] =	stream.linear.gather [hbm4b:s8+s4], $0x40, $0x38;
	(v2sf) =	vpush v17, $0x6;
	[tilespmem:$0x10A00] =	vst v63  }
0xd4: {  	s8 =	spop (v2sf)  }
0xd5: {  	[tilespmem:s9], [sflag:$0x3] =	stream.strided.gather [hbm4b:s16+s12], $0x0, s26, s12, $0x38;
	(v2sf) =	vpush v16, $0x7;
	[tilespmem:$0x10A00] =	vst v63  }
0xd6: {  	s10 =	sadd.s32 s5, s10;
	s18 =	sadd.s32 $0x480, s15;
	s19 =	sand.u32 $0x1FFFFFF0, s8  }
0xd7: {  	[tilespmem:s9], [sflag:$0x3] =	stream.linear.gather [hbm4b:s16+s4], $0x40, $0x38;
	(v2sf) =	vpush v17, $0x7;
	[tilespmem:$0x10A00] =	vst v63  }
0xd8: {  	s8 =	spop (v2sf)  }
0xd9: {  	[tilespmem:s18], [sflag:$0x2] =	stream.strided.gather [hbm4b:s10+s12], $0x0, s26, s12, $0x38;
	(v2sf) =	vpush v16, $0x8;
	[tilespmem:$0x10A00] =	vst v63  }
0xda: {  	s9 =	sadd.s32 $0x8480, s15;
	s16 =	sadd.s32 s6, s17;
	s17 =	spop (v2sf)  }
0xdb: {  	[tilespmem:s18], [sflag:$0x2] =	stream.linear.gather [hbm4b:s10+s4], $0x40, $0x38;
	(v2sf) =	vpush v17, $0x8;
	[tilespmem:$0x10A00] =	vst v63  }
0xdc: {  	s10 =	sand.u32 $0x1FFFFFF0, s8;
	s17 =	sand.u32 $0x1FFFFFF0, s17;
	s8 =	spop (v2sf)  }
0xdd: {  	[tilespmem:s9], [sflag:$0x3] =	stream.strided.gather [hbm4b:s16+s12], $0x0, s26, s12, $0x38;
	(v2sf) =	vpush v16, $0x9;
	[tilespmem:$0x10A00] =	vst v63  }
0xde: {  	s7 =	sadd.s32 s5, s7;
	s18 =	sadd.s32 $0x4C0, s15;
	s20 =	spop (v2sf)  }
0xdf: {  	[tilespmem:s9], [sflag:$0x3] =	stream.linear.gather [hbm4b:s16+s4], $0x40, $0x38;
	(v2sf) =	vpush v17, $0x9;
	[tilespmem:$0x10A00] =	vst v63  }
0xe0: {  	s9 =	sand.u32 $0x1FFFFFF0, s8;
	s8 =	sand.u32 $0x1FFFFFF0, s20;
	s16 =	spop (v2sf)  }
0xe1: {  	[tilespmem:s18], [sflag:$0x2] =	stream.strided.gather [hbm4b:s7+s12], $0x0, s26, s12, $0x38;
	(v2sf) =	vpush v16, $0xA;
	[tilespmem:$0x10A00] =	vst v63  }
0xe2: {  	s21 =	sadd.s32 $0x84C0, s15;
	s19 =	sadd.s32 s6, s19;
	s22 =	spop (v2sf)  }
0xe3: {  	[tilespmem:s18], [sflag:$0x2] =	stream.linear.gather [hbm4b:s7+s4], $0x40, $0x38;
	(v2sf) =	vpush v17, $0xA;
	[tilespmem:$0x10A00] =	vst v63  }
0xe4: {  	s20 =	sand.u32 $0x1FFFFFF0, s16;
	s18 =	sand.u32 $0x1FFFFFF0, s22;
	s7 =	spop (v2sf)  }
0xe5: {  	[tilespmem:s21], [sflag:$0x3] =	stream.strided.gather [hbm4b:s19+s12], $0x0, s26, s12, $0x38;
	(v2sf) =	vpush v16, $0xB;
	[tilespmem:$0x10A00] =	vst v63  }
0xe6: {  	s10 =	sadd.s32 s5, s10;
	s22 =	sadd.s32 $0x500, s15;
	s16 =	spop (v2sf)  }
0xe7: {  	[tilespmem:s21], [sflag:$0x3] =	stream.linear.gather [hbm4b:s19+s4], $0x40, $0x38;
	(v2sf) =	vpush v17, $0xB;
	[tilespmem:$0x10A00] =	vst v63  }
0xe8: {  	s19 =	sand.u32 $0x1FFFFFF0, s7;
	s16 =	sand.u32 $0x1FFFFFF0, s16;
	s7 =	spop (v2sf)  }
0xe9: {  	[tilespmem:s22], [sflag:$0x2] =	stream.strided.gather [hbm4b:s10+s12], $0x0, s26, s12, $0x38;
	(v2sf) =	vpush v16, $0xC;
	[tilespmem:$0x10A00] =	vst v63  }
0xea: {  	s23 =	sadd.s32 s6, s17;
	s21 =	sadd.s32 $0x8500, s15;
	s24 =	spop (v2sf)  }
0xeb: {  	[tilespmem:s22], [sflag:$0x2] =	stream.linear.gather [hbm4b:s10+s4], $0x40, $0x38;
	(v2sf) =	vpush v17, $0xC;
	[tilespmem:$0x10A00] =	vst v63  }
0xec: {  	s17 =	sand.u32 $0x1FFFFFF0, s7;
	s7 =	sand.u32 $0x1FFFFFF0, s24;
	s10 =	spop (v2sf)  }
0xed: {  	[tilespmem:s21], [sflag:$0x3] =	stream.strided.gather [hbm4b:s23+s12], $0x0, s26, s12, $0x38;
	(v2sf) =	vpush v16, $0xD;
	[tilespmem:$0x10A00] =	vst v63  }
0xee: {  	s9 =	sadd.s32 s5, s9;
	s22 =	sadd.s32 $0x540, s15;
	s24 =	spop (v2sf)  }
0xef: {  	[tilespmem:s21], [sflag:$0x3] =	stream.linear.gather [hbm4b:s23+s4], $0x40, $0x38;
	(v2sf) =	vpush v17, $0xD;
	[tilespmem:$0x10A00] =	vst v63  }
0xf0: {  	s10 =	sand.u32 $0x1FFFFFF0, s10;
	s31 =	sand.u32 $0x1FFFFFF0, s24;
	s21 =	spop (v2sf)  }
0xf1: {  	[tilespmem:s22], [sflag:$0x2] =	stream.strided.gather [hbm4b:s9+s12], $0x0, s26, s12, $0x38;
	(v2sf) =	vpush v16, $0xE;
	[tilespmem:$0x10A00] =	vst v63  }
0xf2: {  	s8 =	sadd.s32 s6, s8;
	s23 =	sadd.s32 $0x8540, s15;
	s24 =	spop (v2sf)  }
0xf3: {  	[tilespmem:s22], [sflag:$0x2] =	stream.linear.gather [hbm4b:s9+s4], $0x40, $0x38;
	[tilespmem:$0x10A00] =	vst v63  }
0xf4: {  	s9 =	sand.u32 $0x1FFFFFF0, s21;
	s24 =	sand.u32 $0x1FFFFFF0, s24;
	s21 =	spop (v2sf)  }
0xf5: {  	[tilespmem:s23], [sflag:$0x3] =	stream.strided.gather [hbm4b:s8+s12], $0x0, s26, s12, $0x38;
	(v2sf) =	vpush v17, $0xE;
	[tilespmem:$0x10A00] =	vst v63  }
0xf6: {  	s25 =	sadd.s32 $0x580, s15;
	s20 =	sadd.s32 s5, s20;
	s22 =	spop (v2sf)  }
0xf7: {  	[tilespmem:s23], [sflag:$0x3] =	stream.linear.gather [hbm4b:s8+s4], $0x40, $0x38;
	(v2sf) =	vpush v16, $0xF;
	[tilespmem:$0x10A00] =	vst v63  }
0xf8: {  	s8 =	sand.u32 $0x1FFFFFF0, s21;
	s22 =	sand.u32 $0x1FFFFFF0, s22;
	s21 =	spop (v2sf)  }
0xf9: {  	[tilespmem:s25], [sflag:$0x2] =	stream.strided.gather [hbm4b:s20+s12], $0x0, s26, s12, $0x38;
	(v2sf) =	vpush v17, $0xF;
	[tilespmem:$0x10A00] =	vst v63  }
0xfa: {  	s18 =	sadd.s32 s6, s18;
	s23 =	sadd.s32 $0x8580, s15;
	s1 =	spop (v2sf)  }
0xfb: {  	[tilespmem:s25], [sflag:$0x2] =	stream.linear.gather [hbm4b:s20+s4], $0x40, $0x38;
	[tilespmem:$0x10A00] =	vst v63  }
0xfc: {  	s25 =	sand.u32 $0x1FFFFFF0, s21;
	s21 =	sand.u32 $0x1FFFFFF0, s1;
	s1 =	spop (v2sf)  }
0xfd: {  	[tilespmem:s23], [sflag:$0x3] =	stream.strided.gather [hbm4b:s18+s12], $0x0, s26, s12, $0x38;
	[tilespmem:$0x10A00] =	vst v63  }
0xfe: {  	s2 =	sadd.s32 $0x5C0, s15;
	s19 =	sadd.s32 s5, s19;
	s20 =	spop (v2sf)  }
0xff: {  	[tilespmem:s23], [sflag:$0x3] =	stream.linear.gather [hbm4b:s18+s4], $0x40, $0x38;
	[tilespmem:$0x10A00] =	vst v63  }
0x100: {  	s23 =	sand.u32 $0x1FFFFFF0, s1;
	s20 =	sand.u32 $0x1FFFFFF0, s20;
	s1 =	spop (v2sf)  }
0x101: {  	[tilespmem:s2], [sflag:$0x2] =	stream.strided.gather [hbm4b:s19+s12], $0x0, s26, s12, $0x38;
	[tilespmem:$0x10A00] =	vst v63  }
0x102: {  	s11 =	sadd.s32 $0x85C0, s15;
	s16 =	sadd.s32 s6, s16;
	s18 =	sand.u32 $0x1FFFFFF0, s1  }
0x103: {  	[tilespmem:s2], [sflag:$0x2] =	stream.linear.gather [hbm4b:s19+s4], $0x40, $0x38;
	[tilespmem:$0x10A00] =	vst v63  }
0x104: {  	s19 =	spop (v2sf)  }
0x105: {  	[tilespmem:s11], [sflag:$0x3] =	stream.strided.gather [hbm4b:s16+s12], $0x0, s26, s12, $0x38;
	[tilespmem:$0x10A00] =	vst v63  }
0x106: {  	s1 =	sadd.s32 $0x600, s15;
	s2 =	sadd.s32 s5, s17;
	s17 =	spop (v2sf)  }
0x107: {  	[tilespmem:s11], [sflag:$0x3] =	stream.linear.gather [hbm4b:s16+s4], $0x40, $0x38;
	[tilespmem:$0x10A00] =	vst v63  }
0x108: {  	s17 =	sand.u32 $0x1FFFFFF0, s17;
	s16 =	spop (v2sf)  }
0x109: {  	[tilespmem:s1], [sflag:$0x2] =	stream.strided.gather [hbm4b:s2+s12], $0x0, s26, s12, $0x38;
	[tilespmem:$0x10A00] =	vst v63  }
0x10a: {  	s7 =	sadd.s32 s6, s7;
	s11 =	sadd.s32 $0x8600, s15  }
0x10b: {  	[tilespmem:s1], [sflag:$0x2] =	stream.linear.gather [hbm4b:s2+s4], $0x40, $0x38;
	[tilespmem:$0x10A00] =	vst v63  }
0x10c: {  	_ = 	snop  }
0x10d: {  	[tilespmem:s11], [sflag:$0x3] =	stream.strided.gather [hbm4b:s7+s12], $0x0, s26, s12, $0x38;
	[tilespmem:$0x10A00] =	vst v63  }
0x10e: {  	s1 =	sadd.s32 $0x640, s15;
	s2 =	sadd.s32 s5, s10  }
0x10f: {  	[tilespmem:s11], [sflag:$0x3] =	stream.linear.gather [hbm4b:s7+s4], $0x40, $0x38;
	[tilespmem:$0x10A00] =	vst v63  }
0x110: {  	_ = 	snop  }
0x111: {  	[tilespmem:s1], [sflag:$0x2] =	stream.strided.gather [hbm4b:s2+s12], $0x0, s26, s12, $0x38;
	[tilespmem:$0x10A00] =	vst v63  }
0x112: {  	s10 =	sadd.s32 s6, s31;
	s7 =	sadd.s32 $0x8640, s15  }
0x113: {  	[tilespmem:s1], [sflag:$0x2] =	stream.linear.gather [hbm4b:s2+s4], $0x40, $0x38;
	[tilespmem:$0x10A00] =	vst v63  }
0x114: {  	_ = 	snop  }
0x115: {  	[tilespmem:s7], [sflag:$0x3] =	stream.strided.gather [hbm4b:s10+s12], $0x0, s26, s12, $0x38;
	[tilespmem:$0x10A00] =	vst v63  }
0x116: {  	s1 =	sadd.s32 $0x680, s15;
	s2 =	sadd.s32 s5, s9  }
0x117: {  	[tilespmem:s7], [sflag:$0x3] =	stream.linear.gather [hbm4b:s10+s4], $0x40, $0x38;
	[tilespmem:$0x10A00] =	vst v63  }
0x118: {  	_ = 	snop  }
0x119: {  	[tilespmem:s1], [sflag:$0x2] =	stream.strided.gather [hbm4b:s2+s12], $0x0, s26, s12, $0x38;
	[tilespmem:$0x10A00] =	vst v63  }
0x11a: {  	s9 =	sadd.s32 s6, s24;
	s7 =	sadd.s32 $0x8680, s15  }
0x11b: {  	[tilespmem:s1], [sflag:$0x2] =	stream.linear.gather [hbm4b:s2+s4], $0x40, $0x38;
	[tilespmem:$0x10A00] =	vst v63  }
0x11c: {  	_ = 	snop  }
0x11d: {  	[tilespmem:s7], [sflag:$0x3] =	stream.strided.gather [hbm4b:s9+s12], $0x0, s26, s12, $0x38;
	[tilespmem:$0x10A00] =	vst v63  }
0x11e: {  	s1 =	sadd.s32 $0x6C0, s15;
	s2 =	sadd.s32 s5, s8  }
0x11f: {  	[tilespmem:s7], [sflag:$0x3] =	stream.linear.gather [hbm4b:s9+s4], $0x40, $0x38;
	[tilespmem:$0x10A00] =	vst v63  }
0x120: {  	_ = 	snop  }
0x121: {  	[tilespmem:s1], [sflag:$0x2] =	stream.strided.gather [hbm4b:s2+s12], $0x0, s26, s12, $0x38;
	[tilespmem:$0x10A00] =	vst v63  }
0x122: {  	s8 =	sadd.s32 s6, s22;
	s7 =	sadd.s32 $0x86C0, s15  }
0x123: {  	[tilespmem:s1], [sflag:$0x2] =	stream.linear.gather [hbm4b:s2+s4], $0x40, $0x38;
	[tilespmem:$0x10A00] =	vst v63  }
0x124: {  	_ = 	snop  }
0x125: {  	[tilespmem:s7], [sflag:$0x3] =	stream.strided.gather [hbm4b:s8+s12], $0x0, s26, s12, $0x38;
	[tilespmem:$0x10A00] =	vst v63  }
0x126: {  	s1 =	sadd.s32 $0x700, s15;
	s2 =	sadd.s32 s5, s25  }
0x127: {  	[tilespmem:s7], [sflag:$0x3] =	stream.linear.gather [hbm4b:s8+s4], $0x40, $0x38;
	[tilespmem:$0x10A00] =	vst v63  }
0x128: {  	_ = 	snop  }
0x129: {  	[tilespmem:s1], [sflag:$0x2] =	stream.strided.gather [hbm4b:s2+s12], $0x0, s26, s12, $0x38;
	[tilespmem:$0x10A00] =	vst v63  }
0x12a: {  	s7 =	sadd.s32 $0x8700, s15;
	s8 =	sadd.s32 s6, s21  }
0x12b: {  	[tilespmem:s1], [sflag:$0x2] =	stream.linear.gather [hbm4b:s2+s4], $0x40, $0x38;
	[tilespmem:$0x10A00] =	vst v63  }
0x12c: {  	_ = 	snop  }
0x12d: {  	[tilespmem:s7], [sflag:$0x3] =	stream.strided.gather [hbm4b:s8+s12], $0x0, s26, s12, $0x38;
	[tilespmem:$0x10A00] =	vst v63  }
0x12e: {  	s1 =	sadd.s32 $0x740, s15;
	s2 =	sadd.s32 s5, s23  }
0x12f: {  	[tilespmem:s7], [sflag:$0x3] =	stream.linear.gather [hbm4b:s8+s4], $0x40, $0x38;
	[tilespmem:$0x10A00] =	vst v63  }
0x130: {  	_ = 	snop  }
0x131: {  	[tilespmem:s1], [sflag:$0x2] =	stream.strided.gather [hbm4b:s2+s12], $0x0, s26, s12, $0x38;
	[tilespmem:$0x10A00] =	vst v63  }
0x132: {  	s7 =	sadd.s32 $0x8740, s15;
	s8 =	sadd.s32 s6, s20  }
0x133: {  	[tilespmem:s1], [sflag:$0x2] =	stream.linear.gather [hbm4b:s2+s4], $0x40, $0x38;
	[tilespmem:$0x10A00] =	vst v63  }
0x134: {  	_ = 	snop  }
0x135: {  	[tilespmem:s7], [sflag:$0x3] =	stream.strided.gather [hbm4b:s8+s12], $0x0, s26, s12, $0x38;
	[tilespmem:$0x10A00] =	vst v63  }
0x136: {  	s1 =	sadd.s32 $0x780, s15;
	s2 =	sadd.s32 s5, s18  }
0x137: {  	[tilespmem:s7], [sflag:$0x3] =	stream.linear.gather [hbm4b:s8+s4], $0x40, $0x38;
	[tilespmem:$0x10A00] =	vst v63  }
0x138: {  	s7 =	sand.u32 $0x1FFFFFF0, s19  }
0x139: {  	[tilespmem:s1], [sflag:$0x2] =	stream.strided.gather [hbm4b:s2+s12], $0x0, s26, s12, $0x38;
	[tilespmem:$0x10A00] =	vst v63  }
0x13a: {  	s8 =	sadd.s32 $0x8780, s15;
	s7 =	sadd.s32 s6, s7  }
0x13b: {  	[tilespmem:s1], [sflag:$0x2] =	stream.linear.gather [hbm4b:s2+s4], $0x40, $0x38;
	[tilespmem:$0x10A00] =	vst v63  }
0x13c: {  	_ = 	snop  }
0x13d: {  	[tilespmem:s8], [sflag:$0x3] =	stream.strided.gather [hbm4b:s7+s12], $0x0, s26, s12, $0x38;
	[tilespmem:$0x10A00] =	vst v63  }
0x13e: {  	s1 =	sadd.s32 $0x7C0, s15;
	s2 =	sadd.s32 s5, s17  }
0x13f: {  	[tilespmem:s8], [sflag:$0x3] =	stream.linear.gather [hbm4b:s7+s4], $0x40, $0x38;
	[tilespmem:$0x10A00] =	vst v63  }
0x140: {  	s8 =	sand.u32 $0x1FFFFFF0, s16  }
0x141: {  	[tilespmem:s1], [sflag:$0x2] =	stream.strided.gather [hbm4b:s2+s12], $0x0, s26, s12, $0x38;
	[tilespmem:$0x10A00] =	vst v63  }
.Ltmp0:
0x142: {  	_ = 	snop;
	(pc) =	sbr.rel @p0 .LBB2_2-.Ltmp0, $4  }
0x143: {  	s7 =	sadd.s32 $0x87C0, s15;
	s8 =	sadd.s32 s6, s8  }
0x144: {  	[tilespmem:s1], [sflag:$0x2] =	stream.linear.gather [hbm4b:s2+s4], $0x40, $0x38;
	[tilespmem:$0x10A00] =	vst v63  }
0x145: {  	_ = 	snop  }
0x146: {  	[tilespmem:s7], [sflag:$0x3] =	stream.strided.gather [hbm4b:s8+s12], $0x0, s26, s12, $0x38;
	[tilespmem:$0x10A00] =	vst v63  }
0x147: {  	[tilespmem:s7], [sflag:$0x3] =	stream.linear.gather [hbm4b:s8+s4], $0x40, $0x38;
	[tilespmem:$0x10A00] =	vst v63  }
0x148: {  	_ =	swait.ge [sflag:s28], $0x200  }
0x149: {  	[sflag:s28] =	ssyncset.done $0x0  }
0x14a: {  	[sflag:s28] =	ssyncadd.s32 $0xFFFFFE00  }
0x14b: {  	_ =	swait.ge [sflag:s29], $0x200  }
0x14c: {  	[sflag:s29] =	ssyncset.done $0x0  }
0x14d: {  	[sflag:s29] =	ssyncadd.s32 $0xFFFFFE00  }
0x14e: {  	_ =	swait.ge [sflag:s28], $0x200  }
0x14f: {  	[sflag:s28] =	ssyncset.done $0x0  }
0x150: {  	[sflag:s28] =	ssyncadd.s32 $0xFFFFFE00  }
0x151: {  	_ =	swait.ge [sflag:s29], $0x200  }
0x152: {  	[sflag:s29] =	ssyncset.done $0x0  }
0x153: {  	[sflag:s29] =	ssyncadd.s32 $0xFFFFFE00  }
0x154: {  	_ =	swait.ge [sflag:s28], $0x200  }
0x155: {  	[sflag:s28] =	ssyncset.done $0x0  }
0x156: {  	[sflag:s28] =	ssyncadd.s32 $0xFFFFFE00  }
0x157: {  	_ =	swait.ge [sflag:s29], $0x200  }
0x158: {  	[sflag:s29] =	ssyncset.done $0x0  }
0x159: {  	[sflag:s29] =	ssyncadd.s32 $0xFFFFFE00  }
0x15a: {  	_ =	swait.ge [sflag:s28], $0x200  }
0x15b: {  	[sflag:s28] =	ssyncset.done $0x0  }
0x15c: {  	[sflag:s28] =	ssyncadd.s32 $0xFFFFFE00  }
0x15d: {  	_ =	swait.ge [sflag:s29], $0x200  }
0x15e: {  	[sflag:s29] =	ssyncset.done $0x0  }
0x15f: {  	[sflag:s29] =	ssyncadd.s32 $0xFFFFFE00  }
0x160: {  	_ =	swait.ge [sflag:s28], $0x200  }
0x161: {  	[sflag:s28] =	ssyncset.done $0x0  }
0x162: {  	[sflag:s28] =	ssyncadd.s32 $0xFFFFFE00  }
0x163: {  	_ =	swait.ge [sflag:s29], $0x200  }
0x164: {  	[sflag:s29] =	ssyncset.done $0x0  }
0x165: {  	[sflag:s29] =	ssyncadd.s32 $0xFFFFFE00  }
0x166: {  	_ =	swait.ge [sflag:s28], $0x200  }
0x167: {  	[sflag:s28] =	ssyncset.done $0x0  }
0x168: {  	[sflag:s28] =	ssyncadd.s32 $0xFFFFFE00  }
0x169: {  	_ =	swait.ge [sflag:s29], $0x200  }
0x16a: {  	[sflag:s29] =	ssyncset.done $0x0  }
0x16b: {  	[sflag:s29] =	ssyncadd.s32 $0xFFFFFE00  }
0x16c: {  	_ =	swait.ge [sflag:s28], $0x200  }
0x16d: {  	[sflag:s28] =	ssyncset.done $0x0  }
0x16e: {  	[sflag:s28] =	ssyncadd.s32 $0xFFFFFE00  }
0x16f: {  	_ =	swait.ge [sflag:s29], $0x200  }
0x170: {  	[sflag:s29] =	ssyncset.done $0x0  }
0x171: {  	[sflag:s29] =	ssyncadd.s32 $0xFFFFFE00  }
0x172: {  	_ =	swait.ge [sflag:s28], $0x200  }
0x173: {  	[sflag:s28] =	ssyncset.done $0x0  }
0x174: {  	[sflag:s28] =	ssyncadd.s32 $0xFFFFFE00  }
0x175: {  	_ =	swait.ge [sflag:s29], $0x200  }
0x176: {  	[sflag:s29] =	ssyncset.done $0x0  }
0x177: {  	[sflag:s29] =	ssyncadd.s32 $0xFFFFFE00  }
0x178: {  	_ =	swait.ge [sflag:s28], $0x200  }
0x179: {  	[sflag:s28] =	ssyncset.done $0x0  }
0x17a: {  	[sflag:s28] =	ssyncadd.s32 $0xFFFFFE00  }
0x17b: {  	_ =	swait.ge [sflag:s29], $0x200  }
0x17c: {  	[sflag:s29] =	ssyncset.done $0x0  }
0x17d: {  	[sflag:s29] =	ssyncadd.s32 $0xFFFFFE00  }
0x17e: {  	_ =	swait.ge [sflag:s28], $0x200  }
0x17f: {  	[sflag:s28] =	ssyncset.done $0x0  }
0x180: {  	[sflag:s28] =	ssyncadd.s32 $0xFFFFFE00  }
0x181: {  	_ =	swait.ge [sflag:s29], $0x200  }
0x182: {  	[sflag:s29] =	ssyncset.done $0x0  }
0x183: {  	[sflag:s29] =	ssyncadd.s32 $0xFFFFFE00  }
0x184: {  	_ =	swait.ge [sflag:s28], $0x200  }
0x185: {  	[sflag:s28] =	ssyncset.done $0x0  }
0x186: {  	[sflag:s28] =	ssyncadd.s32 $0xFFFFFE00  }
0x187: {  	_ =	swait.ge [sflag:s29], $0x200  }
0x188: {  	[sflag:s29] =	ssyncset.done $0x0  }
0x189: {  	[sflag:s29] =	ssyncadd.s32 $0xFFFFFE00  }
0x18a: {  	_ =	swait.ge [sflag:s28], $0x200  }
0x18b: {  	[sflag:s28] =	ssyncset.done $0x0  }
0x18c: {  	[sflag:s28] =	ssyncadd.s32 $0xFFFFFE00  }
0x18d: {  	_ =	swait.ge [sflag:s29], $0x200  }
0x18e: {  	[sflag:s29] =	ssyncset.done $0x0  }
0x18f: {  	[sflag:s29] =	ssyncadd.s32 $0xFFFFFE00  }
0x190: {  	_ =	swait.ge [sflag:s28], $0x200  }
0x191: {  	[sflag:s28] =	ssyncset.done $0x0  }
0x192: {  	[sflag:s28] =	ssyncadd.s32 $0xFFFFFE00  }
0x193: {  	_ =	swait.ge [sflag:s29], $0x200  }
0x194: {  	[sflag:s29] =	ssyncset.done $0x0  }
0x195: {  	[sflag:s29] =	ssyncadd.s32 $0xFFFFFE00  }
0x196: {  	_ =	swait.ge [sflag:s28], $0x200  }
0x197: {  	[sflag:s28] =	ssyncset.done $0x0  }
0x198: {  	[sflag:s28] =	ssyncadd.s32 $0xFFFFFE00  }
0x199: {  	_ =	swait.ge [sflag:s29], $0x200  }
0x19a: {  	[sflag:s29] =	ssyncset.done $0x0  }
0x19b: {  	[sflag:s29] =	ssyncadd.s32 $0xFFFFFE00  }
0x19c: {  	_ =	swait.ge [sflag:s28], $0x200  }
0x19d: {  	[sflag:s28] =	ssyncset.done $0x0  }
0x19e: {  	[sflag:s28] =	ssyncadd.s32 $0xFFFFFE00  }
0x19f: {  	_ =	swait.ge [sflag:s29], $0x200  }
0x1a0: {  	[sflag:s29] =	ssyncset.done $0x0  }
0x1a1: {  	[sflag:s29] =	ssyncadd.s32 $0xFFFFFE00  }
0x1a2: {  	_ =	swait.ge [sflag:s28], $0x200  }
0x1a3: {  	[sflag:s28] =	ssyncset.done $0x0  }
0x1a4: {  	[sflag:s28] =	ssyncadd.s32 $0xFFFFFE00  }
0x1a5: {  	_ =	swait.ge [sflag:s29], $0x200  }
0x1a6: {  	[sflag:s29] =	ssyncset.done $0x0  }
0x1a7: {  	[sflag:s29] =	ssyncadd.s32 $0xFFFFFE00  }
0x1a8: {  	_ =	swait.ge [sflag:s28], $0x200  }
0x1a9: {  	[sflag:s28] =	ssyncset.done $0x0  }
0x1aa: {  	[sflag:s28] =	ssyncadd.s32 $0xFFFFFE00  }
0x1ab: {  	_ =	swait.ge [sflag:s29], $0x200  }
0x1ac: {  	[sflag:s29] =	ssyncset.done $0x0  }
0x1ad: {  	[sflag:s29] =	ssyncadd.s32 $0xFFFFFE00  }
0x1ae: {  	_ =	swait.ge [sflag:s28], $0x200  }
0x1af: {  	[sflag:s28] =	ssyncset.done $0x0  }
0x1b0: {  	[sflag:s28] =	ssyncadd.s32 $0xFFFFFE00  }
0x1b1: {  	_ =	swait.ge [sflag:s29], $0x200  }
0x1b2: {  	[sflag:s29] =	ssyncset.done $0x0  }
0x1b3: {  	[sflag:s29] =	ssyncadd.s32 $0xFFFFFE00  }
0x1b4: {  	_ =	swait.ge [sflag:s28], $0x200  }
0x1b5: {  	[sflag:s28] =	ssyncset.done $0x0  }
0x1b6: {  	[sflag:s28] =	ssyncadd.s32 $0xFFFFFE00  }
0x1b7: {  	_ =	swait.ge [sflag:s29], $0x200  }
0x1b8: {  	[sflag:s29] =	ssyncset.done $0x0  }
0x1b9: {  	[sflag:s29] =	ssyncadd.s32 $0xFFFFFE00  }
0x1ba: {  	_ =	swait.ge [sflag:s28], $0x200  }
0x1bb: {  	[sflag:s28] =	ssyncset.done $0x0  }
0x1bc: {  	[sflag:s28] =	ssyncadd.s32 $0xFFFFFE00  }
0x1bd: {  	_ =	swait.ge [sflag:s29], $0x200  }
0x1be: {  	[sflag:s29] =	ssyncset.done $0x0  }
0x1bf: {  	[sflag:s29] =	ssyncadd.s32 $0xFFFFFE00  }
0x1c0: {  	_ =	swait.ge [sflag:s28], $0x200  }
0x1c1: {  	[sflag:s28] =	ssyncset.done $0x0  }
0x1c2: {  	[sflag:s28] =	ssyncadd.s32 $0xFFFFFE00  }
0x1c3: {  	_ =	swait.ge [sflag:s29], $0x200  }
0x1c4: {  	[sflag:s29] =	ssyncset.done $0x0  }
0x1c5: {  	[sflag:s29] =	ssyncadd.s32 $0xFFFFFE00  }
0x1c6: {  	_ =	swait.ge [sflag:s28], $0x200  }
0x1c7: {  	[sflag:s28] =	ssyncset.done $0x0  }
0x1c8: {  	[sflag:s28] =	ssyncadd.s32 $0xFFFFFE00  }
0x1c9: {  	_ =	swait.ge [sflag:s29], $0x200  }
0x1ca: {  	[sflag:s29] =	ssyncset.done $0x0  }
0x1cb: {  	[sflag:s29] =	ssyncadd.s32 $0xFFFFFE00  }
0x1cc: {  	_ =	swait.ge [sflag:s28], $0x200  }
0x1cd: {  	[sflag:s28] =	ssyncset.done $0x0  }
0x1ce: {  	[sflag:s28] =	ssyncadd.s32 $0xFFFFFE00  }
0x1cf: {  	_ =	swait.ge [sflag:s29], $0x200  }
0x1d0: {  	[sflag:s29] =	ssyncset.done $0x0  }
0x1d1: {  	[sflag:s29] =	ssyncadd.s32 $0xFFFFFE00  }
0x1d2: {  	_ =	swait.ge [sflag:s28], $0x200  }
0x1d3: {  	[sflag:s28] =	ssyncset.done $0x0  }
0x1d4: {  	[sflag:s28] =	ssyncadd.s32 $0xFFFFFE00  }
0x1d5: {  	_ =	swait.ge [sflag:s29], $0x200  }
0x1d6: {  	[sflag:s29] =	ssyncset.done $0x0  }
0x1d7: {  	[sflag:s29] =	ssyncadd.s32 $0xFFFFFE00  }
0x1d8: {  	_ =	swait.ge [sflag:s28], $0x200  }
0x1d9: {  	[sflag:s28] =	ssyncset.done $0x0  }
0x1da: {  	[sflag:s28] =	ssyncadd.s32 $0xFFFFFE00  }
0x1db: {  	_ =	swait.ge [sflag:s29], $0x200  }
0x1dc: {  	[sflag:s29] =	ssyncset.done $0x0  }
0x1dd: {  	[sflag:s29] =	ssyncadd.s32 $0xFFFFFE00  }
0x1de: {  	_ =	swait.ge [sflag:s28], $0x200  }
0x1df: {  	[sflag:s28] =	ssyncset.done $0x0  }
0x1e0: {  	[sflag:s28] =	ssyncadd.s32 $0xFFFFFE00  }
0x1e1: {  	_ =	swait.ge [sflag:s29], $0x200  }
0x1e2: {  	[sflag:s29] =	ssyncset.done $0x0  }
0x1e3: {  	[sflag:s29] =	ssyncadd.s32 $0xFFFFFE00  }
0x1e4: {  	_ =	swait.ge [sflag:s28], $0x200  }
0x1e5: {  	[sflag:s28] =	ssyncset.done $0x0  }
0x1e6: {  	[sflag:s28] =	ssyncadd.s32 $0xFFFFFE00  }
0x1e7: {  	_ =	swait.ge [sflag:s29], $0x200  }
0x1e8: {  	[sflag:s29] =	ssyncset.done $0x0  }
0x1e9: {  	[sflag:s29] =	ssyncadd.s32 $0xFFFFFE00  }
0x1ea: {  	_ =	swait.ge [sflag:s28], $0x200  }
0x1eb: {  	[sflag:s28] =	ssyncset.done $0x0  }
0x1ec: {  	[sflag:s28] =	ssyncadd.s32 $0xFFFFFE00  }
0x1ed: {  	_ =	swait.ge [sflag:s29], $0x200  }
0x1ee: {  	[sflag:s29] =	ssyncset.done $0x0  }
0x1ef: {  	[sflag:s29] =	ssyncadd.s32 $0xFFFFFE00  }
0x1f0: {  	_ =	swait.ge [sflag:s28], $0x200  }
0x1f1: {  	[sflag:s28] =	ssyncset.done $0x0  }
0x1f2: {  	[sflag:s28] =	ssyncadd.s32 $0xFFFFFE00  }
0x1f3: {  	_ =	swait.ge [sflag:s29], $0x200  }
0x1f4: {  	[sflag:s29] =	ssyncset.done $0x0  }
0x1f5: {  	[sflag:s29] =	ssyncadd.s32 $0xFFFFFE00  }
0x1f6: {  	_ =	swait.ge [sflag:s28], $0x200  }
0x1f7: {  	[sflag:s28] =	ssyncset.done $0x0  }
0x1f8: {  	[sflag:s28] =	ssyncadd.s32 $0xFFFFFE00  }
0x1f9: {  	_ =	swait.ge [sflag:s29], $0x200  }
0x1fa: {  	[sflag:s29] =	ssyncset.done $0x0  }
0x1fb: {  	[sflag:s29] =	ssyncadd.s32 $0xFFFFFE00  }
0x1fc: {  	_ =	swait.ge [sflag:s28], $0x200  }
0x1fd: {  	[sflag:s28] =	ssyncset.done $0x0  }
0x1fe: {  	[sflag:s28] =	ssyncadd.s32 $0xFFFFFE00  }
0x1ff: {  	_ =	swait.ge [sflag:s29], $0x200  }
0x200: {  	[sflag:s29] =	ssyncset.done $0x0  }
0x201: {  	[sflag:s29] =	ssyncadd.s32 $0xFFFFFE00  }
0x202: {  	_ =	swait.ge [sflag:s28], $0x200  }
0x203: {  	[sflag:s28] =	ssyncset.done $0x0  }
0x204: {  	[sflag:s28] =	ssyncadd.s32 $0xFFFFFE00  }
0x205: {  	_ =	swait.ge [sflag:s29], $0x200  }
0x206: {  	[sflag:s29] =	ssyncset.done $0x0  }
0x207: {  	[sflag:s29] =	ssyncadd.s32 $0xFFFFFE00  }
0x208: {  	_ =	swait.ge [sflag:s28], $0x200  }
0x209: {  	[sflag:s28] =	ssyncset.done $0x0  }
0x20a: {  	[sflag:s28] =	ssyncadd.s32 $0xFFFFFE00  }
0x20b: {  	_ =	swait.ge [sflag:s29], $0x200  }
0x20c: {  	[sflag:s29] =	ssyncset.done $0x0  }
0x20d: {  	[sflag:s29] =	ssyncadd.s32 $0xFFFFFE00  }
0x20e: {  	_ =	swait.ge [sflag:s28], $0x200  }
0x20f: {  	[sflag:s28] =	ssyncset.done $0x0  }
0x210: {  	[sflag:s28] =	ssyncadd.s32 $0xFFFFFE00  }
0x211: {  	_ =	swait.ge [sflag:s29], $0x200  }
0x212: {  	[sflag:s29] =	ssyncset.done $0x0  }
0x213: {  	[sflag:s29] =	ssyncadd.s32 $0xFFFFFE00  }
0x214: {  	_ =	swait.ge [sflag:s28], $0x200  }
0x215: {  	[sflag:s28] =	ssyncset.done $0x0  }
0x216: {  	[sflag:s28] =	ssyncadd.s32 $0xFFFFFE00  }
0x217: {  	_ =	swait.ge [sflag:s29], $0x200  }
0x218: {  	[sflag:s29] =	ssyncset.done $0x0  }
0x219: {  	[sflag:s29] =	ssyncadd.s32 $0xFFFFFE00  }
0x21a: {  	_ =	swait.ge [sflag:s28], $0x200  }
0x21b: {  	[sflag:s28] =	ssyncset.done $0x0  }
0x21c: {  	[sflag:s28] =	ssyncadd.s32 $0xFFFFFE00  }
0x21d: {  	_ =	swait.ge [sflag:s29], $0x200  }
0x21e: {  	[sflag:s29] =	ssyncset.done $0x0  }
0x21f: {  	[sflag:s29] =	ssyncadd.s32 $0xFFFFFE00  }
0x220: {  	_ =	swait.ge [sflag:s28], $0x200  }
0x221: {  	[sflag:s28] =	ssyncset.done $0x0  }
0x222: {  	[sflag:s28] =	ssyncadd.s32 $0xFFFFFE00  }
0x223: {  	_ =	swait.ge [sflag:s29], $0x200  }
0x224: {  	[sflag:s29] =	ssyncset.done $0x0  }
0x225: {  	[sflag:s29] =	ssyncadd.s32 $0xFFFFFE00  }
0x226: {  	_ =	swait.ge [sflag:s28], $0x200  }
0x227: {  	[sflag:s28] =	ssyncset.done $0x0  }
0x228: {  	[sflag:s28] =	ssyncadd.s32 $0xFFFFFE00  }
0x229: {  	_ =	swait.ge [sflag:s29], $0x200  }
0x22a: {  	[sflag:s29] =	ssyncset.done $0x0  }
0x22b: {  	[sflag:s29] =	ssyncadd.s32 $0xFFFFFE00  }
0x22c: {  	_ =	swait.ge [sflag:s28], $0x200  }
0x22d: {  	[sflag:s28] =	ssyncset.done $0x0  }
0x22e: {  	[sflag:s28] =	ssyncadd.s32 $0xFFFFFE00  }
0x22f: {  	_ =	swait.ge [sflag:s29], $0x200  }
0x230: {  	[sflag:s29] =	ssyncset.done $0x0  }
0x231: {  	[sflag:s29] =	ssyncadd.s32 $0xFFFFFE00  }
0x232: {  	_ =	swait.ge [sflag:s28], $0x200  }
0x233: {  	[sflag:s28] =	ssyncset.done $0x0  }
0x234: {  	[sflag:s28] =	ssyncadd.s32 $0xFFFFFE00  }
0x235: {  	_ =	swait.ge [sflag:s29], $0x200  }
0x236: {  	[sflag:s29] =	ssyncset.done $0x0  }
0x237: {  	[sflag:s29] =	ssyncadd.s32 $0xFFFFFE00  }
0x238: {  	_ =	swait.ge [sflag:s28], $0x200  }
0x239: {  	[sflag:s28] =	ssyncset.done $0x0  }
0x23a: {  	[sflag:s28] =	ssyncadd.s32 $0xFFFFFE00  }
0x23b: {  	_ =	swait.ge [sflag:s29], $0x200  }
0x23c: {  	[sflag:s29] =	ssyncset.done $0x0  }
0x23d: {  	[sflag:s29] =	ssyncadd.s32 $0xFFFFFE00  }
0x23e: {  	_ =	swait.ge [sflag:s28], $0x200  }
0x23f: {  	[sflag:s28] =	ssyncset.done $0x0  }
0x240: {  	[sflag:s28] =	ssyncadd.s32 $0xFFFFFE00  }
0x241: {  	_ =	swait.ge [sflag:s29], $0x200  }
0x242: {  	[sflag:s29] =	ssyncset.done $0x0  }
0x243: {  	[sflag:s29] =	ssyncadd.s32 $0xFFFFFE00  }
0x244: {  	_ =	swait.ge [sflag:s28], $0x200  }
0x245: {  	[sflag:s28] =	ssyncset.done $0x0  }
0x246: {  	[sflag:s28] =	ssyncadd.s32 $0xFFFFFE00  }
0x247: {  	_ =	swait.ge [sflag:s29], $0x200  }
0x248: {  	[sflag:s29] =	ssyncset.done $0x0  }
0x249: {  	[sflag:s29] =	ssyncadd.s32 $0xFFFFFE00  }
0x24a: {  	_ =	swait.ge [sflag:s28], $0x200  }
0x24b: {  	[sflag:s28] =	ssyncset.done $0x0  }
0x24c: {  	[sflag:s28] =	ssyncadd.s32 $0xFFFFFE00  }
0x24d: {  	_ =	swait.ge [sflag:s29], $0x200  }
0x24e: {  	[sflag:s29] =	ssyncset.done $0x0  }
0x24f: {  	[sflag:s29] =	ssyncadd.s32 $0xFFFFFE00  }
0x250: {  	_ =	swait.ge [sflag:s28], $0x200  }
0x251: {  	[sflag:s28] =	ssyncset.done $0x0  }
0x252: {  	[sflag:s28] =	ssyncadd.s32 $0xFFFFFE00  }
0x253: {  	_ =	swait.ge [sflag:s29], $0x200  }
0x254: {  	[sflag:s29] =	ssyncset.done $0x0  }
0x255: {  	[sflag:s29] =	ssyncadd.s32 $0xFFFFFE00  }
0x256: {  	_ =	swait.ge [sflag:s28], $0x200  }
0x257: {  	[sflag:s28] =	ssyncset.done $0x0  }
0x258: {  	[sflag:s28] =	ssyncadd.s32 $0xFFFFFE00  }
0x259: {  	_ =	swait.ge [sflag:s29], $0x200  }
0x25a: {  	[sflag:s29] =	ssyncset.done $0x0  }
0x25b: {  	[sflag:s29] =	ssyncadd.s32 $0xFFFFFE00  }
0x25c: {  	_ =	swait.ge [sflag:s28], $0x200  }
0x25d: {  	[sflag:s28] =	ssyncset.done $0x0  }
0x25e: {  	[sflag:s28] =	ssyncadd.s32 $0xFFFFFE00  }
0x25f: {  	_ =	swait.ge [sflag:s29], $0x200  }
0x260: {  	[sflag:s29] =	ssyncset.done $0x0  }
0x261: {  	[sflag:s29] =	ssyncadd.s32 $0xFFFFFE00  }
0x262: {  	_ =	swait.ge [sflag:s28], $0x200  }
0x263: {  	[sflag:s28] =	ssyncset.done $0x0  }
0x264: {  	[sflag:s28] =	ssyncadd.s32 $0xFFFFFE00  }
0x265: {  	_ =	swait.ge [sflag:s29], $0x200  }
0x266: {  	[sflag:s29] =	ssyncset.done $0x0  }
0x267: {  	[sflag:s29] =	ssyncadd.s32 $0xFFFFFE00  }
0x268: {  	_ =	swait.ge [sflag:s28], $0x200  }
0x269: {  	[sflag:s28] =	ssyncset.done $0x0  }
0x26a: {  	[sflag:s28] =	ssyncadd.s32 $0xFFFFFE00  }
0x26b: {  	_ =	swait.ge [sflag:s29], $0x200  }
0x26c: {  	[sflag:s29] =	ssyncset.done $0x0  }
0x26d: {  	[sflag:s29] =	ssyncadd.s32 $0xFFFFFE00  }
0x26e: {  	_ =	swait.ge [sflag:s28], $0x200  }
0x26f: {  	[sflag:s28] =	ssyncset.done $0x0  }
0x270: {  	[sflag:s28] =	ssyncadd.s32 $0xFFFFFE00  }
0x271: {  	_ =	swait.ge [sflag:s29], $0x200  }
0x272: {  	[sflag:s29] =	ssyncset.done $0x0  }
0x273: {  	[sflag:s29] =	ssyncadd.s32 $0xFFFFFE00  }
0x274: {  	_ =	swait.ge [sflag:s28], $0x200  }
0x275: {  	[sflag:s28] =	ssyncset.done $0x0  }
0x276: {  	[sflag:s28] =	ssyncadd.s32 $0xFFFFFE00  }
0x277: {  	_ =	swait.ge [sflag:s29], $0x200  }
0x278: {  	[sflag:s29] =	ssyncset.done $0x0  }
0x279: {  	[sflag:s29] =	ssyncadd.s32 $0xFFFFFE00  }
0x27a: {  	_ =	swait.ge [sflag:s28], $0x200  }
0x27b: {  	[sflag:s28] =	ssyncset.done $0x0  }
0x27c: {  	[sflag:s28] =	ssyncadd.s32 $0xFFFFFE00  }
0x27d: {  	_ =	swait.ge [sflag:s29], $0x200  }
0x27e: {  	[sflag:s29] =	ssyncset.done $0x0  }
0x27f: {  	[sflag:s29] =	ssyncadd.s32 $0xFFFFFE00  }
0x280: {  	_ =	swait.ge [sflag:s28], $0x200  }
0x281: {  	[sflag:s28] =	ssyncset.done $0x0  }
0x282: {  	[sflag:s28] =	ssyncadd.s32 $0xFFFFFE00  }
0x283: {  	_ =	swait.ge [sflag:s29], $0x200  }
0x284: {  	[sflag:s29] =	ssyncset.done $0x0  }
0x285: {  	[sflag:s29] =	ssyncadd.s32 $0xFFFFFE00  }
0x286: {  	_ =	swait.ge [sflag:s28], $0x200  }
0x287: {  	[sflag:s28] =	ssyncset.done $0x0  }
0x288: {  	[sflag:s28] =	ssyncadd.s32 $0xFFFFFE00  }
0x289: {  	_ =	swait.ge [sflag:s29], $0x200  }
0x28a: {  	[sflag:s29] =	ssyncset.done $0x0  }
0x28b: {  	[sflag:s29] =	ssyncadd.s32 $0xFFFFFE00  }
0x28c: {  	_ =	swait.ge [sflag:s28], $0x200  }
0x28d: {  	[sflag:s28] =	ssyncset.done $0x0  }
0x28e: {  	[sflag:s28] =	ssyncadd.s32 $0xFFFFFE00  }
0x28f: {  	_ =	swait.ge [sflag:s29], $0x200  }
0x290: {  	[sflag:s29] =	ssyncset.done $0x0  }
0x291: {  	[sflag:s29] =	ssyncadd.s32 $0xFFFFFE00  }
0x292: {  	_ =	swait.ge [sflag:s28], $0x200  }
0x293: {  	[sflag:s28] =	ssyncset.done $0x0  }
0x294: {  	[sflag:s28] =	ssyncadd.s32 $0xFFFFFE00  }
0x295: {  	_ =	swait.ge [sflag:s29], $0x200  }
0x296: {  	[sflag:s29] =	ssyncset.done $0x0  }
0x297: {  	[sflag:s29] =	ssyncadd.s32 $0xFFFFFE00  }
0x298: {  	_ =	swait.ge [sflag:s28], $0x200  }
0x299: {  	[sflag:s28] =	ssyncset.done $0x0  }
0x29a: {  	[sflag:s28] =	ssyncadd.s32 $0xFFFFFE00  }
0x29b: {  	_ =	swait.ge [sflag:s29], $0x200  }
0x29c: {  	[sflag:s29] =	ssyncset.done $0x0  }
0x29d: {  	[sflag:s29] =	ssyncadd.s32 $0xFFFFFE00  }
0x29e: {  	_ =	swait.ge [sflag:s28], $0x200  }
0x29f: {  	[sflag:s28] =	ssyncset.done $0x0  }
0x2a0: {  	[sflag:s28] =	ssyncadd.s32 $0xFFFFFE00  }
0x2a1: {  	_ =	swait.ge [sflag:s29], $0x200  }
0x2a2: {  	[sflag:s29] =	ssyncset.done $0x0  }
0x2a3: {  	[sflag:s29] =	ssyncadd.s32 $0xFFFFFE00  }
0x2a4: {  	_ =	swait.ge [sflag:s28], $0x200  }
0x2a5: {  	[sflag:s28] =	ssyncset.done $0x0  }
0x2a6: {  	[sflag:s28] =	ssyncadd.s32 $0xFFFFFE00  }
0x2a7: {  	_ =	swait.ge [sflag:s29], $0x200  }
0x2a8: {  	[sflag:s29] =	ssyncset.done $0x0  }
0x2a9: {  	[sflag:s29] =	ssyncadd.s32 $0xFFFFFE00  }
0x2aa: {  	_ =	swait.ge [sflag:s28], $0x200  }
0x2ab: {  	[sflag:s28] =	ssyncset.done $0x0  }
0x2ac: {  	[sflag:s28] =	ssyncadd.s32 $0xFFFFFE00  }
0x2ad: {  	_ =	swait.ge [sflag:s29], $0x200  }
0x2ae: {  	[sflag:s29] =	ssyncset.done $0x0  }
0x2af: {  	[sflag:s29] =	ssyncadd.s32 $0xFFFFFE00  }
0x2b0: {  	_ =	swait.ge [sflag:s28], $0x200  }
0x2b1: {  	[sflag:s28] =	ssyncset.done $0x0  }
0x2b2: {  	[sflag:s28] =	ssyncadd.s32 $0xFFFFFE00  }
0x2b3: {  	_ =	swait.ge [sflag:s29], $0x200  }
0x2b4: {  	[sflag:s29] =	ssyncset.done $0x0  }
0x2b5: {  	[sflag:s29] =	ssyncadd.s32 $0xFFFFFE00  }
0x2b6: {  	_ =	swait.ge [sflag:s28], $0x200  }
0x2b7: {  	[sflag:s28] =	ssyncset.done $0x0  }
0x2b8: {  	[sflag:s28] =	ssyncadd.s32 $0xFFFFFE00  }
0x2b9: {  	_ =	swait.ge [sflag:s29], $0x200  }
0x2ba: {  	[sflag:s29] =	ssyncset.done $0x0  }
0x2bb: {  	[sflag:s29] =	ssyncadd.s32 $0xFFFFFE00  }
0x2bc: {  	_ =	swait.ge [sflag:s28], $0x200  }
0x2bd: {  	[sflag:s28] =	ssyncset.done $0x0  }
0x2be: {  	[sflag:s28] =	ssyncadd.s32 $0xFFFFFE00  }
0x2bf: {  	_ =	swait.ge [sflag:s29], $0x200  }
0x2c0: {  	[sflag:s29] =	ssyncset.done $0x0  }
0x2c1: {  	[sflag:s29] =	ssyncadd.s32 $0xFFFFFE00  }
0x2c2: {  	_ =	swait.ge [sflag:s28], $0x200  }
0x2c3: {  	[sflag:s28] =	ssyncset.done $0x0  }
0x2c4: {  	[sflag:s28] =	ssyncadd.s32 $0xFFFFFE00  }
0x2c5: {  	_ =	swait.ge [sflag:s29], $0x200  }
0x2c6: {  	[sflag:s29] =	ssyncset.done $0x0  }
0x2c7: {  	[sflag:s29] =	ssyncadd.s32 $0xFFFFFE00  }
0x2c8: {  	_ =	swait.ge [sflag:s30], $0x80  }
0x2c9: {  	[sflag:s30] =	ssyncset.done $0x0  }
0x2ca: {  	[sflag:s30] =	ssyncadd.s32 $0xFFFFFF80  }
0x2cb: {  	_ =	swait.ge [sflag:s30], $0x80  }
0x2cc: {  	[sflag:s30] =	ssyncset.done $0x0  }
0x2cd: {  	[sflag:s30] =	ssyncadd.s32 $0xFFFFFF80  }
0x2ce: {  	_ =	swait.ge [sflag:s30], $0x80  }
0x2cf: {  	[sflag:s30] =	ssyncset.done $0x0  }
0x2d0: {  	[sflag:s30] =	ssyncadd.s32 $0xFFFFFF80  }
0x2d1: {  	_ =	swait.ge [sflag:s30], $0x80  }
0x2d2: {  	[sflag:s30] =	ssyncset.done $0x0  }
0x2d3: {  	[sflag:s30] =	ssyncadd.s32 $0xFFFFFF80  }
0x2d4: {  	_ =	swait.ge [sflag:s30], $0x80  }
0x2d5: {  	[sflag:s30] =	ssyncset.done $0x0  }
0x2d6: {  	[sflag:s30] =	ssyncadd.s32 $0xFFFFFF80  }
0x2d7: {  	_ =	swait.ge [sflag:s30], $0x80  }
0x2d8: {  	[sflag:s30] =	ssyncset.done $0x0  }
0x2d9: {  	[sflag:s30] =	ssyncadd.s32 $0xFFFFFF80  }
0x2da: {  	_ =	swait.ge [sflag:s30], $0x80  }
0x2db: {  	[sflag:s30] =	ssyncset.done $0x0  }
0x2dc: {  	[sflag:s30] =	ssyncadd.s32 $0xFFFFFF80  }
0x2dd: {  	_ =	swait.ge [sflag:s30], $0x80  }
0x2de: {  	[sflag:s30] =	ssyncset.done $0x0  }
0x2df: {  	s3 =	simm.s32 $0x0;
	[sflag:s30] =	ssyncadd.s32 $0xFFFFFF80  }
0x2e0: {  	v0 =	vld [tilespmem:s3+$0x10600];
	_ =	sdelay $0x3  }
0x2e1: {  	s14 =	simm.s32 $0x600  }
0x2e2: {  	[tilespmem:$0x1FCD0] =	vst v0;
	v0 =	vld [tilespmem:s14+$0x1D0];
	_ =	sdelay $0x3  }
0x2e3: {  	s13 =	simm.s32 $0x8600  }
0x2e4: {  	[tilespmem:$0x1FD30] =	vst v0;
	v0 =	vld [tilespmem:s13+$0x160];
	_ =	sdelay $0x4  }
0x2e5: {  	[tilespmem:$0x1FD60] =	vst v0;
	v0 =	vld [tilespmem:s14+$0x180];
	_ =	sdelay $0x4  }
0x2e6: {  	[tilespmem:$0x1FCE0] =	vst v0;
	v0 =	vld [tilespmem:s13+$0x180];
	_ =	sdelay $0x4  }
0x2e7: {  	[tilespmem:$0x1FCF0] =	vst v0;
	v0 =	vld [tilespmem:s14+$0x140];
	_ =	sdelay $0x4  }
0x2e8: {  	[tilespmem:$0x1FD40] =	vst v0;
	v0 =	vld [tilespmem:s13+$0x140];
	_ =	sdelay $0x4  }
0x2e9: {  	[tilespmem:$0x1FD50] =	vst v0;
	v0 =	vld [tilespmem:s13+$0xE0];
	_ =	sdelay $0x4  }
0x2ea: {  	[tilespmem:$0x1FDC0] =	vst v0;
	v0 =	vld [tilespmem:s14+$0x100];
	_ =	sdelay $0x4  }
0x2eb: {  	[tilespmem:$0x1FD00] =	vst v0;
	v0 =	vld [tilespmem:s13+$0x100];
	_ =	sdelay $0x4  }
0x2ec: {  	[tilespmem:$0x1FD10] =	vst v0;
	v0 =	vld [tilespmem:s14+$0xC0];
	_ =	sdelay $0x4  }
0x2ed: {  	[tilespmem:$0x1FD70] =	vst v0;
	v0 =	vld [tilespmem:s13+$0xC0];
	_ =	sdelay $0x4  }
0x2ee: {  	[tilespmem:$0x1FD80] =	vst v0;
	v0 =	vld [tilespmem:s14+$0xD0];
	_ =	sdelay $0x4  }
0x2ef: {  	[tilespmem:$0x1FD90] =	vst v0;
	v0 =	vld [tilespmem:s14+$0x60];
	_ =	sdelay $0x4  }
0x2f0: {  	[tilespmem:$0x1FDD0] =	vst v0;
	v0 =	vld [tilespmem:s13+$0x60];
	_ =	sdelay $0x4  }
0x2f1: {  	[tilespmem:$0x1FDE0] =	vst v0;
	v0 =	vld [tilespmem:s13+$0x80];
	_ =	sdelay $0x4  }
0x2f2: {  	[tilespmem:$0x1FD20] =	vst v0;
	v0 =	vld [tilespmem:s14+$0xFFFFFFF0];
	_ =	sdelay $0x4  }
0x2f3: {  	[tilespmem:$0x1FE70] =	vst v0;
	v0 =	vld [tilespmem:s13+$0xFFFFFFF0];
	_ =	sdelay $0x4  }
0x2f4: {  	[tilespmem:$0x1FE80] =	vst v0;
	v0 =	vld [tilespmem:s14+$0x40];
	_ =	sdelay $0x4  }
0x2f5: {  	[tilespmem:$0x1FDA0] =	vst v0;
	v0 =	vld [tilespmem:s13+$0x40];
	_ =	sdelay $0x4  }
0x2f6: {  	[tilespmem:$0x1FDB0] =	vst v0;
	v0 =	vld [tilespmem:s14+$0xFFFFFFE0];
	_ =	sdelay $0x4  }
0x2f7: {  	[tilespmem:$0x1FE10] =	vst v0;
	v0 =	vld [tilespmem:s13+$0xFFFFFFE0];
	_ =	sdelay $0x4  }
0x2f8: {  	[tilespmem:$0x1FE20] =	vst v0;
	v0 =	vld [tilespmem:s14+$0xFFFFFF70];
	_ =	sdelay $0x4  }
0x2f9: {  	[tilespmem:$0x1FEE0] =	vst v0;
	v0 =	vld [tilespmem:s13+$0xFFFFFF70];
	_ =	sdelay $0x4  }
0x2fa: {  	[tilespmem:$0x1FEF0] =	vst v0;
	v0 =	vld [tilespmem:s14+$0xFFFFFFC0];
	_ =	sdelay $0x4  }
0x2fb: {  	[tilespmem:$0x1FDF0] =	vst v0;
	v0 =	vld [tilespmem:s14+$0xFFFFFFD0];
	_ =	sdelay $0x4  }
0x2fc: {  	[tilespmem:$0x1FE00] =	vst v0;
	v0 =	vld [tilespmem:s14+$0xFFFFFF60];
	_ =	sdelay $0x4  }
0x2fd: {  	[tilespmem:$0x1FE90] =	vst v0;
	v0 =	vld [tilespmem:s13+$0xFFFFFF60];
	_ =	sdelay $0x4  }
0x2fe: {  	[tilespmem:$0x1FEA0] =	vst v0;
	v0 =	vld [tilespmem:s14+$0xFFFFFF40];
	_ =	sdelay $0x2  }
0x2ff: {  	v29 =	vld [tilespmem:s3+$0x10400]  }
0x300: {  	v2 =	vld [tilespmem:s14+$0x1F0]  }
0x301: {  	[tilespmem:$0x1FE30] =	vst v0;
	v0 =	vld [tilespmem:s13+$0xFFFFFF40]  }
0x302: {  	v4 =	vld [tilespmem:s13+$0x1F0]  }
0x303: {  	v3 =	vld [tilespmem:s14+$0x1E0]  }
0x304: {  	v9 =	vld [tilespmem:s13+$0x1E0]  }
0x305: {  	v39 =	vld [tilespmem:s14+$0x170]  }
0x306: {  	[tilespmem:$0x1FE40] =	vst v0;
	v0 =	vld [tilespmem:s14+$0xFFFFFF50]  }
0x307: {  	v53 =	vld [tilespmem:s13+$0x170]  }
0x308: {  	v1 =	vld [tilespmem:s14+$0x1C0]  }
0x309: {  	v63 =	vld [tilespmem:s13+$0x1C0]  }
0x30a: {  	v47 =	vld [tilespmem:s13+$0x1D0]  }
0x30b: {  	[tilespmem:$0x1FE50] =	vst v0;
	v0 =	vld [tilespmem:s13+$0xFFFFFF50]  }
0x30c: {  	v17 =	vld [tilespmem:s14+$0x130]  }
0x30d: {  	v23 =	vld [tilespmem:s13+$0x130]  }
0x30e: {  	v55 =	vld [tilespmem:s14+$0x160]  }
0x30f: {  	v57 =	vld [tilespmem:s14+$0xF0]  }
0x310: {  	[tilespmem:$0x1FE60] =	vst v0;
	v0 =	vld [tilespmem:$0x1FD30]  }
0x311: {  	v58 =	vld [tilespmem:s13+$0xF0]  }
0x312: {  	v50 =	vld [tilespmem:s14+$0x150]  }
0x313: {  	v48 =	vld [tilespmem:s13+$0x150]  }
0x314: {  	v16 =	vld [tilespmem:s14+$0xB0]  }
0x315: {  	v24 =	vld [tilespmem:s13+$0xB0];
	v1 =	vmul.f32 v63, v1;
	v0 =	vmul.f32 v47, v0  }
0x316: {  	v60 =	vld [tilespmem:s14+$0xE0]  }
0x317: {  	v0 =	vadd.f32 v0, v1;
	v1 =	vmul.f32 v9, v3;
	v3 =	vld [tilespmem:s13+$0xFFFFFEC0]  }
0x318: {  	v59 =	vld [tilespmem:s14+$0x70]  }
0x319: {  	v61 =	vld [tilespmem:s13+$0x70]  }
0x31a: {  	v54 =	vld [tilespmem:s13+$0xD0]  }
0x31b: {  	v26 =	vld [tilespmem:s14+$0x30]  }
0x31c: {  	[tilespmem:$0x1FEC0] =	vst v3;
	v3 =	vld [tilespmem:s14+$0xFFFFFED0]  }
0x31d: {  	v27 =	vld [tilespmem:s13+$0x30]  }
0x31e: {  	v28 =	vld [tilespmem:s14+$0x80]  }
0x31f: {  	v52 =	vld [tilespmem:s14+$0x50]  }
0x320: {  	v51 =	vld [tilespmem:s13+$0x50]  }
0x321: {  	[tilespmem:$0x1FED0] =	vst v3;
	v3 =	vadd.f32 v1, v0;
	v0 =	vld [tilespmem:$0x1FD40]  }
0x322: {  	v1 =	vmul.f32 v4, v2;
	v2 =	vld [tilespmem:$0x1FD50]  }
0x323: {  	v25 =	vld [tilespmem:s14+$0xFFFFFFB0]  }
0x324: {  	v31 =	vld [tilespmem:s13+$0xFFFFFFB0]  }
0x325: {  	v33 =	vld [tilespmem:s14+$0x0]  }
0x326: {  	v34 =	vld [tilespmem:s13+$0x0]  }
0x327: {  	v4 =	vld [tilespmem:$0x1FD60];
	v2 =	vmul.f32 v2, v0;
	v0 =	vmul.f32 v48, v50  }
0x328: {  	v1 =	vadd.f32 v1, v3;
	v3 =	vld [tilespmem:$0x1FD80]  }
0x329: {  	v2 =	vadd.f32 v0, v2;
	v0 =	vld [tilespmem:$0x1FD70]  }
0x32a: {  	v62 =	vld [tilespmem:s13+$0xFFFFFFC0]  }
0x32b: {  	v56 =	vld [tilespmem:s13+$0xFFFFFFD0]  }
0x32c: {  	v32 =	vld [tilespmem:s14+$0xFFFFFF30]  }
0x32d: {  	v35 =	vld [tilespmem:s13+$0xFFFFFF30]  }
0x32e: {  	v9 =	vmul.f32 v4, v55;
	v4 =	vmul.f32 v3, v0;
	v0 =	vld [tilespmem:$0x1FD90]  }
0x32f: {  	v37 =	vld [tilespmem:s14+$0xFFFFFF80]  }
0x330: {  	v38 =	vld [tilespmem:s13+$0xFFFFFF80]  }
0x331: {  	v43 =	vld [tilespmem:s14+$0xFFFFFEF0]  }
0x332: {  	(xrf2) =	vadd.scan.msk.f32 $0xffff, v1;
	v1 =	vld [tilespmem:$0x1FDB0]  }
0x333: {  	v3 =	vmul.f32 v54, v0;
	v0 =	vld [tilespmem:$0x1FDA0]  }
0x334: {  	v44 =	vld [tilespmem:s13+$0xFFFFFEF0]  }
0x335: {  	v30 =	vld [tilespmem:s14+$0xFFFFFEB0]  }
0x336: {  	v36 =	vadd.f32 v3, v4;
	v3 =	vld [tilespmem:$0x1FDC0]  }
0x337: {  	v40 =	vld [tilespmem:s13+$0xFFFFFEB0]  }
0x338: {  	v46 =	vld [tilespmem:s14+$0xFFFFFEE0];
	v52 =	vmul.f32 v51, v52;
	v1 =	vmul.f32 v1, v0  }
0x339: {  	v49 =	vld [tilespmem:s13+$0xFFFFFEE0]  }
0x33a: {  	v2 =	vadd.f32 v9, v2;
	v9 =	vmul.f32 v53, v39;
	v39 =	vadd.f32 v52, v1;
	v1 =	vld [tilespmem:$0x1FDD0]  }
0x33b: {  	v4 =	vmul.f32 v3, v60;
	v3 =	vld [tilespmem:$0x1FDE0]  }
0x33c: {  	v41 =	vld [tilespmem:s14+$0xFFFFFF00]  }
0x33d: {  	v42 =	vld [tilespmem:s13+$0xFFFFFF00]  }
0x33e: {  	v45 =	vld [tilespmem:s14+$0xFFFFFE70]  }
0x33f: {  	v14 =	vld [tilespmem:s14+$0xFFFFFEC0]  }
0x340: {  	v3 =	vmul.f32 v3, v1;
	v1 =	vld [tilespmem:$0x1FDF0]  }
0x341: {  	v63 =	vld [tilespmem:s13+$0xFFFFFED0]  }
0x342: {  	v51 =	vld [tilespmem:s14+$0xFFFFFE80]  }
0x343: {  	v7 =	vmul.f32 v58, v57;
	v57 =	vld [tilespmem:s14+$0xFFFFFE00]  }
0x344: {  	v12 =	vld [tilespmem:$0x1FE20]  }
0x345: {  	v62 =	vmul.f32 v62, v1;
	v1 =	vld [tilespmem:$0x1FE00]  }
0x346: {  	v13 =	vld [tilespmem:$0x1FE40]  }
0x347: {  	v58 =	vadd.f32 v3, v39;
	v3 =	vld [tilespmem:$0x1FE10]  }
0x348: {  	v6 =	vld [tilespmem:$0x1FE60]  }
0x349: {  	v47 =	vld [tilespmem:s13+$0xFFFFFE70]  }
0x34a: {  	v48 =	vld [tilespmem:s14+$0xFFFFFE30];
	v4 =	vadd.f32 v4, v36;
	v56 =	vmul.f32 v56, v1  }
0x34b: {  	v50 =	vld [tilespmem:s13+$0xFFFFFE30];
	v60 =	vadd.f32 v9, v2;
	v9 =	vmul.f32 v61, v59  }
0x34c: {  	v59 =	vadd.f32 v7, v4;
	v4 =	vld [tilespmem:$0x1FE30];
	v3 =	vmul.f32 v12, v3;
	v62 =	vadd.f32 v56, v62  }
0x34d: {  	v7 =	vld [tilespmem:$0x1FE80]  }
0x34e: {  	v61 =	vadd.f32 v3, v62;
	v3 =	vld [tilespmem:$0x1FE70]  }
0x34f: {  	v55 =	vld [tilespmem:s13+$0xFFFFFE00]  }
0x350: {  	v53 =	vld [tilespmem:s14+$0xFFFFFE50]  }
0x351: {  	[tilespmem:$0x1FEB0] =	vst v14;
	v14 =	vmul.f32 v13, v4;
	v4 =	vld [tilespmem:$0x1FE50]  }
0x352: {  	v13 =	vld [tilespmem:$0x1FEA0]  }
0x353: {  	v12 =	vmul.f32 v7, v3;
	v3 =	vld [tilespmem:$0x1FE90]  }
0x354: {  	v54 =	vld [tilespmem:s14+$0xFFFFFE60];
	(xrf2) =	vadd.scan.msk.f32 $0xffff, v60  }
0x355: {  	(xrf2) =	vadd.scan.msk.f32 $0xffff, v59;
	v59 =	vld [tilespmem:$0x1FED0]  }
0x356: {  	v0 =	vld [tilespmem:s13+$0xFFFFFE60];
	v4 =	vmul.f32 v6, v4  }
0x357: {  	v52 =	vld [tilespmem:s13+$0xFFFFFE80]  }
0x358: {  	v36 =	vld [tilespmem:$0x1FEC0];
	v4 =	vadd.f32 v4, v14;
	v3 =	vmul.f32 v13, v3  }
0x359: {  	v14 =	vld [tilespmem:$0x1FEB0]  }
0x35a: {  	v63 =	vmul.f32 v63, v59;
	v59 =	vadd.f32 v12, v61;
	v61 =	vadd.f32 v3, v4;
	v3 =	vld [tilespmem:$0x1FEE0]  }
0x35b: {  	v4 =	vld [tilespmem:$0x1FEF0]  }
0x35c: {  	v2 =	vld [tilespmem:s13+$0xFFFFFE40];
	v9 =	vadd.f32 v9, v58  }
0x35d: {  	v60 =	vld [tilespmem:s13+$0xFFFFFE10]  }
0x35e: {  	v58 =	vld [tilespmem:s14+$0xFFFFFE10]  }
0x35f: {  	v1 =	vld [tilespmem:s14+$0xFFFFFE40]  }
0x360: {  	s15 =	simm.s32 $0x40;
	(xrf2) =	vadd.scan.msk.f32 $0xffff, v9;
	v9, _, _ =	vpop (xrf2);
	v56 =	vld [tilespmem:s13+$0xFFFFFE50];
	v62 =	vmul.f32 v36, v14;
	v3 =	vmul.f32 v4, v3  }
.LBB2_4:
0x361: {  	_ =	sdelay $0x2  }
0x362: {  	v4 =	vld [tilespmem:s14+$0xFFFFFE20]  }
0x363: {  	v36 =	vld [tilespmem:s13+$0xFFFFFE20];
	v1 =	vmul.f32 v2, v1;
	v2 =	vmul.f32 v56, v53  }
0x364: {  	v39 =	vld [tilespmem:s14+$0xFFFFFE90];
	v62 =	vadd.f32 v63, v62;
	v3 =	vadd.f32 v3, v61;
	v49 =	vmul.f32 v49, v46  }
0x365: {  	(xrf2) =	vadd.scan.msk.f32 $0xffff, v59;
	v5 =	vmul.f32 v44, v43;
	v0 =	vmul.f32 v0, v54;
	v1 =	vadd.f32 v2, v1;
	v2 =	vld [tilespmem:s13+$0xFFFFFE90]  }
0x366: {  	v46, _, _ =	vpop (xrf2);
	(xrf2) =	vadd.scan.msk.f32 $0xffff, v3;
	v3 =	vmul.f32 v55, v57;
	v6 =	vmul.f32 v60, v58;
	v57 =	vld [tilespmem:s14+$0xFFFFFEA0]  }
0x367: {  	v60 =	vld [tilespmem:s13+$0xFFFFFEA0];
	v49 =	vadd.f32 v49, v62;
	v0 =	vadd.f32 v0, v1;
	v1 =	vmul.f32 v47, v45  }
0x368: {  	v61 =	vld [tilespmem:s14+$0xFFFFFF10];
	v4 =	vmul.f32 v36, v4;
	v3 =	vadd.f32 v6, v3  }
0x369: {  	v48 =	vmul.f32 v50, v48;
	v49 =	vadd.f32 v5, v49;
	v0 =	vadd.f32 v1, v0;
	v1 =	vld [tilespmem:s13+$0xFFFFFF10]  }
0x36a: {  	v12 =	vld [tilespmem:s13+$0xFFFFFF20];
	v3 =	vadd.f32 v4, v3;
	v4 =	vmul.f32 v52, v51;
	v2 =	vmul.f32 v2, v39  }
0x36b: {  	v63 =	vld [tilespmem:s14+$0xFFFFFF20];
	v58, _, _ =	vpop (xrf2);
	(xrf2) =	vadd.scan.msk.f32 $0xffff, v49  }
0x36c: {  	v14 =	vld [tilespmem:s13+$0xFFFFFF90];
	v62, _, _ =	vpop (xrf2);
	(xrf2) =	vadd.scan.msk.f32 $0xffff, v0;
	v0 =	vadd.f32 v48, v3;
	v3 =	vmul.f32 v60, v57;
	v2 =	vadd.f32 v2, v4  }
0x36d: {  	v4 =	vld [tilespmem:s14+$0xFFFFFF90]  }
0x36e: {  	v47 =	vld [tilespmem:s14+$0xFFFFFFA0];
	v2 =	vadd.f32 v3, v2;
	v3 =	vmul.f32 v42, v41;
	v1 =	vmul.f32 v1, v61  }
0x36f: {  	v13, _, _ =	vpop (xrf2);
	(xrf2) =	vadd.scan.msk.f32 $0xffff, v0;
	v0 =	vld [tilespmem:s13+$0xFFFFFFA0]  }
0x370: {  	v1 =	vadd.f32 v1, v3;
	v3 =	vmul.f32 v12, v63  }
0x371: {  	v36 =	vld [tilespmem:s13+$0x10];
	v39 =	vmul.f32 v40, v30  }
0x372: {  	v49 =	vld [tilespmem:s14+$0x10];
	v4 =	vmul.f32 v14, v4;
	v1 =	vadd.f32 v3, v1;
	v3 =	vmul.f32 v38, v37  }
0x373: {  	v50 =	vld [tilespmem:s14+$0x20];
	v5 =	vadd.f32 v39, v2  }
0x374: {  	v51 =	vld [tilespmem:s13+$0x20];
	v0 =	vmul.f32 v0, v47;
	v3 =	vadd.f32 v4, v3  }
0x375: {  	v48, _, _ =	vpop (xrf2);
	(xrf2) =	vadd.scan.msk.f32 $0xffff, v5  }
0x376: {  	v35 =	vmul.f32 v35, v32;
	v5 =	vmul.f32 v31, v25;
	v0 =	vadd.f32 v0, v3  }
0x377: {  	v55 =	vld [tilespmem:s14+$0xA0];
	v54 =	vmul.f32 v36, v49;
	v3 =	vmul.f32 v34, v33  }
0x378: {  	v1 =	vadd.f32 v35, v1;
	v0 =	vadd.f32 v5, v0;
	v5 =	vld [tilespmem:$0x1FD20]  }
0x379: {  	v22 =	vmul.f32 v23, v17;
	v52 =	vld [tilespmem:s13+$0x90];
	v23 =	vmul.f32 v51, v50;
	v2, _, _ =	vpop (xrf2);
	v3 =	vadd.f32 v54, v3  }
0x37a: {  	v4 =	vld [tilespmem:s14+$0x90];
	v53, _, _ =	vpop (xrf2);
	(xrf2) =	vadd.scan.msk.f32 $0xffff, v1  }
0x37b: {  	v56 =	vmul.f32 v27, v26;
	v31, _, _ =	vpop (xrf2);
	v3 =	vadd.f32 v23, v3;
	(xrf2) =	vadd.scan.msk.f32 $0xffff, v0;
	v0 =	vld [tilespmem:$0x1FCD0]  }
0x37c: {  	v1 =	vld [tilespmem:s13+$0xA0]  }
0x37d: {  	v3 =	vadd.f32 v56, v3;
	v23 =	vmul.f32 v5, v28;
	v5 =	vld [tilespmem:$0x1FF10]  }
0x37e: {  	v31 =	vbroadcast v31, $0xF  }
0x37f: {  	v4 =	vmul.f32 v52, v4;
	v26, _, _ =	vpop (xrf2);
	(xrf2) =	vadd.scan.msk.f32 $0xffff, v3;
	v3 =	vld [tilespmem:$0x1FF20]  }
0x380: {  	v19 =	vbroadcast v53, $0xF;
	v18 =	vmul.f32 v21, v31;
	v0 =	vadd.f32 v0, v29  }
0x381: {  	v1 =	vmul.f32 v1, v55;
	v4 =	vadd.f32 v4, v23  }
0x382: {  	v0 =	vadd.f32 v18, v0;
	v18 =	vmul.f32 v5, v19;
	v19 =	vbroadcast v26, $0xF  }
0x383: {  	v24 =	vmul.f32 v24, v16  }
0x384: {  	v1 =	vadd.f32 v1, v4;
	v0 =	vadd.f32 v18, v0;
	v3 =	vmul.f32 v3, v19;
	_ =	sdelay $0x1  }
0x385: {  	v1 =	vadd.f32 v24, v1;
	v0 =	vadd.f32 v3, v0;
	v3 =	vld [tilespmem:$0x1FF30];
	_ =	sdelay $0x1  }
0x386: {  	v24, _, _ =	vpop (xrf2);
	(xrf2) =	vadd.scan.msk.f32 $0xffff, v1;
	v1 =	vld [tilespmem:$0x1FF40]  }
0x387: {  	v2 =	vbroadcast v2, $0xF;
	_ =	sdelay $0x1  }
0x388: {  	v2 =	vmul.f32 v3, v2;
	v3 =	vbroadcast v24, $0xF;
	_ =	sdelay $0x1  }
0x389: {  	v0 =	vadd.f32 v2, v0;
	v1 =	vmul.f32 v1, v3;
	_ =	sdelay $0x1  }
0x38a: {  	v0 =	vadd.f32 v1, v0;
	v1 =	vld [tilespmem:$0x1FF50];
	_ =	sdelay $0x1  }
0x38b: {  	v27 =	vld [tilespmem:s13+$0x110]  }
0x38c: {  	v57 =	vld [tilespmem:$0x1FCF0];
	v2 =	vbroadcast v48, $0xF  }
0x38d: {  	v25 =	vld [tilespmem:s14+$0x110]  }
0x38e: {  	v4 =	vld [tilespmem:$0x1FD00];
	v1 =	vmul.f32 v1, v2  }
0x38f: {  	v5 =	vld [tilespmem:$0x1FD10]  }
0x390: {  	v0 =	vadd.f32 v1, v0;
	v1 =	vld [tilespmem:$0x1FF60]  }
0x391: {  	v28 =	vld [tilespmem:s14+$0x120]  }
0x392: {  	v29 =	vld [tilespmem:s13+$0x120];
	v17, _, _ =	vpop (xrf2)  }
0x393: {  	v23 =	vld [tilespmem:s14+$0x190];
	v2 =	vbroadcast v17, $0xF  }
0x394: {  	v4 =	vmul.f32 v5, v4;
	v5 =	vld [tilespmem:$0x1FCE0]  }
0x395: {  	v26 =	vld [tilespmem:s13+$0x190];
	v1 =	vmul.f32 v1, v2  }
0x396: {  	v20 =	vmul.f32 v27, v25  }
0x397: {  	v0 =	vadd.f32 v1, v0;
	v1 =	vld [tilespmem:$0x1FF70]  }
0x398: {  	v21 =	vld [tilespmem:s14+$0x1A0];
	v19 =	vmul.f32 v29, v28;
	v4 =	vadd.f32 v20, v4  }
0x399: {  	v18 =	vld [tilespmem:s13+$0x1A0];
	v16 =	vmul.f32 v57, v5  }
0x39a: {  	v4 =	vadd.f32 v19, v4;
	v5 =	vmul.f32 v26, v23;
	v2 =	vbroadcast v13, $0xF;
	_ =	sdelay $0x1  }
0x39b: {  	v3 =	vadd.f32 v22, v4;
	v4 =	vadd.f32 v5, v16;
	v1 =	vmul.f32 v1, v2;
	_ =	sdelay $0x1  }
0x39c: {  	v16 =	vmul.f32 v18, v21;
	v0 =	vadd.f32 v1, v0;
	v1 =	vld [tilespmem:$0x1FF80];
	_ =	sdelay $0x1  }
0x39d: {  	v5 =	vadd.f32 v16, v4;
	v4, _, _ =	vpop (xrf2)  }
0x39e: {  	v2 =	vbroadcast v4, $0xF  }
0x39f: {  	v20 =	vld [tilespmem:s14+$0x1B0]  }
0x3a0: {  	v24 =	vld [tilespmem:s13+$0x1B0];
	v1 =	vmul.f32 v1, v2;
	_ =	sdelay $0x1  }
0x3a1: {  	v0 =	vadd.f32 v1, v0;
	v1 =	vld [tilespmem:$0x1FF90];
	_ =	sdelay $0x2  }
0x3a2: {  	v16 =	vmul.f32 v24, v20;
	v2 =	vbroadcast v62, $0xF;
	_ =	sdelay $0x1  }
0x3a3: {  	(xrf2) =	vadd.scan.msk.f32 $0xffff, v3;
	v3 =	vadd.f32 v16, v5;
	v1 =	vmul.f32 v1, v2;
	_ =	sdelay $0x1  }
0x3a4: {  	v0 =	vadd.f32 v1, v0;
	v1 =	vld [tilespmem:$0x1FFA0];
	_ =	sdelay $0x1  }
0x3a5: {  	(xrf2) =	vadd.scan.msk.f32 $0xffff, v3;
	v3, _, _ =	vpop (xrf2)  }
0x3a6: {  	v2 =	vbroadcast v3, $0xF;
	_ =	sdelay $0x1  }
0x3a7: {  	v1 =	vmul.f32 v1, v2;
	_ =	sdelay $0x1  }
0x3a8: {  	v0 =	vadd.f32 v1, v0;
	v1 =	vld [tilespmem:$0x1FFB0];
	_ =	sdelay $0x2  }
0x3a9: {  	v2 =	vbroadcast v58, $0xF;
	_ =	sdelay $0x1  }
0x3aa: {  	v1 =	vmul.f32 v1, v2;
	_ =	sdelay $0x1  }
0x3ab: {  	v0 =	vadd.f32 v1, v0;
	v1 =	vld [tilespmem:$0x1FFC0];
	_ =	sdelay $0x1  }
0x3ac: {  	v3, _, _ =	vpop (xrf2)  }
0x3ad: {  	v2 =	vbroadcast v3, $0xF;
	_ =	sdelay $0x1  }
0x3ae: {  	v1 =	vmul.f32 v1, v2;
	_ =	sdelay $0x1  }
0x3af: {  	v0 =	vadd.f32 v1, v0;
	v1 =	vld [tilespmem:$0x1FFD0];
	_ =	sdelay $0x2  }
0x3b0: {  	v2 =	vbroadcast v46, $0xF;
	_ =	sdelay $0x1  }
0x3b1: {  	v1 =	vmul.f32 v1, v2;
	_ =	sdelay $0x1  }
0x3b2: {  	v0 =	vadd.f32 v1, v0;
	v1 =	vld [tilespmem:$0x1FFE0];
	_ =	sdelay $0x1  }
0x3b3: {  	v3, _, _ =	vpop (xrf2)  }
0x3b4: {  	v2 =	vbroadcast v3, $0xF;
	_ =	sdelay $0x1  }
0x3b5: {  	v1 =	vmul.f32 v1, v2;
	_ =	sdelay $0x1  }
0x3b6: {  	v0 =	vadd.f32 v1, v0;
	v1 =	vld [tilespmem:$0x1FFF0];
	_ =	sdelay $0x2  }
0x3b7: {  	v2 =	vbroadcast v9, $0xF;
	_ =	sdelay $0x1  }
0x3b8: {  	v1 =	vmul.f32 v1, v2  }
0x3b9: {  	s1 =	sshra.s32 s15, $0x2  }
0x3ba: {  	v0 =	vadd.f32 v1, v0;
	v1 =	vld [tilespmem:s1+$0x10400];
	_ =	sdelay $0x4  }
0x3bb: {  	[tilespmem:$0x1FCA0] =	vst v1  }
0x3bc: {  	s14 =	sadd.s32 $0x400, s14;
	v1 =	vld [tilespmem:s1+$0x10600];
	[tilespmem:s3+$0x10800] =	vst v0  }
0x3bd: {  	s13 =	sadd.s32 $0x400, s13;
	v48 =	vld [tilespmem:s14+$0x1F0]  }
0x3be: {  	v50 =	vld [tilespmem:s13+$0x1F0]  }
0x3bf: {  	v54 =	vld [tilespmem:s14+$0x1E0]  }
0x3c0: {  	v32 =	vld [tilespmem:s13+$0x1E0]  }
0x3c1: {  	v0 =	vld [tilespmem:s14+$0x170]  }
0x3c2: {  	v47 =	vld [tilespmem:s14+$0x1C0]  }
0x3c3: {  	v62 =	vld [tilespmem:s13+$0x1C0]  }
0x3c4: {  	v63 =	vld [tilespmem:s14+$0x1D0]  }
0x3c5: {  	v58 =	vld [tilespmem:s14+$0x160]  }
0x3c6: {  	v59 =	vld [tilespmem:s13+$0x160]  }
0x3c7: {  	v52 =	vld [tilespmem:s13+$0xF0]  }
0x3c8: {  	v5 =	vld [tilespmem:s14+$0x140]  }
0x3c9: {  	v6 =	vld [tilespmem:s13+$0x140]  }
0x3ca: {  	v7 =	vld [tilespmem:s14+$0x150]  }
0x3cb: {  	v8 =	vld [tilespmem:s13+$0x150]  }
0x3cc: {  	v51 =	vld [tilespmem:s14+$0xB0]  }
0x3cd: {  	v2 =	vld [tilespmem:s13+$0xE0]  }
0x3ce: {  	v3 =	vld [tilespmem:s14+$0x100]  }
0x3cf: {  	v56 =	vld [tilespmem:s14+$0x70]  }
0x3d0: {  	v53 =	vld [tilespmem:s13+$0x70]  }
0x3d1: {  	v9 =	vld [tilespmem:s14+$0xC0]  }
0x3d2: {  	v10 =	vld [tilespmem:s13+$0xC0]  }
0x3d3: {  	v11 =	vld [tilespmem:s14+$0xD0]  }
0x3d4: {  	v12 =	vld [tilespmem:s13+$0xD0]  }
0x3d5: {  	v57 =	vld [tilespmem:s13+$0x30]  }
0x3d6: {  	v13 =	vld [tilespmem:s14+$0x60]  }
0x3d7: {  	v14 =	vld [tilespmem:s13+$0x60]  }
0x3d8: {  	v55 =	vld [tilespmem:s14+$0x80]  }
0x3d9: {  	v60 =	vld [tilespmem:s14+$0xFFFFFFF0]  }
0x3da: {  	v61 =	vld [tilespmem:s13+$0xFFFFFFF0]  }
0x3db: {  	v15 =	vld [tilespmem:s14+$0x40]  }
0x3dc: {  	v16 =	vld [tilespmem:s13+$0x40]  }
0x3dd: {  	v17 =	vld [tilespmem:s14+$0x50]  }
0x3de: {  	v18 =	vld [tilespmem:s13+$0x50]  }
0x3df: {  	v36 =	vld [tilespmem:s14+$0xFFFFFFB0]  }
0x3e0: {  	v19 =	vld [tilespmem:s14+$0xFFFFFFE0]  }
0x3e1: {  	v20 =	vld [tilespmem:s13+$0xFFFFFFE0]  }
0x3e2: {  	v33 =	vld [tilespmem:s14+$0x0]  }
0x3e3: {  	v34 =	vld [tilespmem:s13+$0x0]  }
0x3e4: {  	v4 =	vld [tilespmem:s14+$0xFFFFFF70]  }
0x3e5: {  	v21 =	vld [tilespmem:s14+$0xFFFFFFC0]  }
0x3e6: {  	v22 =	vld [tilespmem:s13+$0xFFFFFFC0]  }
0x3e7: {  	v23 =	vld [tilespmem:s14+$0xFFFFFFD0]  }
0x3e8: {  	v24 =	vld [tilespmem:s13+$0xFFFFFFD0]  }
0x3e9: {  	v39 =	vld [tilespmem:s14+$0xFFFFFF30]  }
0x3ea: {  	v35 =	vld [tilespmem:s13+$0xFFFFFF30]  }
0x3eb: {  	v25 =	vld [tilespmem:s14+$0xFFFFFF60]  }
0x3ec: {  	v26 =	vld [tilespmem:s13+$0xFFFFFF60]  }
0x3ed: {  	v37 =	vld [tilespmem:s14+$0xFFFFFF80]  }
0x3ee: {  	v38 =	vld [tilespmem:s13+$0xFFFFFF80]  }
0x3ef: {  	v43 =	vld [tilespmem:s14+$0xFFFFFEF0]  }
0x3f0: {  	v44 =	vld [tilespmem:s13+$0xFFFFFEF0]  }
0x3f1: {  	v27 =	vld [tilespmem:s14+$0xFFFFFF40]  }
0x3f2: {  	v28 =	vld [tilespmem:s13+$0xFFFFFF40]  }
0x3f3: {  	v29 =	vld [tilespmem:s14+$0xFFFFFF50]  }
0x3f4: {  	v31 =	vld [tilespmem:s13+$0xFFFFFF50]  }
0x3f5: {  	v30 =	vld [tilespmem:s14+$0xFFFFFEB0]  }
0x3f6: {  	[tilespmem:$0x1FC40] =	vst v0;
	v0 =	vld [tilespmem:s13+$0x170]  }
0x3f7: {  	v40 =	vld [tilespmem:s13+$0xFFFFFEB0]  }
0x3f8: {  	v46 =	vld [tilespmem:s14+$0xFFFFFEE0]  }
0x3f9: {  	v49 =	vld [tilespmem:s13+$0xFFFFFEE0]  }
0x3fa: {  	v41 =	vld [tilespmem:s14+$0xFFFFFF00]  }
0x3fb: {  	[tilespmem:$0x1FC50] =	vst v0;
	v0 =	vld [tilespmem:s14+$0x130]  }
0x3fc: {  	v42 =	vld [tilespmem:s13+$0xFFFFFF00]  }
0x3fd: {  	v45 =	vld [tilespmem:s14+$0xFFFFFE70]  }
0x3fe: {  	[tilespmem:$0x1FCD0] =	vst v1;
	v1 =	vld [tilespmem:s13+$0x1D0]  }
0x3ff: {  	[tilespmem:$0x1FD00] =	vst v3;
	v3 =	vld [tilespmem:s13+$0x100]  }
0x400: {  	[tilespmem:$0x1FC60] =	vst v0;
	v0 =	vld [tilespmem:s13+$0x130]  }
0x401: {  	[tilespmem:$0x1FCC0] =	vst v4;
	v4 =	vld [tilespmem:s13+$0xFFFFFF70]  }
0x402: {  	v62 =	vmul.f32 v62, v47;
	v47 =	vld [tilespmem:s13+$0xFFFFFE70]  }
0x403: {  	v5 =	vmul.f32 v6, v5;
	v6 =	vmul.f32 v8, v7;
	v7 =	vld [tilespmem:s14+$0xFFFFFED0]  }
0x404: {  	v54 =	vmul.f32 v32, v54;
	v32 =	vld [tilespmem:s13+$0xFFFFFED0]  }
0x405: {  	[tilespmem:$0x1FC90] =	vst v0;
	v0 =	vld [tilespmem:s14+$0x180]  }
0x406: {  	v8 =	vmul.f32 v50, v48;
	v48 =	vld [tilespmem:s14+$0xFFFFFE30]  }
0x407: {  	v9 =	vmul.f32 v10, v9;
	v10 =	vmul.f32 v12, v11;
	v50 =	vld [tilespmem:s13+$0xFFFFFE30]  }
0x408: {  	v11 =	vmul.f32 v31, v29;
	v29 =	vld [tilespmem:$0x1FCA0];
	v1 =	vmul.f32 v1, v63  }
0x409: {  	v58 =	vmul.f32 v59, v58;
	v59 =	vld [tilespmem:$0x1FC40]  }
0x40a: {  	v1 =	vadd.f32 v1, v62;
	[tilespmem:$0x1FCE0] =	vst v0;
	v0 =	vld [tilespmem:s13+$0x180]  }
0x40b: {  	v5 =	vadd.f32 v6, v5;
	[tilespmem:$0x1FD10] =	vst v3;
	v3 =	vld [tilespmem:s14+$0x30]  }
0x40c: {  	v63 =	vld [tilespmem:s14+$0xFFFFFEC0];
	v1 =	vadd.f32 v54, v1  }
0x40d: {  	v5 =	vadd.f32 v58, v5;
	v58 =	vld [tilespmem:s14+$0xFFFFFE10]  }
0x40e: {  	v1 =	vadd.f32 v8, v1;
	v8 =	vld [tilespmem:$0x1FC50]  }
0x40f: {  	[tilespmem:$0x1FCF0] =	vst v0;
	v0 =	vld [tilespmem:s14+$0xF0]  }
0x410: {  	[tilespmem:$0x1FCB0] =	vst v3;
	v3 =	vld [tilespmem:s13+$0x80]  }
0x411: {  	v62 =	vld [tilespmem:s13+$0xFFFFFEC0]  }
0x412: {  	v54 =	vld [tilespmem:s14+$0xFFFFFE60]  }
0x413: {  	(xrf2) =	vadd.scan.msk.f32 $0xffff, v1;
	v1 =	vmul.f32 v16, v15;
	v16 =	vmov v51;
	v51 =	vld [tilespmem:s14+$0xFFFFFE80];
	v6 =	vmul.f32 v8, v59  }
0x414: {  	[tilespmem:$0x1FC70] =	vst v0;
	v0 =	vld [tilespmem:s13+$0xB0]  }
0x415: {  	[tilespmem:$0x1FD20] =	vst v3;
	v3 =	vld [tilespmem:s13+$0xFFFFFFB0];
	v5 =	vadd.f32 v6, v5  }
0x416: {  	v8 =	vadd.f32 v10, v9;
	v9 =	vmul.f32 v18, v17;
	v17 =	vld [tilespmem:$0x1FC60]  }
0x417: {  	v10 =	vmul.f32 v24, v23;
	v23 =	vld [tilespmem:$0x1FC90];
	(xrf2) =	vadd.scan.msk.f32 $0xffff, v5;
	v5 =	vmul.f32 v22, v21  }
0x418: {  	v12 =	vld [tilespmem:$0x1FC70]  }
0x419: {  	v5 =	vadd.f32 v10, v5;
	v10 =	vmul.f32 v20, v19;
	[tilespmem:$0x1FC80] =	vst v0;
	v0 =	vld [tilespmem:s14+$0xE0]  }
0x41a: {  	v21 =	vld [tilespmem:$0x1FF00]  }
0x41b: {  	v31 =	vmov v3;
	v3 =	vmul.f32 v61, v60;
	v60 =	vld [tilespmem:s13+$0xFFFFFE10];
	v5 =	vadd.f32 v10, v5  }
0x41c: {  	v10 =	vmul.f32 v26, v25;
	v26 =	vld [tilespmem:$0x1FCB0]  }
0x41d: {  	v59 =	vadd.f32 v3, v5;
	v3 =	vld [tilespmem:$0x1FCC0]  }
0x41e: {  	v6 =	vmul.f32 v52, v12;
	v52 =	vld [tilespmem:s13+$0xFFFFFE80];
	v2 =	vmul.f32 v2, v0  }
0x41f: {  	v24 =	vld [tilespmem:$0x1FC80]  }
0x420: {  	v0 =	vld [tilespmem:s13+$0xFFFFFE60];
	v2 =	vadd.f32 v2, v8;
	v8 =	vadd.f32 v9, v1;
	v9 =	vmul.f32 v14, v13  }
0x421: {  	p0 =	sne.s32 s15, $0x7C0;
	v1 =	vld [tilespmem:s14+$0xFFFFFE40];
	v14 =	vmul.f32 v28, v27  }
.Ltmp1:
0x422: {  	v28 =	vmovc v55;
	v55 =	vld [tilespmem:s13+$0xFFFFFE00];
	v6 =	vadd.f32 v6, v2;
	v8 =	vadd.f32 v9, v8;
	v9 =	vmul.f32 v53, v56;
	(pc) =	sbr.rel @p0 .LBB2_4-.Ltmp1, $4  }
0x423: {  	v27 =	vmov v57;
	v57 =	vld [tilespmem:s14+$0xFFFFFE00]  }
0x424: {  	v2 =	vld [tilespmem:s13+$0xFFFFFE40];
	(xrf2) =	vadd.scan.msk.f32 $0xffff, v6;
	v8 =	vadd.f32 v9, v8;
	v6 =	vadd.f32 v11, v14  }
0x425: {  	v62 =	vmul.f32 v62, v63;
	v63 =	vmul.f32 v32, v7;
	v32 =	vmov v39;
	v53 =	vld [tilespmem:s14+$0xFFFFFE50]  }
0x426: {  	s15 =	sadd.s32 $0x40, s15;
	s3 =	smov.u32 s1;
	v25 =	vmov v36;
	v3 =	vmul.f32 v4, v3;
	v56 =	vld [tilespmem:s13+$0xFFFFFE50];
	(xrf2) =	vadd.scan.msk.f32 $0xffff, v8;
	v9, _, _ =	vpop (xrf2);
	v61 =	vadd.f32 v10, v6  }
0x427: {  	v4 =	vld [tilespmem:s14+$0xFFFFFE20]  }
0x428: {  	v5 =	vld [tilespmem:s13+$0xFFFFFE20]  }
0x429: {  	v39 =	vld [tilespmem:s14+$0xFFFFFE90]  }
0x42a: {  	v10 =	vld [tilespmem:s13+$0xFFFFFE90]  }
0x42b: {  	v12 =	vld [tilespmem:s14+$0xFFFFFEA0]  }
0x42c: {  	v13 =	vmul.f32 v44, v43;
	v44 =	vld [tilespmem:s13+$0xFFFFFEA0]  }
0x42d: {  	v7 =	vmul.f32 v49, v46;
	v46 =	vld [tilespmem:s14+$0xFFFFFF10]  }
0x42e: {  	v49 =	vmul.f32 v50, v48;
	v50 =	vld [tilespmem:s13+$0xFFFFFF10]  }
0x42f: {  	v0 =	vmul.f32 v0, v54;
	v54 =	vld [tilespmem:s14+$0xFFFFFF20]  }
0x430: {  	v11 =	vmul.f32 v60, v58;
	v58 =	vld [tilespmem:s14+$0xFFFFFF90]  }
0x431: {  	v60 =	vld [tilespmem:s13+$0xFFFFFF90]  }
0x432: {  	v6 =	vadd.f32 v63, v62;
	v62 =	vld [tilespmem:s14+$0xFFFFFFA0]  }
0x433: {  	v63 =	vld [tilespmem:s13+$0xFFFFFFA0]  }
0x434: {  	v19 =	vld [tilespmem:s14+$0x10]  }
0x435: {  	v36 =	vld [tilespmem:s13+$0x10];
	v1 =	vmul.f32 v2, v1;
	v8 =	vmul.f32 v56, v53  }
0x436: {  	v37 =	vmul.f32 v38, v37;
	v38 =	vld [tilespmem:s14+$0x20];
	v43 =	vmul.f32 v55, v57  }
0x437: {  	v47 =	vmul.f32 v47, v45;
	v14 =	vld [tilespmem:s13+$0x90];
	v3 =	vadd.f32 v3, v61;
	v1 =	vadd.f32 v8, v1  }
0x438: {  	v20 =	vld [tilespmem:s13+$0x120];
	v6 =	vadd.f32 v7, v6;
	v7 =	vadd.f32 v11, v43;
	v4 =	vmul.f32 v5, v4  }
0x439: {  	v22 =	vld [tilespmem:$0x1FD10];
	v53 =	vmul.f32 v52, v51;
	v2 =	vmul.f32 v10, v39;
	v0 =	vadd.f32 v0, v1  }
0x43a: {  	(xrf2) =	vadd.scan.msk.f32 $0xffff, v59;
	v15 =	vmul.f32 v24, v16;
	v24 =	vld [tilespmem:s14+$0x1B0];
	v6 =	vadd.f32 v13, v6;
	v4 =	vadd.f32 v4, v7  }
0x43b: {  	v55 =	vld [tilespmem:s13+$0xFFFFFF20];
	(xrf2) =	vadd.scan.msk.f32 $0xffff, v3;
	v57 =	vmul.f32 v44, v12;
	v2 =	vadd.f32 v2, v53;
	v0 =	vadd.f32 v47, v0  }
0x43c: {  	v59 =	vmul.f32 v40, v30;
	v61 =	vmul.f32 v42, v41;
	v41 =	vld [tilespmem:s14+$0x90];
	(xrf2) =	vadd.scan.msk.f32 $0xffff, v6;
	v56 =	vadd.f32 v49, v4  }
0x43d: {  	v43 =	vmul.f32 v31, v25;
	v31 =	vld [tilespmem:$0x1FF40];
	v5 =	vmul.f32 v50, v46;
	v2 =	vadd.f32 v57, v2;
	(xrf2) =	vadd.scan.msk.f32 $0xffff, v0  }
0x43e: {  	v52 =	vld [tilespmem:$0x1FD20];
	(xrf2) =	vadd.scan.msk.f32 $0xffff, v56  }
0x43f: {  	v39 =	vld [tilespmem:s13+$0x20];
	v0 =	vadd.f32 v59, v2  }
0x440: {  	v46 =	vld [tilespmem:s14+$0xA0];
	v18 =	vadd.f32 v5, v61;
	v1 =	vmul.f32 v55, v54  }
0x441: {  	v3 =	vmul.f32 v63, v62;
	v62 =	vld [tilespmem:$0x1FF20];
	v5, _, _ =	vpop (xrf2)  }
0x442: {  	v35 =	vmul.f32 v35, v32;
	v6 =	vmul.f32 v60, v58;
	v60 =	vld [tilespmem:$0x1FD00];
	v1 =	vadd.f32 v1, v18;
	v2, _, _ =	vpop (xrf2);
	(xrf2) =	vadd.scan.msk.f32 $0xffff, v0  }
0x443: {  	v53 =	vld [tilespmem:s14+$0x120];
	v0, _, _ =	vpop (xrf2)  }
0x444: {  	v6 =	vadd.f32 v6, v37;
	v54 =	vld [tilespmem:$0x1FCD0];
	v1 =	vadd.f32 v35, v1;
	v40, _, _ =	vpop (xrf2)  }
0x445: {  	v44 =	vmul.f32 v34, v33;
	v4 =	vmul.f32 v36, v19;
	v18 =	vld [tilespmem:s13+$0xA0];
	v42, _, _ =	vpop (xrf2)  }
0x446: {  	v55 =	vld [tilespmem:s14+$0x190];
	v3 =	vadd.f32 v3, v6;
	(xrf2) =	vadd.scan.msk.f32 $0xffff, v1;
	v45, _, _ =	vpop (xrf2)  }
0x447: {  	v49 =	vld [tilespmem:s14+$0x110];
	v48 =	vmul.f32 v39, v38;
	v4 =	vadd.f32 v4, v44;
	v47, _, _ =	vpop (xrf2)  }
0x448: {  	v8 =	vmul.f32 v14, v41;
	v57 =	vld [tilespmem:$0x1FF10];
	v6 =	vmul.f32 v52, v28;
	v3 =	vadd.f32 v43, v3;
	v50, _, _ =	vpop (xrf2)  }
0x449: {  	v51 =	vmul.f32 v27, v26;
	v19 =	vld [tilespmem:s13+$0x110];
	v4 =	vadd.f32 v48, v4;
	v12 =	vbroadcast v50, $0xF  }
0x44a: {  	v28 =	vld [tilespmem:$0x1FCE0];
	v6 =	vadd.f32 v8, v6;
	v14 =	vadd.f32 v54, v29;
	v1 =	vmul.f32 v18, v46;
	(xrf2) =	vadd.scan.msk.f32 $0xffff, v3  }
0x44b: {  	v59 =	vld [tilespmem:s13+$0x190];
	v4 =	vadd.f32 v51, v4;
	v16 =	vbroadcast v47, $0xF;
	v12 =	vmul.f32 v21, v12  }
0x44c: {  	v3 =	vmul.f32 v20, v53;
	v20 =	vld [tilespmem:$0x1FF30];
	v1 =	vadd.f32 v1, v6;
	v6 =	vmul.f32 v22, v60;
	v56, _, _ =	vpop (xrf2)  }
0x44d: {  	v22 =	vld [tilespmem:$0x1FCF0];
	v58 =	vmul.f32 v57, v16;
	v13 =	vbroadcast v56, $0xF;
	v12 =	vadd.f32 v12, v14  }
0x44e: {  	v63 =	vld [tilespmem:s13+$0x1A0];
	v7 =	vmul.f32 v19, v49;
	(xrf2) =	vadd.scan.msk.f32 $0xffff, v4  }
0x44f: {  	v61 =	vld [tilespmem:s14+$0x1A0];
	v10 =	vbroadcast v45, $0xF;
	v13 =	vmul.f32 v62, v13;
	v12 =	vadd.f32 v58, v12  }
0x450: {  	v17 =	vmul.f32 v23, v17;
	v34 =	vld [tilespmem:$0x1FF50];
	v1 =	vadd.f32 v15, v1;
	v6 =	vadd.f32 v7, v6;
	v25, _, _ =	vpop (xrf2)  }
0x451: {  	v27 =	vld [tilespmem:s13+$0x1B0];
	v10 =	vmul.f32 v20, v10;
	v26 =	vbroadcast v25, $0xF;
	v12 =	vadd.f32 v13, v12  }
0x452: {  	v37 =	vld [tilespmem:$0x1FF60];
	v8 =	vmul.f32 v59, v55;
	v3 =	vadd.f32 v3, v6;
	v6 =	vmul.f32 v22, v28;
	(xrf2) =	vadd.scan.msk.f32 $0xffff, v1  }
0x453: {  	v11 =	vbroadcast v42, $0xF;
	v32 =	vmul.f32 v31, v26;
	v29 =	vadd.f32 v10, v12  }
0x454: {  	v41 =	vld [tilespmem:$0x1FF70];
	v3 =	vadd.f32 v17, v3;
	v4 =	vmul.f32 v63, v61;
	v6 =	vadd.f32 v8, v6;
	v33, _, _ =	vpop (xrf2)  }
0x455: {  	v35 =	vmul.f32 v34, v11;
	v8 =	vbroadcast v33, $0xF;
	v1 =	vadd.f32 v32, v29  }
0x456: {  	v36 =	vmul.f32 v27, v24;
	v43 =	vld [tilespmem:$0x1FF80];
	v4 =	vadd.f32 v4, v6;
	(xrf2) =	vadd.scan.msk.f32 $0xffff, v3  }
0x457: {  	v39 =	vbroadcast v40, $0xF;
	v38 =	vmul.f32 v37, v8;
	v1 =	vadd.f32 v35, v1  }
0x458: {  	v46 =	vld [tilespmem:$0x1FF90];
	v4 =	vadd.f32 v36, v4;
	v40, _, _ =	vpop (xrf2)  }
0x459: {  	v42 =	vmul.f32 v41, v39;
	v6 =	vbroadcast v40, $0xF;
	v1 =	vadd.f32 v38, v1  }
0x45a: {  	v48 =	vld [tilespmem:$0x1FFA0];
	(xrf2) =	vadd.scan.msk.f32 $0xffff, v4  }
0x45b: {  	v0 =	vbroadcast v0, $0xF;
	v44 =	vmul.f32 v43, v6;
	v1 =	vadd.f32 v42, v1  }
0x45c: {  	v51 =	vld [tilespmem:$0x1FFB0];
	v45, _, _ =	vpop (xrf2)  }
0x45d: {  	v0 =	vmul.f32 v46, v0;
	v47 =	vbroadcast v45, $0xF;
	v1 =	vadd.f32 v44, v1  }
0x45e: {  	v54 =	vld [tilespmem:$0x1FFC0]  }
0x45f: {  	v2 =	vbroadcast v2, $0xF;
	v49 =	vmul.f32 v48, v47;
	v0 =	vadd.f32 v0, v1  }
0x460: {  	v22 =	vld [tilespmem:$0x1FFD0];
	v50, _, _ =	vpop (xrf2)  }
0x461: {  	v52 =	vmul.f32 v51, v2;
	v53 =	vbroadcast v50, $0xF;
	v0 =	vadd.f32 v49, v0  }
0x462: {  	v60 =	vld [tilespmem:$0x1FFE0]  }
0x463: {  	v56 =	vbroadcast v5, $0xF;
	v55 =	vmul.f32 v54, v53;
	v0 =	vadd.f32 v52, v0  }
0x464: {  	v23 =	vld [tilespmem:$0x1FFF0];
	v57, _, _ =	vpop (xrf2)  }
0x465: {  	v58 =	vmul.f32 v22, v56;
	v59 =	vbroadcast v57, $0xF;
	v0 =	vadd.f32 v55, v0;
	_ =	sdelay $0x1  }
0x466: {  	v62 =	vbroadcast v9, $0xF;
	v61 =	vmul.f32 v60, v59;
	v0 =	vadd.f32 v58, v0;
	_ =	sdelay $0x1  }
0x467: {  	v63 =	vmul.f32 v23, v62;
	v0 =	vadd.f32 v61, v0;
	_ =	sdelay $0x1  }
0x468: {  	v0 =	vadd.f32 v63, v0;
	_ =	sdelay $0x1  }
0x469: {  	s1 =	rddreg [dreg:$0x9];
	s2 =	simm.s32 $0x10800;
	[tilespmem:s3+$0x10800] =	vst v0  }
0x46a: {  	[hbm4b:s1+s4] =	stream.linear.scatter [tilespmem:s2], [sflag:$0x4], $0x200, $0x38;
	[tilespmem:$0x10A00] =	vst v63  }
0x46b: {  	s2 =	simm.s32 $0x4  }
0x46c: {  	_ =	swait.ge [sflag:s2], $0x200  }
0x46d: {  	s0 =	sadd.s32 $0x1, s0;
	s31 =	rddreg [dreg:$0xa]  }
0x46e: {  	p0 =	sne.s32 s0, s31  }
.Ltmp2:
0x46f: {  	_ = 	snop;
	(pc) =	sbr.rel @p0 .LBB2_1-.Ltmp2, $3  }
0x470: {  	_ =	sdelay $0x1  }
0x471: {  	[sflag:s2] =	ssyncset.done $0x0  }
0x472: {  	[sflag:s2] =	ssyncadd.s32 $0xFFFFFE00  }
0x473: {  	_ =	sfence.sel $0x180000  }
0x474: {  	[bflag:$0x0] =	sbarrier.arrive $0xFFFF  }
0x475: {  	_ =	strace $0x90000047  }
0x476: {  	s0 =	stileid.u32;
	[bflag:$0x2] =	sbarrier.arrive $0xFFFF  }
0x477: {  	p0 =	sne.s32 s0, $0x0;
	s0 =	rddreg [dreg:$0x6]  }
0x478: {  	s0 =	sadd.s32 @!p0 $0x100000, s0  }
0x479: {  	[sflag:s0] =	ssyncadd.tile.s32 @!p0 $0x1;
	_ =	shalt  }
.Lfunc_end2:
_tile_overlayer_lowered:
.L_overlay_start_2:
0x47a: {  	(tag) =	ssettag $0x2  }
0x47b: {  	s0 =	rddreg [dreg:$0x0];
	s2 =	stileid.u32  }
0x47c: {  	s1 =	rddreg [dreg:$0x1];
	p0 =	sne.s32 s2, $0x0  }
0x47d: {  	s3 =	rddreg [dreg:$0x2];
	[bflag:$0x3] =	sbarrier.arrive $0xFFFF;
	s2 =	simm.s32 @!p0 $0x1C04  }
0x47e: {  	[timem:s3], [sflag:s2] =	dma.local @!p0 [hbm:s0], s1  }
0x47f: {  	s0 =	simm.s32 @!p0 $0x4  }
0x480: {  	_ =	swait.ge @!p0 [sflag:s0], s1  }
0x481: {  	s1 =	ssub.s32 @!p0 $0x0, s1;
	[sflag:s0] =	ssyncset.done @!p0 $0x0  }
0x482: {  	[sflag:s0] =	ssyncadd.s32 @!p0 s1  }
0x483: {  	[bflag:$0x3] =	sbarrier.arrive $0xFFFF  }
0x484: {  	_ =	shalt  }

</sc_bundles>
